<compile_context>
chip_gen: v7x
topology: tpu7x:2x2x1
jax: 0.10.2.dev20260603
libtpu: 0.0.44.dev20260713+nightly
codegen_flags: <defaults>
</compile_context>

<pallas_src>
import functools

import jax
import jax.numpy as jnp
import numpy as np
from jax import lax
from jax.experimental import pallas as pl
from jax.experimental.pallas import tpu as pltpu
from jax.experimental.pallas import tpu_sc as plsc

_FULL = 262144
_NPTS = 200000
_EPS = 1e-4
_BR = 2048
_NW = 32
_NPAD = 200704
_PPW = _NPAD // _NW
_IROWS = _PPW // 128
_RPS = _FULL // 16
_F32 = jnp.float32


_HI = lax.Precision.HIGHEST
_MED = lax.Precision.HIGHEST


def _relu(x):
    return jnp.maximum(x, 0.0)


def _expander(k, c):
    return jnp.asarray(np.kron(np.eye(k), np.ones((1, c))), _F32)


def _sc_scatter(idx_pad, feat_t, zrows):
    mesh = plsc.VectorSubcoreMesh(core_axis_name="c", subcore_axis_name="s")
    ppc = _NPAD // 2
    chunk = 7168
    nchunks = ppc // chunk
    sites = _FULL // 16
    tw = sites * 4

    @functools.partial(
        pl.kernel,
        out_type=jax.ShapeDtypeStruct((2 * _FULL * 4,), _F32),
        mesh=mesh,
        compiler_params=pltpu.CompilerParams(use_tc_tiling_on_sc=False,
                                             needs_layout_passes=False),
        scratch_types=[
            pltpu.VMEM((chunk,), jnp.int32),
            pltpu.VMEM((4 * chunk,), _F32),
            pltpu.VMEM((tw,), _F32),
        ],
    )
    def body(idx_hbm, feat_hbm, z_hbm, out_hbm, idx_v, f_v, tab):
        c = lax.axis_index("c")
        s = lax.axis_index("s")
        base_site = s * sites
        pltpu.sync_copy(z_hbm, tab)

        def do_chunk(k):
            pltpu.sync_copy(
                idx_hbm.at[pl.ds((c * nchunks + k) * chunk, chunk)], idx_v)
            pltpu.sync_copy(
                feat_hbm.at[pl.ds((c * nchunks + k) * 4 * chunk, 4 * chunk)],
                f_v)

            def do_vec(v):
                iv = idx_v[pl.ds(v * 16, 16)]
                loc = iv - base_site
                msk = (loc >= 0) & (loc < sites)
                pos = jnp.clip(loc, 0, sites - 1) * 4
                plsc.addupdate_scatter(tab, [pos],
                                       f_v[pl.ds(v * 16, 16)], mask=msk)
                plsc.addupdate_scatter(tab, [pos + 1],
                                       f_v[pl.ds(chunk + v * 16, 16)],
                                       mask=msk)
                plsc.addupdate_scatter(tab, [pos + 2],
                                       f_v[pl.ds(2 * chunk + v * 16, 16)],
                                       mask=msk)
                plsc.addupdate_scatter(tab, [pos + 3],
                                       f_v[pl.ds(3 * chunk + v * 16, 16)],
                                       mask=msk)
            pl.loop(0, chunk // 16)(do_vec)
        pl.loop(0, nchunks)(do_chunk)
        pltpu.sync_copy(tab, out_hbm.at[pl.ds(c * _FULL * 4 + s * tw, tw)])

    return body(idx_pad, feat_t, zrows).reshape(2, _FULL, 4)


def _sc_gather(table, idx3):
    mesh = plsc.VectorSubcoreMesh(core_axis_name="c", subcore_axis_name="s")

    @functools.partial(
        pl.kernel,
        out_type=jax.ShapeDtypeStruct((_NPAD, 16), _F32),
        mesh=mesh,
        compiler_params=pltpu.CompilerParams(use_tc_tiling_on_sc=False),
        scratch_types=[
            pltpu.VMEM((_IROWS, 128), jnp.int32),
            pltpu.VMEM((_PPW, 16), _F32),
            pltpu.SemaphoreType.DMA,
        ],
    )
    def body(tab_hbm, idx_hbm, out_hbm, idx_v, rows_v, sem):
        c = lax.axis_index("c")
        s = lax.axis_index("s")
        wid = s * 2 + c
        pltpu.sync_copy(idx_hbm.at[wid], idx_v)

        def step(j):
            pltpu.async_copy(
                tab_hbm.at[idx_v.at[j]],
                rows_v.at[pl.ds(j * 128, 128)],
                sem,
            ).wait()
        pl.loop(0, _IROWS)(step)
        pltpu.sync_copy(rows_v, out_hbm.at[pl.ds(wid * _PPW, _PPW)])

    return body(table, idx3)


def _blk(rows, ll):
    t = 1
    while t * 2 * ll * 4 <= 1024 * 1024:
        t *= 2
    return min(rows, _BR, t)


def _specs_3tap(rows, ll, b):
    sm = pl.BlockSpec((b, ll), lambda i: (i, 0))
    sl = pl.BlockSpec((b, ll), lambda i: (jnp.maximum(i - 1, 0), 0))
    nb = rows // b
    sr = pl.BlockSpec((b, ll), lambda i: (jnp.minimum(i + 1, nb - 1), 0))
    return sm, sl, sr


def _full_spec(shape):
    return pl.BlockSpec(shape, lambda i: tuple(0 for _ in shape))


def _conv0_call(a0f, a1f, wb):
    rows = a0f.shape[0]
    b = _blk(rows, 128)
    nb = rows // b
    sel = jnp.asarray(np.kron(np.eye(8), np.array([[0.0], [0.0], [0.0], [1.0]])), _F32)
    e4 = _expander(8, 4)
    e16 = _expander(8, 16)

    def body(a0m, a0l, a0r, a1m, a1l, a1r, wb_ref, sel_ref, e4_ref, e16_ref,
             x_ref, m_ref, st_ref):
        i = pl.program_id(0)
        selv, e4v, e16v = sel_ref[:], e4_ref[:], e16_ref[:]

        def prep(d):
            cnt8 = jnp.dot(d, selv, preferred_element_type=_F32)
            cnt32 = jnp.dot(cnt8, e4v, preferred_element_type=_F32)
            return d / jnp.maximum(cnt32, 1.0), cnt8

        av, cnt8 = prep(a0m[:] + a1m[:])
        m8 = (cnt8 > 0.0).astype(_F32)
        lg = jnp.where(i > 0, 1.0, 0.0)
        rg = jnp.where(i < nb - 1, 1.0, 0.0)
        al, _ = prep(a0l[-1:, :] + a1l[-1:, :])
        ar, _ = prep(a0r[:1, :] + a1r[:1, :])
        up = jnp.concatenate([al * lg, av[:-1]], axis=0)
        dn = jnp.concatenate([av[1:], ar * rg], axis=0)
        tl = jnp.concatenate([up[:, -4:], av[:, :-4]], axis=1)
        tr = jnp.concatenate([av[:, 4:], dn[:, :4]], axis=1)
        mexp = jnp.dot(m8, e16v, preferred_element_type=_F32)
        o = (jnp.dot(tl, wb_ref[0], preferred_element_type=_F32)
             + jnp.dot(av, wb_ref[1], preferred_element_type=_F32)
             + jnp.dot(tr, wb_ref[2], preferred_element_type=_F32)) * mexp
        x_ref[:] = o
        m_ref[:] = m8

        @pl.when(i == 0)
        def _():
            st_ref[:] = jnp.zeros_like(st_ref)

        st_ref[0:1, :] += jnp.sum(o, axis=0, keepdims=True)
        st_ref[1:2, :] += jnp.sum(o * o, axis=0, keepdims=True)
        st_ref[2:3, :] += jnp.full((1, 128), jnp.sum(m8))

    sm, sl, sr = _specs_3tap(rows, 32, b)
    return pl.pallas_call(
        body,
        grid=(nb,),
        in_specs=[sm, sl, sr, sm, sl, sr, _full_spec((3, 32, 128)),
                  _full_spec((32, 8)), _full_spec((8, 32)), _full_spec((8, 128))],
        out_specs=[pl.BlockSpec((b, 128), lambda i: (i, 0)),
                   pl.BlockSpec((b, 8), lambda i: (i, 0)),
                   _full_spec((3, 128))],
        out_shape=[jax.ShapeDtypeStruct((rows, 128), _F32),
                   jax.ShapeDtypeStruct((rows, 8), _F32),
                   jax.ShapeDtypeStruct((3, 128), _F32)],
    )(a0f, a0f, a0f, a1f, a1f, a1f, wb, sel, e4, e16)


def _smconv1_call(xf, m8, a8, c8, wb):
    rows, ll = xf.shape
    cch = ll // 8
    b = _blk(rows, ll)
    nb = rows // b
    ee = _expander(8, cch)

    def body(xm, mm, a_ref, c_ref, wb_ref, e_ref, o_ref, st_ref,
             tbuf, mbuf, lrow):
        i = pl.program_id(0)
        av, cv, ev = a_ref[:], c_ref[:], e_ref[:]
        mexp_c = jnp.dot(mm[:], ev, preferred_element_type=_F32)
        tcur = _relu(xm[:] * av + cv) * mexp_c

        @pl.when(i == 0)
        def _():
            st_ref[:] = jnp.zeros_like(st_ref)
            lrow[:] = jnp.zeros_like(lrow)

        @pl.when(i > 0)
        def _():
            t = tbuf[:]
            rg = jnp.where(i < nb, 1.0, 0.0)
            up = jnp.concatenate([lrow[:], t[:-1]], axis=0)
            dn = jnp.concatenate([t[1:], tcur[:1] * rg], axis=0)
            tl = jnp.concatenate([up[:, -cch:], t[:, :-cch]], axis=1)
            tr = jnp.concatenate([t[:, cch:], dn[:, :cch]], axis=1)
            o = (jnp.dot(tl, wb_ref[0], preferred_element_type=_F32)
                 + jnp.dot(t, wb_ref[1], preferred_element_type=_F32)
                 + jnp.dot(tr, wb_ref[2], preferred_element_type=_F32)
                 ) * mbuf[:]
            o_ref[:] = o
            st_ref[0:1, :] += jnp.sum(o, axis=0, keepdims=True)
            st_ref[1:2, :] += jnp.sum(o * o, axis=0, keepdims=True)
            lrow[:] = t[-1:]

        @pl.when(i < nb)
        def _():
            tbuf[:] = tcur
            mbuf[:] = mexp_c

    return pl.pallas_call(
        body,
        grid=(nb + 1,),
        in_specs=[pl.BlockSpec((b, ll), lambda i: (jnp.minimum(i, nb - 1), 0)),
                  pl.BlockSpec((b, 8), lambda i: (jnp.minimum(i, nb - 1), 0)),
                  _full_spec((1, ll)), _full_spec((1, ll)),
                  _full_spec((3, ll, ll)), _full_spec((8, ll))],
        out_specs=[pl.BlockSpec((b, ll), lambda i: (jnp.maximum(i - 1, 0), 0)),
                   _full_spec((3, ll))],
        out_shape=[jax.ShapeDtypeStruct((rows, ll), _F32),
                   jax.ShapeDtypeStruct((3, ll), _F32)],
        scratch_shapes=[pltpu.VMEM((b, ll), _F32),
                        pltpu.VMEM((b, ll), _F32),
                        pltpu.VMEM((1, ll), _F32)],
    )(xf, m8, a8, c8, wb, ee)


def _smconv2_call(xsf, xuf, m8, as8, cs8, au8, cu8, wbs, wbu):
    rows, ll = xsf.shape
    cch = ll // 8
    b = _blk(rows, ll)
    nb = rows // b
    ee = _expander(8, cch)

    def body(xsm, xum, mm, as_ref, cs_ref, au_ref, cu_ref, wbs_ref, wbu_ref,
             e_ref, o_ref, st_ref, tsbuf, tubuf, mbuf, lrs, lru):
        i = pl.program_id(0)
        ev = e_ref[:]
        mexp_c = jnp.dot(mm[:], ev, preferred_element_type=_F32)
        ts_c = _relu(xsm[:] * as_ref[:] + cs_ref[:]) * mexp_c
        tu_c = _relu(xum[:] * au_ref[:] + cu_ref[:]) * mexp_c

        @pl.when(i == 0)
        def _():
            st_ref[:] = jnp.zeros_like(st_ref)
            lrs[:] = jnp.zeros_like(lrs)
            lru[:] = jnp.zeros_like(lru)

        @pl.when(i > 0)
        def _():
            rg = jnp.where(i < nb, 1.0, 0.0)

            def acc3(t, lr, tc, wb_ref):
                up = jnp.concatenate([lr[:], t[:-1]], axis=0)
                dn = jnp.concatenate([t[1:], tc[:1] * rg], axis=0)
                tl = jnp.concatenate([up[:, -cch:], t[:, :-cch]], axis=1)
                tr = jnp.concatenate([t[:, cch:], dn[:, :cch]], axis=1)
                return (jnp.dot(tl, wb_ref[0], preferred_element_type=_F32)
                        + jnp.dot(t, wb_ref[1], preferred_element_type=_F32)
                        + jnp.dot(tr, wb_ref[2], preferred_element_type=_F32))

            o = (acc3(tsbuf[:], lrs, ts_c, wbs_ref)
                 + acc3(tubuf[:], lru, tu_c, wbu_ref)) * mbuf[:]
            o_ref[:] = o
            st_ref[0:1, :] += jnp.sum(o, axis=0, keepdims=True)
            st_ref[1:2, :] += jnp.sum(o * o, axis=0, keepdims=True)
            lrs[:] = tsbuf[-1:]
            lru[:] = tubuf[-1:]

        @pl.when(i < nb)
        def _():
            tsbuf[:] = ts_c
            tubuf[:] = tu_c
            mbuf[:] = mexp_c

    return pl.pallas_call(
        body,
        grid=(nb + 1,),
        in_specs=[pl.BlockSpec((b, ll), lambda i: (jnp.minimum(i, nb - 1), 0)),
                  pl.BlockSpec((b, ll), lambda i: (jnp.minimum(i, nb - 1), 0)),
                  pl.BlockSpec((b, 8), lambda i: (jnp.minimum(i, nb - 1), 0)),
                  _full_spec((1, ll)), _full_spec((1, ll)),
                  _full_spec((1, ll)), _full_spec((1, ll)),
                  _full_spec((3, ll, ll)), _full_spec((3, ll, ll)),
                  _full_spec((8, ll))],
        out_specs=[pl.BlockSpec((b, ll), lambda i: (jnp.maximum(i - 1, 0), 0)),
                   _full_spec((3, ll))],
        out_shape=[jax.ShapeDtypeStruct((rows, ll), _F32),
                   jax.ShapeDtypeStruct((3, ll), _F32)],
        scratch_shapes=[pltpu.VMEM((b, ll), _F32),
                        pltpu.VMEM((b, ll), _F32),
                        pltpu.VMEM((b, ll), _F32),
                        pltpu.VMEM((1, ll), _F32),
                        pltpu.VMEM((1, ll), _F32)],
    )(xsf, xuf, m8, as8, cs8, au8, cu8, wbs, wbu, ee)


def _down_call(xp, mp, a16, c16, wd):
    rows2, ll2 = xp.shape
    cch = ll2 // 16
    lo = wd.shape[1]
    b = _blk(rows2, ll2)
    nb = rows2 // b
    e2 = _expander(16, cch)
    pp = jnp.asarray(np.kron(np.eye(8), np.ones((2, 1))), _F32)

    def body(x_ref, m_ref, a_ref, c_ref, wd_ref, e_ref, p_ref,
             o_ref, m2_ref, st_ref):
        i = pl.program_id(0)
        av, cv = a_ref[:], c_ref[:]
        mw = m_ref[:]
        u = _relu(x_ref[:] * av + cv) * jnp.dot(
            mw, e_ref[:], preferred_element_type=_F32)
        o = jnp.dot(u, wd_ref[:], preferred_element_type=_F32)
        m2 = jnp.minimum(jnp.dot(mw, p_ref[:], preferred_element_type=_F32), 1.0)
        o_ref[:] = o
        m2_ref[:] = m2

        @pl.when(i == 0)
        def _():
            st_ref[:] = jnp.zeros_like(st_ref)

        st_ref[0:1, :] += jnp.sum(o, axis=0, keepdims=True)
        st_ref[1:2, :] += jnp.sum(o * o, axis=0, keepdims=True)
        st_ref[2:3, :] += jnp.full((1, lo), jnp.sum(m2))

    return pl.pallas_call(
        body,
        grid=(nb,),
        in_specs=[pl.BlockSpec((b, ll2), lambda i: (i, 0)),
                  pl.BlockSpec((b, 16), lambda i: (i, 0)),
                  _full_spec((1, ll2)), _full_spec((1, ll2)),
                  _full_spec((ll2, lo)), _full_spec((16, ll2)),
                  _full_spec((16, 8))],
        out_specs=[pl.BlockSpec((b, lo), lambda i: (i, 0)),
                   pl.BlockSpec((b, 8), lambda i: (i, 0)),
                   _full_spec((3, lo))],
        out_shape=[jax.ShapeDtypeStruct((rows2, lo), _F32),
                   jax.ShapeDtypeStruct((rows2, 8), _F32),
                   jax.ShapeDtypeStruct((3, lo), _F32)],
    )(xp, mp, a16, c16, wd, e2, pp)


def _up_call(yf, m2, mp, a8, c8, wu):
    rows2, ll = yf.shape
    c1 = ll // 8
    lo = wu.shape[1]
    c0 = lo // 16
    b = _blk(rows2, max(ll, lo))
    nb = rows2 // b
    e1 = _expander(8, c1)
    e2 = _expander(16, c0)

    def body(y_ref, m2_ref, mp_ref, a_ref, c_ref, wu_ref, e1_ref, e2_ref,
             o_ref, st_ref):
        i = pl.program_id(0)
        v = _relu(y_ref[:] * a_ref[:] + c_ref[:]) * jnp.dot(
            m2_ref[:], e1_ref[:], preferred_element_type=_F32)
        o = jnp.dot(v, wu_ref[:], preferred_element_type=_F32) * jnp.dot(
            mp_ref[:], e2_ref[:], preferred_element_type=_F32)
        o_ref[:] = o

        @pl.when(i == 0)
        def _():
            st_ref[:] = jnp.zeros_like(st_ref)

        st_ref[0:1, :] += jnp.sum(o, axis=0, keepdims=True)
        st_ref[1:2, :] += jnp.sum(o * o, axis=0, keepdims=True)

    return pl.pallas_call(
        body,
        grid=(nb,),
        in_specs=[pl.BlockSpec((b, ll), lambda i: (i, 0)),
                  pl.BlockSpec((b, 8), lambda i: (i, 0)),
                  pl.BlockSpec((b, 16), lambda i: (i, 0)),
                  _full_spec((1, ll)), _full_spec((1, ll)),
                  _full_spec((ll, lo)), _full_spec((8, ll)),
                  _full_spec((16, lo))],
        out_specs=[pl.BlockSpec((b, lo), lambda i: (i, 0)),
                   _full_spec((3, lo))],
        out_shape=[jax.ShapeDtypeStruct((rows2, lo), _F32),
                   jax.ShapeDtypeStruct((3, lo), _F32)],
    )(yf, m2, mp, a8, c8, wu, e1, e2)


def _final_call(gf, a8, c8):
    rows, ll = gf.shape

    def body(g_ref, a_ref, c_ref, o_ref):
        o_ref[:] = _relu(g_ref[:] * a_ref[:] + c_ref[:])

    return pl.pallas_call(
        body,
        out_shape=jax.ShapeDtypeStruct((rows, ll), _F32),
    )(gf, a8, c8)


def _bn_coef(st, n, w, b, fold):
    cch = w.shape[0]
    s1 = st[0].reshape(-1, cch).sum(axis=0)
    s2 = st[1].reshape(-1, cch).sum(axis=0)
    mean = s1 / n
    var = s2 / n - mean * mean
    aa = w / jnp.sqrt(var + _EPS)
    cc = b - mean * aa
    return (jnp.tile(aa, fold).reshape(1, -1),
            jnp.tile(cc, fold).reshape(1, -1))


def _kron8(w):
    return jnp.stack([jnp.kron(jnp.eye(8, dtype=_F32), w[t])
                      for t in range(w.shape[0])])


def kernel(coords, features, params):
    idx = coords[:, 0].astype(jnp.int32)
    idx_pad = jnp.zeros((_NPAD,), jnp.int32).at[:_NPTS].set(idx)
    idx3 = idx_pad.reshape(_NW, _IROWS, 128)
    feat_t = (jnp.zeros((4, _NPAD), _F32)
              .at[0:3, :_NPTS].set(features.T)
              .at[3, :_NPTS].set(1.0))
    feat_t = feat_t.reshape(4, 2, 14, 7168).transpose(1, 2, 0, 3).reshape(-1)
    zrows = jnp.zeros((_FULL // 16 * 4,), _F32)

    acc = _sc_scatter(idx_pad, feat_t, zrows)
    a0f = acc[0].reshape(_FULL // 8, 32)
    a1f = acc[1].reshape(_FULL // 8, 32)

    w0 = params['conv0']
    wb0 = jnp.stack([
        jnp.kron(jnp.eye(8, dtype=_F32),
                 jnp.concatenate([w0[t], jnp.zeros((1, 16), _F32)], axis=0))
        for t in range(3)])
    x0, m0, st0 = _conv0_call(a0f, a1f, wb0)

    prms = []
    p = params['unet']
    while True:
        prms.append(p)
        if 'inner' not in p:
            break
        p = p['inner']
    nlev = len(prms)

    xs, sts, masks, mps, skips, sk_sts, ns = [x0], [st0], [m0], [], [], [], []
    ns.append(jnp.maximum(st0[2, 0], 1.0))
    for l in range(nlev - 1):
        p = prms[l]
        a8, c8 = _bn_coef(sts[l], ns[l], p['pre_bn_w'], p['pre_bn_b'], 8)
        skip, st_sk = _smconv1_call(xs[l], masks[l], a8, c8,
                                    _kron8(p['pre_conv']))
        skips.append(skip)
        sk_sts.append(st_sk)
        a16, c16 = _bn_coef(st_sk, ns[l], p['down_bn_w'], p['down_bn_b'], 16)
        rows2 = xs[l].shape[0] // 2
        xp = skip.reshape(rows2, -1)
        mp = masks[l].reshape(rows2, 16)
        mps.append(mp)
        wdn = p['down_conv']
        sel0 = np.zeros((16, 8), np.float32)
        sel1 = np.zeros((16, 8), np.float32)
        for g in range(8):
            sel0[2 * g, g] = 1.0
            sel1[2 * g + 1, g] = 1.0
        wd = (jnp.kron(jnp.asarray(sel0), wdn[0])
              + jnp.kron(jnp.asarray(sel1), wdn[1]))
        xnxt, m2, stn = _down_call(xp, mp, a16, c16, wd)
        xs.append(xnxt)
        masks.append(m2)
        sts.append(stn)
        ns.append(jnp.maximum(stn[2, 0], 1.0))

    p = prms[-1]
    a8, c8 = _bn_coef(sts[-1], ns[-1], p['pre_bn_w'], p['pre_bn_b'], 8)
    y, st_y = _smconv1_call(xs[-1], masks[-1], a8, c8, _kron8(p['pre_conv']))

    for l in range(nlev - 2, -1, -1):
        p = prms[l]
        a8, c8 = _bn_coef(st_y, ns[l + 1], p['up_bn_w'], p['up_bn_b'], 8)
        wup = p['up_conv']
        sel0 = np.zeros((8, 16), np.float32)
        sel1 = np.zeros((8, 16), np.float32)
        for g in range(8):
            sel0[g, 2 * g] = 1.0
            sel1[g, 2 * g + 1] = 1.0
        wu = (jnp.kron(jnp.asarray(sel0), wup[0])
              + jnp.kron(jnp.asarray(sel1), wup[1]))
        u_pair, st_u = _up_call(y, masks[l + 1], mps[l], a8, c8, wu)
        u = u_pair.reshape(xs[l].shape[0], -1)
        cch = prms[l]['pre_bn_w'].shape[0]
        a_s, c_s = _bn_coef(sk_sts[l], ns[l],
                            p['post_bn_w'][:cch], p['post_bn_b'][:cch], 8)
        a_u, c_u = _bn_coef(st_u, ns[l],
                            p['post_bn_w'][cch:], p['post_bn_b'][cch:], 8)
        wpost = p['post_conv']
        wbs = _kron8(wpost[:, :cch, :])
        wbu = _kron8(wpost[:, cch:, :])
        y, st_y = _smconv2_call(skips[l], u, masks[l],
                                a_s, c_s, a_u, c_u, wbs, wbu)

    a8, c8 = _bn_coef(st_y, ns[0], params['bn_final_w'],
                      params['bn_final_b'], 8)
    rows = _sc_gather(y.reshape(_FULL, 16), idx3)
    gf = rows.reshape(_NPAD // 8, 128)
    out = _final_call(gf, a8, c8)
    return out.reshape(_NPAD, 16)[:_NPTS]

# --- scband reference (transcript-rebuilt; emitter-appended) ---
"""Pipeline reference for scband-submanifold-unet-72722386256563 (READ-ONLY COPY).

The authoritative reference and input builder live on the scoring server;
editing this copy changes nothing except your own understanding.
"""

import jax, jax.numpy as jnp
import numpy as np

FULL_SCALE = 262144
N_POINTS = 200000
M = 16
PLANES = [16, 32, 48, 64, 80, 96, 112]
EPS = 1e-4


def _conv_w(key, k, cin, cout):
    std = (2.0 / (k * cin)) ** 0.5
    return jax.random.normal(key, (k, cin, cout), jnp.float32) * std


def _build_unet_params(planes, key, ctr):
    a = planes[0]
    d = {}
    d['pre_bn_w'] = jnp.ones((a,), jnp.float32)
    d['pre_bn_b'] = jnp.zeros((a,), jnp.float32)
    ctr[0] += 1
    d['pre_conv'] = _conv_w(jax.random.fold_in(key, ctr[0]), 3, a, a)
    if len(planes) > 1:
        b = planes[1]
        d['down_bn_w'] = jnp.ones((a,), jnp.float32)
        d['down_bn_b'] = jnp.zeros((a,), jnp.float32)
        ctr[0] += 1
        d['down_conv'] = _conv_w(jax.random.fold_in(key, ctr[0]), 2, a, b)
        d['inner'] = _build_unet_params(planes[1:], key, ctr)
        d['up_bn_w'] = jnp.ones((b,), jnp.float32)
        d['up_bn_b'] = jnp.zeros((b,), jnp.float32)
        ctr[0] += 1
        d['up_conv'] = _conv_w(jax.random.fold_in(key, ctr[0]), 2, b, a)
        d['post_bn_w'] = jnp.ones((2 * a,), jnp.float32)
        d['post_bn_b'] = jnp.zeros((2 * a,), jnp.float32)
        ctr[0] += 1
        d['post_conv'] = _conv_w(jax.random.fold_in(key, ctr[0]), 3, 2 * a, a)
    return d


def _make_params(key):
    ctr = [0]
    p = {}
    ctr[0] += 1
    p['conv0'] = _conv_w(jax.random.fold_in(key, ctr[0]), 3, 3, M)
    p['unet'] = _build_unet_params(PLANES, key, ctr)
    p['bn_final_w'] = jnp.ones((M,), jnp.float32)
    p['bn_final_b'] = jnp.zeros((M,), jnp.float32)
    return p


def _bn_relu(x, mask, w, b):
    # BatchNorm over ACTIVE sites only (scn semantics), then ReLU (leakiness=0)
    mf = mask.astype(x.dtype)[:, None]
    n = jnp.maximum(jnp.sum(mf), 1.0)
    mean = jnp.sum(x * mf, axis=0) / n
    var = jnp.sum(((x - mean) ** 2) * mf, axis=0) / n
    y = (x - mean) / jnp.sqrt(var + EPS) * w + b
    return jnp.maximum(y, 0.0) * mf


def _smconv(x, mask, W):
    # submanifold conv, 1D, kernel 3: output only at active sites,
    # inactive neighbors contribute zero
    mf = mask.astype(x.dtype)[:, None]
    xm = x * mf
    z = jnp.zeros((1, xm.shape[1]), xm.dtype)
    xl = jnp.concatenate([z, xm[:-1]], axis=0)
    xr = jnp.concatenate([xm[1:], z], axis=0)
    out = xl @ W[0] + xm @ W[1] + xr @ W[2]
    return out * mf


def _downconv(x, mask, W):
    # scn.Convolution(size=2, stride=2): coarse site active iff any fine site
    # in its window is active; sums features of active fine sites
    mf = mask.astype(x.dtype)[:, None]
    xm = (x * mf).reshape(-1, 2, x.shape[1])
    out = xm[:, 0] @ W[0] + xm[:, 1] @ W[1]
    m2 = mask.reshape(-1, 2).any(axis=1)
    return out, m2


def _deconv(x, fine_mask, W):
    # scn.Deconvolution(size=2, stride=2): restores the fine active set
    y = jnp.stack([x @ W[0], x @ W[1]], axis=1).reshape(-1, W.shape[2])
    return y * fine_mask.astype(y.dtype)[:, None]


def _unet(x, mask, prm):
    x = _bn_relu(x, mask, prm['pre_bn_w'], prm['pre_bn_b'])
    x = _smconv(x, mask, prm['pre_conv'])
    if 'inner' not in prm:
        return x
    skip = x
    y = _bn_relu(x, mask, prm['down_bn_w'], prm['down_bn_b'])
    y, m2 = _downconv(y, mask, prm['down_conv'])
    y = _unet(y, m2, prm['inner'])
    y = _bn_relu(y, m2, prm['up_bn_w'], prm['up_bn_b'])
    y = _deconv(y, mask, prm['up_conv'])
    z = jnp.concatenate([skip, y], axis=1)  # JoinTable: [identity, up-path]
    z = _bn_relu(z, mask, prm['post_bn_w'], prm['post_bn_b'])
    return _smconv(z, mask, prm['post_conv'])


def _forward(coords, features, params):
    idx = coords[:, 0]
    # InputLayer mode=4: average features of duplicate coordinates
    counts = jnp.zeros((FULL_SCALE,), jnp.float32).at[idx].add(1.0)
    dense = jnp.zeros((FULL_SCALE, features.shape[1]), jnp.float32).at[idx].add(features)
    dense = dense / jnp.maximum(counts, 1.0)[:, None]
    mask = counts > 0
    x = _smconv(dense, mask, params['conv0'])  # SubmanifoldConvolution(1, 3, m, 3)
    x = _unet(x, mask, params['unet'])
    x = _bn_relu(x, mask, params['bn_final_w'], params['bn_final_b'])  # BatchNormReLU(m)
    # OutputLayer: one row per input point, in input order
    return x[idx]


def setup_inputs(seed: int = 0) -> dict:
    key = jax.random.key(seed)
    k1, k2, k3 = jax.random.split(key, 3)
    coords = jax.random.randint(k1, (N_POINTS, 1), 0, FULL_SCALE)
    features = jax.random.normal(k2, (N_POINTS, 3), jnp.float32)
    params = _make_params(k3)
    return {"coords": coords, "features": features, "params": params}


def reference(coords, features, params):
    return _forward(coords, features, params)

if __name__ == "__main__":
    import jax
    _d = setup_inputs()
    print(jax.jit(kernel)(*tuple(_d.values())))

</pallas_src>

<mosaic_0001>
#map = affine_map<(d0, d1) -> (0)>
module attributes {stable_mosaic.version = 14 : i64} {
  func.func @body(%arg0: i32, %arg1: i32, %arg2: memref<200704xi32, #tpu.memory_space<hbm>>, %arg3: memref<802816xf32, #tpu.memory_space<hbm>>, %arg4: memref<65536xf32, #tpu.memory_space<hbm>>, %arg5: memref<2097152xf32, #tpu.memory_space<hbm>>, %arg6: memref<7168xi32, #tpu.memory_space<vmem>>, %arg7: memref<28672xf32, #tpu.memory_space<vmem>>, %arg8: memref<65536xf32, #tpu.memory_space<vmem>>) attributes {dimension_semantics = [#tpu.dimension_semantics<core_parallel>, #tpu.dimension_semantics<subcore_parallel>], iteration_bounds = array<i64: 2, 16>, scalar_prefetch = 0 : i64, scratch_operands = 3 : i64, tpu.core_type = #tpu.core_type<sc_vector_subcore>, window_params = [{transform_indices = #map}, {transform_indices = #map}, {transform_indices = #map}, {transform_indices = #map}]} {
    %mul3A = arith.constant 16384 : i32
    %mul3A_0 = arith.muli %arg1, %mul3A : i32
    "tpu.region"() ({
      %run_scoped3A = tpu.sem_alloc : memref<!tpu.dma_semaphore, #tpu.memory_space<semaphore_mem>>
      tpu.enqueue_dma source(%arg4 : memref<65536xf32, #tpu.memory_space<hbm>>) target(%arg8 : memref<65536xf32, #tpu.memory_space<vmem>>) target_semaphore(%run_scoped3A : memref<!tpu.dma_semaphore, #tpu.memory_space<semaphore_mem>>)
      tpu.wait_dma2 semaphore(%run_scoped3A : memref<!tpu.dma_semaphore, #tpu.memory_space<semaphore_mem>>) src(%arg4 : memref<65536xf32, #tpu.memory_space<hbm>>) dst(%arg8 : memref<65536xf32, #tpu.memory_space<vmem>>)
      tpu.yield
    }) : () -> ()
    %scan3A = arith.constant 0 : i32
    %scan3A_1 = arith.constant 14 : i32
    %scan3A_2 = arith.addi %scan3A, %scan3A_1 : i32
    %scan3A_3 = arith.constant 1 : i32
    scf.for %scan3A_11 = %scan3A to %scan3A_2 step %scan3A_3  : i32 {
      %mul3A_12 = arith.constant 1 : i32
      %mul3A_13 = arith.muli %scan3A_11, %mul3A_12 : i32
      %add3A_14 = arith.constant 0 : i32
      %add3A_15 = arith.addi %add3A_14, %mul3A_13 : i32
      %mul3A_16 = arith.constant 14 : i32
      %mul3A_17 = arith.muli %arg0, %mul3A_16 : i32
      %add3A_18 = arith.addi %mul3A_17, %add3A_15 : i32
      %mul3A_19 = arith.constant 7168 : i32
      %mul3A_20 = arith.muli %add3A_18, %mul3A_19 : i32
      "tpu.region"() ({
        %run_scoped3A = tpu.sem_alloc : memref<!tpu.dma_semaphore, #tpu.memory_space<semaphore_mem>>
        %dma_start3A = tpu.memref_slice %arg2[%mul3A_20] : memref<200704xi32, #tpu.memory_space<hbm>> -> memref<7168xi32, #tpu.memory_space<hbm>>
        %dma_start3A_33 = tpu.memref_slice %arg2[%mul3A_20] : memref<200704xi32, #tpu.memory_space<hbm>> -> memref<7168xi32, #tpu.memory_space<hbm>>
        tpu.enqueue_dma source(%dma_start3A_33 : memref<7168xi32, #tpu.memory_space<hbm>>) target(%arg6 : memref<7168xi32, #tpu.memory_space<vmem>>) target_semaphore(%run_scoped3A : memref<!tpu.dma_semaphore, #tpu.memory_space<semaphore_mem>>)
        %dma_wait3A = tpu.memref_slice %arg2[%mul3A_20] : memref<200704xi32, #tpu.memory_space<hbm>> -> memref<7168xi32, #tpu.memory_space<hbm>>
        %dma_wait3A_34 = tpu.memref_slice %arg2[%mul3A_20] : memref<200704xi32, #tpu.memory_space<hbm>> -> memref<7168xi32, #tpu.memory_space<hbm>>
        tpu.wait_dma2 semaphore(%run_scoped3A : memref<!tpu.dma_semaphore, #tpu.memory_space<semaphore_mem>>) src(%dma_wait3A_34 : memref<7168xi32, #tpu.memory_space<hbm>>) dst(%arg6 : memref<7168xi32, #tpu.memory_space<vmem>>)
        tpu.yield
      }) : () -> ()
      %mul3A_21 = arith.constant 14 : i32
      %mul3A_22 = arith.muli %arg0, %mul3A_21 : i32
      %add3A_23 = arith.addi %mul3A_22, %add3A_15 : i32
      %mul3A_24 = arith.constant 4 : i32
      %mul3A_25 = arith.muli %add3A_23, %mul3A_24 : i32
      %mul3A_26 = arith.constant 7168 : i32
      %mul3A_27 = arith.muli %mul3A_25, %mul3A_26 : i32
      "tpu.region"() ({
        %run_scoped3A = tpu.sem_alloc : memref<!tpu.dma_semaphore, #tpu.memory_space<semaphore_mem>>
        %dma_start3A = tpu.memref_slice %arg3[%mul3A_27] : memref<802816xf32, #tpu.memory_space<hbm>> -> memref<28672xf32, #tpu.memory_space<hbm>>
        %dma_start3A_33 = tpu.memref_slice %arg3[%mul3A_27] : memref<802816xf32, #tpu.memory_space<hbm>> -> memref<28672xf32, #tpu.memory_space<hbm>>
        tpu.enqueue_dma source(%dma_start3A_33 : memref<28672xf32, #tpu.memory_space<hbm>>) target(%arg7 : memref<28672xf32, #tpu.memory_space<vmem>>) target_semaphore(%run_scoped3A : memref<!tpu.dma_semaphore, #tpu.memory_space<semaphore_mem>>)
        %dma_wait3A = tpu.memref_slice %arg3[%mul3A_27] : memref<802816xf32, #tpu.memory_space<hbm>> -> memref<28672xf32, #tpu.memory_space<hbm>>
        %dma_wait3A_34 = tpu.memref_slice %arg3[%mul3A_27] : memref<802816xf32, #tpu.memory_space<hbm>> -> memref<28672xf32, #tpu.memory_space<hbm>>
        tpu.wait_dma2 semaphore(%run_scoped3A : memref<!tpu.dma_semaphore, #tpu.memory_space<semaphore_mem>>) src(%dma_wait3A_34 : memref<28672xf32, #tpu.memory_space<hbm>>) dst(%arg7 : memref<28672xf32, #tpu.memory_space<vmem>>)
        tpu.yield
      }) : () -> ()
      %scan3A_28 = arith.constant 0 : i32
      %scan3A_29 = arith.constant 448 : i32
      %scan3A_30 = arith.addi %scan3A_28, %scan3A_29 : i32
      %scan3A_31 = arith.constant 1 : i32
      scf.for %scan3A_33 = %scan3A_28 to %scan3A_30 step %scan3A_31  : i32 {
        %mul3A_34 = arith.constant 1 : i32
        %mul3A_35 = arith.muli %scan3A_33, %mul3A_34 : i32
        %add3A_36 = arith.constant 0 : i32
        %add3A_37 = arith.addi %add3A_36, %mul3A_35 : i32
        %mul3A_38 = arith.constant 16 : i32
        %mul3A_39 = arith.muli %add3A_37, %mul3A_38 : i32
        %get3A = arith.index_cast %mul3A_39 : i32 to index
        %get3A_40 = tpu.vector_load %arg6[%get3A] {strides = array<i32>} : memref<7168xi32, #tpu.memory_space<vmem>>, vector<16xi32>,
        %sub3A = vector.broadcast %mul3A_0 : i32 to vector<16xi32>
        %sub3A_41 = arith.subi %get3A_40, %sub3A : vector<16xi32>
        %ge3A = arith.constant 0 : i32
        %ge3A_42 = vector.broadcast %ge3A : i32 to vector<16xi32>
        %ge3A_43 = arith.cmpi sge, %sub3A_41, %ge3A_42 : vector<16xi32>
        %lt3A = arith.constant 16384 : i32
        %lt3A_44 = vector.broadcast %lt3A : i32 to vector<16xi32>
        %lt3A_45 = arith.cmpi slt, %sub3A_41, %lt3A_44 : vector<16xi32>
        %and3A = arith.andi %ge3A_43, %lt3A_45 : vector<16xi1>
        %jit3A = arith.constant 0 : i32
        %jit3A_46 = arith.constant 16383 : i32
        %max3A = vector.broadcast %jit3A : i32 to vector<16xi32>
        %max3A_47 = arith.maxsi %max3A, %sub3A_41 : vector<16xi32>
        %min3A = vector.broadcast %jit3A_46 : i32 to vector<16xi32>
        %min3A_48 = arith.minsi %min3A, %max3A_47 : vector<16xi32>
        %mul3A_49 = arith.constant 4 : i32
        %mul3A_50 = vector.broadcast %mul3A_49 : i32 to vector<16xi32>
        %mul3A_51 = arith.muli %min3A_48, %mul3A_50 : vector<16xi32>
        %mul3A_52 = arith.constant 16 : i32
        %mul3A_53 = arith.muli %add3A_37, %mul3A_52 : i32
        %get3A_54 = arith.index_cast %mul3A_53 : i32 to index
        %get3A_55 = tpu.vector_load %arg7[%get3A_54] {strides = array<i32>} : memref<28672xf32, #tpu.memory_space<vmem>>, vector<16xf32>,
        tpu.vector_store_idx %arg8[%mul3A_51], %get3A_55 masked %and3A {add = true} : memref<65536xf32, #tpu.memory_space<vmem>>[vector<16xi32>], vector<16xf32>, vector<16xi1>
        %add3A_56 = arith.constant 1 : i32
        %add3A_57 = vector.broadcast %add3A_56 : i32 to vector<16xi32>
        %add3A_58 = arith.addi %mul3A_51, %add3A_57 : vector<16xi32>
        %mul3A_59 = arith.constant 16 : i32
        %mul3A_60 = arith.muli %add3A_37, %mul3A_59 : i32
        %add3A_61 = arith.constant 7168 : i32
        %add3A_62 = arith.addi %add3A_61, %mul3A_60 : i32
        %get3A_63 = arith.index_cast %add3A_62 : i32 to index
        %get3A_64 = tpu.vector_load %arg7[%get3A_63] {strides = array<i32>} : memref<28672xf32, #tpu.memory_space<vmem>>, vector<16xf32>,
        tpu.vector_store_idx %arg8[%add3A_58], %get3A_64 masked %and3A {add = true} : memref<65536xf32, #tpu.memory_space<vmem>>[vector<16xi32>], vector<16xf32>, vector<16xi1>
        %add3A_65 = arith.constant 2 : i32
        %add3A_66 = vector.broadcast %add3A_65 : i32 to vector<16xi32>
        %add3A_67 = arith.addi %mul3A_51, %add3A_66 : vector<16xi32>
        %mul3A_68 = arith.constant 16 : i32
        %mul3A_69 = arith.muli %add3A_37, %mul3A_68 : i32
        %add3A_70 = arith.constant 14336 : i32
        %add3A_71 = arith.addi %add3A_70, %mul3A_69 : i32
        %get3A_72 = arith.index_cast %add3A_71 : i32 to index
        %get3A_73 = tpu.vector_load %arg7[%get3A_72] {strides = array<i32>} : memref<28672xf32, #tpu.memory_space<vmem>>, vector<16xf32>,
        tpu.vector_store_idx %arg8[%add3A_67], %get3A_73 masked %and3A {add = true} : memref<65536xf32, #tpu.memory_space<vmem>>[vector<16xi32>], vector<16xf32>, vector<16xi1>
        %add3A_74 = arith.constant 3 : i32
        %add3A_75 = vector.broadcast %add3A_74 : i32 to vector<16xi32>
        %add3A_76 = arith.addi %mul3A_51, %add3A_75 : vector<16xi32>
        %mul3A_77 = arith.constant 16 : i32
        %mul3A_78 = arith.muli %add3A_37, %mul3A_77 : i32
        %add3A_79 = arith.constant 21504 : i32
        %add3A_80 = arith.addi %add3A_79, %mul3A_78 : i32
        %get3A_81 = arith.index_cast %add3A_80 : i32 to index
        %get3A_82 = tpu.vector_load %arg7[%get3A_81] {strides = array<i32>} : memref<28672xf32, #tpu.memory_space<vmem>>, vector<16xf32>,
        tpu.vector_store_idx %arg8[%add3A_76], %get3A_82 masked %and3A {add = true} : memref<65536xf32, #tpu.memory_space<vmem>>[vector<16xi32>], vector<16xf32>, vector<16xi1>
      }
      %scan3A_32 = arith.constant 448 : i32
    }
    %scan3A_4 = arith.constant 14 : i32
    %mul3A_5 = arith.constant 262144 : i32
    %mul3A_6 = arith.muli %arg0, %mul3A_5 : i32
    %mul3A_7 = arith.constant 4 : i32
    %mul3A_8 = arith.muli %mul3A_6, %mul3A_7 : i32
    %mul3A_9 = arith.constant 65536 : i32
    %mul3A_10 = arith.muli %arg1, %mul3A_9 : i32
    %add3A = arith.addi %mul3A_8, %mul3A_10 : i32
    "tpu.region"() ({
      %run_scoped3A = tpu.sem_alloc : memref<!tpu.dma_semaphore, #tpu.memory_space<semaphore_mem>>
      %dma_start3A = tpu.memref_slice %arg5[%add3A] : memref<2097152xf32, #tpu.memory_space<hbm>> -> memref<65536xf32, #tpu.memory_space<hbm>>
      %dma_start3A_11 = tpu.memref_slice %arg5[%add3A] : memref<2097152xf32, #tpu.memory_space<hbm>> -> memref<65536xf32, #tpu.memory_space<hbm>>
      tpu.enqueue_dma source(%arg8 : memref<65536xf32, #tpu.memory_space<vmem>>) target(%dma_start3A_11 : memref<65536xf32, #tpu.memory_space<hbm>>) target_semaphore(%run_scoped3A : memref<!tpu.dma_semaphore, #tpu.memory_space<semaphore_mem>>)
      %dma_wait3A = tpu.memref_slice %arg5[%add3A] : memref<2097152xf32, #tpu.memory_space<hbm>> -> memref<65536xf32, #tpu.memory_space<hbm>>
      %dma_wait3A_12 = tpu.memref_slice %arg5[%add3A] : memref<2097152xf32, #tpu.memory_space<hbm>> -> memref<65536xf32, #tpu.memory_space<hbm>>
      tpu.wait_dma2 semaphore(%run_scoped3A : memref<!tpu.dma_semaphore, #tpu.memory_space<semaphore_mem>>) src(%arg8 : memref<65536xf32, #tpu.memory_space<vmem>>) dst(%dma_wait3A_12 : memref<65536xf32, #tpu.memory_space<hbm>>)
      tpu.yield
    }) : () -> ()
    return
  }
}

#map = affine_map<(d0, d1) -> (0, 0)>
#map1 = affine_map<(d0, d1) -> (0, 0, 0)>
module attributes {stable_mosaic.version = 14 : i64} {
  func.func @body(%arg0: i32, %arg1: i32, %arg2: memref<262144x16xf32, #tpu.memory_space<hbm>>, %arg3: memref<32x49x128xi32, #tpu.memory_space<hbm>>, %arg4: memref<200704x16xf32, #tpu.memory_space<hbm>>, %arg5: memref<49x128xi32, #tpu.memory_space<vmem>>, %arg6: memref<6272x16xf32, #tpu.memory_space<vmem>>, %arg7: memref<!tpu.dma_semaphore, #tpu.memory_space<semaphore_mem>>) attributes {dimension_semantics = [#tpu.dimension_semantics<core_parallel>, #tpu.dimension_semantics<subcore_parallel>], iteration_bounds = array<i64: 2, 16>, scalar_prefetch = 0 : i64, scratch_operands = 3 : i64, tpu.core_type = #tpu.core_type<sc_vector_subcore>, window_params = [{transform_indices = #map}, {transform_indices = #map1}, {transform_indices = #map}]} {
    %mul3A = arith.constant 2 : i32
    %mul3A_0 = arith.muli %arg1, %mul3A : i32
    %add3A = arith.addi %mul3A_0, %arg0 : i32
    "tpu.region"() ({
      %run_scoped3A = tpu.sem_alloc : memref<!tpu.dma_semaphore, #tpu.memory_space<semaphore_mem>>
      %dma_start3A = arith.constant 0 : i32
      %dma_start3A_7 = arith.constant 0 : i32
      %dma_start3A_8 = tpu.memref_slice %arg3[%add3A, %dma_start3A, %dma_start3A_7] : memref<32x49x128xi32, #tpu.memory_space<hbm>> -> memref<1x49x128xi32, #tpu.memory_space<hbm>>
      %dma_start3A_9 = tpu.memref_squeeze %dma_start3A_8 : memref<1x49x128xi32, #tpu.memory_space<hbm>> -> memref<49x128xi32, #tpu.memory_space<hbm>>
      %dma_start3A_10 = arith.constant 0 : i32
      %dma_start3A_11 = arith.constant 0 : i32
      %dma_start3A_12 = tpu.memref_slice %arg3[%add3A, %dma_start3A_10, %dma_start3A_11] : memref<32x49x128xi32, #tpu.memory_space<hbm>> -> memref<1x49x128xi32, #tpu.memory_space<hbm>>
      %dma_start3A_13 = tpu.memref_squeeze %dma_start3A_12 : memref<1x49x128xi32, #tpu.memory_space<hbm>> -> memref<49x128xi32, #tpu.memory_space<hbm>>
      tpu.enqueue_dma source(%dma_start3A_13 : memref<49x128xi32, #tpu.memory_space<hbm>>) target(%arg5 : memref<49x128xi32, #tpu.memory_space<vmem>>) target_semaphore(%run_scoped3A : memref<!tpu.dma_semaphore, #tpu.memory_space<semaphore_mem>>)
      %dma_wait3A = arith.constant 0 : i32
      %dma_wait3A_14 = arith.constant 0 : i32
      %dma_wait3A_15 = tpu.memref_slice %arg3[%add3A, %dma_wait3A, %dma_wait3A_14] : memref<32x49x128xi32, #tpu.memory_space<hbm>> -> memref<1x49x128xi32, #tpu.memory_space<hbm>>
      %dma_wait3A_16 = tpu.memref_squeeze %dma_wait3A_15 : memref<1x49x128xi32, #tpu.memory_space<hbm>> -> memref<49x128xi32, #tpu.memory_space<hbm>>
      %dma_wait3A_17 = arith.constant 0 : i32
      %dma_wait3A_18 = arith.constant 0 : i32
      %dma_wait3A_19 = tpu.memref_slice %arg3[%add3A, %dma_wait3A_17, %dma_wait3A_18] : memref<32x49x128xi32, #tpu.memory_space<hbm>> -> memref<1x49x128xi32, #tpu.memory_space<hbm>>
      %dma_wait3A_20 = tpu.memref_squeeze %dma_wait3A_19 : memref<1x49x128xi32, #tpu.memory_space<hbm>> -> memref<49x128xi32, #tpu.memory_space<hbm>>
      tpu.wait_dma2 semaphore(%run_scoped3A : memref<!tpu.dma_semaphore, #tpu.memory_space<semaphore_mem>>) src(%dma_wait3A_20 : memref<49x128xi32, #tpu.memory_space<hbm>>) dst(%arg5 : memref<49x128xi32, #tpu.memory_space<vmem>>)
      tpu.yield
    }) : () -> ()
    %scan3A = arith.constant 0 : i32
    %scan3A_1 = arith.constant 49 : i32
    %scan3A_2 = arith.addi %scan3A, %scan3A_1 : i32
    %scan3A_3 = arith.constant 1 : i32
    scf.for %scan3A_7 = %scan3A to %scan3A_2 step %scan3A_3  : i32 {
      %mul3A_8 = arith.constant 1 : i32
      %mul3A_9 = arith.muli %scan3A_7, %mul3A_8 : i32
      %add3A_10 = arith.constant 0 : i32
      %add3A_11 = arith.addi %add3A_10, %mul3A_9 : i32
      %mul3A_12 = arith.constant 128 : i32
      %mul3A_13 = arith.muli %add3A_11, %mul3A_12 : i32
      %dma_start3A = arith.constant 0 : i32
      %dma_start3A_14 = tpu.memref_slice %arg6[%mul3A_13, %dma_start3A] : memref<6272x16xf32, #tpu.memory_space<vmem>> -> memref<128x16xf32, #tpu.memory_space<vmem>>
      %dma_start3A_15 = arith.constant 0 : i32
      %dma_start3A_16 = tpu.memref_slice %arg5[%add3A_11, %dma_start3A_15] : memref<49x128xi32, #tpu.memory_space<vmem>> -> memref<1x128xi32, #tpu.memory_space<vmem>>
      %dma_start3A_17 = tpu.memref_squeeze %dma_start3A_16 : memref<1x128xi32, #tpu.memory_space<vmem>> -> memref<128xi32, #tpu.memory_space<vmem>>
      %dma_start3A_18 = arith.constant 0 : i32
      %dma_start3A_19 = arith.constant 0 : i32
      %dma_start3A_20 = tpu.memref_slice %arg2[%dma_start3A_18, %dma_start3A_19] : memref<262144x16xf32, #tpu.memory_space<hbm>> -> memref<262144x16xf32, #tpu.memory_space<hbm>>
      tpu.enqueue_indirect_dma source(%dma_start3A_20 : memref<262144x16xf32, #tpu.memory_space<hbm>>) target(%dma_start3A_14 : memref<128x16xf32, #tpu.memory_space<vmem>>) offsets(%dma_start3A_17 : memref<128xi32, #tpu.memory_space<vmem>>) semaphore(%arg7 : memref<!tpu.dma_semaphore, #tpu.memory_space<semaphore_mem>>)
      %dma_wait3A = arith.constant 0 : i32
      %dma_wait3A_21 = tpu.memref_slice %arg6[%mul3A_13, %dma_wait3A] : memref<6272x16xf32, #tpu.memory_space<vmem>> -> memref<128x16xf32, #tpu.memory_space<vmem>>
      %dma_wait3A_22 = arith.constant 0 : i32
      %dma_wait3A_23 = tpu.memref_slice %arg5[%add3A_11, %dma_wait3A_22] : memref<49x128xi32, #tpu.memory_space<vmem>> -> memref<1x128xi32, #tpu.memory_space<vmem>>
      %dma_wait3A_24 = tpu.memref_squeeze %dma_wait3A_23 : memref<1x128xi32, #tpu.memory_space<vmem>> -> memref<128xi32, #tpu.memory_space<vmem>>
      %dma_wait3A_25 = arith.constant 0 : i32
      %dma_wait3A_26 = arith.constant 0 : i32
      %dma_wait3A_27 = tpu.memref_slice %arg2[%dma_wait3A_25, %dma_wait3A_26] : memref<262144x16xf32, #tpu.memory_space<hbm>> -> memref<262144x16xf32, #tpu.memory_space<hbm>>
      tpu.wait_indirect_dma semaphore(%arg7 : memref<!tpu.dma_semaphore, #tpu.memory_space<semaphore_mem>>) src(%dma_wait3A_27 : memref<262144x16xf32, #tpu.memory_space<hbm>>) dst(%dma_wait3A_21 : memref<128x16xf32, #tpu.memory_space<vmem>>)
    }
    %scan3A_4 = arith.constant 49 : i32
    %mul3A_5 = arith.constant 6272 : i32
    %mul3A_6 = arith.muli %add3A, %mul3A_5 : i32
    "tpu.region"() ({
      %run_scoped3A = tpu.sem_alloc : memref<!tpu.dma_semaphore, #tpu.memory_space<semaphore_mem>>
      %dma_start3A = arith.constant 0 : i32
      %dma_start3A_7 = tpu.memref_slice %arg4[%mul3A_6, %dma_start3A] : memref<200704x16xf32, #tpu.memory_space<hbm>> -> memref<6272x16xf32, #tpu.memory_space<hbm>>
      %dma_start3A_8 = arith.constant 0 : i32
      %dma_start3A_9 = tpu.memref_slice %arg4[%mul3A_6, %dma_start3A_8] : memref<200704x16xf32, #tpu.memory_space<hbm>> -> memref<6272x16xf32, #tpu.memory_space<hbm>>
      tpu.enqueue_dma source(%arg6 : memref<6272x16xf32, #tpu.memory_space<vmem>>) target(%dma_start3A_9 : memref<6272x16xf32, #tpu.memory_space<hbm>>) target_semaphore(%run_scoped3A : memref<!tpu.dma_semaphore, #tpu.memory_space<semaphore_mem>>)
      %dma_wait3A = arith.constant 0 : i32
      %dma_wait3A_10 = tpu.memref_slice %arg4[%mul3A_6, %dma_wait3A] : memref<200704x16xf32, #tpu.memory_space<hbm>> -> memref<6272x16xf32, #tpu.memory_space<hbm>>
      %dma_wait3A_11 = arith.constant 0 : i32
      %dma_wait3A_12 = tpu.memref_slice %arg4[%mul3A_6, %dma_wait3A_11] : memref<200704x16xf32, #tpu.memory_space<hbm>> -> memref<6272x16xf32, #tpu.memory_space<hbm>>
      tpu.wait_dma2 semaphore(%run_scoped3A : memref<!tpu.dma_semaphore, #tpu.memory_space<semaphore_mem>>) src(%arg6 : memref<6272x16xf32, #tpu.memory_space<vmem>>) dst(%dma_wait3A_12 : memref<6272x16xf32, #tpu.memory_space<hbm>>)
      tpu.yield
    }) : () -> ()
    return
  }
}

module attributes {stable_mosaic.version = 14 : i64} {
  func.func @body(%arg0: i32, %arg1: memref<2048x32xf32, #tpu.memory_space<vmem>>, %arg2: memref<2048x32xf32, #tpu.memory_space<vmem>>, %arg3: memref<2048x32xf32, #tpu.memory_space<vmem>>, %arg4: memref<2048x32xf32, #tpu.memory_space<vmem>>, %arg5: memref<2048x32xf32, #tpu.memory_space<vmem>>, %arg6: memref<2048x32xf32, #tpu.memory_space<vmem>>, %arg7: memref<3x32x128xf32, #tpu.memory_space<vmem>>, %arg8: memref<32x8xf32, #tpu.memory_space<vmem>>, %arg9: memref<8x32xf32, #tpu.memory_space<vmem>>, %arg10: memref<8x128xf32, #tpu.memory_space<vmem>>, %arg11: memref<2048x128xf32, #tpu.memory_space<vmem>>, %arg12: memref<2048x8xf32, #tpu.memory_space<vmem>>, %arg13: memref<3x128xf32, #tpu.memory_space<vmem>>) attributes {dimension_semantics = [#tpu.dimension_semantics<arbitrary>], iteration_bounds = array<i64: 16>, scalar_prefetch = 0 : i64, scratch_operands = 0 : i64, tpu.core_type = #tpu.core_type<tc>, window_params = [{transform_indices = @transform_0, window_bounds = array<i64: 2048, 32>}, {transform_indices = @transform_1, window_bounds = array<i64: 2048, 32>}, {transform_indices = @transform_2, window_bounds = array<i64: 2048, 32>}, {transform_indices = @transform_3, window_bounds = array<i64: 2048, 32>}, {transform_indices = @transform_4, window_bounds = array<i64: 2048, 32>}, {transform_indices = @transform_5, window_bounds = array<i64: 2048, 32>}, {pipeline_mode = #tpu.pipeline_mode<synchronous>, transform_indices = @transform_6, window_bounds = array<i64: 3, 32, 128>}, {pipeline_mode = #tpu.pipeline_mode<synchronous>, transform_indices = @transform_7, window_bounds = array<i64: 32, 8>}, {pipeline_mode = #tpu.pipeline_mode<synchronous>, transform_indices = @transform_8, window_bounds = array<i64: 8, 32>}, {pipeline_mode = #tpu.pipeline_mode<synchronous>, transform_indices = @transform_9, window_bounds = array<i64: 8, 128>}, {transform_indices = @transform_10, window_bounds = array<i64: 2048, 128>}, {transform_indices = @transform_11, window_bounds = array<i64: 2048, 8>}, {pipeline_mode = #tpu.pipeline_mode<synchronous>, transform_indices = @transform_12, window_bounds = array<i64: 3, 128>}]} {
    %get3A = arith.constant 0 : index
    %get3A_0 = arith.constant 0 : index
    %get3A_1 = vector.load %arg8[%get3A, %get3A_0] : memref<32x8xf32, #tpu.memory_space<vmem>>, vector<32x8xf32>
    %get3A_2 = arith.constant 0 : index
    %get3A_3 = arith.constant 0 : index
    %get3A_4 = vector.load %arg9[%get3A_2, %get3A_3] : memref<8x32xf32, #tpu.memory_space<vmem>>, vector<8x32xf32>
    %get3A_5 = arith.constant 0 : index
    %get3A_6 = arith.constant 0 : index
    %get3A_7 = vector.load %arg10[%get3A_5, %get3A_6] : memref<8x128xf32, #tpu.memory_space<vmem>>, vector<8x128xf32>
    %get3A_8 = arith.constant 0 : index
    %get3A_9 = arith.constant 0 : index
    %get3A_10 = vector.load %arg1[%get3A_8, %get3A_9] : memref<2048x32xf32, #tpu.memory_space<vmem>>, vector<2048x32xf32>
    %get3A_11 = arith.constant 0 : index
    %get3A_12 = arith.constant 0 : index
    %get3A_13 = vector.load %arg4[%get3A_11, %get3A_12] : memref<2048x32xf32, #tpu.memory_space<vmem>>, vector<2048x32xf32>
    %add3A = arith.addf %get3A_10, %get3A_13 : vector<2048x32xf32>
    %dot_general3A = arith.constant dense<0.000000e+00> : vector<2048x8xf32>
    %dot_general3A_14 = tpu.matmul %add3A, %get3A_1, %dot_general3A {dimension_numbers = #tpu.dot_dimension_numbers<[1], [0], [0], [1], [0, 0, 1, 1], [], []>, transpose_lhs_hint = false} : vector<2048x32xf32>, vector<32x8xf32>, vector<2048x8xf32> -> vector<2048x8xf32>
    %dot_general3A_15 = arith.constant dense<0.000000e+00> : vector<2048x32xf32>
    %dot_general3A_16 = tpu.matmul %dot_general3A_14, %get3A_4, %dot_general3A_15 {dimension_numbers = #tpu.dot_dimension_numbers<[1], [0], [0], [1], [0, 0, 1, 1], [], []>, transpose_lhs_hint = false} : vector<2048x8xf32>, vector<8x32xf32>, vector<2048x32xf32> -> vector<2048x32xf32>
    %max3A = arith.constant 1.000000e+00 : f32
    %max3A_17 = vector.broadcast %max3A : f32 to vector<2048x32xf32>
    %max3A_18 = arith.maximumf %dot_general3A_16, %max3A_17 : vector<2048x32xf32>
    %div3A = arith.divf %add3A, %max3A_18 : vector<2048x32xf32>
    %gt3A = arith.constant 0.000000e+00 : f32
    %gt3A_19 = vector.broadcast %gt3A : f32 to vector<2048x8xf32>
    %gt3A_20 = arith.cmpf ogt, %dot_general3A_14, %gt3A_19 : vector<2048x8xf32>
    %convert_element_type3A = arith.extui %gt3A_20 : vector<2048x8xi1> to vector<2048x8xi32>
    %convert_element_type3A_21 = arith.sitofp %convert_element_type3A : vector<2048x8xi32> to vector<2048x8xf32>
    %gt3A_22 = arith.constant 0 : i32
    %gt3A_23 = arith.cmpi sgt, %arg0, %gt3A_22 : i32
    %jit3A = arith.constant 1.000000e+00 : f32
    %jit3A_24 = arith.constant 0.000000e+00 : f32
    %select_n3A = arith.select %gt3A_23, %jit3A, %jit3A_24 : f32
    %lt3A = arith.constant 15 : i32
    %lt3A_25 = arith.cmpi slt, %arg0, %lt3A : i32
    %jit3A_26 = arith.constant 1.000000e+00 : f32
    %jit3A_27 = arith.constant 0.000000e+00 : f32
    %select_n3A_28 = arith.select %lt3A_25, %jit3A_26, %jit3A_27 : f32
    %get3A_29 = arith.constant 2047 : index
    %get3A_30 = arith.constant 0 : index
    %get3A_31 = vector.load %arg2[%get3A_29, %get3A_30] : memref<2048x32xf32, #tpu.memory_space<vmem>>, vector<1x32xf32>
    %get3A_32 = arith.constant 2047 : index
    %get3A_33 = arith.constant 0 : index
    %get3A_34 = vector.load %arg5[%get3A_32, %get3A_33] : memref<2048x32xf32, #tpu.memory_space<vmem>>, vector<1x32xf32>
    %add3A_35 = arith.addf %get3A_31, %get3A_34 : vector<1x32xf32>
    %dot_general3A_36 = arith.constant dense<0.000000e+00> : vector<1x8xf32>
    %dot_general3A_37 = tpu.matmul %add3A_35, %get3A_1, %dot_general3A_36 {dimension_numbers = #tpu.dot_dimension_numbers<[1], [0], [0], [1], [0, 0, 1, 1], [], []>, transpose_lhs_hint = false} : vector<1x32xf32>, vector<32x8xf32>, vector<1x8xf32> -> vector<1x8xf32>
    %dot_general3A_38 = arith.constant dense<0.000000e+00> : vector<1x32xf32>
    %dot_general3A_39 = tpu.matmul %dot_general3A_37, %get3A_4, %dot_general3A_38 {dimension_numbers = #tpu.dot_dimension_numbers<[1], [0], [0], [1], [0, 0, 1, 1], [], []>, transpose_lhs_hint = false} : vector<1x8xf32>, vector<8x32xf32>, vector<1x32xf32> -> vector<1x32xf32>
    %max3A_40 = arith.constant 1.000000e+00 : f32
    %max3A_41 = vector.broadcast %max3A_40 : f32 to vector<1x32xf32>
    %max3A_42 = arith.maximumf %dot_general3A_39, %max3A_41 : vector<1x32xf32>
    %div3A_43 = arith.divf %add3A_35, %max3A_42 : vector<1x32xf32>
    %get3A_44 = arith.constant 0 : index
    %get3A_45 = arith.constant 0 : index
    %get3A_46 = vector.load %arg3[%get3A_44, %get3A_45] : memref<2048x32xf32, #tpu.memory_space<vmem>>, vector<1x32xf32>
    %get3A_47 = arith.constant 0 : index
    %get3A_48 = arith.constant 0 : index
    %get3A_49 = vector.load %arg6[%get3A_47, %get3A_48] : memref<2048x32xf32, #tpu.memory_space<vmem>>, vector<1x32xf32>
    %add3A_50 = arith.addf %get3A_46, %get3A_49 : vector<1x32xf32>
    %dot_general3A_51 = arith.constant dense<0.000000e+00> : vector<1x8xf32>
    %dot_general3A_52 = tpu.matmul %add3A_50, %get3A_1, %dot_general3A_51 {dimension_numbers = #tpu.dot_dimension_numbers<[1], [0], [0], [1], [0, 0, 1, 1], [], []>, transpose_lhs_hint = false} : vector<1x32xf32>, vector<32x8xf32>, vector<1x8xf32> -> vector<1x8xf32>
    %dot_general3A_53 = arith.constant dense<0.000000e+00> : vector<1x32xf32>
    %dot_general3A_54 = tpu.matmul %dot_general3A_52, %get3A_4, %dot_general3A_53 {dimension_numbers = #tpu.dot_dimension_numbers<[1], [0], [0], [1], [0, 0, 1, 1], [], []>, transpose_lhs_hint = false} : vector<1x8xf32>, vector<8x32xf32>, vector<1x32xf32> -> vector<1x32xf32>
    %max3A_55 = arith.constant 1.000000e+00 : f32
    %max3A_56 = vector.broadcast %max3A_55 : f32 to vector<1x32xf32>
    %max3A_57 = arith.maximumf %dot_general3A_54, %max3A_56 : vector<1x32xf32>
    %div3A_58 = arith.divf %add3A_50, %max3A_57 : vector<1x32xf32>
    %mul3A = vector.broadcast %select_n3A : f32 to vector<1x32xf32>
    %mul3A_59 = arith.mulf %div3A_43, %mul3A : vector<1x32xf32>
    %slice3A = vector.extract_strided_slice %div3A {offsets = [0, 0], sizes = [2047, 32], strides = [1, 1]} : vector<2048x32xf32> to vector<2047x32xf32>
    %concatenate3A = tpu.concatenate %mul3A_59, %slice3A in 0 : vector<1x32xf32>, vector<2047x32xf32> -> vector<2048x32xf32>
    %slice3A_60 = vector.extract_strided_slice %div3A {offsets = [1, 0], sizes = [2047, 32], strides = [1, 1]} : vector<2048x32xf32> to vector<2047x32xf32>
    %mul3A_61 = vector.broadcast %select_n3A_28 : f32 to vector<1x32xf32>
    %mul3A_62 = arith.mulf %div3A_58, %mul3A_61 : vector<1x32xf32>
    %concatenate3A_63 = tpu.concatenate %slice3A_60, %mul3A_62 in 0 : vector<2047x32xf32>, vector<1x32xf32> -> vector<2048x32xf32>
    %slice3A_64 = vector.extract_strided_slice %concatenate3A {offsets = [0, 28], sizes = [2048, 4], strides = [1, 1]} : vector<2048x32xf32> to vector<2048x4xf32>
    %slice3A_65 = vector.extract_strided_slice %div3A {offsets = [0, 0], sizes = [2048, 28], strides = [1, 1]} : vector<2048x32xf32> to vector<2048x28xf32>
    %concatenate3A_66 = tpu.concatenate %slice3A_64, %slice3A_65 in 1 : vector<2048x4xf32>, vector<2048x28xf32> -> vector<2048x32xf32>
    %slice3A_67 = vector.extract_strided_slice %div3A {offsets = [0, 4], sizes = [2048, 28], strides = [1, 1]} : vector<2048x32xf32> to vector<2048x28xf32>
    %slice3A_68 = vector.extract_strided_slice %concatenate3A_63 {offsets = [0, 0], sizes = [2048, 4], strides = [1, 1]} : vector<2048x32xf32> to vector<2048x4xf32>
    %concatenate3A_69 = tpu.concatenate %slice3A_67, %slice3A_68 in 1 : vector<2048x28xf32>, vector<2048x4xf32> -> vector<2048x32xf32>
    %dot_general3A_70 = arith.constant dense<0.000000e+00> : vector<2048x128xf32>
    %dot_general3A_71 = tpu.matmul %convert_element_type3A_21, %get3A_7, %dot_general3A_70 {dimension_numbers = #tpu.dot_dimension_numbers<[1], [0], [0], [1], [0, 0, 1, 1], [], []>, transpose_lhs_hint = false} : vector<2048x8xf32>, vector<8x128xf32>, vector<2048x128xf32> -> vector<2048x128xf32>
    %get3A_72 = arith.constant 0 : index
    %get3A_73 = arith.constant 0 : index
    %get3A_74 = arith.constant 0 : index
    %get3A_75 = vector.load %arg7[%get3A_72, %get3A_73, %get3A_74] : memref<3x32x128xf32, #tpu.memory_space<vmem>>, vector<1x32x128xf32>
    %get3A_76 = vector.shape_cast %get3A_75 : vector<1x32x128xf32> to vector<32x128xf32>
    %dot_general3A_77 = arith.constant dense<0.000000e+00> : vector<2048x128xf32>
    %dot_general3A_78 = tpu.matmul %concatenate3A_66, %get3A_76, %dot_general3A_77 {dimension_numbers = #tpu.dot_dimension_numbers<[1], [0], [0], [1], [0, 0, 1, 1], [], []>, transpose_lhs_hint = false} : vector<2048x32xf32>, vector<32x128xf32>, vector<2048x128xf32> -> vector<2048x128xf32>
    %get3A_79 = arith.constant 1 : index
    %get3A_80 = arith.constant 0 : index
    %get3A_81 = arith.constant 0 : index
    %get3A_82 = vector.load %arg7[%get3A_79, %get3A_80, %get3A_81] : memref<3x32x128xf32, #tpu.memory_space<vmem>>, vector<1x32x128xf32>
    %get3A_83 = vector.shape_cast %get3A_82 : vector<1x32x128xf32> to vector<32x128xf32>
    %dot_general3A_84 = arith.constant dense<0.000000e+00> : vector<2048x128xf32>
    %dot_general3A_85 = tpu.matmul %div3A, %get3A_83, %dot_general3A_84 {dimension_numbers = #tpu.dot_dimension_numbers<[1], [0], [0], [1], [0, 0, 1, 1], [], []>, transpose_lhs_hint = false} : vector<2048x32xf32>, vector<32x128xf32>, vector<2048x128xf32> -> vector<2048x128xf32>
    %add3A_86 = arith.addf %dot_general3A_78, %dot_general3A_85 : vector<2048x128xf32>
    %get3A_87 = arith.constant 2 : index
    %get3A_88 = arith.constant 0 : index
    %get3A_89 = arith.constant 0 : index
    %get3A_90 = vector.load %arg7[%get3A_87, %get3A_88, %get3A_89] : memref<3x32x128xf32, #tpu.memory_space<vmem>>, vector<1x32x128xf32>
    %get3A_91 = vector.shape_cast %get3A_90 : vector<1x32x128xf32> to vector<32x128xf32>
    %dot_general3A_92 = arith.constant dense<0.000000e+00> : vector<2048x128xf32>
    %dot_general3A_93 = tpu.matmul %concatenate3A_69, %get3A_91, %dot_general3A_92 {dimension_numbers = #tpu.dot_dimension_numbers<[1], [0], [0], [1], [0, 0, 1, 1], [], []>, transpose_lhs_hint = false} : vector<2048x32xf32>, vector<32x128xf32>, vector<2048x128xf32> -> vector<2048x128xf32>
    %add3A_94 = arith.addf %add3A_86, %dot_general3A_93 : vector<2048x128xf32>
    %mul3A_95 = arith.mulf %add3A_94, %dot_general3A_71 : vector<2048x128xf32>
    %swap3A = arith.constant 0 : index
    %swap3A_96 = arith.constant 0 : index
    %swap3A_97 = vector.load %arg11[%swap3A, %swap3A_96] : memref<2048x128xf32, #tpu.memory_space<vmem>>, vector<2048x128xf32>
    tpu.vector_store %arg11[%swap3A, %swap3A_96], %mul3A_95 {strides = array<i32>} : memref<2048x128xf32, #tpu.memory_space<vmem>>, vector<2048x128xf32>,
    %swap3A_98 = arith.constant 0 : index
    %swap3A_99 = arith.constant 0 : index
    %swap3A_100 = vector.load %arg12[%swap3A_98, %swap3A_99] : memref<2048x8xf32, #tpu.memory_space<vmem>>, vector<2048x8xf32>
    tpu.vector_store %arg12[%swap3A_98, %swap3A_99], %convert_element_type3A_21 {strides = array<i32>} : memref<2048x8xf32, #tpu.memory_space<vmem>>, vector<2048x8xf32>,
    %eq3A = arith.constant 0 : i32
    %eq3A_101 = arith.cmpi eq, %arg0, %eq3A : i32
    %convert_element_type3A_102 = arith.extui %eq3A_101 : i1 to i32
    %cond3A = arith.constant 0 : i32
    %cond3A_103 = arith.cmpi ne, %convert_element_type3A_102, %cond3A : i32
    scf.if %cond3A_103 {
      %broadcast_in_dim3A_136 = arith.constant 0.000000e+00 : f32
      %broadcast_in_dim3A_137 = vector.broadcast %broadcast_in_dim3A_136 : f32 to vector<3x128xf32>
      %swap3A_138 = arith.constant 0 : index
      %swap3A_139 = arith.constant 0 : index
      %swap3A_140 = vector.load %arg13[%swap3A_138, %swap3A_139] : memref<3x128xf32, #tpu.memory_space<vmem>>, vector<3x128xf32>
      tpu.vector_store %arg13[%swap3A_138, %swap3A_139], %broadcast_in_dim3A_137 {strides = array<i32>} : memref<3x128xf32, #tpu.memory_space<vmem>>, vector<3x128xf32>,
    } else {
    }
    %get3A_104 = arith.constant 0 : index
    %get3A_105 = arith.constant 0 : index
    %get3A_106 = vector.load %arg13[%get3A_104, %get3A_105] : memref<3x128xf32, #tpu.memory_space<vmem>>, vector<1x128xf32>
    %reduce_sum3A = arith.constant dense<0.000000e+00> : vector<128xf32>
    %reduce_sum3A_107 = vector.multi_reduction <add>, %mul3A_95, %reduce_sum3A [0] : vector<2048x128xf32> to vector<128xf32>
    %broadcast_in_dim3A = vector.shape_cast %reduce_sum3A_107 : vector<128xf32> to vector<1x128xf32>
    %add3A_108 = arith.addf %get3A_106, %broadcast_in_dim3A : vector<1x128xf32>
    %swap3A_109 = arith.constant 0 : index
    %swap3A_110 = arith.constant 0 : index
    %swap3A_111 = vector.load %arg13[%swap3A_109, %swap3A_110] : memref<3x128xf32, #tpu.memory_space<vmem>>, vector<1x128xf32>
    tpu.vector_store %arg13[%swap3A_109, %swap3A_110], %add3A_108 {strides = array<i32>} : memref<3x128xf32, #tpu.memory_space<vmem>>, vector<1x128xf32>,
    %get3A_112 = arith.constant 1 : index
    %get3A_113 = arith.constant 0 : index
    %get3A_114 = vector.load %arg13[%get3A_112, %get3A_113] : memref<3x128xf32, #tpu.memory_space<vmem>>, vector<1x128xf32>
    %mul3A_115 = arith.mulf %mul3A_95, %mul3A_95 : vector<2048x128xf32>
    %reduce_sum3A_116 = arith.constant dense<0.000000e+00> : vector<128xf32>
    %reduce_sum3A_117 = vector.multi_reduction <add>, %mul3A_115, %reduce_sum3A_116 [0] : vector<2048x128xf32> to vector<128xf32>
    %broadcast_in_dim3A_118 = vector.shape_cast %reduce_sum3A_117 : vector<128xf32> to vector<1x128xf32>
    %add3A_119 = arith.addf %get3A_114, %broadcast_in_dim3A_118 : vector<1x128xf32>
    %swap3A_120 = arith.constant 1 : index
    %swap3A_121 = arith.constant 0 : index
    %swap3A_122 = vector.load %arg13[%swap3A_120, %swap3A_121] : memref<3x128xf32, #tpu.memory_space<vmem>>, vector<1x128xf32>
    tpu.vector_store %arg13[%swap3A_120, %swap3A_121], %add3A_119 {strides = array<i32>} : memref<3x128xf32, #tpu.memory_space<vmem>>, vector<1x128xf32>,
    %get3A_123 = arith.constant 2 : index
    %get3A_124 = arith.constant 0 : index
    %get3A_125 = vector.load %arg13[%get3A_123, %get3A_124] : memref<3x128xf32, #tpu.memory_space<vmem>>, vector<1x128xf32>
    %reduce_sum3A_126 = vector.shape_cast %convert_element_type3A_21 : vector<2048x8xf32> to vector<1x2048x8xf32>
    %reduce_sum3A_127 = arith.constant dense<0.000000e+00> : vector<1xf32>
    %reduce_sum3A_128 = vector.multi_reduction <add>, %reduce_sum3A_126, %reduce_sum3A_127 [1, 2] : vector<1x2048x8xf32> to vector<1xf32>
    %reduce_sum3A_129 = vector.shape_cast %reduce_sum3A_128 : vector<1xf32> to vector<1x1x1xf32>
    %reduce_sum3A_130 = vector.extract %reduce_sum3A_129[0, 0, 0] : f32 from vector<1x1x1xf32>
    %broadcast_in_dim3A_131 = vector.broadcast %reduce_sum3A_130 : f32 to vector<1x128xf32>
    %add3A_132 = arith.addf %get3A_125, %broadcast_in_dim3A_131 : vector<1x128xf32>
    %swap3A_133 = arith.constant 2 : index
    %swap3A_134 = arith.constant 0 : index
    %swap3A_135 = vector.load %arg13[%swap3A_133, %swap3A_134] : memref<3x128xf32, #tpu.memory_space<vmem>>, vector<1x128xf32>
    tpu.vector_store %arg13[%swap3A_133, %swap3A_134], %add3A_132 {strides = array<i32>} : memref<3x128xf32, #tpu.memory_space<vmem>>, vector<1x128xf32>,
    return
  }
  func.func @transform_0(%arg0: i32) -> (i32, i32) {
    %c0_i32 = arith.constant 0 : i32
    %c0_i32_0 = arith.constant 0 : i32
    return %arg0, %c0_i32 : i32, i32
  }
  func.func @transform_1(%arg0: i32) -> (i32, i32) {
    %sub3A = arith.constant 1 : i32
    %sub3A_0 = arith.subi %arg0, %sub3A : i32
    %max3A = arith.constant 0 : i32
    %max3A_1 = arith.maxsi %sub3A_0, %max3A : i32
    %c0_i32 = arith.constant 0 : i32
    %c0_i32_2 = arith.constant 0 : i32
    return %max3A_1, %c0_i32 : i32, i32
  }
  func.func @transform_2(%arg0: i32) -> (i32, i32) {
    %add3A = arith.constant 1 : i32
    %add3A_0 = arith.addi %arg0, %add3A : i32
    %min3A = arith.constant 15 : i32
    %min3A_1 = arith.minsi %add3A_0, %min3A : i32
    %c0_i32 = arith.constant 0 : i32
    %c0_i32_2 = arith.constant 0 : i32
    return %min3A_1, %c0_i32 : i32, i32
  }
  func.func @transform_3(%arg0: i32) -> (i32, i32) {
    %c0_i32 = arith.constant 0 : i32
    %c0_i32_0 = arith.constant 0 : i32
    return %arg0, %c0_i32 : i32, i32
  }
  func.func @transform_4(%arg0: i32) -> (i32, i32) {
    %sub3A = arith.constant 1 : i32
    %sub3A_0 = arith.subi %arg0, %sub3A : i32
    %max3A = arith.constant 0 : i32
    %max3A_1 = arith.maxsi %sub3A_0, %max3A : i32
    %c0_i32 = arith.constant 0 : i32
    %c0_i32_2 = arith.constant 0 : i32
    return %max3A_1, %c0_i32 : i32, i32
  }
  func.func @transform_5(%arg0: i32) -> (i32, i32) {
    %add3A = arith.constant 1 : i32
    %add3A_0 = arith.addi %arg0, %add3A : i32
    %min3A = arith.constant 15 : i32
    %min3A_1 = arith.minsi %add3A_0, %min3A : i32
    %c0_i32 = arith.constant 0 : i32
    %c0_i32_2 = arith.constant 0 : i32
    return %min3A_1, %c0_i32 : i32, i32
  }
  func.func @transform_6(%arg0: i32) -> (i32, i32, i32) {
    %c0_i32 = arith.constant 0 : i32
    %c0_i32_0 = arith.constant 0 : i32
    %c0_i32_1 = arith.constant 0 : i32
    %c0_i32_2 = arith.constant 0 : i32
    return %c0_i32, %c0_i32_0, %c0_i32_1 : i32, i32, i32
  }
  func.func @transform_7(%arg0: i32) -> (i32, i32) {
    %c0_i32 = arith.constant 0 : i32
    %c0_i32_0 = arith.constant 0 : i32
    %c0_i32_1 = arith.constant 0 : i32
    return %c0_i32, %c0_i32_0 : i32, i32
  }
  func.func @transform_8(%arg0: i32) -> (i32, i32) {
    %c0_i32 = arith.constant 0 : i32
    %c0_i32_0 = arith.constant 0 : i32
    %c0_i32_1 = arith.constant 0 : i32
    return %c0_i32, %c0_i32_0 : i32, i32
  }
  func.func @transform_9(%arg0: i32) -> (i32, i32) {
    %c0_i32 = arith.constant 0 : i32
    %c0_i32_0 = arith.constant 0 : i32
    %c0_i32_1 = arith.constant 0 : i32
    return %c0_i32, %c0_i32_0 : i32, i32
  }
  func.func @transform_10(%arg0: i32) -> (i32, i32) {
    %c0_i32 = arith.constant 0 : i32
    %c0_i32_0 = arith.constant 0 : i32
    return %arg0, %c0_i32 : i32, i32
  }
  func.func @transform_11(%arg0: i32) -> (i32, i32) {
    %c0_i32 = arith.constant 0 : i32
    %c0_i32_0 = arith.constant 0 : i32
    return %arg0, %c0_i32 : i32, i32
  }
  func.func @transform_12(%arg0: i32) -> (i32, i32) {
    %c0_i32 = arith.constant 0 : i32
    %c0_i32_0 = arith.constant 0 : i32
    %c0_i32_1 = arith.constant 0 : i32
    return %c0_i32, %c0_i32_0 : i32, i32
  }
}

module attributes {stable_mosaic.version = 14 : i64} {
  func.func @body(%arg0: i32, %arg1: memref<2048x128xf32, #tpu.memory_space<vmem>>, %arg2: memref<2048x8xf32, #tpu.memory_space<vmem>>, %arg3: memref<1x128xf32, #tpu.memory_space<vmem>>, %arg4: memref<1x128xf32, #tpu.memory_space<vmem>>, %arg5: memref<3x128x128xf32, #tpu.memory_space<vmem>>, %arg6: memref<8x128xf32, #tpu.memory_space<vmem>>, %arg7: memref<2048x128xf32, #tpu.memory_space<vmem>>, %arg8: memref<3x128xf32, #tpu.memory_space<vmem>>, %arg9: memref<2048x128xf32, #tpu.memory_space<vmem>>, %arg10: memref<2048x128xf32, #tpu.memory_space<vmem>>, %arg11: memref<1x128xf32, #tpu.memory_space<vmem>>) attributes {dimension_semantics = [#tpu.dimension_semantics<arbitrary>], iteration_bounds = array<i64: 17>, scalar_prefetch = 0 : i64, scratch_operands = 3 : i64, tpu.core_type = #tpu.core_type<tc>, window_params = [{transform_indices = @transform_0, window_bounds = array<i64: 2048, 128>}, {transform_indices = @transform_1, window_bounds = array<i64: 2048, 8>}, {pipeline_mode = #tpu.pipeline_mode<synchronous>, transform_indices = @transform_2, window_bounds = array<i64: 1, 128>}, {pipeline_mode = #tpu.pipeline_mode<synchronous>, transform_indices = @transform_3, window_bounds = array<i64: 1, 128>}, {pipeline_mode = #tpu.pipeline_mode<synchronous>, transform_indices = @transform_4, window_bounds = array<i64: 3, 128, 128>}, {pipeline_mode = #tpu.pipeline_mode<synchronous>, transform_indices = @transform_5, window_bounds = array<i64: 8, 128>}, {transform_indices = @transform_6, window_bounds = array<i64: 2048, 128>}, {pipeline_mode = #tpu.pipeline_mode<synchronous>, transform_indices = @transform_7, window_bounds = array<i64: 3, 128>}]} {
    %get3A = arith.constant 0 : index
    %get3A_0 = arith.constant 0 : index
    %get3A_1 = vector.load %arg3[%get3A, %get3A_0] : memref<1x128xf32, #tpu.memory_space<vmem>>, vector<1x128xf32>
    %get3A_2 = arith.constant 0 : index
    %get3A_3 = arith.constant 0 : index
    %get3A_4 = vector.load %arg4[%get3A_2, %get3A_3] : memref<1x128xf32, #tpu.memory_space<vmem>>, vector<1x128xf32>
    %get3A_5 = arith.constant 0 : index
    %get3A_6 = arith.constant 0 : index
    %get3A_7 = vector.load %arg6[%get3A_5, %get3A_6] : memref<8x128xf32, #tpu.memory_space<vmem>>, vector<8x128xf32>
    %get3A_8 = arith.constant 0 : index
    %get3A_9 = arith.constant 0 : index
    %get3A_10 = vector.load %arg2[%get3A_8, %get3A_9] : memref<2048x8xf32, #tpu.memory_space<vmem>>, vector<2048x8xf32>
    %dot_general3A = arith.constant dense<0.000000e+00> : vector<2048x128xf32>
    %dot_general3A_11 = tpu.matmul %get3A_10, %get3A_7, %dot_general3A {dimension_numbers = #tpu.dot_dimension_numbers<[1], [0], [0], [1], [0, 0, 1, 1], [], []>, transpose_lhs_hint = false} : vector<2048x8xf32>, vector<8x128xf32>, vector<2048x128xf32> -> vector<2048x128xf32>
    %get3A_12 = arith.constant 0 : index
    %get3A_13 = arith.constant 0 : index
    %get3A_14 = vector.load %arg1[%get3A_12, %get3A_13] : memref<2048x128xf32, #tpu.memory_space<vmem>>, vector<2048x128xf32>
    %mul3A = vector.broadcast %get3A_1 : vector<1x128xf32> to vector<2048x128xf32>
    %mul3A_15 = arith.mulf %get3A_14, %mul3A : vector<2048x128xf32>
    %add3A = vector.broadcast %get3A_4 : vector<1x128xf32> to vector<2048x128xf32>
    %add3A_16 = arith.addf %mul3A_15, %add3A : vector<2048x128xf32>
    %max3A = arith.constant 0.000000e+00 : f32
    %max3A_17 = vector.broadcast %max3A : f32 to vector<2048x128xf32>
    %max3A_18 = arith.maximumf %add3A_16, %max3A_17 : vector<2048x128xf32>
    %mul3A_19 = arith.mulf %max3A_18, %dot_general3A_11 : vector<2048x128xf32>
    %eq3A = arith.constant 0 : i32
    %eq3A_20 = arith.cmpi eq, %arg0, %eq3A : i32
    %convert_element_type3A = arith.extui %eq3A_20 : i1 to i32
    %cond3A = arith.constant 0 : i32
    %cond3A_21 = arith.cmpi ne, %convert_element_type3A, %cond3A : i32
    scf.if %cond3A_21 {
      %broadcast_in_dim3A = arith.constant 0.000000e+00 : f32
      %broadcast_in_dim3A_30 = vector.broadcast %broadcast_in_dim3A : f32 to vector<3x128xf32>
      %swap3A = arith.constant 0 : index
      %swap3A_31 = arith.constant 0 : index
      %swap3A_32 = vector.load %arg8[%swap3A, %swap3A_31] : memref<3x128xf32, #tpu.memory_space<vmem>>, vector<3x128xf32>
      tpu.vector_store %arg8[%swap3A, %swap3A_31], %broadcast_in_dim3A_30 {strides = array<i32>} : memref<3x128xf32, #tpu.memory_space<vmem>>, vector<3x128xf32>,
      %broadcast_in_dim3A_33 = arith.constant 0.000000e+00 : f32
      %broadcast_in_dim3A_34 = vector.broadcast %broadcast_in_dim3A_33 : f32 to vector<1x128xf32>
      %swap3A_35 = arith.constant 0 : index
      %swap3A_36 = arith.constant 0 : index
      %swap3A_37 = vector.load %arg11[%swap3A_35, %swap3A_36] : memref<1x128xf32, #tpu.memory_space<vmem>>, vector<1x128xf32>
      tpu.vector_store %arg11[%swap3A_35, %swap3A_36], %broadcast_in_dim3A_34 {strides = array<i32>} : memref<1x128xf32, #tpu.memory_space<vmem>>, vector<1x128xf32>,
    } else {
    }
    %gt3A = arith.constant 0 : i32
    %gt3A_22 = arith.cmpi sgt, %arg0, %gt3A : i32
    %convert_element_type3A_23 = arith.extui %gt3A_22 : i1 to i32
    %cond3A_24 = arith.constant 0 : i32
    %cond3A_25 = arith.cmpi ne, %convert_element_type3A_23, %cond3A_24 : i32
    scf.if %cond3A_25 {
      %get3A_30 = arith.constant 0 : index
      %get3A_31 = arith.constant 0 : index
      %get3A_32 = vector.load %arg9[%get3A_30, %get3A_31] : memref<2048x128xf32, #tpu.memory_space<vmem>>, vector<2048x128xf32>
      %lt3A_33 = arith.constant 16 : i32
      %lt3A_34 = arith.cmpi slt, %arg0, %lt3A_33 : i32
      %jit3A = arith.constant 1.000000e+00 : f32
      %jit3A_35 = arith.constant 0.000000e+00 : f32
      %select_n3A = arith.select %lt3A_34, %jit3A, %jit3A_35 : f32
      %get3A_36 = arith.constant 0 : index
      %get3A_37 = arith.constant 0 : index
      %get3A_38 = vector.load %arg11[%get3A_36, %get3A_37] : memref<1x128xf32, #tpu.memory_space<vmem>>, vector<1x128xf32>
      %slice3A = vector.extract_strided_slice %get3A_32 {offsets = [0, 0], sizes = [2047, 128], strides = [1, 1]} : vector<2048x128xf32> to vector<2047x128xf32>
      %concatenate3A = tpu.concatenate %get3A_38, %slice3A in 0 : vector<1x128xf32>, vector<2047x128xf32> -> vector<2048x128xf32>
      %slice3A_39 = vector.extract_strided_slice %get3A_32 {offsets = [1, 0], sizes = [2047, 128], strides = [1, 1]} : vector<2048x128xf32> to vector<2047x128xf32>
      %slice3A_40 = vector.extract_strided_slice %mul3A_19 {offsets = [0, 0], sizes = [1, 128], strides = [1, 1]} : vector<2048x128xf32> to vector<1x128xf32>
      %mul3A_41 = vector.broadcast %select_n3A : f32 to vector<1x128xf32>
      %mul3A_42 = arith.mulf %slice3A_40, %mul3A_41 : vector<1x128xf32>
      %concatenate3A_43 = tpu.concatenate %slice3A_39, %mul3A_42 in 0 : vector<2047x128xf32>, vector<1x128xf32> -> vector<2048x128xf32>
      %slice3A_44 = vector.extract_strided_slice %concatenate3A {offsets = [0, 112], sizes = [2048, 16], strides = [1, 1]} : vector<2048x128xf32> to vector<2048x16xf32>
      %slice3A_45 = vector.extract_strided_slice %get3A_32 {offsets = [0, 0], sizes = [2048, 112], strides = [1, 1]} : vector<2048x128xf32> to vector<2048x112xf32>
      %concatenate3A_46 = tpu.concatenate %slice3A_44, %slice3A_45 in 1 : vector<2048x16xf32>, vector<2048x112xf32> -> vector<2048x128xf32>
      %slice3A_47 = vector.extract_strided_slice %get3A_32 {offsets = [0, 16], sizes = [2048, 112], strides = [1, 1]} : vector<2048x128xf32> to vector<2048x112xf32>
      %slice3A_48 = vector.extract_strided_slice %concatenate3A_43 {offsets = [0, 0], sizes = [2048, 16], strides = [1, 1]} : vector<2048x128xf32> to vector<2048x16xf32>
      %concatenate3A_49 = tpu.concatenate %slice3A_47, %slice3A_48 in 1 : vector<2048x112xf32>, vector<2048x16xf32> -> vector<2048x128xf32>
      %get3A_50 = arith.constant 0 : index
      %get3A_51 = arith.constant 0 : index
      %get3A_52 = arith.constant 0 : index
      %get3A_53 = vector.load %arg5[%get3A_50, %get3A_51, %get3A_52] : memref<3x128x128xf32, #tpu.memory_space<vmem>>, vector<1x128x128xf32>
      %get3A_54 = vector.shape_cast %get3A_53 : vector<1x128x128xf32> to vector<128x128xf32>
      %dot_general3A_55 = arith.constant dense<0.000000e+00> : vector<2048x128xf32>
      %dot_general3A_56 = tpu.matmul %concatenate3A_46, %get3A_54, %dot_general3A_55 {dimension_numbers = #tpu.dot_dimension_numbers<[1], [0], [0], [1], [0, 0, 1, 1], [], []>, transpose_lhs_hint = false} : vector<2048x128xf32>, vector<128x128xf32>, vector<2048x128xf32> -> vector<2048x128xf32>
      %get3A_57 = arith.constant 1 : index
      %get3A_58 = arith.constant 0 : index
      %get3A_59 = arith.constant 0 : index
      %get3A_60 = vector.load %arg5[%get3A_57, %get3A_58, %get3A_59] : memref<3x128x128xf32, #tpu.memory_space<vmem>>, vector<1x128x128xf32>
      %get3A_61 = vector.shape_cast %get3A_60 : vector<1x128x128xf32> to vector<128x128xf32>
      %dot_general3A_62 = arith.constant dense<0.000000e+00> : vector<2048x128xf32>
      %dot_general3A_63 = tpu.matmul %get3A_32, %get3A_61, %dot_general3A_62 {dimension_numbers = #tpu.dot_dimension_numbers<[1], [0], [0], [1], [0, 0, 1, 1], [], []>, transpose_lhs_hint = false} : vector<2048x128xf32>, vector<128x128xf32>, vector<2048x128xf32> -> vector<2048x128xf32>
      %add3A_64 = arith.addf %dot_general3A_56, %dot_general3A_63 : vector<2048x128xf32>
      %get3A_65 = arith.constant 2 : index
      %get3A_66 = arith.constant 0 : index
      %get3A_67 = arith.constant 0 : index
      %get3A_68 = vector.load %arg5[%get3A_65, %get3A_66, %get3A_67] : memref<3x128x128xf32, #tpu.memory_space<vmem>>, vector<1x128x128xf32>
      %get3A_69 = vector.shape_cast %get3A_68 : vector<1x128x128xf32> to vector<128x128xf32>
      %dot_general3A_70 = arith.constant dense<0.000000e+00> : vector<2048x128xf32>
      %dot_general3A_71 = tpu.matmul %concatenate3A_49, %get3A_69, %dot_general3A_70 {dimension_numbers = #tpu.dot_dimension_numbers<[1], [0], [0], [1], [0, 0, 1, 1], [], []>, transpose_lhs_hint = false} : vector<2048x128xf32>, vector<128x128xf32>, vector<2048x128xf32> -> vector<2048x128xf32>
      %add3A_72 = arith.addf %add3A_64, %dot_general3A_71 : vector<2048x128xf32>
      %get3A_73 = arith.constant 0 : index
      %get3A_74 = arith.constant 0 : index
      %get3A_75 = vector.load %arg10[%get3A_73, %get3A_74] : memref<2048x128xf32, #tpu.memory_space<vmem>>, vector<2048x128xf32>
      %mul3A_76 = arith.mulf %add3A_72, %get3A_75 : vector<2048x128xf32>
      %swap3A = arith.constant 0 : index
      %swap3A_77 = arith.constant 0 : index
      %swap3A_78 = vector.load %arg7[%swap3A, %swap3A_77] : memref<2048x128xf32, #tpu.memory_space<vmem>>, vector<2048x128xf32>
      tpu.vector_store %arg7[%swap3A, %swap3A_77], %mul3A_76 {strides = array<i32>} : memref<2048x128xf32, #tpu.memory_space<vmem>>, vector<2048x128xf32>,
      %get3A_79 = arith.constant 0 : index
      %get3A_80 = arith.constant 0 : index
      %get3A_81 = vector.load %arg8[%get3A_79, %get3A_80] : memref<3x128xf32, #tpu.memory_space<vmem>>, vector<1x128xf32>
      %reduce_sum3A = arith.constant dense<0.000000e+00> : vector<128xf32>
      %reduce_sum3A_82 = vector.multi_reduction <add>, %mul3A_76, %reduce_sum3A [0] : vector<2048x128xf32> to vector<128xf32>
      %broadcast_in_dim3A = vector.shape_cast %reduce_sum3A_82 : vector<128xf32> to vector<1x128xf32>
      %add3A_83 = arith.addf %get3A_81, %broadcast_in_dim3A : vector<1x128xf32>
      %swap3A_84 = arith.constant 0 : index
      %swap3A_85 = arith.constant 0 : index
      %swap3A_86 = vector.load %arg8[%swap3A_84, %swap3A_85] : memref<3x128xf32, #tpu.memory_space<vmem>>, vector<1x128xf32>
      tpu.vector_store %arg8[%swap3A_84, %swap3A_85], %add3A_83 {strides = array<i32>} : memref<3x128xf32, #tpu.memory_space<vmem>>, vector<1x128xf32>,
      %get3A_87 = arith.constant 1 : index
      %get3A_88 = arith.constant 0 : index
      %get3A_89 = vector.load %arg8[%get3A_87, %get3A_88] : memref<3x128xf32, #tpu.memory_space<vmem>>, vector<1x128xf32>
      %mul3A_90 = arith.mulf %mul3A_76, %mul3A_76 : vector<2048x128xf32>
      %reduce_sum3A_91 = arith.constant dense<0.000000e+00> : vector<128xf32>
      %reduce_sum3A_92 = vector.multi_reduction <add>, %mul3A_90, %reduce_sum3A_91 [0] : vector<2048x128xf32> to vector<128xf32>
      %broadcast_in_dim3A_93 = vector.shape_cast %reduce_sum3A_92 : vector<128xf32> to vector<1x128xf32>
      %add3A_94 = arith.addf %get3A_89, %broadcast_in_dim3A_93 : vector<1x128xf32>
      %swap3A_95 = arith.constant 1 : index
      %swap3A_96 = arith.constant 0 : index
      %swap3A_97 = vector.load %arg8[%swap3A_95, %swap3A_96] : memref<3x128xf32, #tpu.memory_space<vmem>>, vector<1x128xf32>
      tpu.vector_store %arg8[%swap3A_95, %swap3A_96], %add3A_94 {strides = array<i32>} : memref<3x128xf32, #tpu.memory_space<vmem>>, vector<1x128xf32>,
      %slice3A_98 = vector.extract_strided_slice %get3A_32 {offsets = [2047, 0], sizes = [1, 128], strides = [1, 1]} : vector<2048x128xf32> to vector<1x128xf32>
      %swap3A_99 = arith.constant 0 : index
      %swap3A_100 = arith.constant 0 : index
      %swap3A_101 = vector.load %arg11[%swap3A_99, %swap3A_100] : memref<1x128xf32, #tpu.memory_space<vmem>>, vector<1x128xf32>
      tpu.vector_store %arg11[%swap3A_99, %swap3A_100], %slice3A_98 {strides = array<i32>} : memref<1x128xf32, #tpu.memory_space<vmem>>, vector<1x128xf32>,
    } else {
    }
    %lt3A = arith.constant 16 : i32
    %lt3A_26 = arith.cmpi slt, %arg0, %lt3A : i32
    %convert_element_type3A_27 = arith.extui %lt3A_26 : i1 to i32
    %cond3A_28 = arith.constant 0 : i32
    %cond3A_29 = arith.cmpi ne, %convert_element_type3A_27, %cond3A_28 : i32
    scf.if %cond3A_29 {
      %swap3A = arith.constant 0 : index
      %swap3A_30 = arith.constant 0 : index
      %swap3A_31 = vector.load %arg9[%swap3A, %swap3A_30] : memref<2048x128xf32, #tpu.memory_space<vmem>>, vector<2048x128xf32>
      tpu.vector_store %arg9[%swap3A, %swap3A_30], %mul3A_19 {strides = array<i32>} : memref<2048x128xf32, #tpu.memory_space<vmem>>, vector<2048x128xf32>,
      %swap3A_32 = arith.constant 0 : index
      %swap3A_33 = arith.constant 0 : index
      %swap3A_34 = vector.load %arg10[%swap3A_32, %swap3A_33] : memref<2048x128xf32, #tpu.memory_space<vmem>>, vector<2048x128xf32>
      tpu.vector_store %arg10[%swap3A_32, %swap3A_33], %dot_general3A_11 {strides = array<i32>} : memref<2048x128xf32, #tpu.memory_space<vmem>>, vector<2048x128xf32>,
    } else {
    }
    return
  }
  func.func @transform_0(%arg0: i32) -> (i32, i32) {
    %min3A = arith.constant 15 : i32
    %min3A_0 = arith.minsi %arg0, %min3A : i32
    %c0_i32 = arith.constant 0 : i32
    %c0_i32_1 = arith.constant 0 : i32
    return %min3A_0, %c0_i32 : i32, i32
  }
  func.func @transform_1(%arg0: i32) -> (i32, i32) {
    %min3A = arith.constant 15 : i32
    %min3A_0 = arith.minsi %arg0, %min3A : i32
    %c0_i32 = arith.constant 0 : i32
    %c0_i32_1 = arith.constant 0 : i32
    return %min3A_0, %c0_i32 : i32, i32
  }
  func.func @transform_2(%arg0: i32) -> (i32, i32) {
    %c0_i32 = arith.constant 0 : i32
    %c0_i32_0 = arith.constant 0 : i32
    %c0_i32_1 = arith.constant 0 : i32
    return %c0_i32, %c0_i32_0 : i32, i32
  }
  func.func @transform_3(%arg0: i32) -> (i32, i32) {
    %c0_i32 = arith.constant 0 : i32
    %c0_i32_0 = arith.constant 0 : i32
    %c0_i32_1 = arith.constant 0 : i32
    return %c0_i32, %c0_i32_0 : i32, i32
  }
  func.func @transform_4(%arg0: i32) -> (i32, i32, i32) {
    %c0_i32 = arith.constant 0 : i32
    %c0_i32_0 = arith.constant 0 : i32
    %c0_i32_1 = arith.constant 0 : i32
    %c0_i32_2 = arith.constant 0 : i32
    return %c0_i32, %c0_i32_0, %c0_i32_1 : i32, i32, i32
  }
  func.func @transform_5(%arg0: i32) -> (i32, i32) {
    %c0_i32 = arith.constant 0 : i32
    %c0_i32_0 = arith.constant 0 : i32
    %c0_i32_1 = arith.constant 0 : i32
    return %c0_i32, %c0_i32_0 : i32, i32
  }
  func.func @transform_6(%arg0: i32) -> (i32, i32) {
    %sub3A = arith.constant 1 : i32
    %sub3A_0 = arith.subi %arg0, %sub3A : i32
    %max3A = arith.constant 0 : i32
    %max3A_1 = arith.maxsi %sub3A_0, %max3A : i32
    %c0_i32 = arith.constant 0 : i32
    %c0_i32_2 = arith.constant 0 : i32
    return %max3A_1, %c0_i32 : i32, i32
  }
  func.func @transform_7(%arg0: i32) -> (i32, i32) {
    %c0_i32 = arith.constant 0 : i32
    %c0_i32_0 = arith.constant 0 : i32
    %c0_i32_1 = arith.constant 0 : i32
    return %c0_i32, %c0_i32_0 : i32, i32
  }
}

module attributes {stable_mosaic.version = 14 : i64} {
  func.func @body(%arg0: i32, %arg1: memref<1024x256xf32, #tpu.memory_space<vmem>>, %arg2: memref<1024x16xf32, #tpu.memory_space<vmem>>, %arg3: memref<1x256xf32, #tpu.memory_space<vmem>>, %arg4: memref<1x256xf32, #tpu.memory_space<vmem>>, %arg5: memref<256x256xf32, #tpu.memory_space<vmem>>, %arg6: memref<16x256xf32, #tpu.memory_space<vmem>>, %arg7: memref<16x8xf32, #tpu.memory_space<vmem>>, %arg8: memref<1024x256xf32, #tpu.memory_space<vmem>>, %arg9: memref<1024x8xf32, #tpu.memory_space<vmem>>, %arg10: memref<3x256xf32, #tpu.memory_space<vmem>>) attributes {dimension_semantics = [#tpu.dimension_semantics<arbitrary>], iteration_bounds = array<i64: 16>, scalar_prefetch = 0 : i64, scratch_operands = 0 : i64, tpu.core_type = #tpu.core_type<tc>, window_params = [{transform_indices = @transform_0, window_bounds = array<i64: 1024, 256>}, {transform_indices = @transform_1, window_bounds = array<i64: 1024, 16>}, {pipeline_mode = #tpu.pipeline_mode<synchronous>, transform_indices = @transform_2, window_bounds = array<i64: 1, 256>}, {pipeline_mode = #tpu.pipeline_mode<synchronous>, transform_indices = @transform_3, window_bounds = array<i64: 1, 256>}, {pipeline_mode = #tpu.pipeline_mode<synchronous>, transform_indices = @transform_4, window_bounds = array<i64: 256, 256>}, {pipeline_mode = #tpu.pipeline_mode<synchronous>, transform_indices = @transform_5, window_bounds = array<i64: 16, 256>}, {pipeline_mode = #tpu.pipeline_mode<synchronous>, transform_indices = @transform_6, window_bounds = array<i64: 16, 8>}, {transform_indices = @transform_7, window_bounds = array<i64: 1024, 256>}, {transform_indices = @transform_8, window_bounds = array<i64: 1024, 8>}, {pipeline_mode = #tpu.pipeline_mode<synchronous>, transform_indices = @transform_9, window_bounds = array<i64: 3, 256>}]} {
    %get3A = arith.constant 0 : index
    %get3A_0 = arith.constant 0 : index
    %get3A_1 = vector.load %arg3[%get3A, %get3A_0] : memref<1x256xf32, #tpu.memory_space<vmem>>, vector<1x256xf32>
    %get3A_2 = arith.constant 0 : index
    %get3A_3 = arith.constant 0 : index
    %get3A_4 = vector.load %arg4[%get3A_2, %get3A_3] : memref<1x256xf32, #tpu.memory_space<vmem>>, vector<1x256xf32>
    %get3A_5 = arith.constant 0 : index
    %get3A_6 = arith.constant 0 : index
    %get3A_7 = vector.load %arg2[%get3A_5, %get3A_6] : memref<1024x16xf32, #tpu.memory_space<vmem>>, vector<1024x16xf32>
    %get3A_8 = arith.constant 0 : index
    %get3A_9 = arith.constant 0 : index
    %get3A_10 = vector.load %arg1[%get3A_8, %get3A_9] : memref<1024x256xf32, #tpu.memory_space<vmem>>, vector<1024x256xf32>
    %mul3A = vector.broadcast %get3A_1 : vector<1x256xf32> to vector<1024x256xf32>
    %mul3A_11 = arith.mulf %get3A_10, %mul3A : vector<1024x256xf32>
    %add3A = vector.broadcast %get3A_4 : vector<1x256xf32> to vector<1024x256xf32>
    %add3A_12 = arith.addf %mul3A_11, %add3A : vector<1024x256xf32>
    %max3A = arith.constant 0.000000e+00 : f32
    %max3A_13 = vector.broadcast %max3A : f32 to vector<1024x256xf32>
    %max3A_14 = arith.maximumf %add3A_12, %max3A_13 : vector<1024x256xf32>
    %get3A_15 = arith.constant 0 : index
    %get3A_16 = arith.constant 0 : index
    %get3A_17 = vector.load %arg6[%get3A_15, %get3A_16] : memref<16x256xf32, #tpu.memory_space<vmem>>, vector<16x256xf32>
    %dot_general3A = arith.constant dense<0.000000e+00> : vector<1024x256xf32>
    %dot_general3A_18 = tpu.matmul %get3A_7, %get3A_17, %dot_general3A {dimension_numbers = #tpu.dot_dimension_numbers<[1], [0], [0], [1], [0, 0, 1, 1], [], []>, transpose_lhs_hint = false} : vector<1024x16xf32>, vector<16x256xf32>, vector<1024x256xf32> -> vector<1024x256xf32>
    %mul3A_19 = arith.mulf %max3A_14, %dot_general3A_18 : vector<1024x256xf32>
    %get3A_20 = arith.constant 0 : index
    %get3A_21 = arith.constant 0 : index
    %get3A_22 = vector.load %arg5[%get3A_20, %get3A_21] : memref<256x256xf32, #tpu.memory_space<vmem>>, vector<256x256xf32>
    %dot_general3A_23 = arith.constant dense<0.000000e+00> : vector<1024x256xf32>
    %dot_general3A_24 = tpu.matmul %mul3A_19, %get3A_22, %dot_general3A_23 {dimension_numbers = #tpu.dot_dimension_numbers<[1], [0], [0], [1], [0, 0, 1, 1], [], []>, transpose_lhs_hint = false} : vector<1024x256xf32>, vector<256x256xf32>, vector<1024x256xf32> -> vector<1024x256xf32>
    %get3A_25 = arith.constant 0 : index
    %get3A_26 = arith.constant 0 : index
    %get3A_27 = vector.load %arg7[%get3A_25, %get3A_26] : memref<16x8xf32, #tpu.memory_space<vmem>>, vector<16x8xf32>
    %dot_general3A_28 = arith.constant dense<0.000000e+00> : vector<1024x8xf32>
    %dot_general3A_29 = tpu.matmul %get3A_7, %get3A_27, %dot_general3A_28 {dimension_numbers = #tpu.dot_dimension_numbers<[1], [0], [0], [1], [0, 0, 1, 1], [], []>, transpose_lhs_hint = false} : vector<1024x16xf32>, vector<16x8xf32>, vector<1024x8xf32> -> vector<1024x8xf32>
    %min3A = arith.constant 1.000000e+00 : f32
    %min3A_30 = vector.broadcast %min3A : f32 to vector<1024x8xf32>
    %min3A_31 = arith.minimumf %dot_general3A_29, %min3A_30 : vector<1024x8xf32>
    %swap3A = arith.constant 0 : index
    %swap3A_32 = arith.constant 0 : index
    %swap3A_33 = vector.load %arg8[%swap3A, %swap3A_32] : memref<1024x256xf32, #tpu.memory_space<vmem>>, vector<1024x256xf32>
    tpu.vector_store %arg8[%swap3A, %swap3A_32], %dot_general3A_24 {strides = array<i32>} : memref<1024x256xf32, #tpu.memory_space<vmem>>, vector<1024x256xf32>,
    %swap3A_34 = arith.constant 0 : index
    %swap3A_35 = arith.constant 0 : index
    %swap3A_36 = vector.load %arg9[%swap3A_34, %swap3A_35] : memref<1024x8xf32, #tpu.memory_space<vmem>>, vector<1024x8xf32>
    tpu.vector_store %arg9[%swap3A_34, %swap3A_35], %min3A_31 {strides = array<i32>} : memref<1024x8xf32, #tpu.memory_space<vmem>>, vector<1024x8xf32>,
    %eq3A = arith.constant 0 : i32
    %eq3A_37 = arith.cmpi eq, %arg0, %eq3A : i32
    %convert_element_type3A = arith.extui %eq3A_37 : i1 to i32
    %cond3A = arith.constant 0 : i32
    %cond3A_38 = arith.cmpi ne, %convert_element_type3A, %cond3A : i32
    scf.if %cond3A_38 {
      %broadcast_in_dim3A_71 = arith.constant 0.000000e+00 : f32
      %broadcast_in_dim3A_72 = vector.broadcast %broadcast_in_dim3A_71 : f32 to vector<3x256xf32>
      %swap3A_73 = arith.constant 0 : index
      %swap3A_74 = arith.constant 0 : index
      %swap3A_75 = vector.load %arg10[%swap3A_73, %swap3A_74] : memref<3x256xf32, #tpu.memory_space<vmem>>, vector<3x256xf32>
      tpu.vector_store %arg10[%swap3A_73, %swap3A_74], %broadcast_in_dim3A_72 {strides = array<i32>} : memref<3x256xf32, #tpu.memory_space<vmem>>, vector<3x256xf32>,
    } else {
    }
    %get3A_39 = arith.constant 0 : index
    %get3A_40 = arith.constant 0 : index
    %get3A_41 = vector.load %arg10[%get3A_39, %get3A_40] : memref<3x256xf32, #tpu.memory_space<vmem>>, vector<1x256xf32>
    %reduce_sum3A = arith.constant dense<0.000000e+00> : vector<256xf32>
    %reduce_sum3A_42 = vector.multi_reduction <add>, %dot_general3A_24, %reduce_sum3A [0] : vector<1024x256xf32> to vector<256xf32>
    %broadcast_in_dim3A = vector.shape_cast %reduce_sum3A_42 : vector<256xf32> to vector<1x256xf32>
    %add3A_43 = arith.addf %get3A_41, %broadcast_in_dim3A : vector<1x256xf32>
    %swap3A_44 = arith.constant 0 : index
    %swap3A_45 = arith.constant 0 : index
    %swap3A_46 = vector.load %arg10[%swap3A_44, %swap3A_45] : memref<3x256xf32, #tpu.memory_space<vmem>>, vector<1x256xf32>
    tpu.vector_store %arg10[%swap3A_44, %swap3A_45], %add3A_43 {strides = array<i32>} : memref<3x256xf32, #tpu.memory_space<vmem>>, vector<1x256xf32>,
    %get3A_47 = arith.constant 1 : index
    %get3A_48 = arith.constant 0 : index
    %get3A_49 = vector.load %arg10[%get3A_47, %get3A_48] : memref<3x256xf32, #tpu.memory_space<vmem>>, vector<1x256xf32>
    %mul3A_50 = arith.mulf %dot_general3A_24, %dot_general3A_24 : vector<1024x256xf32>
    %reduce_sum3A_51 = arith.constant dense<0.000000e+00> : vector<256xf32>
    %reduce_sum3A_52 = vector.multi_reduction <add>, %mul3A_50, %reduce_sum3A_51 [0] : vector<1024x256xf32> to vector<256xf32>
    %broadcast_in_dim3A_53 = vector.shape_cast %reduce_sum3A_52 : vector<256xf32> to vector<1x256xf32>
    %add3A_54 = arith.addf %get3A_49, %broadcast_in_dim3A_53 : vector<1x256xf32>
    %swap3A_55 = arith.constant 1 : index
    %swap3A_56 = arith.constant 0 : index
    %swap3A_57 = vector.load %arg10[%swap3A_55, %swap3A_56] : memref<3x256xf32, #tpu.memory_space<vmem>>, vector<1x256xf32>
    tpu.vector_store %arg10[%swap3A_55, %swap3A_56], %add3A_54 {strides = array<i32>} : memref<3x256xf32, #tpu.memory_space<vmem>>, vector<1x256xf32>,
    %get3A_58 = arith.constant 2 : index
    %get3A_59 = arith.constant 0 : index
    %get3A_60 = vector.load %arg10[%get3A_58, %get3A_59] : memref<3x256xf32, #tpu.memory_space<vmem>>, vector<1x256xf32>
    %reduce_sum3A_61 = vector.shape_cast %min3A_31 : vector<1024x8xf32> to vector<1x1024x8xf32>
    %reduce_sum3A_62 = arith.constant dense<0.000000e+00> : vector<1xf32>
    %reduce_sum3A_63 = vector.multi_reduction <add>, %reduce_sum3A_61, %reduce_sum3A_62 [1, 2] : vector<1x1024x8xf32> to vector<1xf32>
    %reduce_sum3A_64 = vector.shape_cast %reduce_sum3A_63 : vector<1xf32> to vector<1x1x1xf32>
    %reduce_sum3A_65 = vector.extract %reduce_sum3A_64[0, 0, 0] : f32 from vector<1x1x1xf32>
    %broadcast_in_dim3A_66 = vector.broadcast %reduce_sum3A_65 : f32 to vector<1x256xf32>
    %add3A_67 = arith.addf %get3A_60, %broadcast_in_dim3A_66 : vector<1x256xf32>
    %swap3A_68 = arith.constant 2 : index
    %swap3A_69 = arith.constant 0 : index
    %swap3A_70 = vector.load %arg10[%swap3A_68, %swap3A_69] : memref<3x256xf32, #tpu.memory_space<vmem>>, vector<1x256xf32>
    tpu.vector_store %arg10[%swap3A_68, %swap3A_69], %add3A_67 {strides = array<i32>} : memref<3x256xf32, #tpu.memory_space<vmem>>, vector<1x256xf32>,
    return
  }
  func.func @transform_0(%arg0: i32) -> (i32, i32) {
    %c0_i32 = arith.constant 0 : i32
    %c0_i32_0 = arith.constant 0 : i32
    return %arg0, %c0_i32 : i32, i32
  }
  func.func @transform_1(%arg0: i32) -> (i32, i32) {
    %c0_i32 = arith.constant 0 : i32
    %c0_i32_0 = arith.constant 0 : i32
    return %arg0, %c0_i32 : i32, i32
  }
  func.func @transform_2(%arg0: i32) -> (i32, i32) {
    %c0_i32 = arith.constant 0 : i32
    %c0_i32_0 = arith.constant 0 : i32
    %c0_i32_1 = arith.constant 0 : i32
    return %c0_i32, %c0_i32_0 : i32, i32
  }
  func.func @transform_3(%arg0: i32) -> (i32, i32) {
    %c0_i32 = arith.constant 0 : i32
    %c0_i32_0 = arith.constant 0 : i32
    %c0_i32_1 = arith.constant 0 : i32
    return %c0_i32, %c0_i32_0 : i32, i32
  }
  func.func @transform_4(%arg0: i32) -> (i32, i32) {
    %c0_i32 = arith.constant 0 : i32
    %c0_i32_0 = arith.constant 0 : i32
    %c0_i32_1 = arith.constant 0 : i32
    return %c0_i32, %c0_i32_0 : i32, i32
  }
  func.func @transform_5(%arg0: i32) -> (i32, i32) {
    %c0_i32 = arith.constant 0 : i32
    %c0_i32_0 = arith.constant 0 : i32
    %c0_i32_1 = arith.constant 0 : i32
    return %c0_i32, %c0_i32_0 : i32, i32
  }
  func.func @transform_6(%arg0: i32) -> (i32, i32) {
    %c0_i32 = arith.constant 0 : i32
    %c0_i32_0 = arith.constant 0 : i32
    %c0_i32_1 = arith.constant 0 : i32
    return %c0_i32, %c0_i32_0 : i32, i32
  }
  func.func @transform_7(%arg0: i32) -> (i32, i32) {
    %c0_i32 = arith.constant 0 : i32
    %c0_i32_0 = arith.constant 0 : i32
    return %arg0, %c0_i32 : i32, i32
  }
  func.func @transform_8(%arg0: i32) -> (i32, i32) {
    %c0_i32 = arith.constant 0 : i32
    %c0_i32_0 = arith.constant 0 : i32
    return %arg0, %c0_i32 : i32, i32
  }
  func.func @transform_9(%arg0: i32) -> (i32, i32) {
    %c0_i32 = arith.constant 0 : i32
    %c0_i32_0 = arith.constant 0 : i32
    %c0_i32_1 = arith.constant 0 : i32
    return %c0_i32, %c0_i32_0 : i32, i32
  }
}

module attributes {stable_mosaic.version = 14 : i64} {
  func.func @body(%arg0: i32, %arg1: memref<1024x256xf32, #tpu.memory_space<vmem>>, %arg2: memref<1024x8xf32, #tpu.memory_space<vmem>>, %arg3: memref<1x256xf32, #tpu.memory_space<vmem>>, %arg4: memref<1x256xf32, #tpu.memory_space<vmem>>, %arg5: memref<3x256x256xf32, #tpu.memory_space<vmem>>, %arg6: memref<8x256xf32, #tpu.memory_space<vmem>>, %arg7: memref<1024x256xf32, #tpu.memory_space<vmem>>, %arg8: memref<3x256xf32, #tpu.memory_space<vmem>>, %arg9: memref<1024x256xf32, #tpu.memory_space<vmem>>, %arg10: memref<1024x256xf32, #tpu.memory_space<vmem>>, %arg11: memref<1x256xf32, #tpu.memory_space<vmem>>) attributes {dimension_semantics = [#tpu.dimension_semantics<arbitrary>], iteration_bounds = array<i64: 17>, scalar_prefetch = 0 : i64, scratch_operands = 3 : i64, tpu.core_type = #tpu.core_type<tc>, window_params = [{transform_indices = @transform_0, window_bounds = array<i64: 1024, 256>}, {transform_indices = @transform_1, window_bounds = array<i64: 1024, 8>}, {pipeline_mode = #tpu.pipeline_mode<synchronous>, transform_indices = @transform_2, window_bounds = array<i64: 1, 256>}, {pipeline_mode = #tpu.pipeline_mode<synchronous>, transform_indices = @transform_3, window_bounds = array<i64: 1, 256>}, {pipeline_mode = #tpu.pipeline_mode<synchronous>, transform_indices = @transform_4, window_bounds = array<i64: 3, 256, 256>}, {pipeline_mode = #tpu.pipeline_mode<synchronous>, transform_indices = @transform_5, window_bounds = array<i64: 8, 256>}, {transform_indices = @transform_6, window_bounds = array<i64: 1024, 256>}, {pipeline_mode = #tpu.pipeline_mode<synchronous>, transform_indices = @transform_7, window_bounds = array<i64: 3, 256>}]} {
    %get3A = arith.constant 0 : index
    %get3A_0 = arith.constant 0 : index
    %get3A_1 = vector.load %arg3[%get3A, %get3A_0] : memref<1x256xf32, #tpu.memory_space<vmem>>, vector<1x256xf32>
    %get3A_2 = arith.constant 0 : index
    %get3A_3 = arith.constant 0 : index
    %get3A_4 = vector.load %arg4[%get3A_2, %get3A_3] : memref<1x256xf32, #tpu.memory_space<vmem>>, vector<1x256xf32>
    %get3A_5 = arith.constant 0 : index
    %get3A_6 = arith.constant 0 : index
    %get3A_7 = vector.load %arg6[%get3A_5, %get3A_6] : memref<8x256xf32, #tpu.memory_space<vmem>>, vector<8x256xf32>
    %get3A_8 = arith.constant 0 : index
    %get3A_9 = arith.constant 0 : index
    %get3A_10 = vector.load %arg2[%get3A_8, %get3A_9] : memref<1024x8xf32, #tpu.memory_space<vmem>>, vector<1024x8xf32>
    %dot_general3A = arith.constant dense<0.000000e+00> : vector<1024x256xf32>
    %dot_general3A_11 = tpu.matmul %get3A_10, %get3A_7, %dot_general3A {dimension_numbers = #tpu.dot_dimension_numbers<[1], [0], [0], [1], [0, 0, 1, 1], [], []>, transpose_lhs_hint = false} : vector<1024x8xf32>, vector<8x256xf32>, vector<1024x256xf32> -> vector<1024x256xf32>
    %get3A_12 = arith.constant 0 : index
    %get3A_13 = arith.constant 0 : index
    %get3A_14 = vector.load %arg1[%get3A_12, %get3A_13] : memref<1024x256xf32, #tpu.memory_space<vmem>>, vector<1024x256xf32>
    %mul3A = vector.broadcast %get3A_1 : vector<1x256xf32> to vector<1024x256xf32>
    %mul3A_15 = arith.mulf %get3A_14, %mul3A : vector<1024x256xf32>
    %add3A = vector.broadcast %get3A_4 : vector<1x256xf32> to vector<1024x256xf32>
    %add3A_16 = arith.addf %mul3A_15, %add3A : vector<1024x256xf32>
    %max3A = arith.constant 0.000000e+00 : f32
    %max3A_17 = vector.broadcast %max3A : f32 to vector<1024x256xf32>
    %max3A_18 = arith.maximumf %add3A_16, %max3A_17 : vector<1024x256xf32>
    %mul3A_19 = arith.mulf %max3A_18, %dot_general3A_11 : vector<1024x256xf32>
    %eq3A = arith.constant 0 : i32
    %eq3A_20 = arith.cmpi eq, %arg0, %eq3A : i32
    %convert_element_type3A = arith.extui %eq3A_20 : i1 to i32
    %cond3A = arith.constant 0 : i32
    %cond3A_21 = arith.cmpi ne, %convert_element_type3A, %cond3A : i32
    scf.if %cond3A_21 {
      %broadcast_in_dim3A = arith.constant 0.000000e+00 : f32
      %broadcast_in_dim3A_30 = vector.broadcast %broadcast_in_dim3A : f32 to vector<3x256xf32>
      %swap3A = arith.constant 0 : index
      %swap3A_31 = arith.constant 0 : index
      %swap3A_32 = vector.load %arg8[%swap3A, %swap3A_31] : memref<3x256xf32, #tpu.memory_space<vmem>>, vector<3x256xf32>
      tpu.vector_store %arg8[%swap3A, %swap3A_31], %broadcast_in_dim3A_30 {strides = array<i32>} : memref<3x256xf32, #tpu.memory_space<vmem>>, vector<3x256xf32>,
      %broadcast_in_dim3A_33 = arith.constant 0.000000e+00 : f32
      %broadcast_in_dim3A_34 = vector.broadcast %broadcast_in_dim3A_33 : f32 to vector<1x256xf32>
      %swap3A_35 = arith.constant 0 : index
      %swap3A_36 = arith.constant 0 : index
      %swap3A_37 = vector.load %arg11[%swap3A_35, %swap3A_36] : memref<1x256xf32, #tpu.memory_space<vmem>>, vector<1x256xf32>
      tpu.vector_store %arg11[%swap3A_35, %swap3A_36], %broadcast_in_dim3A_34 {strides = array<i32>} : memref<1x256xf32, #tpu.memory_space<vmem>>, vector<1x256xf32>,
    } else {
    }
    %gt3A = arith.constant 0 : i32
    %gt3A_22 = arith.cmpi sgt, %arg0, %gt3A : i32
    %convert_element_type3A_23 = arith.extui %gt3A_22 : i1 to i32
    %cond3A_24 = arith.constant 0 : i32
    %cond3A_25 = arith.cmpi ne, %convert_element_type3A_23, %cond3A_24 : i32
    scf.if %cond3A_25 {
      %get3A_30 = arith.constant 0 : index
      %get3A_31 = arith.constant 0 : index
      %get3A_32 = vector.load %arg9[%get3A_30, %get3A_31] : memref<1024x256xf32, #tpu.memory_space<vmem>>, vector<1024x256xf32>
      %lt3A_33 = arith.constant 16 : i32
      %lt3A_34 = arith.cmpi slt, %arg0, %lt3A_33 : i32
      %jit3A = arith.constant 1.000000e+00 : f32
      %jit3A_35 = arith.constant 0.000000e+00 : f32
      %select_n3A = arith.select %lt3A_34, %jit3A, %jit3A_35 : f32
      %get3A_36 = arith.constant 0 : index
      %get3A_37 = arith.constant 0 : index
      %get3A_38 = vector.load %arg11[%get3A_36, %get3A_37] : memref<1x256xf32, #tpu.memory_space<vmem>>, vector<1x256xf32>
      %slice3A = vector.extract_strided_slice %get3A_32 {offsets = [0, 0], sizes = [1023, 256], strides = [1, 1]} : vector<1024x256xf32> to vector<1023x256xf32>
      %concatenate3A = tpu.concatenate %get3A_38, %slice3A in 0 : vector<1x256xf32>, vector<1023x256xf32> -> vector<1024x256xf32>
      %slice3A_39 = vector.extract_strided_slice %get3A_32 {offsets = [1, 0], sizes = [1023, 256], strides = [1, 1]} : vector<1024x256xf32> to vector<1023x256xf32>
      %slice3A_40 = vector.extract_strided_slice %mul3A_19 {offsets = [0, 0], sizes = [1, 256], strides = [1, 1]} : vector<1024x256xf32> to vector<1x256xf32>
      %mul3A_41 = vector.broadcast %select_n3A : f32 to vector<1x256xf32>
      %mul3A_42 = arith.mulf %slice3A_40, %mul3A_41 : vector<1x256xf32>
      %concatenate3A_43 = tpu.concatenate %slice3A_39, %mul3A_42 in 0 : vector<1023x256xf32>, vector<1x256xf32> -> vector<1024x256xf32>
      %slice3A_44 = vector.extract_strided_slice %concatenate3A {offsets = [0, 224], sizes = [1024, 32], strides = [1, 1]} : vector<1024x256xf32> to vector<1024x32xf32>
      %slice3A_45 = vector.extract_strided_slice %get3A_32 {offsets = [0, 0], sizes = [1024, 224], strides = [1, 1]} : vector<1024x256xf32> to vector<1024x224xf32>
      %concatenate3A_46 = tpu.concatenate %slice3A_44, %slice3A_45 in 1 : vector<1024x32xf32>, vector<1024x224xf32> -> vector<1024x256xf32>
      %slice3A_47 = vector.extract_strided_slice %get3A_32 {offsets = [0, 32], sizes = [1024, 224], strides = [1, 1]} : vector<1024x256xf32> to vector<1024x224xf32>
      %slice3A_48 = vector.extract_strided_slice %concatenate3A_43 {offsets = [0, 0], sizes = [1024, 32], strides = [1, 1]} : vector<1024x256xf32> to vector<1024x32xf32>
      %concatenate3A_49 = tpu.concatenate %slice3A_47, %slice3A_48 in 1 : vector<1024x224xf32>, vector<1024x32xf32> -> vector<1024x256xf32>
      %get3A_50 = arith.constant 0 : index
      %get3A_51 = arith.constant 0 : index
      %get3A_52 = arith.constant 0 : index
      %get3A_53 = vector.load %arg5[%get3A_50, %get3A_51, %get3A_52] : memref<3x256x256xf32, #tpu.memory_space<vmem>>, vector<1x256x256xf32>
      %get3A_54 = vector.shape_cast %get3A_53 : vector<1x256x256xf32> to vector<256x256xf32>
      %dot_general3A_55 = arith.constant dense<0.000000e+00> : vector<1024x256xf32>
      %dot_general3A_56 = tpu.matmul %concatenate3A_46, %get3A_54, %dot_general3A_55 {dimension_numbers = #tpu.dot_dimension_numbers<[1], [0], [0], [1], [0, 0, 1, 1], [], []>, transpose_lhs_hint = false} : vector<1024x256xf32>, vector<256x256xf32>, vector<1024x256xf32> -> vector<1024x256xf32>
      %get3A_57 = arith.constant 1 : index
      %get3A_58 = arith.constant 0 : index
      %get3A_59 = arith.constant 0 : index
      %get3A_60 = vector.load %arg5[%get3A_57, %get3A_58, %get3A_59] : memref<3x256x256xf32, #tpu.memory_space<vmem>>, vector<1x256x256xf32>
      %get3A_61 = vector.shape_cast %get3A_60 : vector<1x256x256xf32> to vector<256x256xf32>
      %dot_general3A_62 = arith.constant dense<0.000000e+00> : vector<1024x256xf32>
      %dot_general3A_63 = tpu.matmul %get3A_32, %get3A_61, %dot_general3A_62 {dimension_numbers = #tpu.dot_dimension_numbers<[1], [0], [0], [1], [0, 0, 1, 1], [], []>, transpose_lhs_hint = false} : vector<1024x256xf32>, vector<256x256xf32>, vector<1024x256xf32> -> vector<1024x256xf32>
      %add3A_64 = arith.addf %dot_general3A_56, %dot_general3A_63 : vector<1024x256xf32>
      %get3A_65 = arith.constant 2 : index
      %get3A_66 = arith.constant 0 : index
      %get3A_67 = arith.constant 0 : index
      %get3A_68 = vector.load %arg5[%get3A_65, %get3A_66, %get3A_67] : memref<3x256x256xf32, #tpu.memory_space<vmem>>, vector<1x256x256xf32>
      %get3A_69 = vector.shape_cast %get3A_68 : vector<1x256x256xf32> to vector<256x256xf32>
      %dot_general3A_70 = arith.constant dense<0.000000e+00> : vector<1024x256xf32>
      %dot_general3A_71 = tpu.matmul %concatenate3A_49, %get3A_69, %dot_general3A_70 {dimension_numbers = #tpu.dot_dimension_numbers<[1], [0], [0], [1], [0, 0, 1, 1], [], []>, transpose_lhs_hint = false} : vector<1024x256xf32>, vector<256x256xf32>, vector<1024x256xf32> -> vector<1024x256xf32>
      %add3A_72 = arith.addf %add3A_64, %dot_general3A_71 : vector<1024x256xf32>
      %get3A_73 = arith.constant 0 : index
      %get3A_74 = arith.constant 0 : index
      %get3A_75 = vector.load %arg10[%get3A_73, %get3A_74] : memref<1024x256xf32, #tpu.memory_space<vmem>>, vector<1024x256xf32>
      %mul3A_76 = arith.mulf %add3A_72, %get3A_75 : vector<1024x256xf32>
      %swap3A = arith.constant 0 : index
      %swap3A_77 = arith.constant 0 : index
      %swap3A_78 = vector.load %arg7[%swap3A, %swap3A_77] : memref<1024x256xf32, #tpu.memory_space<vmem>>, vector<1024x256xf32>
      tpu.vector_store %arg7[%swap3A, %swap3A_77], %mul3A_76 {strides = array<i32>} : memref<1024x256xf32, #tpu.memory_space<vmem>>, vector<1024x256xf32>,
      %get3A_79 = arith.constant 0 : index
      %get3A_80 = arith.constant 0 : index
      %get3A_81 = vector.load %arg8[%get3A_79, %get3A_80] : memref<3x256xf32, #tpu.memory_space<vmem>>, vector<1x256xf32>
      %reduce_sum3A = arith.constant dense<0.000000e+00> : vector<256xf32>
      %reduce_sum3A_82 = vector.multi_reduction <add>, %mul3A_76, %reduce_sum3A [0] : vector<1024x256xf32> to vector<256xf32>
      %broadcast_in_dim3A = vector.shape_cast %reduce_sum3A_82 : vector<256xf32> to vector<1x256xf32>
      %add3A_83 = arith.addf %get3A_81, %broadcast_in_dim3A : vector<1x256xf32>
      %swap3A_84 = arith.constant 0 : index
      %swap3A_85 = arith.constant 0 : index
      %swap3A_86 = vector.load %arg8[%swap3A_84, %swap3A_85] : memref<3x256xf32, #tpu.memory_space<vmem>>, vector<1x256xf32>
      tpu.vector_store %arg8[%swap3A_84, %swap3A_85], %add3A_83 {strides = array<i32>} : memref<3x256xf32, #tpu.memory_space<vmem>>, vector<1x256xf32>,
      %get3A_87 = arith.constant 1 : index
      %get3A_88 = arith.constant 0 : index
      %get3A_89 = vector.load %arg8[%get3A_87, %get3A_88] : memref<3x256xf32, #tpu.memory_space<vmem>>, vector<1x256xf32>
      %mul3A_90 = arith.mulf %mul3A_76, %mul3A_76 : vector<1024x256xf32>
      %reduce_sum3A_91 = arith.constant dense<0.000000e+00> : vector<256xf32>
      %reduce_sum3A_92 = vector.multi_reduction <add>, %mul3A_90, %reduce_sum3A_91 [0] : vector<1024x256xf32> to vector<256xf32>
      %broadcast_in_dim3A_93 = vector.shape_cast %reduce_sum3A_92 : vector<256xf32> to vector<1x256xf32>
      %add3A_94 = arith.addf %get3A_89, %broadcast_in_dim3A_93 : vector<1x256xf32>
      %swap3A_95 = arith.constant 1 : index
      %swap3A_96 = arith.constant 0 : index
      %swap3A_97 = vector.load %arg8[%swap3A_95, %swap3A_96] : memref<3x256xf32, #tpu.memory_space<vmem>>, vector<1x256xf32>
      tpu.vector_store %arg8[%swap3A_95, %swap3A_96], %add3A_94 {strides = array<i32>} : memref<3x256xf32, #tpu.memory_space<vmem>>, vector<1x256xf32>,
      %slice3A_98 = vector.extract_strided_slice %get3A_32 {offsets = [1023, 0], sizes = [1, 256], strides = [1, 1]} : vector<1024x256xf32> to vector<1x256xf32>
      %swap3A_99 = arith.constant 0 : index
      %swap3A_100 = arith.constant 0 : index
      %swap3A_101 = vector.load %arg11[%swap3A_99, %swap3A_100] : memref<1x256xf32, #tpu.memory_space<vmem>>, vector<1x256xf32>
      tpu.vector_store %arg11[%swap3A_99, %swap3A_100], %slice3A_98 {strides = array<i32>} : memref<1x256xf32, #tpu.memory_space<vmem>>, vector<1x256xf32>,
    } else {
    }
    %lt3A = arith.constant 16 : i32
    %lt3A_26 = arith.cmpi slt, %arg0, %lt3A : i32
    %convert_element_type3A_27 = arith.extui %lt3A_26 : i1 to i32
    %cond3A_28 = arith.constant 0 : i32
    %cond3A_29 = arith.cmpi ne, %convert_element_type3A_27, %cond3A_28 : i32
    scf.if %cond3A_29 {
      %swap3A = arith.constant 0 : index
      %swap3A_30 = arith.constant 0 : index
      %swap3A_31 = vector.load %arg9[%swap3A, %swap3A_30] : memref<1024x256xf32, #tpu.memory_space<vmem>>, vector<1024x256xf32>
      tpu.vector_store %arg9[%swap3A, %swap3A_30], %mul3A_19 {strides = array<i32>} : memref<1024x256xf32, #tpu.memory_space<vmem>>, vector<1024x256xf32>,
      %swap3A_32 = arith.constant 0 : index
      %swap3A_33 = arith.constant 0 : index
      %swap3A_34 = vector.load %arg10[%swap3A_32, %swap3A_33] : memref<1024x256xf32, #tpu.memory_space<vmem>>, vector<1024x256xf32>
      tpu.vector_store %arg10[%swap3A_32, %swap3A_33], %dot_general3A_11 {strides = array<i32>} : memref<1024x256xf32, #tpu.memory_space<vmem>>, vector<1024x256xf32>,
    } else {
    }
    return
  }
  func.func @transform_0(%arg0: i32) -> (i32, i32) {
    %min3A = arith.constant 15 : i32
    %min3A_0 = arith.minsi %arg0, %min3A : i32
    %c0_i32 = arith.constant 0 : i32
    %c0_i32_1 = arith.constant 0 : i32
    return %min3A_0, %c0_i32 : i32, i32
  }
  func.func @transform_1(%arg0: i32) -> (i32, i32) {
    %min3A = arith.constant 15 : i32
    %min3A_0 = arith.minsi %arg0, %min3A : i32
    %c0_i32 = arith.constant 0 : i32
    %c0_i32_1 = arith.constant 0 : i32
    return %min3A_0, %c0_i32 : i32, i32
  }
  func.func @transform_2(%arg0: i32) -> (i32, i32) {
    %c0_i32 = arith.constant 0 : i32
    %c0_i32_0 = arith.constant 0 : i32
    %c0_i32_1 = arith.constant 0 : i32
    return %c0_i32, %c0_i32_0 : i32, i32
  }
  func.func @transform_3(%arg0: i32) -> (i32, i32) {
    %c0_i32 = arith.constant 0 : i32
    %c0_i32_0 = arith.constant 0 : i32
    %c0_i32_1 = arith.constant 0 : i32
    return %c0_i32, %c0_i32_0 : i32, i32
  }
  func.func @transform_4(%arg0: i32) -> (i32, i32, i32) {
    %c0_i32 = arith.constant 0 : i32
    %c0_i32_0 = arith.constant 0 : i32
    %c0_i32_1 = arith.constant 0 : i32
    %c0_i32_2 = arith.constant 0 : i32
    return %c0_i32, %c0_i32_0, %c0_i32_1 : i32, i32, i32
  }
  func.func @transform_5(%arg0: i32) -> (i32, i32) {
    %c0_i32 = arith.constant 0 : i32
    %c0_i32_0 = arith.constant 0 : i32
    %c0_i32_1 = arith.constant 0 : i32
    return %c0_i32, %c0_i32_0 : i32, i32
  }
  func.func @transform_6(%arg0: i32) -> (i32, i32) {
    %sub3A = arith.constant 1 : i32
    %sub3A_0 = arith.subi %arg0, %sub3A : i32
    %max3A = arith.constant 0 : i32
    %max3A_1 = arith.maxsi %sub3A_0, %max3A : i32
    %c0_i32 = arith.constant 0 : i32
    %c0_i32_2 = arith.constant 0 : i32
    return %max3A_1, %c0_i32 : i32, i32
  }
  func.func @transform_7(%arg0: i32) -> (i32, i32) {
    %c0_i32 = arith.constant 0 : i32
    %c0_i32_0 = arith.constant 0 : i32
    %c0_i32_1 = arith.constant 0 : i32
    return %c0_i32, %c0_i32_0 : i32, i32
  }
}

module attributes {stable_mosaic.version = 14 : i64} {
  func.func @body(%arg0: i32, %arg1: memref<512x512xf32, #tpu.memory_space<vmem>>, %arg2: memref<512x16xf32, #tpu.memory_space<vmem>>, %arg3: memref<1x512xf32, #tpu.memory_space<vmem>>, %arg4: memref<1x512xf32, #tpu.memory_space<vmem>>, %arg5: memref<512x384xf32, #tpu.memory_space<vmem>>, %arg6: memref<16x512xf32, #tpu.memory_space<vmem>>, %arg7: memref<16x8xf32, #tpu.memory_space<vmem>>, %arg8: memref<512x384xf32, #tpu.memory_space<vmem>>, %arg9: memref<512x8xf32, #tpu.memory_space<vmem>>, %arg10: memref<3x384xf32, #tpu.memory_space<vmem>>) attributes {dimension_semantics = [#tpu.dimension_semantics<arbitrary>], iteration_bounds = array<i64: 16>, scalar_prefetch = 0 : i64, scratch_operands = 0 : i64, tpu.core_type = #tpu.core_type<tc>, window_params = [{transform_indices = @transform_0, window_bounds = array<i64: 512, 512>}, {transform_indices = @transform_1, window_bounds = array<i64: 512, 16>}, {pipeline_mode = #tpu.pipeline_mode<synchronous>, transform_indices = @transform_2, window_bounds = array<i64: 1, 512>}, {pipeline_mode = #tpu.pipeline_mode<synchronous>, transform_indices = @transform_3, window_bounds = array<i64: 1, 512>}, {pipeline_mode = #tpu.pipeline_mode<synchronous>, transform_indices = @transform_4, window_bounds = array<i64: 512, 384>}, {pipeline_mode = #tpu.pipeline_mode<synchronous>, transform_indices = @transform_5, window_bounds = array<i64: 16, 512>}, {pipeline_mode = #tpu.pipeline_mode<synchronous>, transform_indices = @transform_6, window_bounds = array<i64: 16, 8>}, {transform_indices = @transform_7, window_bounds = array<i64: 512, 384>}, {transform_indices = @transform_8, window_bounds = array<i64: 512, 8>}, {pipeline_mode = #tpu.pipeline_mode<synchronous>, transform_indices = @transform_9, window_bounds = array<i64: 3, 384>}]} {
    %get3A = arith.constant 0 : index
    %get3A_0 = arith.constant 0 : index
    %get3A_1 = vector.load %arg3[%get3A, %get3A_0] : memref<1x512xf32, #tpu.memory_space<vmem>>, vector<1x512xf32>
    %get3A_2 = arith.constant 0 : index
    %get3A_3 = arith.constant 0 : index
    %get3A_4 = vector.load %arg4[%get3A_2, %get3A_3] : memref<1x512xf32, #tpu.memory_space<vmem>>, vector<1x512xf32>
    %get3A_5 = arith.constant 0 : index
    %get3A_6 = arith.constant 0 : index
    %get3A_7 = vector.load %arg2[%get3A_5, %get3A_6] : memref<512x16xf32, #tpu.memory_space<vmem>>, vector<512x16xf32>
    %get3A_8 = arith.constant 0 : index
    %get3A_9 = arith.constant 0 : index
    %get3A_10 = vector.load %arg1[%get3A_8, %get3A_9] : memref<512x512xf32, #tpu.memory_space<vmem>>, vector<512x512xf32>
    %mul3A = vector.broadcast %get3A_1 : vector<1x512xf32> to vector<512x512xf32>
    %mul3A_11 = arith.mulf %get3A_10, %mul3A : vector<512x512xf32>
    %add3A = vector.broadcast %get3A_4 : vector<1x512xf32> to vector<512x512xf32>
    %add3A_12 = arith.addf %mul3A_11, %add3A : vector<512x512xf32>
    %max3A = arith.constant 0.000000e+00 : f32
    %max3A_13 = vector.broadcast %max3A : f32 to vector<512x512xf32>
    %max3A_14 = arith.maximumf %add3A_12, %max3A_13 : vector<512x512xf32>
    %get3A_15 = arith.constant 0 : index
    %get3A_16 = arith.constant 0 : index
    %get3A_17 = vector.load %arg6[%get3A_15, %get3A_16] : memref<16x512xf32, #tpu.memory_space<vmem>>, vector<16x512xf32>
    %dot_general3A = arith.constant dense<0.000000e+00> : vector<512x512xf32>
    %dot_general3A_18 = tpu.matmul %get3A_7, %get3A_17, %dot_general3A {dimension_numbers = #tpu.dot_dimension_numbers<[1], [0], [0], [1], [0, 0, 1, 1], [], []>, transpose_lhs_hint = false} : vector<512x16xf32>, vector<16x512xf32>, vector<512x512xf32> -> vector<512x512xf32>
    %mul3A_19 = arith.mulf %max3A_14, %dot_general3A_18 : vector<512x512xf32>
    %get3A_20 = arith.constant 0 : index
    %get3A_21 = arith.constant 0 : index
    %get3A_22 = vector.load %arg5[%get3A_20, %get3A_21] : memref<512x384xf32, #tpu.memory_space<vmem>>, vector<512x384xf32>
    %dot_general3A_23 = arith.constant dense<0.000000e+00> : vector<512x384xf32>
    %dot_general3A_24 = tpu.matmul %mul3A_19, %get3A_22, %dot_general3A_23 {dimension_numbers = #tpu.dot_dimension_numbers<[1], [0], [0], [1], [0, 0, 1, 1], [], []>, transpose_lhs_hint = false} : vector<512x512xf32>, vector<512x384xf32>, vector<512x384xf32> -> vector<512x384xf32>
    %get3A_25 = arith.constant 0 : index
    %get3A_26 = arith.constant 0 : index
    %get3A_27 = vector.load %arg7[%get3A_25, %get3A_26] : memref<16x8xf32, #tpu.memory_space<vmem>>, vector<16x8xf32>
    %dot_general3A_28 = arith.constant dense<0.000000e+00> : vector<512x8xf32>
    %dot_general3A_29 = tpu.matmul %get3A_7, %get3A_27, %dot_general3A_28 {dimension_numbers = #tpu.dot_dimension_numbers<[1], [0], [0], [1], [0, 0, 1, 1], [], []>, transpose_lhs_hint = false} : vector<512x16xf32>, vector<16x8xf32>, vector<512x8xf32> -> vector<512x8xf32>
    %min3A = arith.constant 1.000000e+00 : f32
    %min3A_30 = vector.broadcast %min3A : f32 to vector<512x8xf32>
    %min3A_31 = arith.minimumf %dot_general3A_29, %min3A_30 : vector<512x8xf32>
    %swap3A = arith.constant 0 : index
    %swap3A_32 = arith.constant 0 : index
    %swap3A_33 = vector.load %arg8[%swap3A, %swap3A_32] : memref<512x384xf32, #tpu.memory_space<vmem>>, vector<512x384xf32>
    tpu.vector_store %arg8[%swap3A, %swap3A_32], %dot_general3A_24 {strides = array<i32>} : memref<512x384xf32, #tpu.memory_space<vmem>>, vector<512x384xf32>,
    %swap3A_34 = arith.constant 0 : index
    %swap3A_35 = arith.constant 0 : index
    %swap3A_36 = vector.load %arg9[%swap3A_34, %swap3A_35] : memref<512x8xf32, #tpu.memory_space<vmem>>, vector<512x8xf32>
    tpu.vector_store %arg9[%swap3A_34, %swap3A_35], %min3A_31 {strides = array<i32>} : memref<512x8xf32, #tpu.memory_space<vmem>>, vector<512x8xf32>,
    %eq3A = arith.constant 0 : i32
    %eq3A_37 = arith.cmpi eq, %arg0, %eq3A : i32
    %convert_element_type3A = arith.extui %eq3A_37 : i1 to i32
    %cond3A = arith.constant 0 : i32
    %cond3A_38 = arith.cmpi ne, %convert_element_type3A, %cond3A : i32
    scf.if %cond3A_38 {
      %broadcast_in_dim3A_71 = arith.constant 0.000000e+00 : f32
      %broadcast_in_dim3A_72 = vector.broadcast %broadcast_in_dim3A_71 : f32 to vector<3x384xf32>
      %swap3A_73 = arith.constant 0 : index
      %swap3A_74 = arith.constant 0 : index
      %swap3A_75 = vector.load %arg10[%swap3A_73, %swap3A_74] : memref<3x384xf32, #tpu.memory_space<vmem>>, vector<3x384xf32>
      tpu.vector_store %arg10[%swap3A_73, %swap3A_74], %broadcast_in_dim3A_72 {strides = array<i32>} : memref<3x384xf32, #tpu.memory_space<vmem>>, vector<3x384xf32>,
    } else {
    }
    %get3A_39 = arith.constant 0 : index
    %get3A_40 = arith.constant 0 : index
    %get3A_41 = vector.load %arg10[%get3A_39, %get3A_40] : memref<3x384xf32, #tpu.memory_space<vmem>>, vector<1x384xf32>
    %reduce_sum3A = arith.constant dense<0.000000e+00> : vector<384xf32>
    %reduce_sum3A_42 = vector.multi_reduction <add>, %dot_general3A_24, %reduce_sum3A [0] : vector<512x384xf32> to vector<384xf32>
    %broadcast_in_dim3A = vector.shape_cast %reduce_sum3A_42 : vector<384xf32> to vector<1x384xf32>
    %add3A_43 = arith.addf %get3A_41, %broadcast_in_dim3A : vector<1x384xf32>
    %swap3A_44 = arith.constant 0 : index
    %swap3A_45 = arith.constant 0 : index
    %swap3A_46 = vector.load %arg10[%swap3A_44, %swap3A_45] : memref<3x384xf32, #tpu.memory_space<vmem>>, vector<1x384xf32>
    tpu.vector_store %arg10[%swap3A_44, %swap3A_45], %add3A_43 {strides = array<i32>} : memref<3x384xf32, #tpu.memory_space<vmem>>, vector<1x384xf32>,
    %get3A_47 = arith.constant 1 : index
    %get3A_48 = arith.constant 0 : index
    %get3A_49 = vector.load %arg10[%get3A_47, %get3A_48] : memref<3x384xf32, #tpu.memory_space<vmem>>, vector<1x384xf32>
    %mul3A_50 = arith.mulf %dot_general3A_24, %dot_general3A_24 : vector<512x384xf32>
    %reduce_sum3A_51 = arith.constant dense<0.000000e+00> : vector<384xf32>
    %reduce_sum3A_52 = vector.multi_reduction <add>, %mul3A_50, %reduce_sum3A_51 [0] : vector<512x384xf32> to vector<384xf32>
    %broadcast_in_dim3A_53 = vector.shape_cast %reduce_sum3A_52 : vector<384xf32> to vector<1x384xf32>
    %add3A_54 = arith.addf %get3A_49, %broadcast_in_dim3A_53 : vector<1x384xf32>
    %swap3A_55 = arith.constant 1 : index
    %swap3A_56 = arith.constant 0 : index
    %swap3A_57 = vector.load %arg10[%swap3A_55, %swap3A_56] : memref<3x384xf32, #tpu.memory_space<vmem>>, vector<1x384xf32>
    tpu.vector_store %arg10[%swap3A_55, %swap3A_56], %add3A_54 {strides = array<i32>} : memref<3x384xf32, #tpu.memory_space<vmem>>, vector<1x384xf32>,
    %get3A_58 = arith.constant 2 : index
    %get3A_59 = arith.constant 0 : index
    %get3A_60 = vector.load %arg10[%get3A_58, %get3A_59] : memref<3x384xf32, #tpu.memory_space<vmem>>, vector<1x384xf32>
    %reduce_sum3A_61 = vector.shape_cast %min3A_31 : vector<512x8xf32> to vector<1x512x8xf32>
    %reduce_sum3A_62 = arith.constant dense<0.000000e+00> : vector<1xf32>
    %reduce_sum3A_63 = vector.multi_reduction <add>, %reduce_sum3A_61, %reduce_sum3A_62 [1, 2] : vector<1x512x8xf32> to vector<1xf32>
    %reduce_sum3A_64 = vector.shape_cast %reduce_sum3A_63 : vector<1xf32> to vector<1x1x1xf32>
    %reduce_sum3A_65 = vector.extract %reduce_sum3A_64[0, 0, 0] : f32 from vector<1x1x1xf32>
    %broadcast_in_dim3A_66 = vector.broadcast %reduce_sum3A_65 : f32 to vector<1x384xf32>
    %add3A_67 = arith.addf %get3A_60, %broadcast_in_dim3A_66 : vector<1x384xf32>
    %swap3A_68 = arith.constant 2 : index
    %swap3A_69 = arith.constant 0 : index
    %swap3A_70 = vector.load %arg10[%swap3A_68, %swap3A_69] : memref<3x384xf32, #tpu.memory_space<vmem>>, vector<1x384xf32>
    tpu.vector_store %arg10[%swap3A_68, %swap3A_69], %add3A_67 {strides = array<i32>} : memref<3x384xf32, #tpu.memory_space<vmem>>, vector<1x384xf32>,
    return
  }
  func.func @transform_0(%arg0: i32) -> (i32, i32) {
    %c0_i32 = arith.constant 0 : i32
    %c0_i32_0 = arith.constant 0 : i32
    return %arg0, %c0_i32 : i32, i32
  }
  func.func @transform_1(%arg0: i32) -> (i32, i32) {
    %c0_i32 = arith.constant 0 : i32
    %c0_i32_0 = arith.constant 0 : i32
    return %arg0, %c0_i32 : i32, i32
  }
  func.func @transform_2(%arg0: i32) -> (i32, i32) {
    %c0_i32 = arith.constant 0 : i32
    %c0_i32_0 = arith.constant 0 : i32
    %c0_i32_1 = arith.constant 0 : i32
    return %c0_i32, %c0_i32_0 : i32, i32
  }
  func.func @transform_3(%arg0: i32) -> (i32, i32) {
    %c0_i32 = arith.constant 0 : i32
    %c0_i32_0 = arith.constant 0 : i32
    %c0_i32_1 = arith.constant 0 : i32
    return %c0_i32, %c0_i32_0 : i32, i32
  }
  func.func @transform_4(%arg0: i32) -> (i32, i32) {
    %c0_i32 = arith.constant 0 : i32
    %c0_i32_0 = arith.constant 0 : i32
    %c0_i32_1 = arith.constant 0 : i32
    return %c0_i32, %c0_i32_0 : i32, i32
  }
  func.func @transform_5(%arg0: i32) -> (i32, i32) {
    %c0_i32 = arith.constant 0 : i32
    %c0_i32_0 = arith.constant 0 : i32
    %c0_i32_1 = arith.constant 0 : i32
    return %c0_i32, %c0_i32_0 : i32, i32
  }
  func.func @transform_6(%arg0: i32) -> (i32, i32) {
    %c0_i32 = arith.constant 0 : i32
    %c0_i32_0 = arith.constant 0 : i32
    %c0_i32_1 = arith.constant 0 : i32
    return %c0_i32, %c0_i32_0 : i32, i32
  }
  func.func @transform_7(%arg0: i32) -> (i32, i32) {
    %c0_i32 = arith.constant 0 : i32
    %c0_i32_0 = arith.constant 0 : i32
    return %arg0, %c0_i32 : i32, i32
  }
  func.func @transform_8(%arg0: i32) -> (i32, i32) {
    %c0_i32 = arith.constant 0 : i32
    %c0_i32_0 = arith.constant 0 : i32
    return %arg0, %c0_i32 : i32, i32
  }
  func.func @transform_9(%arg0: i32) -> (i32, i32) {
    %c0_i32 = arith.constant 0 : i32
    %c0_i32_0 = arith.constant 0 : i32
    %c0_i32_1 = arith.constant 0 : i32
    return %c0_i32, %c0_i32_0 : i32, i32
  }
}

module attributes {stable_mosaic.version = 14 : i64} {
  func.func @body(%arg0: i32, %arg1: memref<512x384xf32, #tpu.memory_space<vmem>>, %arg2: memref<512x8xf32, #tpu.memory_space<vmem>>, %arg3: memref<1x384xf32, #tpu.memory_space<vmem>>, %arg4: memref<1x384xf32, #tpu.memory_space<vmem>>, %arg5: memref<3x384x384xf32, #tpu.memory_space<vmem>>, %arg6: memref<8x384xf32, #tpu.memory_space<vmem>>, %arg7: memref<512x384xf32, #tpu.memory_space<vmem>>, %arg8: memref<3x384xf32, #tpu.memory_space<vmem>>, %arg9: memref<512x384xf32, #tpu.memory_space<vmem>>, %arg10: memref<512x384xf32, #tpu.memory_space<vmem>>, %arg11: memref<1x384xf32, #tpu.memory_space<vmem>>) attributes {dimension_semantics = [#tpu.dimension_semantics<arbitrary>], iteration_bounds = array<i64: 17>, scalar_prefetch = 0 : i64, scratch_operands = 3 : i64, tpu.core_type = #tpu.core_type<tc>, window_params = [{transform_indices = @transform_0, window_bounds = array<i64: 512, 384>}, {transform_indices = @transform_1, window_bounds = array<i64: 512, 8>}, {pipeline_mode = #tpu.pipeline_mode<synchronous>, transform_indices = @transform_2, window_bounds = array<i64: 1, 384>}, {pipeline_mode = #tpu.pipeline_mode<synchronous>, transform_indices = @transform_3, window_bounds = array<i64: 1, 384>}, {pipeline_mode = #tpu.pipeline_mode<synchronous>, transform_indices = @transform_4, window_bounds = array<i64: 3, 384, 384>}, {pipeline_mode = #tpu.pipeline_mode<synchronous>, transform_indices = @transform_5, window_bounds = array<i64: 8, 384>}, {transform_indices = @transform_6, window_bounds = array<i64: 512, 384>}, {pipeline_mode = #tpu.pipeline_mode<synchronous>, transform_indices = @transform_7, window_bounds = array<i64: 3, 384>}]} {
    %get3A = arith.constant 0 : index
    %get3A_0 = arith.constant 0 : index
    %get3A_1 = vector.load %arg3[%get3A, %get3A_0] : memref<1x384xf32, #tpu.memory_space<vmem>>, vector<1x384xf32>
    %get3A_2 = arith.constant 0 : index
    %get3A_3 = arith.constant 0 : index
    %get3A_4 = vector.load %arg4[%get3A_2, %get3A_3] : memref<1x384xf32, #tpu.memory_space<vmem>>, vector<1x384xf32>
    %get3A_5 = arith.constant 0 : index
    %get3A_6 = arith.constant 0 : index
    %get3A_7 = vector.load %arg6[%get3A_5, %get3A_6] : memref<8x384xf32, #tpu.memory_space<vmem>>, vector<8x384xf32>
    %get3A_8 = arith.constant 0 : index
    %get3A_9 = arith.constant 0 : index
    %get3A_10 = vector.load %arg2[%get3A_8, %get3A_9] : memref<512x8xf32, #tpu.memory_space<vmem>>, vector<512x8xf32>
    %dot_general3A = arith.constant dense<0.000000e+00> : vector<512x384xf32>
    %dot_general3A_11 = tpu.matmul %get3A_10, %get3A_7, %dot_general3A {dimension_numbers = #tpu.dot_dimension_numbers<[1], [0], [0], [1], [0, 0, 1, 1], [], []>, transpose_lhs_hint = false} : vector<512x8xf32>, vector<8x384xf32>, vector<512x384xf32> -> vector<512x384xf32>
    %get3A_12 = arith.constant 0 : index
    %get3A_13 = arith.constant 0 : index
    %get3A_14 = vector.load %arg1[%get3A_12, %get3A_13] : memref<512x384xf32, #tpu.memory_space<vmem>>, vector<512x384xf32>
    %mul3A = vector.broadcast %get3A_1 : vector<1x384xf32> to vector<512x384xf32>
    %mul3A_15 = arith.mulf %get3A_14, %mul3A : vector<512x384xf32>
    %add3A = vector.broadcast %get3A_4 : vector<1x384xf32> to vector<512x384xf32>
    %add3A_16 = arith.addf %mul3A_15, %add3A : vector<512x384xf32>
    %max3A = arith.constant 0.000000e+00 : f32
    %max3A_17 = vector.broadcast %max3A : f32 to vector<512x384xf32>
    %max3A_18 = arith.maximumf %add3A_16, %max3A_17 : vector<512x384xf32>
    %mul3A_19 = arith.mulf %max3A_18, %dot_general3A_11 : vector<512x384xf32>
    %eq3A = arith.constant 0 : i32
    %eq3A_20 = arith.cmpi eq, %arg0, %eq3A : i32
    %convert_element_type3A = arith.extui %eq3A_20 : i1 to i32
    %cond3A = arith.constant 0 : i32
    %cond3A_21 = arith.cmpi ne, %convert_element_type3A, %cond3A : i32
    scf.if %cond3A_21 {
      %broadcast_in_dim3A = arith.constant 0.000000e+00 : f32
      %broadcast_in_dim3A_30 = vector.broadcast %broadcast_in_dim3A : f32 to vector<3x384xf32>
      %swap3A = arith.constant 0 : index
      %swap3A_31 = arith.constant 0 : index
      %swap3A_32 = vector.load %arg8[%swap3A, %swap3A_31] : memref<3x384xf32, #tpu.memory_space<vmem>>, vector<3x384xf32>
      tpu.vector_store %arg8[%swap3A, %swap3A_31], %broadcast_in_dim3A_30 {strides = array<i32>} : memref<3x384xf32, #tpu.memory_space<vmem>>, vector<3x384xf32>,
      %broadcast_in_dim3A_33 = arith.constant 0.000000e+00 : f32
      %broadcast_in_dim3A_34 = vector.broadcast %broadcast_in_dim3A_33 : f32 to vector<1x384xf32>
      %swap3A_35 = arith.constant 0 : index
      %swap3A_36 = arith.constant 0 : index
      %swap3A_37 = vector.load %arg11[%swap3A_35, %swap3A_36] : memref<1x384xf32, #tpu.memory_space<vmem>>, vector<1x384xf32>
      tpu.vector_store %arg11[%swap3A_35, %swap3A_36], %broadcast_in_dim3A_34 {strides = array<i32>} : memref<1x384xf32, #tpu.memory_space<vmem>>, vector<1x384xf32>,
    } else {
    }
    %gt3A = arith.constant 0 : i32
    %gt3A_22 = arith.cmpi sgt, %arg0, %gt3A : i32
    %convert_element_type3A_23 = arith.extui %gt3A_22 : i1 to i32
    %cond3A_24 = arith.constant 0 : i32
    %cond3A_25 = arith.cmpi ne, %convert_element_type3A_23, %cond3A_24 : i32
    scf.if %cond3A_25 {
      %get3A_30 = arith.constant 0 : index
      %get3A_31 = arith.constant 0 : index
      %get3A_32 = vector.load %arg9[%get3A_30, %get3A_31] : memref<512x384xf32, #tpu.memory_space<vmem>>, vector<512x384xf32>
      %lt3A_33 = arith.constant 16 : i32
      %lt3A_34 = arith.cmpi slt, %arg0, %lt3A_33 : i32
      %jit3A = arith.constant 1.000000e+00 : f32
      %jit3A_35 = arith.constant 0.000000e+00 : f32
      %select_n3A = arith.select %lt3A_34, %jit3A, %jit3A_35 : f32
      %get3A_36 = arith.constant 0 : index
      %get3A_37 = arith.constant 0 : index
      %get3A_38 = vector.load %arg11[%get3A_36, %get3A_37] : memref<1x384xf32, #tpu.memory_space<vmem>>, vector<1x384xf32>
      %slice3A = vector.extract_strided_slice %get3A_32 {offsets = [0, 0], sizes = [511, 384], strides = [1, 1]} : vector<512x384xf32> to vector<511x384xf32>
      %concatenate3A = tpu.concatenate %get3A_38, %slice3A in 0 : vector<1x384xf32>, vector<511x384xf32> -> vector<512x384xf32>
      %slice3A_39 = vector.extract_strided_slice %get3A_32 {offsets = [1, 0], sizes = [511, 384], strides = [1, 1]} : vector<512x384xf32> to vector<511x384xf32>
      %slice3A_40 = vector.extract_strided_slice %mul3A_19 {offsets = [0, 0], sizes = [1, 384], strides = [1, 1]} : vector<512x384xf32> to vector<1x384xf32>
      %mul3A_41 = vector.broadcast %select_n3A : f32 to vector<1x384xf32>
      %mul3A_42 = arith.mulf %slice3A_40, %mul3A_41 : vector<1x384xf32>
      %concatenate3A_43 = tpu.concatenate %slice3A_39, %mul3A_42 in 0 : vector<511x384xf32>, vector<1x384xf32> -> vector<512x384xf32>
      %slice3A_44 = vector.extract_strided_slice %concatenate3A {offsets = [0, 336], sizes = [512, 48], strides = [1, 1]} : vector<512x384xf32> to vector<512x48xf32>
      %slice3A_45 = vector.extract_strided_slice %get3A_32 {offsets = [0, 0], sizes = [512, 336], strides = [1, 1]} : vector<512x384xf32> to vector<512x336xf32>
      %concatenate3A_46 = tpu.concatenate %slice3A_44, %slice3A_45 in 1 : vector<512x48xf32>, vector<512x336xf32> -> vector<512x384xf32>
      %slice3A_47 = vector.extract_strided_slice %get3A_32 {offsets = [0, 48], sizes = [512, 336], strides = [1, 1]} : vector<512x384xf32> to vector<512x336xf32>
      %slice3A_48 = vector.extract_strided_slice %concatenate3A_43 {offsets = [0, 0], sizes = [512, 48], strides = [1, 1]} : vector<512x384xf32> to vector<512x48xf32>
      %concatenate3A_49 = tpu.concatenate %slice3A_47, %slice3A_48 in 1 : vector<512x336xf32>, vector<512x48xf32> -> vector<512x384xf32>
      %get3A_50 = arith.constant 0 : index
      %get3A_51 = arith.constant 0 : index
      %get3A_52 = arith.constant 0 : index
      %get3A_53 = vector.load %arg5[%get3A_50, %get3A_51, %get3A_52] : memref<3x384x384xf32, #tpu.memory_space<vmem>>, vector<1x384x384xf32>
      %get3A_54 = vector.shape_cast %get3A_53 : vector<1x384x384xf32> to vector<384x384xf32>
      %dot_general3A_55 = arith.constant dense<0.000000e+00> : vector<512x384xf32>
      %dot_general3A_56 = tpu.matmul %concatenate3A_46, %get3A_54, %dot_general3A_55 {dimension_numbers = #tpu.dot_dimension_numbers<[1], [0], [0], [1], [0, 0, 1, 1], [], []>, transpose_lhs_hint = false} : vector<512x384xf32>, vector<384x384xf32>, vector<512x384xf32> -> vector<512x384xf32>
      %get3A_57 = arith.constant 1 : index
      %get3A_58 = arith.constant 0 : index
      %get3A_59 = arith.constant 0 : index
      %get3A_60 = vector.load %arg5[%get3A_57, %get3A_58, %get3A_59] : memref<3x384x384xf32, #tpu.memory_space<vmem>>, vector<1x384x384xf32>
      %get3A_61 = vector.shape_cast %get3A_60 : vector<1x384x384xf32> to vector<384x384xf32>
      %dot_general3A_62 = arith.constant dense<0.000000e+00> : vector<512x384xf32>
      %dot_general3A_63 = tpu.matmul %get3A_32, %get3A_61, %dot_general3A_62 {dimension_numbers = #tpu.dot_dimension_numbers<[1], [0], [0], [1], [0, 0, 1, 1], [], []>, transpose_lhs_hint = false} : vector<512x384xf32>, vector<384x384xf32>, vector<512x384xf32> -> vector<512x384xf32>
      %add3A_64 = arith.addf %dot_general3A_56, %dot_general3A_63 : vector<512x384xf32>
      %get3A_65 = arith.constant 2 : index
      %get3A_66 = arith.constant 0 : index
      %get3A_67 = arith.constant 0 : index
      %get3A_68 = vector.load %arg5[%get3A_65, %get3A_66, %get3A_67] : memref<3x384x384xf32, #tpu.memory_space<vmem>>, vector<1x384x384xf32>
      %get3A_69 = vector.shape_cast %get3A_68 : vector<1x384x384xf32> to vector<384x384xf32>
      %dot_general3A_70 = arith.constant dense<0.000000e+00> : vector<512x384xf32>
      %dot_general3A_71 = tpu.matmul %concatenate3A_49, %get3A_69, %dot_general3A_70 {dimension_numbers = #tpu.dot_dimension_numbers<[1], [0], [0], [1], [0, 0, 1, 1], [], []>, transpose_lhs_hint = false} : vector<512x384xf32>, vector<384x384xf32>, vector<512x384xf32> -> vector<512x384xf32>
      %add3A_72 = arith.addf %add3A_64, %dot_general3A_71 : vector<512x384xf32>
      %get3A_73 = arith.constant 0 : index
      %get3A_74 = arith.constant 0 : index
      %get3A_75 = vector.load %arg10[%get3A_73, %get3A_74] : memref<512x384xf32, #tpu.memory_space<vmem>>, vector<512x384xf32>
      %mul3A_76 = arith.mulf %add3A_72, %get3A_75 : vector<512x384xf32>
      %swap3A = arith.constant 0 : index
      %swap3A_77 = arith.constant 0 : index
      %swap3A_78 = vector.load %arg7[%swap3A, %swap3A_77] : memref<512x384xf32, #tpu.memory_space<vmem>>, vector<512x384xf32>
      tpu.vector_store %arg7[%swap3A, %swap3A_77], %mul3A_76 {strides = array<i32>} : memref<512x384xf32, #tpu.memory_space<vmem>>, vector<512x384xf32>,
      %get3A_79 = arith.constant 0 : index
      %get3A_80 = arith.constant 0 : index
      %get3A_81 = vector.load %arg8[%get3A_79, %get3A_80] : memref<3x384xf32, #tpu.memory_space<vmem>>, vector<1x384xf32>
      %reduce_sum3A = arith.constant dense<0.000000e+00> : vector<384xf32>
      %reduce_sum3A_82 = vector.multi_reduction <add>, %mul3A_76, %reduce_sum3A [0] : vector<512x384xf32> to vector<384xf32>
      %broadcast_in_dim3A = vector.shape_cast %reduce_sum3A_82 : vector<384xf32> to vector<1x384xf32>
      %add3A_83 = arith.addf %get3A_81, %broadcast_in_dim3A : vector<1x384xf32>
      %swap3A_84 = arith.constant 0 : index
      %swap3A_85 = arith.constant 0 : index
      %swap3A_86 = vector.load %arg8[%swap3A_84, %swap3A_85] : memref<3x384xf32, #tpu.memory_space<vmem>>, vector<1x384xf32>
      tpu.vector_store %arg8[%swap3A_84, %swap3A_85], %add3A_83 {strides = array<i32>} : memref<3x384xf32, #tpu.memory_space<vmem>>, vector<1x384xf32>,
      %get3A_87 = arith.constant 1 : index
      %get3A_88 = arith.constant 0 : index
      %get3A_89 = vector.load %arg8[%get3A_87, %get3A_88] : memref<3x384xf32, #tpu.memory_space<vmem>>, vector<1x384xf32>
      %mul3A_90 = arith.mulf %mul3A_76, %mul3A_76 : vector<512x384xf32>
      %reduce_sum3A_91 = arith.constant dense<0.000000e+00> : vector<384xf32>
      %reduce_sum3A_92 = vector.multi_reduction <add>, %mul3A_90, %reduce_sum3A_91 [0] : vector<512x384xf32> to vector<384xf32>
      %broadcast_in_dim3A_93 = vector.shape_cast %reduce_sum3A_92 : vector<384xf32> to vector<1x384xf32>
      %add3A_94 = arith.addf %get3A_89, %broadcast_in_dim3A_93 : vector<1x384xf32>
      %swap3A_95 = arith.constant 1 : index
      %swap3A_96 = arith.constant 0 : index
      %swap3A_97 = vector.load %arg8[%swap3A_95, %swap3A_96] : memref<3x384xf32, #tpu.memory_space<vmem>>, vector<1x384xf32>
      tpu.vector_store %arg8[%swap3A_95, %swap3A_96], %add3A_94 {strides = array<i32>} : memref<3x384xf32, #tpu.memory_space<vmem>>, vector<1x384xf32>,
      %slice3A_98 = vector.extract_strided_slice %get3A_32 {offsets = [511, 0], sizes = [1, 384], strides = [1, 1]} : vector<512x384xf32> to vector<1x384xf32>
      %swap3A_99 = arith.constant 0 : index
      %swap3A_100 = arith.constant 0 : index
      %swap3A_101 = vector.load %arg11[%swap3A_99, %swap3A_100] : memref<1x384xf32, #tpu.memory_space<vmem>>, vector<1x384xf32>
      tpu.vector_store %arg11[%swap3A_99, %swap3A_100], %slice3A_98 {strides = array<i32>} : memref<1x384xf32, #tpu.memory_space<vmem>>, vector<1x384xf32>,
    } else {
    }
    %lt3A = arith.constant 16 : i32
    %lt3A_26 = arith.cmpi slt, %arg0, %lt3A : i32
    %convert_element_type3A_27 = arith.extui %lt3A_26 : i1 to i32
    %cond3A_28 = arith.constant 0 : i32
    %cond3A_29 = arith.cmpi ne, %convert_element_type3A_27, %cond3A_28 : i32
    scf.if %cond3A_29 {
      %swap3A = arith.constant 0 : index
      %swap3A_30 = arith.constant 0 : index
      %swap3A_31 = vector.load %arg9[%swap3A, %swap3A_30] : memref<512x384xf32, #tpu.memory_space<vmem>>, vector<512x384xf32>
      tpu.vector_store %arg9[%swap3A, %swap3A_30], %mul3A_19 {strides = array<i32>} : memref<512x384xf32, #tpu.memory_space<vmem>>, vector<512x384xf32>,
      %swap3A_32 = arith.constant 0 : index
      %swap3A_33 = arith.constant 0 : index
      %swap3A_34 = vector.load %arg10[%swap3A_32, %swap3A_33] : memref<512x384xf32, #tpu.memory_space<vmem>>, vector<512x384xf32>
      tpu.vector_store %arg10[%swap3A_32, %swap3A_33], %dot_general3A_11 {strides = array<i32>} : memref<512x384xf32, #tpu.memory_space<vmem>>, vector<512x384xf32>,
    } else {
    }
    return
  }
  func.func @transform_0(%arg0: i32) -> (i32, i32) {
    %min3A = arith.constant 15 : i32
    %min3A_0 = arith.minsi %arg0, %min3A : i32
    %c0_i32 = arith.constant 0 : i32
    %c0_i32_1 = arith.constant 0 : i32
    return %min3A_0, %c0_i32 : i32, i32
  }
  func.func @transform_1(%arg0: i32) -> (i32, i32) {
    %min3A = arith.constant 15 : i32
    %min3A_0 = arith.minsi %arg0, %min3A : i32
    %c0_i32 = arith.constant 0 : i32
    %c0_i32_1 = arith.constant 0 : i32
    return %min3A_0, %c0_i32 : i32, i32
  }
  func.func @transform_2(%arg0: i32) -> (i32, i32) {
    %c0_i32 = arith.constant 0 : i32
    %c0_i32_0 = arith.constant 0 : i32
    %c0_i32_1 = arith.constant 0 : i32
    return %c0_i32, %c0_i32_0 : i32, i32
  }
  func.func @transform_3(%arg0: i32) -> (i32, i32) {
    %c0_i32 = arith.constant 0 : i32
    %c0_i32_0 = arith.constant 0 : i32
    %c0_i32_1 = arith.constant 0 : i32
    return %c0_i32, %c0_i32_0 : i32, i32
  }
  func.func @transform_4(%arg0: i32) -> (i32, i32, i32) {
    %c0_i32 = arith.constant 0 : i32
    %c0_i32_0 = arith.constant 0 : i32
    %c0_i32_1 = arith.constant 0 : i32
    %c0_i32_2 = arith.constant 0 : i32
    return %c0_i32, %c0_i32_0, %c0_i32_1 : i32, i32, i32
  }
  func.func @transform_5(%arg0: i32) -> (i32, i32) {
    %c0_i32 = arith.constant 0 : i32
    %c0_i32_0 = arith.constant 0 : i32
    %c0_i32_1 = arith.constant 0 : i32
    return %c0_i32, %c0_i32_0 : i32, i32
  }
  func.func @transform_6(%arg0: i32) -> (i32, i32) {
    %sub3A = arith.constant 1 : i32
    %sub3A_0 = arith.subi %arg0, %sub3A : i32
    %max3A = arith.constant 0 : i32
    %max3A_1 = arith.maxsi %sub3A_0, %max3A : i32
    %c0_i32 = arith.constant 0 : i32
    %c0_i32_2 = arith.constant 0 : i32
    return %max3A_1, %c0_i32 : i32, i32
  }
  func.func @transform_7(%arg0: i32) -> (i32, i32) {
    %c0_i32 = arith.constant 0 : i32
    %c0_i32_0 = arith.constant 0 : i32
    %c0_i32_1 = arith.constant 0 : i32
    return %c0_i32, %c0_i32_0 : i32, i32
  }
}

module attributes {stable_mosaic.version = 14 : i64} {
  func.func @body(%arg0: i32, %arg1: memref<256x768xf32, #tpu.memory_space<vmem>>, %arg2: memref<256x16xf32, #tpu.memory_space<vmem>>, %arg3: memref<1x768xf32, #tpu.memory_space<vmem>>, %arg4: memref<1x768xf32, #tpu.memory_space<vmem>>, %arg5: memref<768x512xf32, #tpu.memory_space<vmem>>, %arg6: memref<16x768xf32, #tpu.memory_space<vmem>>, %arg7: memref<16x8xf32, #tpu.memory_space<vmem>>, %arg8: memref<256x512xf32, #tpu.memory_space<vmem>>, %arg9: memref<256x8xf32, #tpu.memory_space<vmem>>, %arg10: memref<3x512xf32, #tpu.memory_space<vmem>>) attributes {dimension_semantics = [#tpu.dimension_semantics<arbitrary>], iteration_bounds = array<i64: 16>, scalar_prefetch = 0 : i64, scratch_operands = 0 : i64, tpu.core_type = #tpu.core_type<tc>, window_params = [{transform_indices = @transform_0, window_bounds = array<i64: 256, 768>}, {transform_indices = @transform_1, window_bounds = array<i64: 256, 16>}, {pipeline_mode = #tpu.pipeline_mode<synchronous>, transform_indices = @transform_2, window_bounds = array<i64: 1, 768>}, {pipeline_mode = #tpu.pipeline_mode<synchronous>, transform_indices = @transform_3, window_bounds = array<i64: 1, 768>}, {pipeline_mode = #tpu.pipeline_mode<synchronous>, transform_indices = @transform_4, window_bounds = array<i64: 768, 512>}, {pipeline_mode = #tpu.pipeline_mode<synchronous>, transform_indices = @transform_5, window_bounds = array<i64: 16, 768>}, {pipeline_mode = #tpu.pipeline_mode<synchronous>, transform_indices = @transform_6, window_bounds = array<i64: 16, 8>}, {transform_indices = @transform_7, window_bounds = array<i64: 256, 512>}, {transform_indices = @transform_8, window_bounds = array<i64: 256, 8>}, {pipeline_mode = #tpu.pipeline_mode<synchronous>, transform_indices = @transform_9, window_bounds = array<i64: 3, 512>}]} {
    %get3A = arith.constant 0 : index
    %get3A_0 = arith.constant 0 : index
    %get3A_1 = vector.load %arg3[%get3A, %get3A_0] : memref<1x768xf32, #tpu.memory_space<vmem>>, vector<1x768xf32>
    %get3A_2 = arith.constant 0 : index
    %get3A_3 = arith.constant 0 : index
    %get3A_4 = vector.load %arg4[%get3A_2, %get3A_3] : memref<1x768xf32, #tpu.memory_space<vmem>>, vector<1x768xf32>
    %get3A_5 = arith.constant 0 : index
    %get3A_6 = arith.constant 0 : index
    %get3A_7 = vector.load %arg2[%get3A_5, %get3A_6] : memref<256x16xf32, #tpu.memory_space<vmem>>, vector<256x16xf32>
    %get3A_8 = arith.constant 0 : index
    %get3A_9 = arith.constant 0 : index
    %get3A_10 = vector.load %arg1[%get3A_8, %get3A_9] : memref<256x768xf32, #tpu.memory_space<vmem>>, vector<256x768xf32>
    %mul3A = vector.broadcast %get3A_1 : vector<1x768xf32> to vector<256x768xf32>
    %mul3A_11 = arith.mulf %get3A_10, %mul3A : vector<256x768xf32>
    %add3A = vector.broadcast %get3A_4 : vector<1x768xf32> to vector<256x768xf32>
    %add3A_12 = arith.addf %mul3A_11, %add3A : vector<256x768xf32>
    %max3A = arith.constant 0.000000e+00 : f32
    %max3A_13 = vector.broadcast %max3A : f32 to vector<256x768xf32>
    %max3A_14 = arith.maximumf %add3A_12, %max3A_13 : vector<256x768xf32>
    %get3A_15 = arith.constant 0 : index
    %get3A_16 = arith.constant 0 : index
    %get3A_17 = vector.load %arg6[%get3A_15, %get3A_16] : memref<16x768xf32, #tpu.memory_space<vmem>>, vector<16x768xf32>
    %dot_general3A = arith.constant dense<0.000000e+00> : vector<256x768xf32>
    %dot_general3A_18 = tpu.matmul %get3A_7, %get3A_17, %dot_general3A {dimension_numbers = #tpu.dot_dimension_numbers<[1], [0], [0], [1], [0, 0, 1, 1], [], []>, transpose_lhs_hint = false} : vector<256x16xf32>, vector<16x768xf32>, vector<256x768xf32> -> vector<256x768xf32>
    %mul3A_19 = arith.mulf %max3A_14, %dot_general3A_18 : vector<256x768xf32>
    %get3A_20 = arith.constant 0 : index
    %get3A_21 = arith.constant 0 : index
    %get3A_22 = vector.load %arg5[%get3A_20, %get3A_21] : memref<768x512xf32, #tpu.memory_space<vmem>>, vector<768x512xf32>
    %dot_general3A_23 = arith.constant dense<0.000000e+00> : vector<256x512xf32>
    %dot_general3A_24 = tpu.matmul %mul3A_19, %get3A_22, %dot_general3A_23 {dimension_numbers = #tpu.dot_dimension_numbers<[1], [0], [0], [1], [0, 0, 1, 1], [], []>, transpose_lhs_hint = false} : vector<256x768xf32>, vector<768x512xf32>, vector<256x512xf32> -> vector<256x512xf32>
    %get3A_25 = arith.constant 0 : index
    %get3A_26 = arith.constant 0 : index
    %get3A_27 = vector.load %arg7[%get3A_25, %get3A_26] : memref<16x8xf32, #tpu.memory_space<vmem>>, vector<16x8xf32>
    %dot_general3A_28 = arith.constant dense<0.000000e+00> : vector<256x8xf32>
    %dot_general3A_29 = tpu.matmul %get3A_7, %get3A_27, %dot_general3A_28 {dimension_numbers = #tpu.dot_dimension_numbers<[1], [0], [0], [1], [0, 0, 1, 1], [], []>, transpose_lhs_hint = false} : vector<256x16xf32>, vector<16x8xf32>, vector<256x8xf32> -> vector<256x8xf32>
    %min3A = arith.constant 1.000000e+00 : f32
    %min3A_30 = vector.broadcast %min3A : f32 to vector<256x8xf32>
    %min3A_31 = arith.minimumf %dot_general3A_29, %min3A_30 : vector<256x8xf32>
    %swap3A = arith.constant 0 : index
    %swap3A_32 = arith.constant 0 : index
    %swap3A_33 = vector.load %arg8[%swap3A, %swap3A_32] : memref<256x512xf32, #tpu.memory_space<vmem>>, vector<256x512xf32>
    tpu.vector_store %arg8[%swap3A, %swap3A_32], %dot_general3A_24 {strides = array<i32>} : memref<256x512xf32, #tpu.memory_space<vmem>>, vector<256x512xf32>,
    %swap3A_34 = arith.constant 0 : index
    %swap3A_35 = arith.constant 0 : index
    %swap3A_36 = vector.load %arg9[%swap3A_34, %swap3A_35] : memref<256x8xf32, #tpu.memory_space<vmem>>, vector<256x8xf32>
    tpu.vector_store %arg9[%swap3A_34, %swap3A_35], %min3A_31 {strides = array<i32>} : memref<256x8xf32, #tpu.memory_space<vmem>>, vector<256x8xf32>,
    %eq3A = arith.constant 0 : i32
    %eq3A_37 = arith.cmpi eq, %arg0, %eq3A : i32
    %convert_element_type3A = arith.extui %eq3A_37 : i1 to i32
    %cond3A = arith.constant 0 : i32
    %cond3A_38 = arith.cmpi ne, %convert_element_type3A, %cond3A : i32
    scf.if %cond3A_38 {
      %broadcast_in_dim3A_71 = arith.constant 0.000000e+00 : f32
      %broadcast_in_dim3A_72 = vector.broadcast %broadcast_in_dim3A_71 : f32 to vector<3x512xf32>
      %swap3A_73 = arith.constant 0 : index
      %swap3A_74 = arith.constant 0 : index
      %swap3A_75 = vector.load %arg10[%swap3A_73, %swap3A_74] : memref<3x512xf32, #tpu.memory_space<vmem>>, vector<3x512xf32>
      tpu.vector_store %arg10[%swap3A_73, %swap3A_74], %broadcast_in_dim3A_72 {strides = array<i32>} : memref<3x512xf32, #tpu.memory_space<vmem>>, vector<3x512xf32>,
    } else {
    }
    %get3A_39 = arith.constant 0 : index
    %get3A_40 = arith.constant 0 : index
    %get3A_41 = vector.load %arg10[%get3A_39, %get3A_40] : memref<3x512xf32, #tpu.memory_space<vmem>>, vector<1x512xf32>
    %reduce_sum3A = arith.constant dense<0.000000e+00> : vector<512xf32>
    %reduce_sum3A_42 = vector.multi_reduction <add>, %dot_general3A_24, %reduce_sum3A [0] : vector<256x512xf32> to vector<512xf32>
    %broadcast_in_dim3A = vector.shape_cast %reduce_sum3A_42 : vector<512xf32> to vector<1x512xf32>
    %add3A_43 = arith.addf %get3A_41, %broadcast_in_dim3A : vector<1x512xf32>
    %swap3A_44 = arith.constant 0 : index
    %swap3A_45 = arith.constant 0 : index
    %swap3A_46 = vector.load %arg10[%swap3A_44, %swap3A_45] : memref<3x512xf32, #tpu.memory_space<vmem>>, vector<1x512xf32>
    tpu.vector_store %arg10[%swap3A_44, %swap3A_45], %add3A_43 {strides = array<i32>} : memref<3x512xf32, #tpu.memory_space<vmem>>, vector<1x512xf32>,
    %get3A_47 = arith.constant 1 : index
    %get3A_48 = arith.constant 0 : index
    %get3A_49 = vector.load %arg10[%get3A_47, %get3A_48] : memref<3x512xf32, #tpu.memory_space<vmem>>, vector<1x512xf32>
    %mul3A_50 = arith.mulf %dot_general3A_24, %dot_general3A_24 : vector<256x512xf32>
    %reduce_sum3A_51 = arith.constant dense<0.000000e+00> : vector<512xf32>
    %reduce_sum3A_52 = vector.multi_reduction <add>, %mul3A_50, %reduce_sum3A_51 [0] : vector<256x512xf32> to vector<512xf32>
    %broadcast_in_dim3A_53 = vector.shape_cast %reduce_sum3A_52 : vector<512xf32> to vector<1x512xf32>
    %add3A_54 = arith.addf %get3A_49, %broadcast_in_dim3A_53 : vector<1x512xf32>
    %swap3A_55 = arith.constant 1 : index
    %swap3A_56 = arith.constant 0 : index
    %swap3A_57 = vector.load %arg10[%swap3A_55, %swap3A_56] : memref<3x512xf32, #tpu.memory_space<vmem>>, vector<1x512xf32>
    tpu.vector_store %arg10[%swap3A_55, %swap3A_56], %add3A_54 {strides = array<i32>} : memref<3x512xf32, #tpu.memory_space<vmem>>, vector<1x512xf32>,
    %get3A_58 = arith.constant 2 : index
    %get3A_59 = arith.constant 0 : index
    %get3A_60 = vector.load %arg10[%get3A_58, %get3A_59] : memref<3x512xf32, #tpu.memory_space<vmem>>, vector<1x512xf32>
    %reduce_sum3A_61 = vector.shape_cast %min3A_31 : vector<256x8xf32> to vector<1x256x8xf32>
    %reduce_sum3A_62 = arith.constant dense<0.000000e+00> : vector<1xf32>
    %reduce_sum3A_63 = vector.multi_reduction <add>, %reduce_sum3A_61, %reduce_sum3A_62 [1, 2] : vector<1x256x8xf32> to vector<1xf32>
    %reduce_sum3A_64 = vector.shape_cast %reduce_sum3A_63 : vector<1xf32> to vector<1x1x1xf32>
    %reduce_sum3A_65 = vector.extract %reduce_sum3A_64[0, 0, 0] : f32 from vector<1x1x1xf32>
    %broadcast_in_dim3A_66 = vector.broadcast %reduce_sum3A_65 : f32 to vector<1x512xf32>
    %add3A_67 = arith.addf %get3A_60, %broadcast_in_dim3A_66 : vector<1x512xf32>
    %swap3A_68 = arith.constant 2 : index
    %swap3A_69 = arith.constant 0 : index
    %swap3A_70 = vector.load %arg10[%swap3A_68, %swap3A_69] : memref<3x512xf32, #tpu.memory_space<vmem>>, vector<1x512xf32>
    tpu.vector_store %arg10[%swap3A_68, %swap3A_69], %add3A_67 {strides = array<i32>} : memref<3x512xf32, #tpu.memory_space<vmem>>, vector<1x512xf32>,
    return
  }
  func.func @transform_0(%arg0: i32) -> (i32, i32) {
    %c0_i32 = arith.constant 0 : i32
    %c0_i32_0 = arith.constant 0 : i32
    return %arg0, %c0_i32 : i32, i32
  }
  func.func @transform_1(%arg0: i32) -> (i32, i32) {
    %c0_i32 = arith.constant 0 : i32
    %c0_i32_0 = arith.constant 0 : i32
    return %arg0, %c0_i32 : i32, i32
  }
  func.func @transform_2(%arg0: i32) -> (i32, i32) {
    %c0_i32 = arith.constant 0 : i32
    %c0_i32_0 = arith.constant 0 : i32
    %c0_i32_1 = arith.constant 0 : i32
    return %c0_i32, %c0_i32_0 : i32, i32
  }
  func.func @transform_3(%arg0: i32) -> (i32, i32) {
    %c0_i32 = arith.constant 0 : i32
    %c0_i32_0 = arith.constant 0 : i32
    %c0_i32_1 = arith.constant 0 : i32
    return %c0_i32, %c0_i32_0 : i32, i32
  }
  func.func @transform_4(%arg0: i32) -> (i32, i32) {
    %c0_i32 = arith.constant 0 : i32
    %c0_i32_0 = arith.constant 0 : i32
    %c0_i32_1 = arith.constant 0 : i32
    return %c0_i32, %c0_i32_0 : i32, i32
  }
  func.func @transform_5(%arg0: i32) -> (i32, i32) {
    %c0_i32 = arith.constant 0 : i32
    %c0_i32_0 = arith.constant 0 : i32
    %c0_i32_1 = arith.constant 0 : i32
    return %c0_i32, %c0_i32_0 : i32, i32
  }
  func.func @transform_6(%arg0: i32) -> (i32, i32) {
    %c0_i32 = arith.constant 0 : i32
    %c0_i32_0 = arith.constant 0 : i32
    %c0_i32_1 = arith.constant 0 : i32
    return %c0_i32, %c0_i32_0 : i32, i32
  }
  func.func @transform_7(%arg0: i32) -> (i32, i32) {
    %c0_i32 = arith.constant 0 : i32
    %c0_i32_0 = arith.constant 0 : i32
    return %arg0, %c0_i32 : i32, i32
  }
  func.func @transform_8(%arg0: i32) -> (i32, i32) {
    %c0_i32 = arith.constant 0 : i32
    %c0_i32_0 = arith.constant 0 : i32
    return %arg0, %c0_i32 : i32, i32
  }
  func.func @transform_9(%arg0: i32) -> (i32, i32) {
    %c0_i32 = arith.constant 0 : i32
    %c0_i32_0 = arith.constant 0 : i32
    %c0_i32_1 = arith.constant 0 : i32
    return %c0_i32, %c0_i32_0 : i32, i32
  }
}

module attributes {stable_mosaic.version = 14 : i64} {
  func.func @body(%arg0: i32, %arg1: memref<512x512xf32, #tpu.memory_space<vmem>>, %arg2: memref<512x8xf32, #tpu.memory_space<vmem>>, %arg3: memref<1x512xf32, #tpu.memory_space<vmem>>, %arg4: memref<1x512xf32, #tpu.memory_space<vmem>>, %arg5: memref<3x512x512xf32, #tpu.memory_space<vmem>>, %arg6: memref<8x512xf32, #tpu.memory_space<vmem>>, %arg7: memref<512x512xf32, #tpu.memory_space<vmem>>, %arg8: memref<3x512xf32, #tpu.memory_space<vmem>>, %arg9: memref<512x512xf32, #tpu.memory_space<vmem>>, %arg10: memref<512x512xf32, #tpu.memory_space<vmem>>, %arg11: memref<1x512xf32, #tpu.memory_space<vmem>>) attributes {dimension_semantics = [#tpu.dimension_semantics<arbitrary>], iteration_bounds = array<i64: 9>, scalar_prefetch = 0 : i64, scratch_operands = 3 : i64, tpu.core_type = #tpu.core_type<tc>, window_params = [{transform_indices = @transform_0, window_bounds = array<i64: 512, 512>}, {transform_indices = @transform_1, window_bounds = array<i64: 512, 8>}, {pipeline_mode = #tpu.pipeline_mode<synchronous>, transform_indices = @transform_2, window_bounds = array<i64: 1, 512>}, {pipeline_mode = #tpu.pipeline_mode<synchronous>, transform_indices = @transform_3, window_bounds = array<i64: 1, 512>}, {pipeline_mode = #tpu.pipeline_mode<synchronous>, transform_indices = @transform_4, window_bounds = array<i64: 3, 512, 512>}, {pipeline_mode = #tpu.pipeline_mode<synchronous>, transform_indices = @transform_5, window_bounds = array<i64: 8, 512>}, {transform_indices = @transform_6, window_bounds = array<i64: 512, 512>}, {pipeline_mode = #tpu.pipeline_mode<synchronous>, transform_indices = @transform_7, window_bounds = array<i64: 3, 512>}]} {
    %get3A = arith.constant 0 : index
    %get3A_0 = arith.constant 0 : index
    %get3A_1 = vector.load %arg3[%get3A, %get3A_0] : memref<1x512xf32, #tpu.memory_space<vmem>>, vector<1x512xf32>
    %get3A_2 = arith.constant 0 : index
    %get3A_3 = arith.constant 0 : index
    %get3A_4 = vector.load %arg4[%get3A_2, %get3A_3] : memref<1x512xf32, #tpu.memory_space<vmem>>, vector<1x512xf32>
    %get3A_5 = arith.constant 0 : index
    %get3A_6 = arith.constant 0 : index
    %get3A_7 = vector.load %arg6[%get3A_5, %get3A_6] : memref<8x512xf32, #tpu.memory_space<vmem>>, vector<8x512xf32>
    %get3A_8 = arith.constant 0 : index
    %get3A_9 = arith.constant 0 : index
    %get3A_10 = vector.load %arg2[%get3A_8, %get3A_9] : memref<512x8xf32, #tpu.memory_space<vmem>>, vector<512x8xf32>
    %dot_general3A = arith.constant dense<0.000000e+00> : vector<512x512xf32>
    %dot_general3A_11 = tpu.matmul %get3A_10, %get3A_7, %dot_general3A {dimension_numbers = #tpu.dot_dimension_numbers<[1], [0], [0], [1], [0, 0, 1, 1], [], []>, transpose_lhs_hint = false} : vector<512x8xf32>, vector<8x512xf32>, vector<512x512xf32> -> vector<512x512xf32>
    %get3A_12 = arith.constant 0 : index
    %get3A_13 = arith.constant 0 : index
    %get3A_14 = vector.load %arg1[%get3A_12, %get3A_13] : memref<512x512xf32, #tpu.memory_space<vmem>>, vector<512x512xf32>
    %mul3A = vector.broadcast %get3A_1 : vector<1x512xf32> to vector<512x512xf32>
    %mul3A_15 = arith.mulf %get3A_14, %mul3A : vector<512x512xf32>
    %add3A = vector.broadcast %get3A_4 : vector<1x512xf32> to vector<512x512xf32>
    %add3A_16 = arith.addf %mul3A_15, %add3A : vector<512x512xf32>
    %max3A = arith.constant 0.000000e+00 : f32
    %max3A_17 = vector.broadcast %max3A : f32 to vector<512x512xf32>
    %max3A_18 = arith.maximumf %add3A_16, %max3A_17 : vector<512x512xf32>
    %mul3A_19 = arith.mulf %max3A_18, %dot_general3A_11 : vector<512x512xf32>
    %eq3A = arith.constant 0 : i32
    %eq3A_20 = arith.cmpi eq, %arg0, %eq3A : i32
    %convert_element_type3A = arith.extui %eq3A_20 : i1 to i32
    %cond3A = arith.constant 0 : i32
    %cond3A_21 = arith.cmpi ne, %convert_element_type3A, %cond3A : i32
    scf.if %cond3A_21 {
      %broadcast_in_dim3A = arith.constant 0.000000e+00 : f32
      %broadcast_in_dim3A_30 = vector.broadcast %broadcast_in_dim3A : f32 to vector<3x512xf32>
      %swap3A = arith.constant 0 : index
      %swap3A_31 = arith.constant 0 : index
      %swap3A_32 = vector.load %arg8[%swap3A, %swap3A_31] : memref<3x512xf32, #tpu.memory_space<vmem>>, vector<3x512xf32>
      tpu.vector_store %arg8[%swap3A, %swap3A_31], %broadcast_in_dim3A_30 {strides = array<i32>} : memref<3x512xf32, #tpu.memory_space<vmem>>, vector<3x512xf32>,
      %broadcast_in_dim3A_33 = arith.constant 0.000000e+00 : f32
      %broadcast_in_dim3A_34 = vector.broadcast %broadcast_in_dim3A_33 : f32 to vector<1x512xf32>
      %swap3A_35 = arith.constant 0 : index
      %swap3A_36 = arith.constant 0 : index
      %swap3A_37 = vector.load %arg11[%swap3A_35, %swap3A_36] : memref<1x512xf32, #tpu.memory_space<vmem>>, vector<1x512xf32>
      tpu.vector_store %arg11[%swap3A_35, %swap3A_36], %broadcast_in_dim3A_34 {strides = array<i32>} : memref<1x512xf32, #tpu.memory_space<vmem>>, vector<1x512xf32>,
    } else {
    }
    %gt3A = arith.constant 0 : i32
    %gt3A_22 = arith.cmpi sgt, %arg0, %gt3A : i32
    %convert_element_type3A_23 = arith.extui %gt3A_22 : i1 to i32
    %cond3A_24 = arith.constant 0 : i32
    %cond3A_25 = arith.cmpi ne, %convert_element_type3A_23, %cond3A_24 : i32
    scf.if %cond3A_25 {
      %get3A_30 = arith.constant 0 : index
      %get3A_31 = arith.constant 0 : index
      %get3A_32 = vector.load %arg9[%get3A_30, %get3A_31] : memref<512x512xf32, #tpu.memory_space<vmem>>, vector<512x512xf32>
      %lt3A_33 = arith.constant 8 : i32
      %lt3A_34 = arith.cmpi slt, %arg0, %lt3A_33 : i32
      %jit3A = arith.constant 1.000000e+00 : f32
      %jit3A_35 = arith.constant 0.000000e+00 : f32
      %select_n3A = arith.select %lt3A_34, %jit3A, %jit3A_35 : f32
      %get3A_36 = arith.constant 0 : index
      %get3A_37 = arith.constant 0 : index
      %get3A_38 = vector.load %arg11[%get3A_36, %get3A_37] : memref<1x512xf32, #tpu.memory_space<vmem>>, vector<1x512xf32>
      %slice3A = vector.extract_strided_slice %get3A_32 {offsets = [0, 0], sizes = [511, 512], strides = [1, 1]} : vector<512x512xf32> to vector<511x512xf32>
      %concatenate3A = tpu.concatenate %get3A_38, %slice3A in 0 : vector<1x512xf32>, vector<511x512xf32> -> vector<512x512xf32>
      %slice3A_39 = vector.extract_strided_slice %get3A_32 {offsets = [1, 0], sizes = [511, 512], strides = [1, 1]} : vector<512x512xf32> to vector<511x512xf32>
      %slice3A_40 = vector.extract_strided_slice %mul3A_19 {offsets = [0, 0], sizes = [1, 512], strides = [1, 1]} : vector<512x512xf32> to vector<1x512xf32>
      %mul3A_41 = vector.broadcast %select_n3A : f32 to vector<1x512xf32>
      %mul3A_42 = arith.mulf %slice3A_40, %mul3A_41 : vector<1x512xf32>
      %concatenate3A_43 = tpu.concatenate %slice3A_39, %mul3A_42 in 0 : vector<511x512xf32>, vector<1x512xf32> -> vector<512x512xf32>
      %slice3A_44 = vector.extract_strided_slice %concatenate3A {offsets = [0, 448], sizes = [512, 64], strides = [1, 1]} : vector<512x512xf32> to vector<512x64xf32>
      %slice3A_45 = vector.extract_strided_slice %get3A_32 {offsets = [0, 0], sizes = [512, 448], strides = [1, 1]} : vector<512x512xf32> to vector<512x448xf32>
      %concatenate3A_46 = tpu.concatenate %slice3A_44, %slice3A_45 in 1 : vector<512x64xf32>, vector<512x448xf32> -> vector<512x512xf32>
      %slice3A_47 = vector.extract_strided_slice %get3A_32 {offsets = [0, 64], sizes = [512, 448], strides = [1, 1]} : vector<512x512xf32> to vector<512x448xf32>
      %slice3A_48 = vector.extract_strided_slice %concatenate3A_43 {offsets = [0, 0], sizes = [512, 64], strides = [1, 1]} : vector<512x512xf32> to vector<512x64xf32>
      %concatenate3A_49 = tpu.concatenate %slice3A_47, %slice3A_48 in 1 : vector<512x448xf32>, vector<512x64xf32> -> vector<512x512xf32>
      %get3A_50 = arith.constant 0 : index
      %get3A_51 = arith.constant 0 : index
      %get3A_52 = arith.constant 0 : index
      %get3A_53 = vector.load %arg5[%get3A_50, %get3A_51, %get3A_52] : memref<3x512x512xf32, #tpu.memory_space<vmem>>, vector<1x512x512xf32>
      %get3A_54 = vector.shape_cast %get3A_53 : vector<1x512x512xf32> to vector<512x512xf32>
      %dot_general3A_55 = arith.constant dense<0.000000e+00> : vector<512x512xf32>
      %dot_general3A_56 = tpu.matmul %concatenate3A_46, %get3A_54, %dot_general3A_55 {dimension_numbers = #tpu.dot_dimension_numbers<[1], [0], [0], [1], [0, 0, 1, 1], [], []>, transpose_lhs_hint = false} : vector<512x512xf32>, vector<512x512xf32>, vector<512x512xf32> -> vector<512x512xf32>
      %get3A_57 = arith.constant 1 : index
      %get3A_58 = arith.constant 0 : index
      %get3A_59 = arith.constant 0 : index
      %get3A_60 = vector.load %arg5[%get3A_57, %get3A_58, %get3A_59] : memref<3x512x512xf32, #tpu.memory_space<vmem>>, vector<1x512x512xf32>
      %get3A_61 = vector.shape_cast %get3A_60 : vector<1x512x512xf32> to vector<512x512xf32>
      %dot_general3A_62 = arith.constant dense<0.000000e+00> : vector<512x512xf32>
      %dot_general3A_63 = tpu.matmul %get3A_32, %get3A_61, %dot_general3A_62 {dimension_numbers = #tpu.dot_dimension_numbers<[1], [0], [0], [1], [0, 0, 1, 1], [], []>, transpose_lhs_hint = false} : vector<512x512xf32>, vector<512x512xf32>, vector<512x512xf32> -> vector<512x512xf32>
      %add3A_64 = arith.addf %dot_general3A_56, %dot_general3A_63 : vector<512x512xf32>
      %get3A_65 = arith.constant 2 : index
      %get3A_66 = arith.constant 0 : index
      %get3A_67 = arith.constant 0 : index
      %get3A_68 = vector.load %arg5[%get3A_65, %get3A_66, %get3A_67] : memref<3x512x512xf32, #tpu.memory_space<vmem>>, vector<1x512x512xf32>
      %get3A_69 = vector.shape_cast %get3A_68 : vector<1x512x512xf32> to vector<512x512xf32>
      %dot_general3A_70 = arith.constant dense<0.000000e+00> : vector<512x512xf32>
      %dot_general3A_71 = tpu.matmul %concatenate3A_49, %get3A_69, %dot_general3A_70 {dimension_numbers = #tpu.dot_dimension_numbers<[1], [0], [0], [1], [0, 0, 1, 1], [], []>, transpose_lhs_hint = false} : vector<512x512xf32>, vector<512x512xf32>, vector<512x512xf32> -> vector<512x512xf32>
      %add3A_72 = arith.addf %add3A_64, %dot_general3A_71 : vector<512x512xf32>
      %get3A_73 = arith.constant 0 : index
      %get3A_74 = arith.constant 0 : index
      %get3A_75 = vector.load %arg10[%get3A_73, %get3A_74] : memref<512x512xf32, #tpu.memory_space<vmem>>, vector<512x512xf32>
      %mul3A_76 = arith.mulf %add3A_72, %get3A_75 : vector<512x512xf32>
      %swap3A = arith.constant 0 : index
      %swap3A_77 = arith.constant 0 : index
      %swap3A_78 = vector.load %arg7[%swap3A, %swap3A_77] : memref<512x512xf32, #tpu.memory_space<vmem>>, vector<512x512xf32>
      tpu.vector_store %arg7[%swap3A, %swap3A_77], %mul3A_76 {strides = array<i32>} : memref<512x512xf32, #tpu.memory_space<vmem>>, vector<512x512xf32>,
      %get3A_79 = arith.constant 0 : index
      %get3A_80 = arith.constant 0 : index
      %get3A_81 = vector.load %arg8[%get3A_79, %get3A_80] : memref<3x512xf32, #tpu.memory_space<vmem>>, vector<1x512xf32>
      %reduce_sum3A = arith.constant dense<0.000000e+00> : vector<512xf32>
      %reduce_sum3A_82 = vector.multi_reduction <add>, %mul3A_76, %reduce_sum3A [0] : vector<512x512xf32> to vector<512xf32>
      %broadcast_in_dim3A = vector.shape_cast %reduce_sum3A_82 : vector<512xf32> to vector<1x512xf32>
      %add3A_83 = arith.addf %get3A_81, %broadcast_in_dim3A : vector<1x512xf32>
      %swap3A_84 = arith.constant 0 : index
      %swap3A_85 = arith.constant 0 : index
      %swap3A_86 = vector.load %arg8[%swap3A_84, %swap3A_85] : memref<3x512xf32, #tpu.memory_space<vmem>>, vector<1x512xf32>
      tpu.vector_store %arg8[%swap3A_84, %swap3A_85], %add3A_83 {strides = array<i32>} : memref<3x512xf32, #tpu.memory_space<vmem>>, vector<1x512xf32>,
      %get3A_87 = arith.constant 1 : index
      %get3A_88 = arith.constant 0 : index
      %get3A_89 = vector.load %arg8[%get3A_87, %get3A_88] : memref<3x512xf32, #tpu.memory_space<vmem>>, vector<1x512xf32>
      %mul3A_90 = arith.mulf %mul3A_76, %mul3A_76 : vector<512x512xf32>
      %reduce_sum3A_91 = arith.constant dense<0.000000e+00> : vector<512xf32>
      %reduce_sum3A_92 = vector.multi_reduction <add>, %mul3A_90, %reduce_sum3A_91 [0] : vector<512x512xf32> to vector<512xf32>
      %broadcast_in_dim3A_93 = vector.shape_cast %reduce_sum3A_92 : vector<512xf32> to vector<1x512xf32>
      %add3A_94 = arith.addf %get3A_89, %broadcast_in_dim3A_93 : vector<1x512xf32>
      %swap3A_95 = arith.constant 1 : index
      %swap3A_96 = arith.constant 0 : index
      %swap3A_97 = vector.load %arg8[%swap3A_95, %swap3A_96] : memref<3x512xf32, #tpu.memory_space<vmem>>, vector<1x512xf32>
      tpu.vector_store %arg8[%swap3A_95, %swap3A_96], %add3A_94 {strides = array<i32>} : memref<3x512xf32, #tpu.memory_space<vmem>>, vector<1x512xf32>,
      %slice3A_98 = vector.extract_strided_slice %get3A_32 {offsets = [511, 0], sizes = [1, 512], strides = [1, 1]} : vector<512x512xf32> to vector<1x512xf32>
      %swap3A_99 = arith.constant 0 : index
      %swap3A_100 = arith.constant 0 : index
      %swap3A_101 = vector.load %arg11[%swap3A_99, %swap3A_100] : memref<1x512xf32, #tpu.memory_space<vmem>>, vector<1x512xf32>
      tpu.vector_store %arg11[%swap3A_99, %swap3A_100], %slice3A_98 {strides = array<i32>} : memref<1x512xf32, #tpu.memory_space<vmem>>, vector<1x512xf32>,
    } else {
    }
    %lt3A = arith.constant 8 : i32
    %lt3A_26 = arith.cmpi slt, %arg0, %lt3A : i32
    %convert_element_type3A_27 = arith.extui %lt3A_26 : i1 to i32
    %cond3A_28 = arith.constant 0 : i32
    %cond3A_29 = arith.cmpi ne, %convert_element_type3A_27, %cond3A_28 : i32
    scf.if %cond3A_29 {
      %swap3A = arith.constant 0 : index
      %swap3A_30 = arith.constant 0 : index
      %swap3A_31 = vector.load %arg9[%swap3A, %swap3A_30] : memref<512x512xf32, #tpu.memory_space<vmem>>, vector<512x512xf32>
      tpu.vector_store %arg9[%swap3A, %swap3A_30], %mul3A_19 {strides = array<i32>} : memref<512x512xf32, #tpu.memory_space<vmem>>, vector<512x512xf32>,
      %swap3A_32 = arith.constant 0 : index
      %swap3A_33 = arith.constant 0 : index
      %swap3A_34 = vector.load %arg10[%swap3A_32, %swap3A_33] : memref<512x512xf32, #tpu.memory_space<vmem>>, vector<512x512xf32>
      tpu.vector_store %arg10[%swap3A_32, %swap3A_33], %dot_general3A_11 {strides = array<i32>} : memref<512x512xf32, #tpu.memory_space<vmem>>, vector<512x512xf32>,
    } else {
    }
    return
  }
  func.func @transform_0(%arg0: i32) -> (i32, i32) {
    %min3A = arith.constant 7 : i32
    %min3A_0 = arith.minsi %arg0, %min3A : i32
    %c0_i32 = arith.constant 0 : i32
    %c0_i32_1 = arith.constant 0 : i32
    return %min3A_0, %c0_i32 : i32, i32
  }
  func.func @transform_1(%arg0: i32) -> (i32, i32) {
    %min3A = arith.constant 7 : i32
    %min3A_0 = arith.minsi %arg0, %min3A : i32
    %c0_i32 = arith.constant 0 : i32
    %c0_i32_1 = arith.constant 0 : i32
    return %min3A_0, %c0_i32 : i32, i32
  }
  func.func @transform_2(%arg0: i32) -> (i32, i32) {
    %c0_i32 = arith.constant 0 : i32
    %c0_i32_0 = arith.constant 0 : i32
    %c0_i32_1 = arith.constant 0 : i32
    return %c0_i32, %c0_i32_0 : i32, i32
  }
  func.func @transform_3(%arg0: i32) -> (i32, i32) {
    %c0_i32 = arith.constant 0 : i32
    %c0_i32_0 = arith.constant 0 : i32
    %c0_i32_1 = arith.constant 0 : i32
    return %c0_i32, %c0_i32_0 : i32, i32
  }
  func.func @transform_4(%arg0: i32) -> (i32, i32, i32) {
    %c0_i32 = arith.constant 0 : i32
    %c0_i32_0 = arith.constant 0 : i32
    %c0_i32_1 = arith.constant 0 : i32
    %c0_i32_2 = arith.constant 0 : i32
    return %c0_i32, %c0_i32_0, %c0_i32_1 : i32, i32, i32
  }
  func.func @transform_5(%arg0: i32) -> (i32, i32) {
    %c0_i32 = arith.constant 0 : i32
    %c0_i32_0 = arith.constant 0 : i32
    %c0_i32_1 = arith.constant 0 : i32
    return %c0_i32, %c0_i32_0 : i32, i32
  }
  func.func @transform_6(%arg0: i32) -> (i32, i32) {
    %sub3A = arith.constant 1 : i32
    %sub3A_0 = arith.subi %arg0, %sub3A : i32
    %max3A = arith.constant 0 : i32
    %max3A_1 = arith.maxsi %sub3A_0, %max3A : i32
    %c0_i32 = arith.constant 0 : i32
    %c0_i32_2 = arith.constant 0 : i32
    return %max3A_1, %c0_i32 : i32, i32
  }
  func.func @transform_7(%arg0: i32) -> (i32, i32) {
    %c0_i32 = arith.constant 0 : i32
    %c0_i32_0 = arith.constant 0 : i32
    %c0_i32_1 = arith.constant 0 : i32
    return %c0_i32, %c0_i32_0 : i32, i32
  }
}

module attributes {stable_mosaic.version = 14 : i64} {
  func.func @body(%arg0: i32, %arg1: memref<256x1024xf32, #tpu.memory_space<vmem>>, %arg2: memref<256x16xf32, #tpu.memory_space<vmem>>, %arg3: memref<1x1024xf32, #tpu.memory_space<vmem>>, %arg4: memref<1x1024xf32, #tpu.memory_space<vmem>>, %arg5: memref<1024x640xf32, #tpu.memory_space<vmem>>, %arg6: memref<16x1024xf32, #tpu.memory_space<vmem>>, %arg7: memref<16x8xf32, #tpu.memory_space<vmem>>, %arg8: memref<256x640xf32, #tpu.memory_space<vmem>>, %arg9: memref<256x8xf32, #tpu.memory_space<vmem>>, %arg10: memref<3x640xf32, #tpu.memory_space<vmem>>) attributes {dimension_semantics = [#tpu.dimension_semantics<arbitrary>], iteration_bounds = array<i64: 8>, scalar_prefetch = 0 : i64, scratch_operands = 0 : i64, tpu.core_type = #tpu.core_type<tc>, window_params = [{transform_indices = @transform_0, window_bounds = array<i64: 256, 1024>}, {transform_indices = @transform_1, window_bounds = array<i64: 256, 16>}, {pipeline_mode = #tpu.pipeline_mode<synchronous>, transform_indices = @transform_2, window_bounds = array<i64: 1, 1024>}, {pipeline_mode = #tpu.pipeline_mode<synchronous>, transform_indices = @transform_3, window_bounds = array<i64: 1, 1024>}, {pipeline_mode = #tpu.pipeline_mode<synchronous>, transform_indices = @transform_4, window_bounds = array<i64: 1024, 640>}, {pipeline_mode = #tpu.pipeline_mode<synchronous>, transform_indices = @transform_5, window_bounds = array<i64: 16, 1024>}, {pipeline_mode = #tpu.pipeline_mode<synchronous>, transform_indices = @transform_6, window_bounds = array<i64: 16, 8>}, {transform_indices = @transform_7, window_bounds = array<i64: 256, 640>}, {transform_indices = @transform_8, window_bounds = array<i64: 256, 8>}, {pipeline_mode = #tpu.pipeline_mode<synchronous>, transform_indices = @transform_9, window_bounds = array<i64: 3, 640>}]} {
    %get3A = arith.constant 0 : index
    %get3A_0 = arith.constant 0 : index
    %get3A_1 = vector.load %arg3[%get3A, %get3A_0] : memref<1x1024xf32, #tpu.memory_space<vmem>>, vector<1x1024xf32>
    %get3A_2 = arith.constant 0 : index
    %get3A_3 = arith.constant 0 : index
    %get3A_4 = vector.load %arg4[%get3A_2, %get3A_3] : memref<1x1024xf32, #tpu.memory_space<vmem>>, vector<1x1024xf32>
    %get3A_5 = arith.constant 0 : index
    %get3A_6 = arith.constant 0 : index
    %get3A_7 = vector.load %arg2[%get3A_5, %get3A_6] : memref<256x16xf32, #tpu.memory_space<vmem>>, vector<256x16xf32>
    %get3A_8 = arith.constant 0 : index
    %get3A_9 = arith.constant 0 : index
    %get3A_10 = vector.load %arg1[%get3A_8, %get3A_9] : memref<256x1024xf32, #tpu.memory_space<vmem>>, vector<256x1024xf32>
    %mul3A = vector.broadcast %get3A_1 : vector<1x1024xf32> to vector<256x1024xf32>
    %mul3A_11 = arith.mulf %get3A_10, %mul3A : vector<256x1024xf32>
    %add3A = vector.broadcast %get3A_4 : vector<1x1024xf32> to vector<256x1024xf32>
    %add3A_12 = arith.addf %mul3A_11, %add3A : vector<256x1024xf32>
    %max3A = arith.constant 0.000000e+00 : f32
    %max3A_13 = vector.broadcast %max3A : f32 to vector<256x1024xf32>
    %max3A_14 = arith.maximumf %add3A_12, %max3A_13 : vector<256x1024xf32>
    %get3A_15 = arith.constant 0 : index
    %get3A_16 = arith.constant 0 : index
    %get3A_17 = vector.load %arg6[%get3A_15, %get3A_16] : memref<16x1024xf32, #tpu.memory_space<vmem>>, vector<16x1024xf32>
    %dot_general3A = arith.constant dense<0.000000e+00> : vector<256x1024xf32>
    %dot_general3A_18 = tpu.matmul %get3A_7, %get3A_17, %dot_general3A {dimension_numbers = #tpu.dot_dimension_numbers<[1], [0], [0], [1], [0, 0, 1, 1], [], []>, transpose_lhs_hint = false} : vector<256x16xf32>, vector<16x1024xf32>, vector<256x1024xf32> -> vector<256x1024xf32>
    %mul3A_19 = arith.mulf %max3A_14, %dot_general3A_18 : vector<256x1024xf32>
    %get3A_20 = arith.constant 0 : index
    %get3A_21 = arith.constant 0 : index
    %get3A_22 = vector.load %arg5[%get3A_20, %get3A_21] : memref<1024x640xf32, #tpu.memory_space<vmem>>, vector<1024x640xf32>
    %dot_general3A_23 = arith.constant dense<0.000000e+00> : vector<256x640xf32>
    %dot_general3A_24 = tpu.matmul %mul3A_19, %get3A_22, %dot_general3A_23 {dimension_numbers = #tpu.dot_dimension_numbers<[1], [0], [0], [1], [0, 0, 1, 1], [], []>, transpose_lhs_hint = false} : vector<256x1024xf32>, vector<1024x640xf32>, vector<256x640xf32> -> vector<256x640xf32>
    %get3A_25 = arith.constant 0 : index
    %get3A_26 = arith.constant 0 : index
    %get3A_27 = vector.load %arg7[%get3A_25, %get3A_26] : memref<16x8xf32, #tpu.memory_space<vmem>>, vector<16x8xf32>
    %dot_general3A_28 = arith.constant dense<0.000000e+00> : vector<256x8xf32>
    %dot_general3A_29 = tpu.matmul %get3A_7, %get3A_27, %dot_general3A_28 {dimension_numbers = #tpu.dot_dimension_numbers<[1], [0], [0], [1], [0, 0, 1, 1], [], []>, transpose_lhs_hint = false} : vector<256x16xf32>, vector<16x8xf32>, vector<256x8xf32> -> vector<256x8xf32>
    %min3A = arith.constant 1.000000e+00 : f32
    %min3A_30 = vector.broadcast %min3A : f32 to vector<256x8xf32>
    %min3A_31 = arith.minimumf %dot_general3A_29, %min3A_30 : vector<256x8xf32>
    %swap3A = arith.constant 0 : index
    %swap3A_32 = arith.constant 0 : index
    %swap3A_33 = vector.load %arg8[%swap3A, %swap3A_32] : memref<256x640xf32, #tpu.memory_space<vmem>>, vector<256x640xf32>
    tpu.vector_store %arg8[%swap3A, %swap3A_32], %dot_general3A_24 {strides = array<i32>} : memref<256x640xf32, #tpu.memory_space<vmem>>, vector<256x640xf32>,
    %swap3A_34 = arith.constant 0 : index
    %swap3A_35 = arith.constant 0 : index
    %swap3A_36 = vector.load %arg9[%swap3A_34, %swap3A_35] : memref<256x8xf32, #tpu.memory_space<vmem>>, vector<256x8xf32>
    tpu.vector_store %arg9[%swap3A_34, %swap3A_35], %min3A_31 {strides = array<i32>} : memref<256x8xf32, #tpu.memory_space<vmem>>, vector<256x8xf32>,
    %eq3A = arith.constant 0 : i32
    %eq3A_37 = arith.cmpi eq, %arg0, %eq3A : i32
    %convert_element_type3A = arith.extui %eq3A_37 : i1 to i32
    %cond3A = arith.constant 0 : i32
    %cond3A_38 = arith.cmpi ne, %convert_element_type3A, %cond3A : i32
    scf.if %cond3A_38 {
      %broadcast_in_dim3A_71 = arith.constant 0.000000e+00 : f32
      %broadcast_in_dim3A_72 = vector.broadcast %broadcast_in_dim3A_71 : f32 to vector<3x640xf32>
      %swap3A_73 = arith.constant 0 : index
      %swap3A_74 = arith.constant 0 : index
      %swap3A_75 = vector.load %arg10[%swap3A_73, %swap3A_74] : memref<3x640xf32, #tpu.memory_space<vmem>>, vector<3x640xf32>
      tpu.vector_store %arg10[%swap3A_73, %swap3A_74], %broadcast_in_dim3A_72 {strides = array<i32>} : memref<3x640xf32, #tpu.memory_space<vmem>>, vector<3x640xf32>,
    } else {
    }
    %get3A_39 = arith.constant 0 : index
    %get3A_40 = arith.constant 0 : index
    %get3A_41 = vector.load %arg10[%get3A_39, %get3A_40] : memref<3x640xf32, #tpu.memory_space<vmem>>, vector<1x640xf32>
    %reduce_sum3A = arith.constant dense<0.000000e+00> : vector<640xf32>
    %reduce_sum3A_42 = vector.multi_reduction <add>, %dot_general3A_24, %reduce_sum3A [0] : vector<256x640xf32> to vector<640xf32>
    %broadcast_in_dim3A = vector.shape_cast %reduce_sum3A_42 : vector<640xf32> to vector<1x640xf32>
    %add3A_43 = arith.addf %get3A_41, %broadcast_in_dim3A : vector<1x640xf32>
    %swap3A_44 = arith.constant 0 : index
    %swap3A_45 = arith.constant 0 : index
    %swap3A_46 = vector.load %arg10[%swap3A_44, %swap3A_45] : memref<3x640xf32, #tpu.memory_space<vmem>>, vector<1x640xf32>
    tpu.vector_store %arg10[%swap3A_44, %swap3A_45], %add3A_43 {strides = array<i32>} : memref<3x640xf32, #tpu.memory_space<vmem>>, vector<1x640xf32>,
    %get3A_47 = arith.constant 1 : index
    %get3A_48 = arith.constant 0 : index
    %get3A_49 = vector.load %arg10[%get3A_47, %get3A_48] : memref<3x640xf32, #tpu.memory_space<vmem>>, vector<1x640xf32>
    %mul3A_50 = arith.mulf %dot_general3A_24, %dot_general3A_24 : vector<256x640xf32>
    %reduce_sum3A_51 = arith.constant dense<0.000000e+00> : vector<640xf32>
    %reduce_sum3A_52 = vector.multi_reduction <add>, %mul3A_50, %reduce_sum3A_51 [0] : vector<256x640xf32> to vector<640xf32>
    %broadcast_in_dim3A_53 = vector.shape_cast %reduce_sum3A_52 : vector<640xf32> to vector<1x640xf32>
    %add3A_54 = arith.addf %get3A_49, %broadcast_in_dim3A_53 : vector<1x640xf32>
    %swap3A_55 = arith.constant 1 : index
    %swap3A_56 = arith.constant 0 : index
    %swap3A_57 = vector.load %arg10[%swap3A_55, %swap3A_56] : memref<3x640xf32, #tpu.memory_space<vmem>>, vector<1x640xf32>
    tpu.vector_store %arg10[%swap3A_55, %swap3A_56], %add3A_54 {strides = array<i32>} : memref<3x640xf32, #tpu.memory_space<vmem>>, vector<1x640xf32>,
    %get3A_58 = arith.constant 2 : index
    %get3A_59 = arith.constant 0 : index
    %get3A_60 = vector.load %arg10[%get3A_58, %get3A_59] : memref<3x640xf32, #tpu.memory_space<vmem>>, vector<1x640xf32>
    %reduce_sum3A_61 = vector.shape_cast %min3A_31 : vector<256x8xf32> to vector<1x256x8xf32>
    %reduce_sum3A_62 = arith.constant dense<0.000000e+00> : vector<1xf32>
    %reduce_sum3A_63 = vector.multi_reduction <add>, %reduce_sum3A_61, %reduce_sum3A_62 [1, 2] : vector<1x256x8xf32> to vector<1xf32>
    %reduce_sum3A_64 = vector.shape_cast %reduce_sum3A_63 : vector<1xf32> to vector<1x1x1xf32>
    %reduce_sum3A_65 = vector.extract %reduce_sum3A_64[0, 0, 0] : f32 from vector<1x1x1xf32>
    %broadcast_in_dim3A_66 = vector.broadcast %reduce_sum3A_65 : f32 to vector<1x640xf32>
    %add3A_67 = arith.addf %get3A_60, %broadcast_in_dim3A_66 : vector<1x640xf32>
    %swap3A_68 = arith.constant 2 : index
    %swap3A_69 = arith.constant 0 : index
    %swap3A_70 = vector.load %arg10[%swap3A_68, %swap3A_69] : memref<3x640xf32, #tpu.memory_space<vmem>>, vector<1x640xf32>
    tpu.vector_store %arg10[%swap3A_68, %swap3A_69], %add3A_67 {strides = array<i32>} : memref<3x640xf32, #tpu.memory_space<vmem>>, vector<1x640xf32>,
    return
  }
  func.func @transform_0(%arg0: i32) -> (i32, i32) {
    %c0_i32 = arith.constant 0 : i32
    %c0_i32_0 = arith.constant 0 : i32
    return %arg0, %c0_i32 : i32, i32
  }
  func.func @transform_1(%arg0: i32) -> (i32, i32) {
    %c0_i32 = arith.constant 0 : i32
    %c0_i32_0 = arith.constant 0 : i32
    return %arg0, %c0_i32 : i32, i32
  }
  func.func @transform_2(%arg0: i32) -> (i32, i32) {
    %c0_i32 = arith.constant 0 : i32
    %c0_i32_0 = arith.constant 0 : i32
    %c0_i32_1 = arith.constant 0 : i32
    return %c0_i32, %c0_i32_0 : i32, i32
  }
  func.func @transform_3(%arg0: i32) -> (i32, i32) {
    %c0_i32 = arith.constant 0 : i32
    %c0_i32_0 = arith.constant 0 : i32
    %c0_i32_1 = arith.constant 0 : i32
    return %c0_i32, %c0_i32_0 : i32, i32
  }
  func.func @transform_4(%arg0: i32) -> (i32, i32) {
    %c0_i32 = arith.constant 0 : i32
    %c0_i32_0 = arith.constant 0 : i32
    %c0_i32_1 = arith.constant 0 : i32
    return %c0_i32, %c0_i32_0 : i32, i32
  }
  func.func @transform_5(%arg0: i32) -> (i32, i32) {
    %c0_i32 = arith.constant 0 : i32
    %c0_i32_0 = arith.constant 0 : i32
    %c0_i32_1 = arith.constant 0 : i32
    return %c0_i32, %c0_i32_0 : i32, i32
  }
  func.func @transform_6(%arg0: i32) -> (i32, i32) {
    %c0_i32 = arith.constant 0 : i32
    %c0_i32_0 = arith.constant 0 : i32
    %c0_i32_1 = arith.constant 0 : i32
    return %c0_i32, %c0_i32_0 : i32, i32
  }
  func.func @transform_7(%arg0: i32) -> (i32, i32) {
    %c0_i32 = arith.constant 0 : i32
    %c0_i32_0 = arith.constant 0 : i32
    return %arg0, %c0_i32 : i32, i32
  }
  func.func @transform_8(%arg0: i32) -> (i32, i32) {
    %c0_i32 = arith.constant 0 : i32
    %c0_i32_0 = arith.constant 0 : i32
    return %arg0, %c0_i32 : i32, i32
  }
  func.func @transform_9(%arg0: i32) -> (i32, i32) {
    %c0_i32 = arith.constant 0 : i32
    %c0_i32_0 = arith.constant 0 : i32
    %c0_i32_1 = arith.constant 0 : i32
    return %c0_i32, %c0_i32_0 : i32, i32
  }
}

module attributes {stable_mosaic.version = 14 : i64} {
  func.func @body(%arg0: i32, %arg1: memref<256x640xf32, #tpu.memory_space<vmem>>, %arg2: memref<256x8xf32, #tpu.memory_space<vmem>>, %arg3: memref<1x640xf32, #tpu.memory_space<vmem>>, %arg4: memref<1x640xf32, #tpu.memory_space<vmem>>, %arg5: memref<3x640x640xf32, #tpu.memory_space<vmem>>, %arg6: memref<8x640xf32, #tpu.memory_space<vmem>>, %arg7: memref<256x640xf32, #tpu.memory_space<vmem>>, %arg8: memref<3x640xf32, #tpu.memory_space<vmem>>, %arg9: memref<256x640xf32, #tpu.memory_space<vmem>>, %arg10: memref<256x640xf32, #tpu.memory_space<vmem>>, %arg11: memref<1x640xf32, #tpu.memory_space<vmem>>) attributes {dimension_semantics = [#tpu.dimension_semantics<arbitrary>], iteration_bounds = array<i64: 9>, scalar_prefetch = 0 : i64, scratch_operands = 3 : i64, tpu.core_type = #tpu.core_type<tc>, window_params = [{transform_indices = @transform_0, window_bounds = array<i64: 256, 640>}, {transform_indices = @transform_1, window_bounds = array<i64: 256, 8>}, {pipeline_mode = #tpu.pipeline_mode<synchronous>, transform_indices = @transform_2, window_bounds = array<i64: 1, 640>}, {pipeline_mode = #tpu.pipeline_mode<synchronous>, transform_indices = @transform_3, window_bounds = array<i64: 1, 640>}, {pipeline_mode = #tpu.pipeline_mode<synchronous>, transform_indices = @transform_4, window_bounds = array<i64: 3, 640, 640>}, {pipeline_mode = #tpu.pipeline_mode<synchronous>, transform_indices = @transform_5, window_bounds = array<i64: 8, 640>}, {transform_indices = @transform_6, window_bounds = array<i64: 256, 640>}, {pipeline_mode = #tpu.pipeline_mode<synchronous>, transform_indices = @transform_7, window_bounds = array<i64: 3, 640>}]} {
    %get3A = arith.constant 0 : index
    %get3A_0 = arith.constant 0 : index
    %get3A_1 = vector.load %arg3[%get3A, %get3A_0] : memref<1x640xf32, #tpu.memory_space<vmem>>, vector<1x640xf32>
    %get3A_2 = arith.constant 0 : index
    %get3A_3 = arith.constant 0 : index
    %get3A_4 = vector.load %arg4[%get3A_2, %get3A_3] : memref<1x640xf32, #tpu.memory_space<vmem>>, vector<1x640xf32>
    %get3A_5 = arith.constant 0 : index
    %get3A_6 = arith.constant 0 : index
    %get3A_7 = vector.load %arg6[%get3A_5, %get3A_6] : memref<8x640xf32, #tpu.memory_space<vmem>>, vector<8x640xf32>
    %get3A_8 = arith.constant 0 : index
    %get3A_9 = arith.constant 0 : index
    %get3A_10 = vector.load %arg2[%get3A_8, %get3A_9] : memref<256x8xf32, #tpu.memory_space<vmem>>, vector<256x8xf32>
    %dot_general3A = arith.constant dense<0.000000e+00> : vector<256x640xf32>
    %dot_general3A_11 = tpu.matmul %get3A_10, %get3A_7, %dot_general3A {dimension_numbers = #tpu.dot_dimension_numbers<[1], [0], [0], [1], [0, 0, 1, 1], [], []>, transpose_lhs_hint = false} : vector<256x8xf32>, vector<8x640xf32>, vector<256x640xf32> -> vector<256x640xf32>
    %get3A_12 = arith.constant 0 : index
    %get3A_13 = arith.constant 0 : index
    %get3A_14 = vector.load %arg1[%get3A_12, %get3A_13] : memref<256x640xf32, #tpu.memory_space<vmem>>, vector<256x640xf32>
    %mul3A = vector.broadcast %get3A_1 : vector<1x640xf32> to vector<256x640xf32>
    %mul3A_15 = arith.mulf %get3A_14, %mul3A : vector<256x640xf32>
    %add3A = vector.broadcast %get3A_4 : vector<1x640xf32> to vector<256x640xf32>
    %add3A_16 = arith.addf %mul3A_15, %add3A : vector<256x640xf32>
    %max3A = arith.constant 0.000000e+00 : f32
    %max3A_17 = vector.broadcast %max3A : f32 to vector<256x640xf32>
    %max3A_18 = arith.maximumf %add3A_16, %max3A_17 : vector<256x640xf32>
    %mul3A_19 = arith.mulf %max3A_18, %dot_general3A_11 : vector<256x640xf32>
    %eq3A = arith.constant 0 : i32
    %eq3A_20 = arith.cmpi eq, %arg0, %eq3A : i32
    %convert_element_type3A = arith.extui %eq3A_20 : i1 to i32
    %cond3A = arith.constant 0 : i32
    %cond3A_21 = arith.cmpi ne, %convert_element_type3A, %cond3A : i32
    scf.if %cond3A_21 {
      %broadcast_in_dim3A = arith.constant 0.000000e+00 : f32
      %broadcast_in_dim3A_30 = vector.broadcast %broadcast_in_dim3A : f32 to vector<3x640xf32>
      %swap3A = arith.constant 0 : index
      %swap3A_31 = arith.constant 0 : index
      %swap3A_32 = vector.load %arg8[%swap3A, %swap3A_31] : memref<3x640xf32, #tpu.memory_space<vmem>>, vector<3x640xf32>
      tpu.vector_store %arg8[%swap3A, %swap3A_31], %broadcast_in_dim3A_30 {strides = array<i32>} : memref<3x640xf32, #tpu.memory_space<vmem>>, vector<3x640xf32>,
      %broadcast_in_dim3A_33 = arith.constant 0.000000e+00 : f32
      %broadcast_in_dim3A_34 = vector.broadcast %broadcast_in_dim3A_33 : f32 to vector<1x640xf32>
      %swap3A_35 = arith.constant 0 : index
      %swap3A_36 = arith.constant 0 : index
      %swap3A_37 = vector.load %arg11[%swap3A_35, %swap3A_36] : memref<1x640xf32, #tpu.memory_space<vmem>>, vector<1x640xf32>
      tpu.vector_store %arg11[%swap3A_35, %swap3A_36], %broadcast_in_dim3A_34 {strides = array<i32>} : memref<1x640xf32, #tpu.memory_space<vmem>>, vector<1x640xf32>,
    } else {
    }
    %gt3A = arith.constant 0 : i32
    %gt3A_22 = arith.cmpi sgt, %arg0, %gt3A : i32
    %convert_element_type3A_23 = arith.extui %gt3A_22 : i1 to i32
    %cond3A_24 = arith.constant 0 : i32
    %cond3A_25 = arith.cmpi ne, %convert_element_type3A_23, %cond3A_24 : i32
    scf.if %cond3A_25 {
      %get3A_30 = arith.constant 0 : index
      %get3A_31 = arith.constant 0 : index
      %get3A_32 = vector.load %arg9[%get3A_30, %get3A_31] : memref<256x640xf32, #tpu.memory_space<vmem>>, vector<256x640xf32>
      %lt3A_33 = arith.constant 8 : i32
      %lt3A_34 = arith.cmpi slt, %arg0, %lt3A_33 : i32
      %jit3A = arith.constant 1.000000e+00 : f32
      %jit3A_35 = arith.constant 0.000000e+00 : f32
      %select_n3A = arith.select %lt3A_34, %jit3A, %jit3A_35 : f32
      %get3A_36 = arith.constant 0 : index
      %get3A_37 = arith.constant 0 : index
      %get3A_38 = vector.load %arg11[%get3A_36, %get3A_37] : memref<1x640xf32, #tpu.memory_space<vmem>>, vector<1x640xf32>
      %slice3A = vector.extract_strided_slice %get3A_32 {offsets = [0, 0], sizes = [255, 640], strides = [1, 1]} : vector<256x640xf32> to vector<255x640xf32>
      %concatenate3A = tpu.concatenate %get3A_38, %slice3A in 0 : vector<1x640xf32>, vector<255x640xf32> -> vector<256x640xf32>
      %slice3A_39 = vector.extract_strided_slice %get3A_32 {offsets = [1, 0], sizes = [255, 640], strides = [1, 1]} : vector<256x640xf32> to vector<255x640xf32>
      %slice3A_40 = vector.extract_strided_slice %mul3A_19 {offsets = [0, 0], sizes = [1, 640], strides = [1, 1]} : vector<256x640xf32> to vector<1x640xf32>
      %mul3A_41 = vector.broadcast %select_n3A : f32 to vector<1x640xf32>
      %mul3A_42 = arith.mulf %slice3A_40, %mul3A_41 : vector<1x640xf32>
      %concatenate3A_43 = tpu.concatenate %slice3A_39, %mul3A_42 in 0 : vector<255x640xf32>, vector<1x640xf32> -> vector<256x640xf32>
      %slice3A_44 = vector.extract_strided_slice %concatenate3A {offsets = [0, 560], sizes = [256, 80], strides = [1, 1]} : vector<256x640xf32> to vector<256x80xf32>
      %slice3A_45 = vector.extract_strided_slice %get3A_32 {offsets = [0, 0], sizes = [256, 560], strides = [1, 1]} : vector<256x640xf32> to vector<256x560xf32>
      %concatenate3A_46 = tpu.concatenate %slice3A_44, %slice3A_45 in 1 : vector<256x80xf32>, vector<256x560xf32> -> vector<256x640xf32>
      %slice3A_47 = vector.extract_strided_slice %get3A_32 {offsets = [0, 80], sizes = [256, 560], strides = [1, 1]} : vector<256x640xf32> to vector<256x560xf32>
      %slice3A_48 = vector.extract_strided_slice %concatenate3A_43 {offsets = [0, 0], sizes = [256, 80], strides = [1, 1]} : vector<256x640xf32> to vector<256x80xf32>
      %concatenate3A_49 = tpu.concatenate %slice3A_47, %slice3A_48 in 1 : vector<256x560xf32>, vector<256x80xf32> -> vector<256x640xf32>
      %get3A_50 = arith.constant 0 : index
      %get3A_51 = arith.constant 0 : index
      %get3A_52 = arith.constant 0 : index
      %get3A_53 = vector.load %arg5[%get3A_50, %get3A_51, %get3A_52] : memref<3x640x640xf32, #tpu.memory_space<vmem>>, vector<1x640x640xf32>
      %get3A_54 = vector.shape_cast %get3A_53 : vector<1x640x640xf32> to vector<640x640xf32>
      %dot_general3A_55 = arith.constant dense<0.000000e+00> : vector<256x640xf32>
      %dot_general3A_56 = tpu.matmul %concatenate3A_46, %get3A_54, %dot_general3A_55 {dimension_numbers = #tpu.dot_dimension_numbers<[1], [0], [0], [1], [0, 0, 1, 1], [], []>, transpose_lhs_hint = false} : vector<256x640xf32>, vector<640x640xf32>, vector<256x640xf32> -> vector<256x640xf32>
      %get3A_57 = arith.constant 1 : index
      %get3A_58 = arith.constant 0 : index
      %get3A_59 = arith.constant 0 : index
      %get3A_60 = vector.load %arg5[%get3A_57, %get3A_58, %get3A_59] : memref<3x640x640xf32, #tpu.memory_space<vmem>>, vector<1x640x640xf32>
      %get3A_61 = vector.shape_cast %get3A_60 : vector<1x640x640xf32> to vector<640x640xf32>
      %dot_general3A_62 = arith.constant dense<0.000000e+00> : vector<256x640xf32>
      %dot_general3A_63 = tpu.matmul %get3A_32, %get3A_61, %dot_general3A_62 {dimension_numbers = #tpu.dot_dimension_numbers<[1], [0], [0], [1], [0, 0, 1, 1], [], []>, transpose_lhs_hint = false} : vector<256x640xf32>, vector<640x640xf32>, vector<256x640xf32> -> vector<256x640xf32>
      %add3A_64 = arith.addf %dot_general3A_56, %dot_general3A_63 : vector<256x640xf32>
      %get3A_65 = arith.constant 2 : index
      %get3A_66 = arith.constant 0 : index
      %get3A_67 = arith.constant 0 : index
      %get3A_68 = vector.load %arg5[%get3A_65, %get3A_66, %get3A_67] : memref<3x640x640xf32, #tpu.memory_space<vmem>>, vector<1x640x640xf32>
      %get3A_69 = vector.shape_cast %get3A_68 : vector<1x640x640xf32> to vector<640x640xf32>
      %dot_general3A_70 = arith.constant dense<0.000000e+00> : vector<256x640xf32>
      %dot_general3A_71 = tpu.matmul %concatenate3A_49, %get3A_69, %dot_general3A_70 {dimension_numbers = #tpu.dot_dimension_numbers<[1], [0], [0], [1], [0, 0, 1, 1], [], []>, transpose_lhs_hint = false} : vector<256x640xf32>, vector<640x640xf32>, vector<256x640xf32> -> vector<256x640xf32>
      %add3A_72 = arith.addf %add3A_64, %dot_general3A_71 : vector<256x640xf32>
      %get3A_73 = arith.constant 0 : index
      %get3A_74 = arith.constant 0 : index
      %get3A_75 = vector.load %arg10[%get3A_73, %get3A_74] : memref<256x640xf32, #tpu.memory_space<vmem>>, vector<256x640xf32>
      %mul3A_76 = arith.mulf %add3A_72, %get3A_75 : vector<256x640xf32>
      %swap3A = arith.constant 0 : index
      %swap3A_77 = arith.constant 0 : index
      %swap3A_78 = vector.load %arg7[%swap3A, %swap3A_77] : memref<256x640xf32, #tpu.memory_space<vmem>>, vector<256x640xf32>
      tpu.vector_store %arg7[%swap3A, %swap3A_77], %mul3A_76 {strides = array<i32>} : memref<256x640xf32, #tpu.memory_space<vmem>>, vector<256x640xf32>,
      %get3A_79 = arith.constant 0 : index
      %get3A_80 = arith.constant 0 : index
      %get3A_81 = vector.load %arg8[%get3A_79, %get3A_80] : memref<3x640xf32, #tpu.memory_space<vmem>>, vector<1x640xf32>
      %reduce_sum3A = arith.constant dense<0.000000e+00> : vector<640xf32>
      %reduce_sum3A_82 = vector.multi_reduction <add>, %mul3A_76, %reduce_sum3A [0] : vector<256x640xf32> to vector<640xf32>
      %broadcast_in_dim3A = vector.shape_cast %reduce_sum3A_82 : vector<640xf32> to vector<1x640xf32>
      %add3A_83 = arith.addf %get3A_81, %broadcast_in_dim3A : vector<1x640xf32>
      %swap3A_84 = arith.constant 0 : index
      %swap3A_85 = arith.constant 0 : index
      %swap3A_86 = vector.load %arg8[%swap3A_84, %swap3A_85] : memref<3x640xf32, #tpu.memory_space<vmem>>, vector<1x640xf32>
      tpu.vector_store %arg8[%swap3A_84, %swap3A_85], %add3A_83 {strides = array<i32>} : memref<3x640xf32, #tpu.memory_space<vmem>>, vector<1x640xf32>,
      %get3A_87 = arith.constant 1 : index
      %get3A_88 = arith.constant 0 : index
      %get3A_89 = vector.load %arg8[%get3A_87, %get3A_88] : memref<3x640xf32, #tpu.memory_space<vmem>>, vector<1x640xf32>
      %mul3A_90 = arith.mulf %mul3A_76, %mul3A_76 : vector<256x640xf32>
      %reduce_sum3A_91 = arith.constant dense<0.000000e+00> : vector<640xf32>
      %reduce_sum3A_92 = vector.multi_reduction <add>, %mul3A_90, %reduce_sum3A_91 [0] : vector<256x640xf32> to vector<640xf32>
      %broadcast_in_dim3A_93 = vector.shape_cast %reduce_sum3A_92 : vector<640xf32> to vector<1x640xf32>
      %add3A_94 = arith.addf %get3A_89, %broadcast_in_dim3A_93 : vector<1x640xf32>
      %swap3A_95 = arith.constant 1 : index
      %swap3A_96 = arith.constant 0 : index
      %swap3A_97 = vector.load %arg8[%swap3A_95, %swap3A_96] : memref<3x640xf32, #tpu.memory_space<vmem>>, vector<1x640xf32>
      tpu.vector_store %arg8[%swap3A_95, %swap3A_96], %add3A_94 {strides = array<i32>} : memref<3x640xf32, #tpu.memory_space<vmem>>, vector<1x640xf32>,
      %slice3A_98 = vector.extract_strided_slice %get3A_32 {offsets = [255, 0], sizes = [1, 640], strides = [1, 1]} : vector<256x640xf32> to vector<1x640xf32>
      %swap3A_99 = arith.constant 0 : index
      %swap3A_100 = arith.constant 0 : index
      %swap3A_101 = vector.load %arg11[%swap3A_99, %swap3A_100] : memref<1x640xf32, #tpu.memory_space<vmem>>, vector<1x640xf32>
      tpu.vector_store %arg11[%swap3A_99, %swap3A_100], %slice3A_98 {strides = array<i32>} : memref<1x640xf32, #tpu.memory_space<vmem>>, vector<1x640xf32>,
    } else {
    }
    %lt3A = arith.constant 8 : i32
    %lt3A_26 = arith.cmpi slt, %arg0, %lt3A : i32
    %convert_element_type3A_27 = arith.extui %lt3A_26 : i1 to i32
    %cond3A_28 = arith.constant 0 : i32
    %cond3A_29 = arith.cmpi ne, %convert_element_type3A_27, %cond3A_28 : i32
    scf.if %cond3A_29 {
      %swap3A = arith.constant 0 : index
      %swap3A_30 = arith.constant 0 : index
      %swap3A_31 = vector.load %arg9[%swap3A, %swap3A_30] : memref<256x640xf32, #tpu.memory_space<vmem>>, vector<256x640xf32>
      tpu.vector_store %arg9[%swap3A, %swap3A_30], %mul3A_19 {strides = array<i32>} : memref<256x640xf32, #tpu.memory_space<vmem>>, vector<256x640xf32>,
      %swap3A_32 = arith.constant 0 : index
      %swap3A_33 = arith.constant 0 : index
      %swap3A_34 = vector.load %arg10[%swap3A_32, %swap3A_33] : memref<256x640xf32, #tpu.memory_space<vmem>>, vector<256x640xf32>
      tpu.vector_store %arg10[%swap3A_32, %swap3A_33], %dot_general3A_11 {strides = array<i32>} : memref<256x640xf32, #tpu.memory_space<vmem>>, vector<256x640xf32>,
    } else {
    }
    return
  }
  func.func @transform_0(%arg0: i32) -> (i32, i32) {
    %min3A = arith.constant 7 : i32
    %min3A_0 = arith.minsi %arg0, %min3A : i32
    %c0_i32 = arith.constant 0 : i32
    %c0_i32_1 = arith.constant 0 : i32
    return %min3A_0, %c0_i32 : i32, i32
  }
  func.func @transform_1(%arg0: i32) -> (i32, i32) {
    %min3A = arith.constant 7 : i32
    %min3A_0 = arith.minsi %arg0, %min3A : i32
    %c0_i32 = arith.constant 0 : i32
    %c0_i32_1 = arith.constant 0 : i32
    return %min3A_0, %c0_i32 : i32, i32
  }
  func.func @transform_2(%arg0: i32) -> (i32, i32) {
    %c0_i32 = arith.constant 0 : i32
    %c0_i32_0 = arith.constant 0 : i32
    %c0_i32_1 = arith.constant 0 : i32
    return %c0_i32, %c0_i32_0 : i32, i32
  }
  func.func @transform_3(%arg0: i32) -> (i32, i32) {
    %c0_i32 = arith.constant 0 : i32
    %c0_i32_0 = arith.constant 0 : i32
    %c0_i32_1 = arith.constant 0 : i32
    return %c0_i32, %c0_i32_0 : i32, i32
  }
  func.func @transform_4(%arg0: i32) -> (i32, i32, i32) {
    %c0_i32 = arith.constant 0 : i32
    %c0_i32_0 = arith.constant 0 : i32
    %c0_i32_1 = arith.constant 0 : i32
    %c0_i32_2 = arith.constant 0 : i32
    return %c0_i32, %c0_i32_0, %c0_i32_1 : i32, i32, i32
  }
  func.func @transform_5(%arg0: i32) -> (i32, i32) {
    %c0_i32 = arith.constant 0 : i32
    %c0_i32_0 = arith.constant 0 : i32
    %c0_i32_1 = arith.constant 0 : i32
    return %c0_i32, %c0_i32_0 : i32, i32
  }
  func.func @transform_6(%arg0: i32) -> (i32, i32) {
    %sub3A = arith.constant 1 : i32
    %sub3A_0 = arith.subi %arg0, %sub3A : i32
    %max3A = arith.constant 0 : i32
    %max3A_1 = arith.maxsi %sub3A_0, %max3A : i32
    %c0_i32 = arith.constant 0 : i32
    %c0_i32_2 = arith.constant 0 : i32
    return %max3A_1, %c0_i32 : i32, i32
  }
  func.func @transform_7(%arg0: i32) -> (i32, i32) {
    %c0_i32 = arith.constant 0 : i32
    %c0_i32_0 = arith.constant 0 : i32
    %c0_i32_1 = arith.constant 0 : i32
    return %c0_i32, %c0_i32_0 : i32, i32
  }
}

module attributes {stable_mosaic.version = 14 : i64} {
  func.func @body(%arg0: i32, %arg1: memref<128x1280xf32, #tpu.memory_space<vmem>>, %arg2: memref<128x16xf32, #tpu.memory_space<vmem>>, %arg3: memref<1x1280xf32, #tpu.memory_space<vmem>>, %arg4: memref<1x1280xf32, #tpu.memory_space<vmem>>, %arg5: memref<1280x768xf32, #tpu.memory_space<vmem>>, %arg6: memref<16x1280xf32, #tpu.memory_space<vmem>>, %arg7: memref<16x8xf32, #tpu.memory_space<vmem>>, %arg8: memref<128x768xf32, #tpu.memory_space<vmem>>, %arg9: memref<128x8xf32, #tpu.memory_space<vmem>>, %arg10: memref<3x768xf32, #tpu.memory_space<vmem>>) attributes {dimension_semantics = [#tpu.dimension_semantics<arbitrary>], iteration_bounds = array<i64: 8>, scalar_prefetch = 0 : i64, scratch_operands = 0 : i64, tpu.core_type = #tpu.core_type<tc>, window_params = [{transform_indices = @transform_0, window_bounds = array<i64: 128, 1280>}, {transform_indices = @transform_1, window_bounds = array<i64: 128, 16>}, {pipeline_mode = #tpu.pipeline_mode<synchronous>, transform_indices = @transform_2, window_bounds = array<i64: 1, 1280>}, {pipeline_mode = #tpu.pipeline_mode<synchronous>, transform_indices = @transform_3, window_bounds = array<i64: 1, 1280>}, {pipeline_mode = #tpu.pipeline_mode<synchronous>, transform_indices = @transform_4, window_bounds = array<i64: 1280, 768>}, {pipeline_mode = #tpu.pipeline_mode<synchronous>, transform_indices = @transform_5, window_bounds = array<i64: 16, 1280>}, {pipeline_mode = #tpu.pipeline_mode<synchronous>, transform_indices = @transform_6, window_bounds = array<i64: 16, 8>}, {transform_indices = @transform_7, window_bounds = array<i64: 128, 768>}, {transform_indices = @transform_8, window_bounds = array<i64: 128, 8>}, {pipeline_mode = #tpu.pipeline_mode<synchronous>, transform_indices = @transform_9, window_bounds = array<i64: 3, 768>}]} {
    %get3A = arith.constant 0 : index
    %get3A_0 = arith.constant 0 : index
    %get3A_1 = vector.load %arg3[%get3A, %get3A_0] : memref<1x1280xf32, #tpu.memory_space<vmem>>, vector<1x1280xf32>
    %get3A_2 = arith.constant 0 : index
    %get3A_3 = arith.constant 0 : index
    %get3A_4 = vector.load %arg4[%get3A_2, %get3A_3] : memref<1x1280xf32, #tpu.memory_space<vmem>>, vector<1x1280xf32>
    %get3A_5 = arith.constant 0 : index
    %get3A_6 = arith.constant 0 : index
    %get3A_7 = vector.load %arg2[%get3A_5, %get3A_6] : memref<128x16xf32, #tpu.memory_space<vmem>>, vector<128x16xf32>
    %get3A_8 = arith.constant 0 : index
    %get3A_9 = arith.constant 0 : index
    %get3A_10 = vector.load %arg1[%get3A_8, %get3A_9] : memref<128x1280xf32, #tpu.memory_space<vmem>>, vector<128x1280xf32>
    %mul3A = vector.broadcast %get3A_1 : vector<1x1280xf32> to vector<128x1280xf32>
    %mul3A_11 = arith.mulf %get3A_10, %mul3A : vector<128x1280xf32>
    %add3A = vector.broadcast %get3A_4 : vector<1x1280xf32> to vector<128x1280xf32>
    %add3A_12 = arith.addf %mul3A_11, %add3A : vector<128x1280xf32>
    %max3A = arith.constant 0.000000e+00 : f32
    %max3A_13 = vector.broadcast %max3A : f32 to vector<128x1280xf32>
    %max3A_14 = arith.maximumf %add3A_12, %max3A_13 : vector<128x1280xf32>
    %get3A_15 = arith.constant 0 : index
    %get3A_16 = arith.constant 0 : index
    %get3A_17 = vector.load %arg6[%get3A_15, %get3A_16] : memref<16x1280xf32, #tpu.memory_space<vmem>>, vector<16x1280xf32>
    %dot_general3A = arith.constant dense<0.000000e+00> : vector<128x1280xf32>
    %dot_general3A_18 = tpu.matmul %get3A_7, %get3A_17, %dot_general3A {dimension_numbers = #tpu.dot_dimension_numbers<[1], [0], [0], [1], [0, 0, 1, 1], [], []>, transpose_lhs_hint = false} : vector<128x16xf32>, vector<16x1280xf32>, vector<128x1280xf32> -> vector<128x1280xf32>
    %mul3A_19 = arith.mulf %max3A_14, %dot_general3A_18 : vector<128x1280xf32>
    %get3A_20 = arith.constant 0 : index
    %get3A_21 = arith.constant 0 : index
    %get3A_22 = vector.load %arg5[%get3A_20, %get3A_21] : memref<1280x768xf32, #tpu.memory_space<vmem>>, vector<1280x768xf32>
    %dot_general3A_23 = arith.constant dense<0.000000e+00> : vector<128x768xf32>
    %dot_general3A_24 = tpu.matmul %mul3A_19, %get3A_22, %dot_general3A_23 {dimension_numbers = #tpu.dot_dimension_numbers<[1], [0], [0], [1], [0, 0, 1, 1], [], []>, transpose_lhs_hint = false} : vector<128x1280xf32>, vector<1280x768xf32>, vector<128x768xf32> -> vector<128x768xf32>
    %get3A_25 = arith.constant 0 : index
    %get3A_26 = arith.constant 0 : index
    %get3A_27 = vector.load %arg7[%get3A_25, %get3A_26] : memref<16x8xf32, #tpu.memory_space<vmem>>, vector<16x8xf32>
    %dot_general3A_28 = arith.constant dense<0.000000e+00> : vector<128x8xf32>
    %dot_general3A_29 = tpu.matmul %get3A_7, %get3A_27, %dot_general3A_28 {dimension_numbers = #tpu.dot_dimension_numbers<[1], [0], [0], [1], [0, 0, 1, 1], [], []>, transpose_lhs_hint = false} : vector<128x16xf32>, vector<16x8xf32>, vector<128x8xf32> -> vector<128x8xf32>
    %min3A = arith.constant 1.000000e+00 : f32
    %min3A_30 = vector.broadcast %min3A : f32 to vector<128x8xf32>
    %min3A_31 = arith.minimumf %dot_general3A_29, %min3A_30 : vector<128x8xf32>
    %swap3A = arith.constant 0 : index
    %swap3A_32 = arith.constant 0 : index
    %swap3A_33 = vector.load %arg8[%swap3A, %swap3A_32] : memref<128x768xf32, #tpu.memory_space<vmem>>, vector<128x768xf32>
    tpu.vector_store %arg8[%swap3A, %swap3A_32], %dot_general3A_24 {strides = array<i32>} : memref<128x768xf32, #tpu.memory_space<vmem>>, vector<128x768xf32>,
    %swap3A_34 = arith.constant 0 : index
    %swap3A_35 = arith.constant 0 : index
    %swap3A_36 = vector.load %arg9[%swap3A_34, %swap3A_35] : memref<128x8xf32, #tpu.memory_space<vmem>>, vector<128x8xf32>
    tpu.vector_store %arg9[%swap3A_34, %swap3A_35], %min3A_31 {strides = array<i32>} : memref<128x8xf32, #tpu.memory_space<vmem>>, vector<128x8xf32>,
    %eq3A = arith.constant 0 : i32
    %eq3A_37 = arith.cmpi eq, %arg0, %eq3A : i32
    %convert_element_type3A = arith.extui %eq3A_37 : i1 to i32
    %cond3A = arith.constant 0 : i32
    %cond3A_38 = arith.cmpi ne, %convert_element_type3A, %cond3A : i32
    scf.if %cond3A_38 {
      %broadcast_in_dim3A_71 = arith.constant 0.000000e+00 : f32
      %broadcast_in_dim3A_72 = vector.broadcast %broadcast_in_dim3A_71 : f32 to vector<3x768xf32>
      %swap3A_73 = arith.constant 0 : index
      %swap3A_74 = arith.constant 0 : index
      %swap3A_75 = vector.load %arg10[%swap3A_73, %swap3A_74] : memref<3x768xf32, #tpu.memory_space<vmem>>, vector<3x768xf32>
      tpu.vector_store %arg10[%swap3A_73, %swap3A_74], %broadcast_in_dim3A_72 {strides = array<i32>} : memref<3x768xf32, #tpu.memory_space<vmem>>, vector<3x768xf32>,
    } else {
    }
    %get3A_39 = arith.constant 0 : index
    %get3A_40 = arith.constant 0 : index
    %get3A_41 = vector.load %arg10[%get3A_39, %get3A_40] : memref<3x768xf32, #tpu.memory_space<vmem>>, vector<1x768xf32>
    %reduce_sum3A = arith.constant dense<0.000000e+00> : vector<768xf32>
    %reduce_sum3A_42 = vector.multi_reduction <add>, %dot_general3A_24, %reduce_sum3A [0] : vector<128x768xf32> to vector<768xf32>
    %broadcast_in_dim3A = vector.shape_cast %reduce_sum3A_42 : vector<768xf32> to vector<1x768xf32>
    %add3A_43 = arith.addf %get3A_41, %broadcast_in_dim3A : vector<1x768xf32>
    %swap3A_44 = arith.constant 0 : index
    %swap3A_45 = arith.constant 0 : index
    %swap3A_46 = vector.load %arg10[%swap3A_44, %swap3A_45] : memref<3x768xf32, #tpu.memory_space<vmem>>, vector<1x768xf32>
    tpu.vector_store %arg10[%swap3A_44, %swap3A_45], %add3A_43 {strides = array<i32>} : memref<3x768xf32, #tpu.memory_space<vmem>>, vector<1x768xf32>,
    %get3A_47 = arith.constant 1 : index
    %get3A_48 = arith.constant 0 : index
    %get3A_49 = vector.load %arg10[%get3A_47, %get3A_48] : memref<3x768xf32, #tpu.memory_space<vmem>>, vector<1x768xf32>
    %mul3A_50 = arith.mulf %dot_general3A_24, %dot_general3A_24 : vector<128x768xf32>
    %reduce_sum3A_51 = arith.constant dense<0.000000e+00> : vector<768xf32>
    %reduce_sum3A_52 = vector.multi_reduction <add>, %mul3A_50, %reduce_sum3A_51 [0] : vector<128x768xf32> to vector<768xf32>
    %broadcast_in_dim3A_53 = vector.shape_cast %reduce_sum3A_52 : vector<768xf32> to vector<1x768xf32>
    %add3A_54 = arith.addf %get3A_49, %broadcast_in_dim3A_53 : vector<1x768xf32>
    %swap3A_55 = arith.constant 1 : index
    %swap3A_56 = arith.constant 0 : index
    %swap3A_57 = vector.load %arg10[%swap3A_55, %swap3A_56] : memref<3x768xf32, #tpu.memory_space<vmem>>, vector<1x768xf32>
    tpu.vector_store %arg10[%swap3A_55, %swap3A_56], %add3A_54 {strides = array<i32>} : memref<3x768xf32, #tpu.memory_space<vmem>>, vector<1x768xf32>,
    %get3A_58 = arith.constant 2 : index
    %get3A_59 = arith.constant 0 : index
    %get3A_60 = vector.load %arg10[%get3A_58, %get3A_59] : memref<3x768xf32, #tpu.memory_space<vmem>>, vector<1x768xf32>
    %reduce_sum3A_61 = vector.shape_cast %min3A_31 : vector<128x8xf32> to vector<1x128x8xf32>
    %reduce_sum3A_62 = arith.constant dense<0.000000e+00> : vector<1xf32>
    %reduce_sum3A_63 = vector.multi_reduction <add>, %reduce_sum3A_61, %reduce_sum3A_62 [1, 2] : vector<1x128x8xf32> to vector<1xf32>
    %reduce_sum3A_64 = vector.shape_cast %reduce_sum3A_63 : vector<1xf32> to vector<1x1x1xf32>
    %reduce_sum3A_65 = vector.extract %reduce_sum3A_64[0, 0, 0] : f32 from vector<1x1x1xf32>
    %broadcast_in_dim3A_66 = vector.broadcast %reduce_sum3A_65 : f32 to vector<1x768xf32>
    %add3A_67 = arith.addf %get3A_60, %broadcast_in_dim3A_66 : vector<1x768xf32>
    %swap3A_68 = arith.constant 2 : index
    %swap3A_69 = arith.constant 0 : index
    %swap3A_70 = vector.load %arg10[%swap3A_68, %swap3A_69] : memref<3x768xf32, #tpu.memory_space<vmem>>, vector<1x768xf32>
    tpu.vector_store %arg10[%swap3A_68, %swap3A_69], %add3A_67 {strides = array<i32>} : memref<3x768xf32, #tpu.memory_space<vmem>>, vector<1x768xf32>,
    return
  }
  func.func @transform_0(%arg0: i32) -> (i32, i32) {
    %c0_i32 = arith.constant 0 : i32
    %c0_i32_0 = arith.constant 0 : i32
    return %arg0, %c0_i32 : i32, i32
  }
  func.func @transform_1(%arg0: i32) -> (i32, i32) {
    %c0_i32 = arith.constant 0 : i32
    %c0_i32_0 = arith.constant 0 : i32
    return %arg0, %c0_i32 : i32, i32
  }
  func.func @transform_2(%arg0: i32) -> (i32, i32) {
    %c0_i32 = arith.constant 0 : i32
    %c0_i32_0 = arith.constant 0 : i32
    %c0_i32_1 = arith.constant 0 : i32
    return %c0_i32, %c0_i32_0 : i32, i32
  }
  func.func @transform_3(%arg0: i32) -> (i32, i32) {
    %c0_i32 = arith.constant 0 : i32
    %c0_i32_0 = arith.constant 0 : i32
    %c0_i32_1 = arith.constant 0 : i32
    return %c0_i32, %c0_i32_0 : i32, i32
  }
  func.func @transform_4(%arg0: i32) -> (i32, i32) {
    %c0_i32 = arith.constant 0 : i32
    %c0_i32_0 = arith.constant 0 : i32
    %c0_i32_1 = arith.constant 0 : i32
    return %c0_i32, %c0_i32_0 : i32, i32
  }
  func.func @transform_5(%arg0: i32) -> (i32, i32) {
    %c0_i32 = arith.constant 0 : i32
    %c0_i32_0 = arith.constant 0 : i32
    %c0_i32_1 = arith.constant 0 : i32
    return %c0_i32, %c0_i32_0 : i32, i32
  }
  func.func @transform_6(%arg0: i32) -> (i32, i32) {
    %c0_i32 = arith.constant 0 : i32
    %c0_i32_0 = arith.constant 0 : i32
    %c0_i32_1 = arith.constant 0 : i32
    return %c0_i32, %c0_i32_0 : i32, i32
  }
  func.func @transform_7(%arg0: i32) -> (i32, i32) {
    %c0_i32 = arith.constant 0 : i32
    %c0_i32_0 = arith.constant 0 : i32
    return %arg0, %c0_i32 : i32, i32
  }
  func.func @transform_8(%arg0: i32) -> (i32, i32) {
    %c0_i32 = arith.constant 0 : i32
    %c0_i32_0 = arith.constant 0 : i32
    return %arg0, %c0_i32 : i32, i32
  }
  func.func @transform_9(%arg0: i32) -> (i32, i32) {
    %c0_i32 = arith.constant 0 : i32
    %c0_i32_0 = arith.constant 0 : i32
    %c0_i32_1 = arith.constant 0 : i32
    return %c0_i32, %c0_i32_0 : i32, i32
  }
}

module attributes {stable_mosaic.version = 14 : i64} {
  func.func @body(%arg0: i32, %arg1: memref<256x768xf32, #tpu.memory_space<vmem>>, %arg2: memref<256x8xf32, #tpu.memory_space<vmem>>, %arg3: memref<1x768xf32, #tpu.memory_space<vmem>>, %arg4: memref<1x768xf32, #tpu.memory_space<vmem>>, %arg5: memref<3x768x768xf32, #tpu.memory_space<vmem>>, %arg6: memref<8x768xf32, #tpu.memory_space<vmem>>, %arg7: memref<256x768xf32, #tpu.memory_space<vmem>>, %arg8: memref<3x768xf32, #tpu.memory_space<vmem>>, %arg9: memref<256x768xf32, #tpu.memory_space<vmem>>, %arg10: memref<256x768xf32, #tpu.memory_space<vmem>>, %arg11: memref<1x768xf32, #tpu.memory_space<vmem>>) attributes {dimension_semantics = [#tpu.dimension_semantics<arbitrary>], iteration_bounds = array<i64: 5>, scalar_prefetch = 0 : i64, scratch_operands = 3 : i64, tpu.core_type = #tpu.core_type<tc>, window_params = [{transform_indices = @transform_0, window_bounds = array<i64: 256, 768>}, {transform_indices = @transform_1, window_bounds = array<i64: 256, 8>}, {pipeline_mode = #tpu.pipeline_mode<synchronous>, transform_indices = @transform_2, window_bounds = array<i64: 1, 768>}, {pipeline_mode = #tpu.pipeline_mode<synchronous>, transform_indices = @transform_3, window_bounds = array<i64: 1, 768>}, {pipeline_mode = #tpu.pipeline_mode<synchronous>, transform_indices = @transform_4, window_bounds = array<i64: 3, 768, 768>}, {pipeline_mode = #tpu.pipeline_mode<synchronous>, transform_indices = @transform_5, window_bounds = array<i64: 8, 768>}, {transform_indices = @transform_6, window_bounds = array<i64: 256, 768>}, {pipeline_mode = #tpu.pipeline_mode<synchronous>, transform_indices = @transform_7, window_bounds = array<i64: 3, 768>}]} {
    %get3A = arith.constant 0 : index
    %get3A_0 = arith.constant 0 : index
    %get3A_1 = vector.load %arg3[%get3A, %get3A_0] : memref<1x768xf32, #tpu.memory_space<vmem>>, vector<1x768xf32>
    %get3A_2 = arith.constant 0 : index
    %get3A_3 = arith.constant 0 : index
    %get3A_4 = vector.load %arg4[%get3A_2, %get3A_3] : memref<1x768xf32, #tpu.memory_space<vmem>>, vector<1x768xf32>
    %get3A_5 = arith.constant 0 : index
    %get3A_6 = arith.constant 0 : index
    %get3A_7 = vector.load %arg6[%get3A_5, %get3A_6] : memref<8x768xf32, #tpu.memory_space<vmem>>, vector<8x768xf32>
    %get3A_8 = arith.constant 0 : index
    %get3A_9 = arith.constant 0 : index
    %get3A_10 = vector.load %arg2[%get3A_8, %get3A_9] : memref<256x8xf32, #tpu.memory_space<vmem>>, vector<256x8xf32>
    %dot_general3A = arith.constant dense<0.000000e+00> : vector<256x768xf32>
    %dot_general3A_11 = tpu.matmul %get3A_10, %get3A_7, %dot_general3A {dimension_numbers = #tpu.dot_dimension_numbers<[1], [0], [0], [1], [0, 0, 1, 1], [], []>, transpose_lhs_hint = false} : vector<256x8xf32>, vector<8x768xf32>, vector<256x768xf32> -> vector<256x768xf32>
    %get3A_12 = arith.constant 0 : index
    %get3A_13 = arith.constant 0 : index
    %get3A_14 = vector.load %arg1[%get3A_12, %get3A_13] : memref<256x768xf32, #tpu.memory_space<vmem>>, vector<256x768xf32>
    %mul3A = vector.broadcast %get3A_1 : vector<1x768xf32> to vector<256x768xf32>
    %mul3A_15 = arith.mulf %get3A_14, %mul3A : vector<256x768xf32>
    %add3A = vector.broadcast %get3A_4 : vector<1x768xf32> to vector<256x768xf32>
    %add3A_16 = arith.addf %mul3A_15, %add3A : vector<256x768xf32>
    %max3A = arith.constant 0.000000e+00 : f32
    %max3A_17 = vector.broadcast %max3A : f32 to vector<256x768xf32>
    %max3A_18 = arith.maximumf %add3A_16, %max3A_17 : vector<256x768xf32>
    %mul3A_19 = arith.mulf %max3A_18, %dot_general3A_11 : vector<256x768xf32>
    %eq3A = arith.constant 0 : i32
    %eq3A_20 = arith.cmpi eq, %arg0, %eq3A : i32
    %convert_element_type3A = arith.extui %eq3A_20 : i1 to i32
    %cond3A = arith.constant 0 : i32
    %cond3A_21 = arith.cmpi ne, %convert_element_type3A, %cond3A : i32
    scf.if %cond3A_21 {
      %broadcast_in_dim3A = arith.constant 0.000000e+00 : f32
      %broadcast_in_dim3A_30 = vector.broadcast %broadcast_in_dim3A : f32 to vector<3x768xf32>
      %swap3A = arith.constant 0 : index
      %swap3A_31 = arith.constant 0 : index
      %swap3A_32 = vector.load %arg8[%swap3A, %swap3A_31] : memref<3x768xf32, #tpu.memory_space<vmem>>, vector<3x768xf32>
      tpu.vector_store %arg8[%swap3A, %swap3A_31], %broadcast_in_dim3A_30 {strides = array<i32>} : memref<3x768xf32, #tpu.memory_space<vmem>>, vector<3x768xf32>,
      %broadcast_in_dim3A_33 = arith.constant 0.000000e+00 : f32
      %broadcast_in_dim3A_34 = vector.broadcast %broadcast_in_dim3A_33 : f32 to vector<1x768xf32>
      %swap3A_35 = arith.constant 0 : index
      %swap3A_36 = arith.constant 0 : index
      %swap3A_37 = vector.load %arg11[%swap3A_35, %swap3A_36] : memref<1x768xf32, #tpu.memory_space<vmem>>, vector<1x768xf32>
      tpu.vector_store %arg11[%swap3A_35, %swap3A_36], %broadcast_in_dim3A_34 {strides = array<i32>} : memref<1x768xf32, #tpu.memory_space<vmem>>, vector<1x768xf32>,
    } else {
    }
    %gt3A = arith.constant 0 : i32
    %gt3A_22 = arith.cmpi sgt, %arg0, %gt3A : i32
    %convert_element_type3A_23 = arith.extui %gt3A_22 : i1 to i32
    %cond3A_24 = arith.constant 0 : i32
    %cond3A_25 = arith.cmpi ne, %convert_element_type3A_23, %cond3A_24 : i32
    scf.if %cond3A_25 {
      %get3A_30 = arith.constant 0 : index
      %get3A_31 = arith.constant 0 : index
      %get3A_32 = vector.load %arg9[%get3A_30, %get3A_31] : memref<256x768xf32, #tpu.memory_space<vmem>>, vector<256x768xf32>
      %lt3A_33 = arith.constant 4 : i32
      %lt3A_34 = arith.cmpi slt, %arg0, %lt3A_33 : i32
      %jit3A = arith.constant 1.000000e+00 : f32
      %jit3A_35 = arith.constant 0.000000e+00 : f32
      %select_n3A = arith.select %lt3A_34, %jit3A, %jit3A_35 : f32
      %get3A_36 = arith.constant 0 : index
      %get3A_37 = arith.constant 0 : index
      %get3A_38 = vector.load %arg11[%get3A_36, %get3A_37] : memref<1x768xf32, #tpu.memory_space<vmem>>, vector<1x768xf32>
      %slice3A = vector.extract_strided_slice %get3A_32 {offsets = [0, 0], sizes = [255, 768], strides = [1, 1]} : vector<256x768xf32> to vector<255x768xf32>
      %concatenate3A = tpu.concatenate %get3A_38, %slice3A in 0 : vector<1x768xf32>, vector<255x768xf32> -> vector<256x768xf32>
      %slice3A_39 = vector.extract_strided_slice %get3A_32 {offsets = [1, 0], sizes = [255, 768], strides = [1, 1]} : vector<256x768xf32> to vector<255x768xf32>
      %slice3A_40 = vector.extract_strided_slice %mul3A_19 {offsets = [0, 0], sizes = [1, 768], strides = [1, 1]} : vector<256x768xf32> to vector<1x768xf32>
      %mul3A_41 = vector.broadcast %select_n3A : f32 to vector<1x768xf32>
      %mul3A_42 = arith.mulf %slice3A_40, %mul3A_41 : vector<1x768xf32>
      %concatenate3A_43 = tpu.concatenate %slice3A_39, %mul3A_42 in 0 : vector<255x768xf32>, vector<1x768xf32> -> vector<256x768xf32>
      %slice3A_44 = vector.extract_strided_slice %concatenate3A {offsets = [0, 672], sizes = [256, 96], strides = [1, 1]} : vector<256x768xf32> to vector<256x96xf32>
      %slice3A_45 = vector.extract_strided_slice %get3A_32 {offsets = [0, 0], sizes = [256, 672], strides = [1, 1]} : vector<256x768xf32> to vector<256x672xf32>
      %concatenate3A_46 = tpu.concatenate %slice3A_44, %slice3A_45 in 1 : vector<256x96xf32>, vector<256x672xf32> -> vector<256x768xf32>
      %slice3A_47 = vector.extract_strided_slice %get3A_32 {offsets = [0, 96], sizes = [256, 672], strides = [1, 1]} : vector<256x768xf32> to vector<256x672xf32>
      %slice3A_48 = vector.extract_strided_slice %concatenate3A_43 {offsets = [0, 0], sizes = [256, 96], strides = [1, 1]} : vector<256x768xf32> to vector<256x96xf32>
      %concatenate3A_49 = tpu.concatenate %slice3A_47, %slice3A_48 in 1 : vector<256x672xf32>, vector<256x96xf32> -> vector<256x768xf32>
      %get3A_50 = arith.constant 0 : index
      %get3A_51 = arith.constant 0 : index
      %get3A_52 = arith.constant 0 : index
      %get3A_53 = vector.load %arg5[%get3A_50, %get3A_51, %get3A_52] : memref<3x768x768xf32, #tpu.memory_space<vmem>>, vector<1x768x768xf32>
      %get3A_54 = vector.shape_cast %get3A_53 : vector<1x768x768xf32> to vector<768x768xf32>
      %dot_general3A_55 = arith.constant dense<0.000000e+00> : vector<256x768xf32>
      %dot_general3A_56 = tpu.matmul %concatenate3A_46, %get3A_54, %dot_general3A_55 {dimension_numbers = #tpu.dot_dimension_numbers<[1], [0], [0], [1], [0, 0, 1, 1], [], []>, transpose_lhs_hint = false} : vector<256x768xf32>, vector<768x768xf32>, vector<256x768xf32> -> vector<256x768xf32>
      %get3A_57 = arith.constant 1 : index
      %get3A_58 = arith.constant 0 : index
      %get3A_59 = arith.constant 0 : index
      %get3A_60 = vector.load %arg5[%get3A_57, %get3A_58, %get3A_59] : memref<3x768x768xf32, #tpu.memory_space<vmem>>, vector<1x768x768xf32>
      %get3A_61 = vector.shape_cast %get3A_60 : vector<1x768x768xf32> to vector<768x768xf32>
      %dot_general3A_62 = arith.constant dense<0.000000e+00> : vector<256x768xf32>
      %dot_general3A_63 = tpu.matmul %get3A_32, %get3A_61, %dot_general3A_62 {dimension_numbers = #tpu.dot_dimension_numbers<[1], [0], [0], [1], [0, 0, 1, 1], [], []>, transpose_lhs_hint = false} : vector<256x768xf32>, vector<768x768xf32>, vector<256x768xf32> -> vector<256x768xf32>
      %add3A_64 = arith.addf %dot_general3A_56, %dot_general3A_63 : vector<256x768xf32>
      %get3A_65 = arith.constant 2 : index
      %get3A_66 = arith.constant 0 : index
      %get3A_67 = arith.constant 0 : index
      %get3A_68 = vector.load %arg5[%get3A_65, %get3A_66, %get3A_67] : memref<3x768x768xf32, #tpu.memory_space<vmem>>, vector<1x768x768xf32>
      %get3A_69 = vector.shape_cast %get3A_68 : vector<1x768x768xf32> to vector<768x768xf32>
      %dot_general3A_70 = arith.constant dense<0.000000e+00> : vector<256x768xf32>
      %dot_general3A_71 = tpu.matmul %concatenate3A_49, %get3A_69, %dot_general3A_70 {dimension_numbers = #tpu.dot_dimension_numbers<[1], [0], [0], [1], [0, 0, 1, 1], [], []>, transpose_lhs_hint = false} : vector<256x768xf32>, vector<768x768xf32>, vector<256x768xf32> -> vector<256x768xf32>
      %add3A_72 = arith.addf %add3A_64, %dot_general3A_71 : vector<256x768xf32>
      %get3A_73 = arith.constant 0 : index
      %get3A_74 = arith.constant 0 : index
      %get3A_75 = vector.load %arg10[%get3A_73, %get3A_74] : memref<256x768xf32, #tpu.memory_space<vmem>>, vector<256x768xf32>
      %mul3A_76 = arith.mulf %add3A_72, %get3A_75 : vector<256x768xf32>
      %swap3A = arith.constant 0 : index
      %swap3A_77 = arith.constant 0 : index
      %swap3A_78 = vector.load %arg7[%swap3A, %swap3A_77] : memref<256x768xf32, #tpu.memory_space<vmem>>, vector<256x768xf32>
      tpu.vector_store %arg7[%swap3A, %swap3A_77], %mul3A_76 {strides = array<i32>} : memref<256x768xf32, #tpu.memory_space<vmem>>, vector<256x768xf32>,
      %get3A_79 = arith.constant 0 : index
      %get3A_80 = arith.constant 0 : index
      %get3A_81 = vector.load %arg8[%get3A_79, %get3A_80] : memref<3x768xf32, #tpu.memory_space<vmem>>, vector<1x768xf32>
      %reduce_sum3A = arith.constant dense<0.000000e+00> : vector<768xf32>
      %reduce_sum3A_82 = vector.multi_reduction <add>, %mul3A_76, %reduce_sum3A [0] : vector<256x768xf32> to vector<768xf32>
      %broadcast_in_dim3A = vector.shape_cast %reduce_sum3A_82 : vector<768xf32> to vector<1x768xf32>
      %add3A_83 = arith.addf %get3A_81, %broadcast_in_dim3A : vector<1x768xf32>
      %swap3A_84 = arith.constant 0 : index
      %swap3A_85 = arith.constant 0 : index
      %swap3A_86 = vector.load %arg8[%swap3A_84, %swap3A_85] : memref<3x768xf32, #tpu.memory_space<vmem>>, vector<1x768xf32>
      tpu.vector_store %arg8[%swap3A_84, %swap3A_85], %add3A_83 {strides = array<i32>} : memref<3x768xf32, #tpu.memory_space<vmem>>, vector<1x768xf32>,
      %get3A_87 = arith.constant 1 : index
      %get3A_88 = arith.constant 0 : index
      %get3A_89 = vector.load %arg8[%get3A_87, %get3A_88] : memref<3x768xf32, #tpu.memory_space<vmem>>, vector<1x768xf32>
      %mul3A_90 = arith.mulf %mul3A_76, %mul3A_76 : vector<256x768xf32>
      %reduce_sum3A_91 = arith.constant dense<0.000000e+00> : vector<768xf32>
      %reduce_sum3A_92 = vector.multi_reduction <add>, %mul3A_90, %reduce_sum3A_91 [0] : vector<256x768xf32> to vector<768xf32>
      %broadcast_in_dim3A_93 = vector.shape_cast %reduce_sum3A_92 : vector<768xf32> to vector<1x768xf32>
      %add3A_94 = arith.addf %get3A_89, %broadcast_in_dim3A_93 : vector<1x768xf32>
      %swap3A_95 = arith.constant 1 : index
      %swap3A_96 = arith.constant 0 : index
      %swap3A_97 = vector.load %arg8[%swap3A_95, %swap3A_96] : memref<3x768xf32, #tpu.memory_space<vmem>>, vector<1x768xf32>
      tpu.vector_store %arg8[%swap3A_95, %swap3A_96], %add3A_94 {strides = array<i32>} : memref<3x768xf32, #tpu.memory_space<vmem>>, vector<1x768xf32>,
      %slice3A_98 = vector.extract_strided_slice %get3A_32 {offsets = [255, 0], sizes = [1, 768], strides = [1, 1]} : vector<256x768xf32> to vector<1x768xf32>
      %swap3A_99 = arith.constant 0 : index
      %swap3A_100 = arith.constant 0 : index
      %swap3A_101 = vector.load %arg11[%swap3A_99, %swap3A_100] : memref<1x768xf32, #tpu.memory_space<vmem>>, vector<1x768xf32>
      tpu.vector_store %arg11[%swap3A_99, %swap3A_100], %slice3A_98 {strides = array<i32>} : memref<1x768xf32, #tpu.memory_space<vmem>>, vector<1x768xf32>,
    } else {
    }
    %lt3A = arith.constant 4 : i32
    %lt3A_26 = arith.cmpi slt, %arg0, %lt3A : i32
    %convert_element_type3A_27 = arith.extui %lt3A_26 : i1 to i32
    %cond3A_28 = arith.constant 0 : i32
    %cond3A_29 = arith.cmpi ne, %convert_element_type3A_27, %cond3A_28 : i32
    scf.if %cond3A_29 {
      %swap3A = arith.constant 0 : index
      %swap3A_30 = arith.constant 0 : index
      %swap3A_31 = vector.load %arg9[%swap3A, %swap3A_30] : memref<256x768xf32, #tpu.memory_space<vmem>>, vector<256x768xf32>
      tpu.vector_store %arg9[%swap3A, %swap3A_30], %mul3A_19 {strides = array<i32>} : memref<256x768xf32, #tpu.memory_space<vmem>>, vector<256x768xf32>,
      %swap3A_32 = arith.constant 0 : index
      %swap3A_33 = arith.constant 0 : index
      %swap3A_34 = vector.load %arg10[%swap3A_32, %swap3A_33] : memref<256x768xf32, #tpu.memory_space<vmem>>, vector<256x768xf32>
      tpu.vector_store %arg10[%swap3A_32, %swap3A_33], %dot_general3A_11 {strides = array<i32>} : memref<256x768xf32, #tpu.memory_space<vmem>>, vector<256x768xf32>,
    } else {
    }
    return
  }
  func.func @transform_0(%arg0: i32) -> (i32, i32) {
    %min3A = arith.constant 3 : i32
    %min3A_0 = arith.minsi %arg0, %min3A : i32
    %c0_i32 = arith.constant 0 : i32
    %c0_i32_1 = arith.constant 0 : i32
    return %min3A_0, %c0_i32 : i32, i32
  }
  func.func @transform_1(%arg0: i32) -> (i32, i32) {
    %min3A = arith.constant 3 : i32
    %min3A_0 = arith.minsi %arg0, %min3A : i32
    %c0_i32 = arith.constant 0 : i32
    %c0_i32_1 = arith.constant 0 : i32
    return %min3A_0, %c0_i32 : i32, i32
  }
  func.func @transform_2(%arg0: i32) -> (i32, i32) {
    %c0_i32 = arith.constant 0 : i32
    %c0_i32_0 = arith.constant 0 : i32
    %c0_i32_1 = arith.constant 0 : i32
    return %c0_i32, %c0_i32_0 : i32, i32
  }
  func.func @transform_3(%arg0: i32) -> (i32, i32) {
    %c0_i32 = arith.constant 0 : i32
    %c0_i32_0 = arith.constant 0 : i32
    %c0_i32_1 = arith.constant 0 : i32
    return %c0_i32, %c0_i32_0 : i32, i32
  }
  func.func @transform_4(%arg0: i32) -> (i32, i32, i32) {
    %c0_i32 = arith.constant 0 : i32
    %c0_i32_0 = arith.constant 0 : i32
    %c0_i32_1 = arith.constant 0 : i32
    %c0_i32_2 = arith.constant 0 : i32
    return %c0_i32, %c0_i32_0, %c0_i32_1 : i32, i32, i32
  }
  func.func @transform_5(%arg0: i32) -> (i32, i32) {
    %c0_i32 = arith.constant 0 : i32
    %c0_i32_0 = arith.constant 0 : i32
    %c0_i32_1 = arith.constant 0 : i32
    return %c0_i32, %c0_i32_0 : i32, i32
  }
  func.func @transform_6(%arg0: i32) -> (i32, i32) {
    %sub3A = arith.constant 1 : i32
    %sub3A_0 = arith.subi %arg0, %sub3A : i32
    %max3A = arith.constant 0 : i32
    %max3A_1 = arith.maxsi %sub3A_0, %max3A : i32
    %c0_i32 = arith.constant 0 : i32
    %c0_i32_2 = arith.constant 0 : i32
    return %max3A_1, %c0_i32 : i32, i32
  }
  func.func @transform_7(%arg0: i32) -> (i32, i32) {
    %c0_i32 = arith.constant 0 : i32
    %c0_i32_0 = arith.constant 0 : i32
    %c0_i32_1 = arith.constant 0 : i32
    return %c0_i32, %c0_i32_0 : i32, i32
  }
}

module attributes {stable_mosaic.version = 14 : i64} {
  func.func @body(%arg0: i32, %arg1: memref<128x1536xf32, #tpu.memory_space<vmem>>, %arg2: memref<128x16xf32, #tpu.memory_space<vmem>>, %arg3: memref<1x1536xf32, #tpu.memory_space<vmem>>, %arg4: memref<1x1536xf32, #tpu.memory_space<vmem>>, %arg5: memref<1536x896xf32, #tpu.memory_space<vmem>>, %arg6: memref<16x1536xf32, #tpu.memory_space<vmem>>, %arg7: memref<16x8xf32, #tpu.memory_space<vmem>>, %arg8: memref<128x896xf32, #tpu.memory_space<vmem>>, %arg9: memref<128x8xf32, #tpu.memory_space<vmem>>, %arg10: memref<3x896xf32, #tpu.memory_space<vmem>>) attributes {dimension_semantics = [#tpu.dimension_semantics<arbitrary>], iteration_bounds = array<i64: 4>, scalar_prefetch = 0 : i64, scratch_operands = 0 : i64, tpu.core_type = #tpu.core_type<tc>, window_params = [{transform_indices = @transform_0, window_bounds = array<i64: 128, 1536>}, {transform_indices = @transform_1, window_bounds = array<i64: 128, 16>}, {pipeline_mode = #tpu.pipeline_mode<synchronous>, transform_indices = @transform_2, window_bounds = array<i64: 1, 1536>}, {pipeline_mode = #tpu.pipeline_mode<synchronous>, transform_indices = @transform_3, window_bounds = array<i64: 1, 1536>}, {pipeline_mode = #tpu.pipeline_mode<synchronous>, transform_indices = @transform_4, window_bounds = array<i64: 1536, 896>}, {pipeline_mode = #tpu.pipeline_mode<synchronous>, transform_indices = @transform_5, window_bounds = array<i64: 16, 1536>}, {pipeline_mode = #tpu.pipeline_mode<synchronous>, transform_indices = @transform_6, window_bounds = array<i64: 16, 8>}, {transform_indices = @transform_7, window_bounds = array<i64: 128, 896>}, {transform_indices = @transform_8, window_bounds = array<i64: 128, 8>}, {pipeline_mode = #tpu.pipeline_mode<synchronous>, transform_indices = @transform_9, window_bounds = array<i64: 3, 896>}]} {
    %get3A = arith.constant 0 : index
    %get3A_0 = arith.constant 0 : index
    %get3A_1 = vector.load %arg3[%get3A, %get3A_0] : memref<1x1536xf32, #tpu.memory_space<vmem>>, vector<1x1536xf32>
    %get3A_2 = arith.constant 0 : index
    %get3A_3 = arith.constant 0 : index
    %get3A_4 = vector.load %arg4[%get3A_2, %get3A_3] : memref<1x1536xf32, #tpu.memory_space<vmem>>, vector<1x1536xf32>
    %get3A_5 = arith.constant 0 : index
    %get3A_6 = arith.constant 0 : index
    %get3A_7 = vector.load %arg2[%get3A_5, %get3A_6] : memref<128x16xf32, #tpu.memory_space<vmem>>, vector<128x16xf32>
    %get3A_8 = arith.constant 0 : index
    %get3A_9 = arith.constant 0 : index
    %get3A_10 = vector.load %arg1[%get3A_8, %get3A_9] : memref<128x1536xf32, #tpu.memory_space<vmem>>, vector<128x1536xf32>
    %mul3A = vector.broadcast %get3A_1 : vector<1x1536xf32> to vector<128x1536xf32>
    %mul3A_11 = arith.mulf %get3A_10, %mul3A : vector<128x1536xf32>
    %add3A = vector.broadcast %get3A_4 : vector<1x1536xf32> to vector<128x1536xf32>
    %add3A_12 = arith.addf %mul3A_11, %add3A : vector<128x1536xf32>
    %max3A = arith.constant 0.000000e+00 : f32
    %max3A_13 = vector.broadcast %max3A : f32 to vector<128x1536xf32>
    %max3A_14 = arith.maximumf %add3A_12, %max3A_13 : vector<128x1536xf32>
    %get3A_15 = arith.constant 0 : index
    %get3A_16 = arith.constant 0 : index
    %get3A_17 = vector.load %arg6[%get3A_15, %get3A_16] : memref<16x1536xf32, #tpu.memory_space<vmem>>, vector<16x1536xf32>
    %dot_general3A = arith.constant dense<0.000000e+00> : vector<128x1536xf32>
    %dot_general3A_18 = tpu.matmul %get3A_7, %get3A_17, %dot_general3A {dimension_numbers = #tpu.dot_dimension_numbers<[1], [0], [0], [1], [0, 0, 1, 1], [], []>, transpose_lhs_hint = false} : vector<128x16xf32>, vector<16x1536xf32>, vector<128x1536xf32> -> vector<128x1536xf32>
    %mul3A_19 = arith.mulf %max3A_14, %dot_general3A_18 : vector<128x1536xf32>
    %get3A_20 = arith.constant 0 : index
    %get3A_21 = arith.constant 0 : index
    %get3A_22 = vector.load %arg5[%get3A_20, %get3A_21] : memref<1536x896xf32, #tpu.memory_space<vmem>>, vector<1536x896xf32>
    %dot_general3A_23 = arith.constant dense<0.000000e+00> : vector<128x896xf32>
    %dot_general3A_24 = tpu.matmul %mul3A_19, %get3A_22, %dot_general3A_23 {dimension_numbers = #tpu.dot_dimension_numbers<[1], [0], [0], [1], [0, 0, 1, 1], [], []>, transpose_lhs_hint = false} : vector<128x1536xf32>, vector<1536x896xf32>, vector<128x896xf32> -> vector<128x896xf32>
    %get3A_25 = arith.constant 0 : index
    %get3A_26 = arith.constant 0 : index
    %get3A_27 = vector.load %arg7[%get3A_25, %get3A_26] : memref<16x8xf32, #tpu.memory_space<vmem>>, vector<16x8xf32>
    %dot_general3A_28 = arith.constant dense<0.000000e+00> : vector<128x8xf32>
    %dot_general3A_29 = tpu.matmul %get3A_7, %get3A_27, %dot_general3A_28 {dimension_numbers = #tpu.dot_dimension_numbers<[1], [0], [0], [1], [0, 0, 1, 1], [], []>, transpose_lhs_hint = false} : vector<128x16xf32>, vector<16x8xf32>, vector<128x8xf32> -> vector<128x8xf32>
    %min3A = arith.constant 1.000000e+00 : f32
    %min3A_30 = vector.broadcast %min3A : f32 to vector<128x8xf32>
    %min3A_31 = arith.minimumf %dot_general3A_29, %min3A_30 : vector<128x8xf32>
    %swap3A = arith.constant 0 : index
    %swap3A_32 = arith.constant 0 : index
    %swap3A_33 = vector.load %arg8[%swap3A, %swap3A_32] : memref<128x896xf32, #tpu.memory_space<vmem>>, vector<128x896xf32>
    tpu.vector_store %arg8[%swap3A, %swap3A_32], %dot_general3A_24 {strides = array<i32>} : memref<128x896xf32, #tpu.memory_space<vmem>>, vector<128x896xf32>,
    %swap3A_34 = arith.constant 0 : index
    %swap3A_35 = arith.constant 0 : index
    %swap3A_36 = vector.load %arg9[%swap3A_34, %swap3A_35] : memref<128x8xf32, #tpu.memory_space<vmem>>, vector<128x8xf32>
    tpu.vector_store %arg9[%swap3A_34, %swap3A_35], %min3A_31 {strides = array<i32>} : memref<128x8xf32, #tpu.memory_space<vmem>>, vector<128x8xf32>,
    %eq3A = arith.constant 0 : i32
    %eq3A_37 = arith.cmpi eq, %arg0, %eq3A : i32
    %convert_element_type3A = arith.extui %eq3A_37 : i1 to i32
    %cond3A = arith.constant 0 : i32
    %cond3A_38 = arith.cmpi ne, %convert_element_type3A, %cond3A : i32
    scf.if %cond3A_38 {
      %broadcast_in_dim3A_71 = arith.constant 0.000000e+00 : f32
      %broadcast_in_dim3A_72 = vector.broadcast %broadcast_in_dim3A_71 : f32 to vector<3x896xf32>
      %swap3A_73 = arith.constant 0 : index
      %swap3A_74 = arith.constant 0 : index
      %swap3A_75 = vector.load %arg10[%swap3A_73, %swap3A_74] : memref<3x896xf32, #tpu.memory_space<vmem>>, vector<3x896xf32>
      tpu.vector_store %arg10[%swap3A_73, %swap3A_74], %broadcast_in_dim3A_72 {strides = array<i32>} : memref<3x896xf32, #tpu.memory_space<vmem>>, vector<3x896xf32>,
    } else {
    }
    %get3A_39 = arith.constant 0 : index
    %get3A_40 = arith.constant 0 : index
    %get3A_41 = vector.load %arg10[%get3A_39, %get3A_40] : memref<3x896xf32, #tpu.memory_space<vmem>>, vector<1x896xf32>
    %reduce_sum3A = arith.constant dense<0.000000e+00> : vector<896xf32>
    %reduce_sum3A_42 = vector.multi_reduction <add>, %dot_general3A_24, %reduce_sum3A [0] : vector<128x896xf32> to vector<896xf32>
    %broadcast_in_dim3A = vector.shape_cast %reduce_sum3A_42 : vector<896xf32> to vector<1x896xf32>
    %add3A_43 = arith.addf %get3A_41, %broadcast_in_dim3A : vector<1x896xf32>
    %swap3A_44 = arith.constant 0 : index
    %swap3A_45 = arith.constant 0 : index
    %swap3A_46 = vector.load %arg10[%swap3A_44, %swap3A_45] : memref<3x896xf32, #tpu.memory_space<vmem>>, vector<1x896xf32>
    tpu.vector_store %arg10[%swap3A_44, %swap3A_45], %add3A_43 {strides = array<i32>} : memref<3x896xf32, #tpu.memory_space<vmem>>, vector<1x896xf32>,
    %get3A_47 = arith.constant 1 : index
    %get3A_48 = arith.constant 0 : index
    %get3A_49 = vector.load %arg10[%get3A_47, %get3A_48] : memref<3x896xf32, #tpu.memory_space<vmem>>, vector<1x896xf32>
    %mul3A_50 = arith.mulf %dot_general3A_24, %dot_general3A_24 : vector<128x896xf32>
    %reduce_sum3A_51 = arith.constant dense<0.000000e+00> : vector<896xf32>
    %reduce_sum3A_52 = vector.multi_reduction <add>, %mul3A_50, %reduce_sum3A_51 [0] : vector<128x896xf32> to vector<896xf32>
    %broadcast_in_dim3A_53 = vector.shape_cast %reduce_sum3A_52 : vector<896xf32> to vector<1x896xf32>
    %add3A_54 = arith.addf %get3A_49, %broadcast_in_dim3A_53 : vector<1x896xf32>
    %swap3A_55 = arith.constant 1 : index
    %swap3A_56 = arith.constant 0 : index
    %swap3A_57 = vector.load %arg10[%swap3A_55, %swap3A_56] : memref<3x896xf32, #tpu.memory_space<vmem>>, vector<1x896xf32>
    tpu.vector_store %arg10[%swap3A_55, %swap3A_56], %add3A_54 {strides = array<i32>} : memref<3x896xf32, #tpu.memory_space<vmem>>, vector<1x896xf32>,
    %get3A_58 = arith.constant 2 : index
    %get3A_59 = arith.constant 0 : index
    %get3A_60 = vector.load %arg10[%get3A_58, %get3A_59] : memref<3x896xf32, #tpu.memory_space<vmem>>, vector<1x896xf32>
    %reduce_sum3A_61 = vector.shape_cast %min3A_31 : vector<128x8xf32> to vector<1x128x8xf32>
    %reduce_sum3A_62 = arith.constant dense<0.000000e+00> : vector<1xf32>
    %reduce_sum3A_63 = vector.multi_reduction <add>, %reduce_sum3A_61, %reduce_sum3A_62 [1, 2] : vector<1x128x8xf32> to vector<1xf32>
    %reduce_sum3A_64 = vector.shape_cast %reduce_sum3A_63 : vector<1xf32> to vector<1x1x1xf32>
    %reduce_sum3A_65 = vector.extract %reduce_sum3A_64[0, 0, 0] : f32 from vector<1x1x1xf32>
    %broadcast_in_dim3A_66 = vector.broadcast %reduce_sum3A_65 : f32 to vector<1x896xf32>
    %add3A_67 = arith.addf %get3A_60, %broadcast_in_dim3A_66 : vector<1x896xf32>
    %swap3A_68 = arith.constant 2 : index
    %swap3A_69 = arith.constant 0 : index
    %swap3A_70 = vector.load %arg10[%swap3A_68, %swap3A_69] : memref<3x896xf32, #tpu.memory_space<vmem>>, vector<1x896xf32>
    tpu.vector_store %arg10[%swap3A_68, %swap3A_69], %add3A_67 {strides = array<i32>} : memref<3x896xf32, #tpu.memory_space<vmem>>, vector<1x896xf32>,
    return
  }
  func.func @transform_0(%arg0: i32) -> (i32, i32) {
    %c0_i32 = arith.constant 0 : i32
    %c0_i32_0 = arith.constant 0 : i32
    return %arg0, %c0_i32 : i32, i32
  }
  func.func @transform_1(%arg0: i32) -> (i32, i32) {
    %c0_i32 = arith.constant 0 : i32
    %c0_i32_0 = arith.constant 0 : i32
    return %arg0, %c0_i32 : i32, i32
  }
  func.func @transform_2(%arg0: i32) -> (i32, i32) {
    %c0_i32 = arith.constant 0 : i32
    %c0_i32_0 = arith.constant 0 : i32
    %c0_i32_1 = arith.constant 0 : i32
    return %c0_i32, %c0_i32_0 : i32, i32
  }
  func.func @transform_3(%arg0: i32) -> (i32, i32) {
    %c0_i32 = arith.constant 0 : i32
    %c0_i32_0 = arith.constant 0 : i32
    %c0_i32_1 = arith.constant 0 : i32
    return %c0_i32, %c0_i32_0 : i32, i32
  }
  func.func @transform_4(%arg0: i32) -> (i32, i32) {
    %c0_i32 = arith.constant 0 : i32
    %c0_i32_0 = arith.constant 0 : i32
    %c0_i32_1 = arith.constant 0 : i32
    return %c0_i32, %c0_i32_0 : i32, i32
  }
  func.func @transform_5(%arg0: i32) -> (i32, i32) {
    %c0_i32 = arith.constant 0 : i32
    %c0_i32_0 = arith.constant 0 : i32
    %c0_i32_1 = arith.constant 0 : i32
    return %c0_i32, %c0_i32_0 : i32, i32
  }
  func.func @transform_6(%arg0: i32) -> (i32, i32) {
    %c0_i32 = arith.constant 0 : i32
    %c0_i32_0 = arith.constant 0 : i32
    %c0_i32_1 = arith.constant 0 : i32
    return %c0_i32, %c0_i32_0 : i32, i32
  }
  func.func @transform_7(%arg0: i32) -> (i32, i32) {
    %c0_i32 = arith.constant 0 : i32
    %c0_i32_0 = arith.constant 0 : i32
    return %arg0, %c0_i32 : i32, i32
  }
  func.func @transform_8(%arg0: i32) -> (i32, i32) {
    %c0_i32 = arith.constant 0 : i32
    %c0_i32_0 = arith.constant 0 : i32
    return %arg0, %c0_i32 : i32, i32
  }
  func.func @transform_9(%arg0: i32) -> (i32, i32) {
    %c0_i32 = arith.constant 0 : i32
    %c0_i32_0 = arith.constant 0 : i32
    %c0_i32_1 = arith.constant 0 : i32
    return %c0_i32, %c0_i32_0 : i32, i32
  }
}

module attributes {stable_mosaic.version = 14 : i64} {
  func.func @body(%arg0: i32, %arg1: memref<256x896xf32, #tpu.memory_space<vmem>>, %arg2: memref<256x8xf32, #tpu.memory_space<vmem>>, %arg3: memref<1x896xf32, #tpu.memory_space<vmem>>, %arg4: memref<1x896xf32, #tpu.memory_space<vmem>>, %arg5: memref<3x896x896xf32, #tpu.memory_space<vmem>>, %arg6: memref<8x896xf32, #tpu.memory_space<vmem>>, %arg7: memref<256x896xf32, #tpu.memory_space<vmem>>, %arg8: memref<3x896xf32, #tpu.memory_space<vmem>>, %arg9: memref<256x896xf32, #tpu.memory_space<vmem>>, %arg10: memref<256x896xf32, #tpu.memory_space<vmem>>, %arg11: memref<1x896xf32, #tpu.memory_space<vmem>>) attributes {dimension_semantics = [#tpu.dimension_semantics<arbitrary>], iteration_bounds = array<i64: 3>, scalar_prefetch = 0 : i64, scratch_operands = 3 : i64, tpu.core_type = #tpu.core_type<tc>, window_params = [{transform_indices = @transform_0, window_bounds = array<i64: 256, 896>}, {transform_indices = @transform_1, window_bounds = array<i64: 256, 8>}, {pipeline_mode = #tpu.pipeline_mode<synchronous>, transform_indices = @transform_2, window_bounds = array<i64: 1, 896>}, {pipeline_mode = #tpu.pipeline_mode<synchronous>, transform_indices = @transform_3, window_bounds = array<i64: 1, 896>}, {pipeline_mode = #tpu.pipeline_mode<synchronous>, transform_indices = @transform_4, window_bounds = array<i64: 3, 896, 896>}, {pipeline_mode = #tpu.pipeline_mode<synchronous>, transform_indices = @transform_5, window_bounds = array<i64: 8, 896>}, {transform_indices = @transform_6, window_bounds = array<i64: 256, 896>}, {pipeline_mode = #tpu.pipeline_mode<synchronous>, transform_indices = @transform_7, window_bounds = array<i64: 3, 896>}]} {
    %get3A = arith.constant 0 : index
    %get3A_0 = arith.constant 0 : index
    %get3A_1 = vector.load %arg3[%get3A, %get3A_0] : memref<1x896xf32, #tpu.memory_space<vmem>>, vector<1x896xf32>
    %get3A_2 = arith.constant 0 : index
    %get3A_3 = arith.constant 0 : index
    %get3A_4 = vector.load %arg4[%get3A_2, %get3A_3] : memref<1x896xf32, #tpu.memory_space<vmem>>, vector<1x896xf32>
    %get3A_5 = arith.constant 0 : index
    %get3A_6 = arith.constant 0 : index
    %get3A_7 = vector.load %arg6[%get3A_5, %get3A_6] : memref<8x896xf32, #tpu.memory_space<vmem>>, vector<8x896xf32>
    %get3A_8 = arith.constant 0 : index
    %get3A_9 = arith.constant 0 : index
    %get3A_10 = vector.load %arg2[%get3A_8, %get3A_9] : memref<256x8xf32, #tpu.memory_space<vmem>>, vector<256x8xf32>
    %dot_general3A = arith.constant dense<0.000000e+00> : vector<256x896xf32>
    %dot_general3A_11 = tpu.matmul %get3A_10, %get3A_7, %dot_general3A {dimension_numbers = #tpu.dot_dimension_numbers<[1], [0], [0], [1], [0, 0, 1, 1], [], []>, transpose_lhs_hint = false} : vector<256x8xf32>, vector<8x896xf32>, vector<256x896xf32> -> vector<256x896xf32>
    %get3A_12 = arith.constant 0 : index
    %get3A_13 = arith.constant 0 : index
    %get3A_14 = vector.load %arg1[%get3A_12, %get3A_13] : memref<256x896xf32, #tpu.memory_space<vmem>>, vector<256x896xf32>
    %mul3A = vector.broadcast %get3A_1 : vector<1x896xf32> to vector<256x896xf32>
    %mul3A_15 = arith.mulf %get3A_14, %mul3A : vector<256x896xf32>
    %add3A = vector.broadcast %get3A_4 : vector<1x896xf32> to vector<256x896xf32>
    %add3A_16 = arith.addf %mul3A_15, %add3A : vector<256x896xf32>
    %max3A = arith.constant 0.000000e+00 : f32
    %max3A_17 = vector.broadcast %max3A : f32 to vector<256x896xf32>
    %max3A_18 = arith.maximumf %add3A_16, %max3A_17 : vector<256x896xf32>
    %mul3A_19 = arith.mulf %max3A_18, %dot_general3A_11 : vector<256x896xf32>
    %eq3A = arith.constant 0 : i32
    %eq3A_20 = arith.cmpi eq, %arg0, %eq3A : i32
    %convert_element_type3A = arith.extui %eq3A_20 : i1 to i32
    %cond3A = arith.constant 0 : i32
    %cond3A_21 = arith.cmpi ne, %convert_element_type3A, %cond3A : i32
    scf.if %cond3A_21 {
      %broadcast_in_dim3A = arith.constant 0.000000e+00 : f32
      %broadcast_in_dim3A_30 = vector.broadcast %broadcast_in_dim3A : f32 to vector<3x896xf32>
      %swap3A = arith.constant 0 : index
      %swap3A_31 = arith.constant 0 : index
      %swap3A_32 = vector.load %arg8[%swap3A, %swap3A_31] : memref<3x896xf32, #tpu.memory_space<vmem>>, vector<3x896xf32>
      tpu.vector_store %arg8[%swap3A, %swap3A_31], %broadcast_in_dim3A_30 {strides = array<i32>} : memref<3x896xf32, #tpu.memory_space<vmem>>, vector<3x896xf32>,
      %broadcast_in_dim3A_33 = arith.constant 0.000000e+00 : f32
      %broadcast_in_dim3A_34 = vector.broadcast %broadcast_in_dim3A_33 : f32 to vector<1x896xf32>
      %swap3A_35 = arith.constant 0 : index
      %swap3A_36 = arith.constant 0 : index
      %swap3A_37 = vector.load %arg11[%swap3A_35, %swap3A_36] : memref<1x896xf32, #tpu.memory_space<vmem>>, vector<1x896xf32>
      tpu.vector_store %arg11[%swap3A_35, %swap3A_36], %broadcast_in_dim3A_34 {strides = array<i32>} : memref<1x896xf32, #tpu.memory_space<vmem>>, vector<1x896xf32>,
    } else {
    }
    %gt3A = arith.constant 0 : i32
    %gt3A_22 = arith.cmpi sgt, %arg0, %gt3A : i32
    %convert_element_type3A_23 = arith.extui %gt3A_22 : i1 to i32
    %cond3A_24 = arith.constant 0 : i32
    %cond3A_25 = arith.cmpi ne, %convert_element_type3A_23, %cond3A_24 : i32
    scf.if %cond3A_25 {
      %get3A_30 = arith.constant 0 : index
      %get3A_31 = arith.constant 0 : index
      %get3A_32 = vector.load %arg9[%get3A_30, %get3A_31] : memref<256x896xf32, #tpu.memory_space<vmem>>, vector<256x896xf32>
      %lt3A_33 = arith.constant 2 : i32
      %lt3A_34 = arith.cmpi slt, %arg0, %lt3A_33 : i32
      %jit3A = arith.constant 1.000000e+00 : f32
      %jit3A_35 = arith.constant 0.000000e+00 : f32
      %select_n3A = arith.select %lt3A_34, %jit3A, %jit3A_35 : f32
      %get3A_36 = arith.constant 0 : index
      %get3A_37 = arith.constant 0 : index
      %get3A_38 = vector.load %arg11[%get3A_36, %get3A_37] : memref<1x896xf32, #tpu.memory_space<vmem>>, vector<1x896xf32>
      %slice3A = vector.extract_strided_slice %get3A_32 {offsets = [0, 0], sizes = [255, 896], strides = [1, 1]} : vector<256x896xf32> to vector<255x896xf32>
      %concatenate3A = tpu.concatenate %get3A_38, %slice3A in 0 : vector<1x896xf32>, vector<255x896xf32> -> vector<256x896xf32>
      %slice3A_39 = vector.extract_strided_slice %get3A_32 {offsets = [1, 0], sizes = [255, 896], strides = [1, 1]} : vector<256x896xf32> to vector<255x896xf32>
      %slice3A_40 = vector.extract_strided_slice %mul3A_19 {offsets = [0, 0], sizes = [1, 896], strides = [1, 1]} : vector<256x896xf32> to vector<1x896xf32>
      %mul3A_41 = vector.broadcast %select_n3A : f32 to vector<1x896xf32>
      %mul3A_42 = arith.mulf %slice3A_40, %mul3A_41 : vector<1x896xf32>
      %concatenate3A_43 = tpu.concatenate %slice3A_39, %mul3A_42 in 0 : vector<255x896xf32>, vector<1x896xf32> -> vector<256x896xf32>
      %slice3A_44 = vector.extract_strided_slice %concatenate3A {offsets = [0, 784], sizes = [256, 112], strides = [1, 1]} : vector<256x896xf32> to vector<256x112xf32>
      %slice3A_45 = vector.extract_strided_slice %get3A_32 {offsets = [0, 0], sizes = [256, 784], strides = [1, 1]} : vector<256x896xf32> to vector<256x784xf32>
      %concatenate3A_46 = tpu.concatenate %slice3A_44, %slice3A_45 in 1 : vector<256x112xf32>, vector<256x784xf32> -> vector<256x896xf32>
      %slice3A_47 = vector.extract_strided_slice %get3A_32 {offsets = [0, 112], sizes = [256, 784], strides = [1, 1]} : vector<256x896xf32> to vector<256x784xf32>
      %slice3A_48 = vector.extract_strided_slice %concatenate3A_43 {offsets = [0, 0], sizes = [256, 112], strides = [1, 1]} : vector<256x896xf32> to vector<256x112xf32>
      %concatenate3A_49 = tpu.concatenate %slice3A_47, %slice3A_48 in 1 : vector<256x784xf32>, vector<256x112xf32> -> vector<256x896xf32>
      %get3A_50 = arith.constant 0 : index
      %get3A_51 = arith.constant 0 : index
      %get3A_52 = arith.constant 0 : index
      %get3A_53 = vector.load %arg5[%get3A_50, %get3A_51, %get3A_52] : memref<3x896x896xf32, #tpu.memory_space<vmem>>, vector<1x896x896xf32>
      %get3A_54 = vector.shape_cast %get3A_53 : vector<1x896x896xf32> to vector<896x896xf32>
      %dot_general3A_55 = arith.constant dense<0.000000e+00> : vector<256x896xf32>
      %dot_general3A_56 = tpu.matmul %concatenate3A_46, %get3A_54, %dot_general3A_55 {dimension_numbers = #tpu.dot_dimension_numbers<[1], [0], [0], [1], [0, 0, 1, 1], [], []>, transpose_lhs_hint = false} : vector<256x896xf32>, vector<896x896xf32>, vector<256x896xf32> -> vector<256x896xf32>
      %get3A_57 = arith.constant 1 : index
      %get3A_58 = arith.constant 0 : index
      %get3A_59 = arith.constant 0 : index
      %get3A_60 = vector.load %arg5[%get3A_57, %get3A_58, %get3A_59] : memref<3x896x896xf32, #tpu.memory_space<vmem>>, vector<1x896x896xf32>
      %get3A_61 = vector.shape_cast %get3A_60 : vector<1x896x896xf32> to vector<896x896xf32>
      %dot_general3A_62 = arith.constant dense<0.000000e+00> : vector<256x896xf32>
      %dot_general3A_63 = tpu.matmul %get3A_32, %get3A_61, %dot_general3A_62 {dimension_numbers = #tpu.dot_dimension_numbers<[1], [0], [0], [1], [0, 0, 1, 1], [], []>, transpose_lhs_hint = false} : vector<256x896xf32>, vector<896x896xf32>, vector<256x896xf32> -> vector<256x896xf32>
      %add3A_64 = arith.addf %dot_general3A_56, %dot_general3A_63 : vector<256x896xf32>
      %get3A_65 = arith.constant 2 : index
      %get3A_66 = arith.constant 0 : index
      %get3A_67 = arith.constant 0 : index
      %get3A_68 = vector.load %arg5[%get3A_65, %get3A_66, %get3A_67] : memref<3x896x896xf32, #tpu.memory_space<vmem>>, vector<1x896x896xf32>
      %get3A_69 = vector.shape_cast %get3A_68 : vector<1x896x896xf32> to vector<896x896xf32>
      %dot_general3A_70 = arith.constant dense<0.000000e+00> : vector<256x896xf32>
      %dot_general3A_71 = tpu.matmul %concatenate3A_49, %get3A_69, %dot_general3A_70 {dimension_numbers = #tpu.dot_dimension_numbers<[1], [0], [0], [1], [0, 0, 1, 1], [], []>, transpose_lhs_hint = false} : vector<256x896xf32>, vector<896x896xf32>, vector<256x896xf32> -> vector<256x896xf32>
      %add3A_72 = arith.addf %add3A_64, %dot_general3A_71 : vector<256x896xf32>
      %get3A_73 = arith.constant 0 : index
      %get3A_74 = arith.constant 0 : index
      %get3A_75 = vector.load %arg10[%get3A_73, %get3A_74] : memref<256x896xf32, #tpu.memory_space<vmem>>, vector<256x896xf32>
      %mul3A_76 = arith.mulf %add3A_72, %get3A_75 : vector<256x896xf32>
      %swap3A = arith.constant 0 : index
      %swap3A_77 = arith.constant 0 : index
      %swap3A_78 = vector.load %arg7[%swap3A, %swap3A_77] : memref<256x896xf32, #tpu.memory_space<vmem>>, vector<256x896xf32>
      tpu.vector_store %arg7[%swap3A, %swap3A_77], %mul3A_76 {strides = array<i32>} : memref<256x896xf32, #tpu.memory_space<vmem>>, vector<256x896xf32>,
      %get3A_79 = arith.constant 0 : index
      %get3A_80 = arith.constant 0 : index
      %get3A_81 = vector.load %arg8[%get3A_79, %get3A_80] : memref<3x896xf32, #tpu.memory_space<vmem>>, vector<1x896xf32>
      %reduce_sum3A = arith.constant dense<0.000000e+00> : vector<896xf32>
      %reduce_sum3A_82 = vector.multi_reduction <add>, %mul3A_76, %reduce_sum3A [0] : vector<256x896xf32> to vector<896xf32>
      %broadcast_in_dim3A = vector.shape_cast %reduce_sum3A_82 : vector<896xf32> to vector<1x896xf32>
      %add3A_83 = arith.addf %get3A_81, %broadcast_in_dim3A : vector<1x896xf32>
      %swap3A_84 = arith.constant 0 : index
      %swap3A_85 = arith.constant 0 : index
      %swap3A_86 = vector.load %arg8[%swap3A_84, %swap3A_85] : memref<3x896xf32, #tpu.memory_space<vmem>>, vector<1x896xf32>
      tpu.vector_store %arg8[%swap3A_84, %swap3A_85], %add3A_83 {strides = array<i32>} : memref<3x896xf32, #tpu.memory_space<vmem>>, vector<1x896xf32>,
      %get3A_87 = arith.constant 1 : index
      %get3A_88 = arith.constant 0 : index
      %get3A_89 = vector.load %arg8[%get3A_87, %get3A_88] : memref<3x896xf32, #tpu.memory_space<vmem>>, vector<1x896xf32>
      %mul3A_90 = arith.mulf %mul3A_76, %mul3A_76 : vector<256x896xf32>
      %reduce_sum3A_91 = arith.constant dense<0.000000e+00> : vector<896xf32>
      %reduce_sum3A_92 = vector.multi_reduction <add>, %mul3A_90, %reduce_sum3A_91 [0] : vector<256x896xf32> to vector<896xf32>
      %broadcast_in_dim3A_93 = vector.shape_cast %reduce_sum3A_92 : vector<896xf32> to vector<1x896xf32>
      %add3A_94 = arith.addf %get3A_89, %broadcast_in_dim3A_93 : vector<1x896xf32>
      %swap3A_95 = arith.constant 1 : index
      %swap3A_96 = arith.constant 0 : index
      %swap3A_97 = vector.load %arg8[%swap3A_95, %swap3A_96] : memref<3x896xf32, #tpu.memory_space<vmem>>, vector<1x896xf32>
      tpu.vector_store %arg8[%swap3A_95, %swap3A_96], %add3A_94 {strides = array<i32>} : memref<3x896xf32, #tpu.memory_space<vmem>>, vector<1x896xf32>,
      %slice3A_98 = vector.extract_strided_slice %get3A_32 {offsets = [255, 0], sizes = [1, 896], strides = [1, 1]} : vector<256x896xf32> to vector<1x896xf32>
      %swap3A_99 = arith.constant 0 : index
      %swap3A_100 = arith.constant 0 : index
      %swap3A_101 = vector.load %arg11[%swap3A_99, %swap3A_100] : memref<1x896xf32, #tpu.memory_space<vmem>>, vector<1x896xf32>
      tpu.vector_store %arg11[%swap3A_99, %swap3A_100], %slice3A_98 {strides = array<i32>} : memref<1x896xf32, #tpu.memory_space<vmem>>, vector<1x896xf32>,
    } else {
    }
    %lt3A = arith.constant 2 : i32
    %lt3A_26 = arith.cmpi slt, %arg0, %lt3A : i32
    %convert_element_type3A_27 = arith.extui %lt3A_26 : i1 to i32
    %cond3A_28 = arith.constant 0 : i32
    %cond3A_29 = arith.cmpi ne, %convert_element_type3A_27, %cond3A_28 : i32
    scf.if %cond3A_29 {
      %swap3A = arith.constant 0 : index
      %swap3A_30 = arith.constant 0 : index
      %swap3A_31 = vector.load %arg9[%swap3A, %swap3A_30] : memref<256x896xf32, #tpu.memory_space<vmem>>, vector<256x896xf32>
      tpu.vector_store %arg9[%swap3A, %swap3A_30], %mul3A_19 {strides = array<i32>} : memref<256x896xf32, #tpu.memory_space<vmem>>, vector<256x896xf32>,
      %swap3A_32 = arith.constant 0 : index
      %swap3A_33 = arith.constant 0 : index
      %swap3A_34 = vector.load %arg10[%swap3A_32, %swap3A_33] : memref<256x896xf32, #tpu.memory_space<vmem>>, vector<256x896xf32>
      tpu.vector_store %arg10[%swap3A_32, %swap3A_33], %dot_general3A_11 {strides = array<i32>} : memref<256x896xf32, #tpu.memory_space<vmem>>, vector<256x896xf32>,
    } else {
    }
    return
  }
  func.func @transform_0(%arg0: i32) -> (i32, i32) {
    %min3A = arith.constant 1 : i32
    %min3A_0 = arith.minsi %arg0, %min3A : i32
    %c0_i32 = arith.constant 0 : i32
    %c0_i32_1 = arith.constant 0 : i32
    return %min3A_0, %c0_i32 : i32, i32
  }
  func.func @transform_1(%arg0: i32) -> (i32, i32) {
    %min3A = arith.constant 1 : i32
    %min3A_0 = arith.minsi %arg0, %min3A : i32
    %c0_i32 = arith.constant 0 : i32
    %c0_i32_1 = arith.constant 0 : i32
    return %min3A_0, %c0_i32 : i32, i32
  }
  func.func @transform_2(%arg0: i32) -> (i32, i32) {
    %c0_i32 = arith.constant 0 : i32
    %c0_i32_0 = arith.constant 0 : i32
    %c0_i32_1 = arith.constant 0 : i32
    return %c0_i32, %c0_i32_0 : i32, i32
  }
  func.func @transform_3(%arg0: i32) -> (i32, i32) {
    %c0_i32 = arith.constant 0 : i32
    %c0_i32_0 = arith.constant 0 : i32
    %c0_i32_1 = arith.constant 0 : i32
    return %c0_i32, %c0_i32_0 : i32, i32
  }
  func.func @transform_4(%arg0: i32) -> (i32, i32, i32) {
    %c0_i32 = arith.constant 0 : i32
    %c0_i32_0 = arith.constant 0 : i32
    %c0_i32_1 = arith.constant 0 : i32
    %c0_i32_2 = arith.constant 0 : i32
    return %c0_i32, %c0_i32_0, %c0_i32_1 : i32, i32, i32
  }
  func.func @transform_5(%arg0: i32) -> (i32, i32) {
    %c0_i32 = arith.constant 0 : i32
    %c0_i32_0 = arith.constant 0 : i32
    %c0_i32_1 = arith.constant 0 : i32
    return %c0_i32, %c0_i32_0 : i32, i32
  }
  func.func @transform_6(%arg0: i32) -> (i32, i32) {
    %sub3A = arith.constant 1 : i32
    %sub3A_0 = arith.subi %arg0, %sub3A : i32
    %max3A = arith.constant 0 : i32
    %max3A_1 = arith.maxsi %sub3A_0, %max3A : i32
    %c0_i32 = arith.constant 0 : i32
    %c0_i32_2 = arith.constant 0 : i32
    return %max3A_1, %c0_i32 : i32, i32
  }
  func.func @transform_7(%arg0: i32) -> (i32, i32) {
    %c0_i32 = arith.constant 0 : i32
    %c0_i32_0 = arith.constant 0 : i32
    %c0_i32_1 = arith.constant 0 : i32
    return %c0_i32, %c0_i32_0 : i32, i32
  }
}

module attributes {stable_mosaic.version = 14 : i64} {
  func.func @body(%arg0: i32, %arg1: memref<128x896xf32, #tpu.memory_space<vmem>>, %arg2: memref<128x8xf32, #tpu.memory_space<vmem>>, %arg3: memref<128x16xf32, #tpu.memory_space<vmem>>, %arg4: memref<1x896xf32, #tpu.memory_space<vmem>>, %arg5: memref<1x896xf32, #tpu.memory_space<vmem>>, %arg6: memref<896x1536xf32, #tpu.memory_space<vmem>>, %arg7: memref<8x896xf32, #tpu.memory_space<vmem>>, %arg8: memref<16x1536xf32, #tpu.memory_space<vmem>>, %arg9: memref<128x1536xf32, #tpu.memory_space<vmem>>, %arg10: memref<3x1536xf32, #tpu.memory_space<vmem>>) attributes {dimension_semantics = [#tpu.dimension_semantics<arbitrary>], iteration_bounds = array<i64: 4>, scalar_prefetch = 0 : i64, scratch_operands = 0 : i64, tpu.core_type = #tpu.core_type<tc>, window_params = [{transform_indices = @transform_0, window_bounds = array<i64: 128, 896>}, {transform_indices = @transform_1, window_bounds = array<i64: 128, 8>}, {transform_indices = @transform_2, window_bounds = array<i64: 128, 16>}, {pipeline_mode = #tpu.pipeline_mode<synchronous>, transform_indices = @transform_3, window_bounds = array<i64: 1, 896>}, {pipeline_mode = #tpu.pipeline_mode<synchronous>, transform_indices = @transform_4, window_bounds = array<i64: 1, 896>}, {pipeline_mode = #tpu.pipeline_mode<synchronous>, transform_indices = @transform_5, window_bounds = array<i64: 896, 1536>}, {pipeline_mode = #tpu.pipeline_mode<synchronous>, transform_indices = @transform_6, window_bounds = array<i64: 8, 896>}, {pipeline_mode = #tpu.pipeline_mode<synchronous>, transform_indices = @transform_7, window_bounds = array<i64: 16, 1536>}, {transform_indices = @transform_8, window_bounds = array<i64: 128, 1536>}, {pipeline_mode = #tpu.pipeline_mode<synchronous>, transform_indices = @transform_9, window_bounds = array<i64: 3, 1536>}]} {
    %get3A = arith.constant 0 : index
    %get3A_0 = arith.constant 0 : index
    %get3A_1 = vector.load %arg1[%get3A, %get3A_0] : memref<128x896xf32, #tpu.memory_space<vmem>>, vector<128x896xf32>
    %get3A_2 = arith.constant 0 : index
    %get3A_3 = arith.constant 0 : index
    %get3A_4 = vector.load %arg4[%get3A_2, %get3A_3] : memref<1x896xf32, #tpu.memory_space<vmem>>, vector<1x896xf32>
    %mul3A = vector.broadcast %get3A_4 : vector<1x896xf32> to vector<128x896xf32>
    %mul3A_5 = arith.mulf %get3A_1, %mul3A : vector<128x896xf32>
    %get3A_6 = arith.constant 0 : index
    %get3A_7 = arith.constant 0 : index
    %get3A_8 = vector.load %arg5[%get3A_6, %get3A_7] : memref<1x896xf32, #tpu.memory_space<vmem>>, vector<1x896xf32>
    %add3A = vector.broadcast %get3A_8 : vector<1x896xf32> to vector<128x896xf32>
    %add3A_9 = arith.addf %mul3A_5, %add3A : vector<128x896xf32>
    %max3A = arith.constant 0.000000e+00 : f32
    %max3A_10 = vector.broadcast %max3A : f32 to vector<128x896xf32>
    %max3A_11 = arith.maximumf %add3A_9, %max3A_10 : vector<128x896xf32>
    %get3A_12 = arith.constant 0 : index
    %get3A_13 = arith.constant 0 : index
    %get3A_14 = vector.load %arg2[%get3A_12, %get3A_13] : memref<128x8xf32, #tpu.memory_space<vmem>>, vector<128x8xf32>
    %get3A_15 = arith.constant 0 : index
    %get3A_16 = arith.constant 0 : index
    %get3A_17 = vector.load %arg7[%get3A_15, %get3A_16] : memref<8x896xf32, #tpu.memory_space<vmem>>, vector<8x896xf32>
    %dot_general3A = arith.constant dense<0.000000e+00> : vector<128x896xf32>
    %dot_general3A_18 = tpu.matmul %get3A_14, %get3A_17, %dot_general3A {dimension_numbers = #tpu.dot_dimension_numbers<[1], [0], [0], [1], [0, 0, 1, 1], [], []>, transpose_lhs_hint = false} : vector<128x8xf32>, vector<8x896xf32>, vector<128x896xf32> -> vector<128x896xf32>
    %mul3A_19 = arith.mulf %max3A_11, %dot_general3A_18 : vector<128x896xf32>
    %get3A_20 = arith.constant 0 : index
    %get3A_21 = arith.constant 0 : index
    %get3A_22 = vector.load %arg6[%get3A_20, %get3A_21] : memref<896x1536xf32, #tpu.memory_space<vmem>>, vector<896x1536xf32>
    %dot_general3A_23 = arith.constant dense<0.000000e+00> : vector<128x1536xf32>
    %dot_general3A_24 = tpu.matmul %mul3A_19, %get3A_22, %dot_general3A_23 {dimension_numbers = #tpu.dot_dimension_numbers<[1], [0], [0], [1], [0, 0, 1, 1], [], []>, transpose_lhs_hint = false} : vector<128x896xf32>, vector<896x1536xf32>, vector<128x1536xf32> -> vector<128x1536xf32>
    %get3A_25 = arith.constant 0 : index
    %get3A_26 = arith.constant 0 : index
    %get3A_27 = vector.load %arg3[%get3A_25, %get3A_26] : memref<128x16xf32, #tpu.memory_space<vmem>>, vector<128x16xf32>
    %get3A_28 = arith.constant 0 : index
    %get3A_29 = arith.constant 0 : index
    %get3A_30 = vector.load %arg8[%get3A_28, %get3A_29] : memref<16x1536xf32, #tpu.memory_space<vmem>>, vector<16x1536xf32>
    %dot_general3A_31 = arith.constant dense<0.000000e+00> : vector<128x1536xf32>
    %dot_general3A_32 = tpu.matmul %get3A_27, %get3A_30, %dot_general3A_31 {dimension_numbers = #tpu.dot_dimension_numbers<[1], [0], [0], [1], [0, 0, 1, 1], [], []>, transpose_lhs_hint = false} : vector<128x16xf32>, vector<16x1536xf32>, vector<128x1536xf32> -> vector<128x1536xf32>
    %mul3A_33 = arith.mulf %dot_general3A_24, %dot_general3A_32 : vector<128x1536xf32>
    %swap3A = arith.constant 0 : index
    %swap3A_34 = arith.constant 0 : index
    %swap3A_35 = vector.load %arg9[%swap3A, %swap3A_34] : memref<128x1536xf32, #tpu.memory_space<vmem>>, vector<128x1536xf32>
    tpu.vector_store %arg9[%swap3A, %swap3A_34], %mul3A_33 {strides = array<i32>} : memref<128x1536xf32, #tpu.memory_space<vmem>>, vector<128x1536xf32>,
    %eq3A = arith.constant 0 : i32
    %eq3A_36 = arith.cmpi eq, %arg0, %eq3A : i32
    %convert_element_type3A = arith.extui %eq3A_36 : i1 to i32
    %cond3A = arith.constant 0 : i32
    %cond3A_37 = arith.cmpi ne, %convert_element_type3A, %cond3A : i32
    scf.if %cond3A_37 {
      %broadcast_in_dim3A_57 = arith.constant 0.000000e+00 : f32
      %broadcast_in_dim3A_58 = vector.broadcast %broadcast_in_dim3A_57 : f32 to vector<3x1536xf32>
      %swap3A_59 = arith.constant 0 : index
      %swap3A_60 = arith.constant 0 : index
      %swap3A_61 = vector.load %arg10[%swap3A_59, %swap3A_60] : memref<3x1536xf32, #tpu.memory_space<vmem>>, vector<3x1536xf32>
      tpu.vector_store %arg10[%swap3A_59, %swap3A_60], %broadcast_in_dim3A_58 {strides = array<i32>} : memref<3x1536xf32, #tpu.memory_space<vmem>>, vector<3x1536xf32>,
    } else {
    }
    %get3A_38 = arith.constant 0 : index
    %get3A_39 = arith.constant 0 : index
    %get3A_40 = vector.load %arg10[%get3A_38, %get3A_39] : memref<3x1536xf32, #tpu.memory_space<vmem>>, vector<1x1536xf32>
    %reduce_sum3A = arith.constant dense<0.000000e+00> : vector<1536xf32>
    %reduce_sum3A_41 = vector.multi_reduction <add>, %mul3A_33, %reduce_sum3A [0] : vector<128x1536xf32> to vector<1536xf32>
    %broadcast_in_dim3A = vector.shape_cast %reduce_sum3A_41 : vector<1536xf32> to vector<1x1536xf32>
    %add3A_42 = arith.addf %get3A_40, %broadcast_in_dim3A : vector<1x1536xf32>
    %swap3A_43 = arith.constant 0 : index
    %swap3A_44 = arith.constant 0 : index
    %swap3A_45 = vector.load %arg10[%swap3A_43, %swap3A_44] : memref<3x1536xf32, #tpu.memory_space<vmem>>, vector<1x1536xf32>
    tpu.vector_store %arg10[%swap3A_43, %swap3A_44], %add3A_42 {strides = array<i32>} : memref<3x1536xf32, #tpu.memory_space<vmem>>, vector<1x1536xf32>,
    %get3A_46 = arith.constant 1 : index
    %get3A_47 = arith.constant 0 : index
    %get3A_48 = vector.load %arg10[%get3A_46, %get3A_47] : memref<3x1536xf32, #tpu.memory_space<vmem>>, vector<1x1536xf32>
    %mul3A_49 = arith.mulf %mul3A_33, %mul3A_33 : vector<128x1536xf32>
    %reduce_sum3A_50 = arith.constant dense<0.000000e+00> : vector<1536xf32>
    %reduce_sum3A_51 = vector.multi_reduction <add>, %mul3A_49, %reduce_sum3A_50 [0] : vector<128x1536xf32> to vector<1536xf32>
    %broadcast_in_dim3A_52 = vector.shape_cast %reduce_sum3A_51 : vector<1536xf32> to vector<1x1536xf32>
    %add3A_53 = arith.addf %get3A_48, %broadcast_in_dim3A_52 : vector<1x1536xf32>
    %swap3A_54 = arith.constant 1 : index
    %swap3A_55 = arith.constant 0 : index
    %swap3A_56 = vector.load %arg10[%swap3A_54, %swap3A_55] : memref<3x1536xf32, #tpu.memory_space<vmem>>, vector<1x1536xf32>
    tpu.vector_store %arg10[%swap3A_54, %swap3A_55], %add3A_53 {strides = array<i32>} : memref<3x1536xf32, #tpu.memory_space<vmem>>, vector<1x1536xf32>,
    return
  }
  func.func @transform_0(%arg0: i32) -> (i32, i32) {
    %c0_i32 = arith.constant 0 : i32
    %c0_i32_0 = arith.constant 0 : i32
    return %arg0, %c0_i32 : i32, i32
  }
  func.func @transform_1(%arg0: i32) -> (i32, i32) {
    %c0_i32 = arith.constant 0 : i32
    %c0_i32_0 = arith.constant 0 : i32
    return %arg0, %c0_i32 : i32, i32
  }
  func.func @transform_2(%arg0: i32) -> (i32, i32) {
    %c0_i32 = arith.constant 0 : i32
    %c0_i32_0 = arith.constant 0 : i32
    return %arg0, %c0_i32 : i32, i32
  }
  func.func @transform_3(%arg0: i32) -> (i32, i32) {
    %c0_i32 = arith.constant 0 : i32
    %c0_i32_0 = arith.constant 0 : i32
    %c0_i32_1 = arith.constant 0 : i32
    return %c0_i32, %c0_i32_0 : i32, i32
  }
  func.func @transform_4(%arg0: i32) -> (i32, i32) {
    %c0_i32 = arith.constant 0 : i32
    %c0_i32_0 = arith.constant 0 : i32
    %c0_i32_1 = arith.constant 0 : i32
    return %c0_i32, %c0_i32_0 : i32, i32
  }
  func.func @transform_5(%arg0: i32) -> (i32, i32) {
    %c0_i32 = arith.constant 0 : i32
    %c0_i32_0 = arith.constant 0 : i32
    %c0_i32_1 = arith.constant 0 : i32
    return %c0_i32, %c0_i32_0 : i32, i32
  }
  func.func @transform_6(%arg0: i32) -> (i32, i32) {
    %c0_i32 = arith.constant 0 : i32
    %c0_i32_0 = arith.constant 0 : i32
    %c0_i32_1 = arith.constant 0 : i32
    return %c0_i32, %c0_i32_0 : i32, i32
  }
  func.func @transform_7(%arg0: i32) -> (i32, i32) {
    %c0_i32 = arith.constant 0 : i32
    %c0_i32_0 = arith.constant 0 : i32
    %c0_i32_1 = arith.constant 0 : i32
    return %c0_i32, %c0_i32_0 : i32, i32
  }
  func.func @transform_8(%arg0: i32) -> (i32, i32) {
    %c0_i32 = arith.constant 0 : i32
    %c0_i32_0 = arith.constant 0 : i32
    return %arg0, %c0_i32 : i32, i32
  }
  func.func @transform_9(%arg0: i32) -> (i32, i32) {
    %c0_i32 = arith.constant 0 : i32
    %c0_i32_0 = arith.constant 0 : i32
    %c0_i32_1 = arith.constant 0 : i32
    return %c0_i32, %c0_i32_0 : i32, i32
  }
}

module attributes {stable_mosaic.version = 14 : i64} {
  func.func @body(%arg0: i32, %arg1: memref<256x768xf32, #tpu.memory_space<vmem>>, %arg2: memref<256x768xf32, #tpu.memory_space<vmem>>, %arg3: memref<256x8xf32, #tpu.memory_space<vmem>>, %arg4: memref<1x768xf32, #tpu.memory_space<vmem>>, %arg5: memref<1x768xf32, #tpu.memory_space<vmem>>, %arg6: memref<1x768xf32, #tpu.memory_space<vmem>>, %arg7: memref<1x768xf32, #tpu.memory_space<vmem>>, %arg8: memref<3x768x768xf32, #tpu.memory_space<vmem>>, %arg9: memref<3x768x768xf32, #tpu.memory_space<vmem>>, %arg10: memref<8x768xf32, #tpu.memory_space<vmem>>, %arg11: memref<256x768xf32, #tpu.memory_space<vmem>>, %arg12: memref<3x768xf32, #tpu.memory_space<vmem>>, %arg13: memref<256x768xf32, #tpu.memory_space<vmem>>, %arg14: memref<256x768xf32, #tpu.memory_space<vmem>>, %arg15: memref<256x768xf32, #tpu.memory_space<vmem>>, %arg16: memref<1x768xf32, #tpu.memory_space<vmem>>, %arg17: memref<1x768xf32, #tpu.memory_space<vmem>>) attributes {dimension_semantics = [#tpu.dimension_semantics<arbitrary>], iteration_bounds = array<i64: 5>, scalar_prefetch = 0 : i64, scratch_operands = 5 : i64, tpu.core_type = #tpu.core_type<tc>, window_params = [{transform_indices = @transform_0, window_bounds = array<i64: 256, 768>}, {transform_indices = @transform_1, window_bounds = array<i64: 256, 768>}, {transform_indices = @transform_2, window_bounds = array<i64: 256, 8>}, {pipeline_mode = #tpu.pipeline_mode<synchronous>, transform_indices = @transform_3, window_bounds = array<i64: 1, 768>}, {pipeline_mode = #tpu.pipeline_mode<synchronous>, transform_indices = @transform_4, window_bounds = array<i64: 1, 768>}, {pipeline_mode = #tpu.pipeline_mode<synchronous>, transform_indices = @transform_5, window_bounds = array<i64: 1, 768>}, {pipeline_mode = #tpu.pipeline_mode<synchronous>, transform_indices = @transform_6, window_bounds = array<i64: 1, 768>}, {pipeline_mode = #tpu.pipeline_mode<synchronous>, transform_indices = @transform_7, window_bounds = array<i64: 3, 768, 768>}, {pipeline_mode = #tpu.pipeline_mode<synchronous>, transform_indices = @transform_8, window_bounds = array<i64: 3, 768, 768>}, {pipeline_mode = #tpu.pipeline_mode<synchronous>, transform_indices = @transform_9, window_bounds = array<i64: 8, 768>}, {transform_indices = @transform_10, window_bounds = array<i64: 256, 768>}, {pipeline_mode = #tpu.pipeline_mode<synchronous>, transform_indices = @transform_11, window_bounds = array<i64: 3, 768>}]} {
    %get3A = arith.constant 0 : index
    %get3A_0 = arith.constant 0 : index
    %get3A_1 = vector.load %arg10[%get3A, %get3A_0] : memref<8x768xf32, #tpu.memory_space<vmem>>, vector<8x768xf32>
    %get3A_2 = arith.constant 0 : index
    %get3A_3 = arith.constant 0 : index
    %get3A_4 = vector.load %arg3[%get3A_2, %get3A_3] : memref<256x8xf32, #tpu.memory_space<vmem>>, vector<256x8xf32>
    %dot_general3A = arith.constant dense<0.000000e+00> : vector<256x768xf32>
    %dot_general3A_5 = tpu.matmul %get3A_4, %get3A_1, %dot_general3A {dimension_numbers = #tpu.dot_dimension_numbers<[1], [0], [0], [1], [0, 0, 1, 1], [], []>, transpose_lhs_hint = false} : vector<256x8xf32>, vector<8x768xf32>, vector<256x768xf32> -> vector<256x768xf32>
    %get3A_6 = arith.constant 0 : index
    %get3A_7 = arith.constant 0 : index
    %get3A_8 = vector.load %arg1[%get3A_6, %get3A_7] : memref<256x768xf32, #tpu.memory_space<vmem>>, vector<256x768xf32>
    %get3A_9 = arith.constant 0 : index
    %get3A_10 = arith.constant 0 : index
    %get3A_11 = vector.load %arg4[%get3A_9, %get3A_10] : memref<1x768xf32, #tpu.memory_space<vmem>>, vector<1x768xf32>
    %mul3A = vector.broadcast %get3A_11 : vector<1x768xf32> to vector<256x768xf32>
    %mul3A_12 = arith.mulf %get3A_8, %mul3A : vector<256x768xf32>
    %get3A_13 = arith.constant 0 : index
    %get3A_14 = arith.constant 0 : index
    %get3A_15 = vector.load %arg5[%get3A_13, %get3A_14] : memref<1x768xf32, #tpu.memory_space<vmem>>, vector<1x768xf32>
    %add3A = vector.broadcast %get3A_15 : vector<1x768xf32> to vector<256x768xf32>
    %add3A_16 = arith.addf %mul3A_12, %add3A : vector<256x768xf32>
    %max3A = arith.constant 0.000000e+00 : f32
    %max3A_17 = vector.broadcast %max3A : f32 to vector<256x768xf32>
    %max3A_18 = arith.maximumf %add3A_16, %max3A_17 : vector<256x768xf32>
    %mul3A_19 = arith.mulf %max3A_18, %dot_general3A_5 : vector<256x768xf32>
    %get3A_20 = arith.constant 0 : index
    %get3A_21 = arith.constant 0 : index
    %get3A_22 = vector.load %arg2[%get3A_20, %get3A_21] : memref<256x768xf32, #tpu.memory_space<vmem>>, vector<256x768xf32>
    %get3A_23 = arith.constant 0 : index
    %get3A_24 = arith.constant 0 : index
    %get3A_25 = vector.load %arg6[%get3A_23, %get3A_24] : memref<1x768xf32, #tpu.memory_space<vmem>>, vector<1x768xf32>
    %mul3A_26 = vector.broadcast %get3A_25 : vector<1x768xf32> to vector<256x768xf32>
    %mul3A_27 = arith.mulf %get3A_22, %mul3A_26 : vector<256x768xf32>
    %get3A_28 = arith.constant 0 : index
    %get3A_29 = arith.constant 0 : index
    %get3A_30 = vector.load %arg7[%get3A_28, %get3A_29] : memref<1x768xf32, #tpu.memory_space<vmem>>, vector<1x768xf32>
    %add3A_31 = vector.broadcast %get3A_30 : vector<1x768xf32> to vector<256x768xf32>
    %add3A_32 = arith.addf %mul3A_27, %add3A_31 : vector<256x768xf32>
    %max3A_33 = arith.constant 0.000000e+00 : f32
    %max3A_34 = vector.broadcast %max3A_33 : f32 to vector<256x768xf32>
    %max3A_35 = arith.maximumf %add3A_32, %max3A_34 : vector<256x768xf32>
    %mul3A_36 = arith.mulf %max3A_35, %dot_general3A_5 : vector<256x768xf32>
    %eq3A = arith.constant 0 : i32
    %eq3A_37 = arith.cmpi eq, %arg0, %eq3A : i32
    %convert_element_type3A = arith.extui %eq3A_37 : i1 to i32
    %cond3A = arith.constant 0 : i32
    %cond3A_38 = arith.cmpi ne, %convert_element_type3A, %cond3A : i32
    scf.if %cond3A_38 {
      %broadcast_in_dim3A = arith.constant 0.000000e+00 : f32
      %broadcast_in_dim3A_47 = vector.broadcast %broadcast_in_dim3A : f32 to vector<3x768xf32>
      %swap3A = arith.constant 0 : index
      %swap3A_48 = arith.constant 0 : index
      %swap3A_49 = vector.load %arg12[%swap3A, %swap3A_48] : memref<3x768xf32, #tpu.memory_space<vmem>>, vector<3x768xf32>
      tpu.vector_store %arg12[%swap3A, %swap3A_48], %broadcast_in_dim3A_47 {strides = array<i32>} : memref<3x768xf32, #tpu.memory_space<vmem>>, vector<3x768xf32>,
      %broadcast_in_dim3A_50 = arith.constant 0.000000e+00 : f32
      %broadcast_in_dim3A_51 = vector.broadcast %broadcast_in_dim3A_50 : f32 to vector<1x768xf32>
      %swap3A_52 = arith.constant 0 : index
      %swap3A_53 = arith.constant 0 : index
      %swap3A_54 = vector.load %arg16[%swap3A_52, %swap3A_53] : memref<1x768xf32, #tpu.memory_space<vmem>>, vector<1x768xf32>
      tpu.vector_store %arg16[%swap3A_52, %swap3A_53], %broadcast_in_dim3A_51 {strides = array<i32>} : memref<1x768xf32, #tpu.memory_space<vmem>>, vector<1x768xf32>,
      %broadcast_in_dim3A_55 = arith.constant 0.000000e+00 : f32
      %broadcast_in_dim3A_56 = vector.broadcast %broadcast_in_dim3A_55 : f32 to vector<1x768xf32>
      %swap3A_57 = arith.constant 0 : index
      %swap3A_58 = arith.constant 0 : index
      %swap3A_59 = vector.load %arg17[%swap3A_57, %swap3A_58] : memref<1x768xf32, #tpu.memory_space<vmem>>, vector<1x768xf32>
      tpu.vector_store %arg17[%swap3A_57, %swap3A_58], %broadcast_in_dim3A_56 {strides = array<i32>} : memref<1x768xf32, #tpu.memory_space<vmem>>, vector<1x768xf32>,
    } else {
    }
    %gt3A = arith.constant 0 : i32
    %gt3A_39 = arith.cmpi sgt, %arg0, %gt3A : i32
    %convert_element_type3A_40 = arith.extui %gt3A_39 : i1 to i32
    %cond3A_41 = arith.constant 0 : i32
    %cond3A_42 = arith.cmpi ne, %convert_element_type3A_40, %cond3A_41 : i32
    scf.if %cond3A_42 {
      %lt3A_47 = arith.constant 4 : i32
      %lt3A_48 = arith.cmpi slt, %arg0, %lt3A_47 : i32
      %jit3A = arith.constant 1.000000e+00 : f32
      %jit3A_49 = arith.constant 0.000000e+00 : f32
      %select_n3A = arith.select %lt3A_48, %jit3A, %jit3A_49 : f32
      %get3A_50 = arith.constant 0 : index
      %get3A_51 = arith.constant 0 : index
      %get3A_52 = vector.load %arg13[%get3A_50, %get3A_51] : memref<256x768xf32, #tpu.memory_space<vmem>>, vector<256x768xf32>
      %get3A_53 = arith.constant 0 : index
      %get3A_54 = arith.constant 0 : index
      %get3A_55 = vector.load %arg16[%get3A_53, %get3A_54] : memref<1x768xf32, #tpu.memory_space<vmem>>, vector<1x768xf32>
      %slice3A = vector.extract_strided_slice %get3A_52 {offsets = [0, 0], sizes = [255, 768], strides = [1, 1]} : vector<256x768xf32> to vector<255x768xf32>
      %concatenate3A = tpu.concatenate %get3A_55, %slice3A in 0 : vector<1x768xf32>, vector<255x768xf32> -> vector<256x768xf32>
      %slice3A_56 = vector.extract_strided_slice %get3A_52 {offsets = [1, 0], sizes = [255, 768], strides = [1, 1]} : vector<256x768xf32> to vector<255x768xf32>
      %slice3A_57 = vector.extract_strided_slice %mul3A_19 {offsets = [0, 0], sizes = [1, 768], strides = [1, 1]} : vector<256x768xf32> to vector<1x768xf32>
      %mul3A_58 = vector.broadcast %select_n3A : f32 to vector<1x768xf32>
      %mul3A_59 = arith.mulf %slice3A_57, %mul3A_58 : vector<1x768xf32>
      %concatenate3A_60 = tpu.concatenate %slice3A_56, %mul3A_59 in 0 : vector<255x768xf32>, vector<1x768xf32> -> vector<256x768xf32>
      %slice3A_61 = vector.extract_strided_slice %concatenate3A {offsets = [0, 672], sizes = [256, 96], strides = [1, 1]} : vector<256x768xf32> to vector<256x96xf32>
      %slice3A_62 = vector.extract_strided_slice %get3A_52 {offsets = [0, 0], sizes = [256, 672], strides = [1, 1]} : vector<256x768xf32> to vector<256x672xf32>
      %concatenate3A_63 = tpu.concatenate %slice3A_61, %slice3A_62 in 1 : vector<256x96xf32>, vector<256x672xf32> -> vector<256x768xf32>
      %slice3A_64 = vector.extract_strided_slice %get3A_52 {offsets = [0, 96], sizes = [256, 672], strides = [1, 1]} : vector<256x768xf32> to vector<256x672xf32>
      %slice3A_65 = vector.extract_strided_slice %concatenate3A_60 {offsets = [0, 0], sizes = [256, 96], strides = [1, 1]} : vector<256x768xf32> to vector<256x96xf32>
      %concatenate3A_66 = tpu.concatenate %slice3A_64, %slice3A_65 in 1 : vector<256x672xf32>, vector<256x96xf32> -> vector<256x768xf32>
      %get3A_67 = arith.constant 0 : index
      %get3A_68 = arith.constant 0 : index
      %get3A_69 = arith.constant 0 : index
      %get3A_70 = vector.load %arg8[%get3A_67, %get3A_68, %get3A_69] : memref<3x768x768xf32, #tpu.memory_space<vmem>>, vector<1x768x768xf32>
      %get3A_71 = vector.shape_cast %get3A_70 : vector<1x768x768xf32> to vector<768x768xf32>
      %dot_general3A_72 = arith.constant dense<0.000000e+00> : vector<256x768xf32>
      %dot_general3A_73 = tpu.matmul %concatenate3A_63, %get3A_71, %dot_general3A_72 {dimension_numbers = #tpu.dot_dimension_numbers<[1], [0], [0], [1], [0, 0, 1, 1], [], []>, transpose_lhs_hint = false} : vector<256x768xf32>, vector<768x768xf32>, vector<256x768xf32> -> vector<256x768xf32>
      %get3A_74 = arith.constant 1 : index
      %get3A_75 = arith.constant 0 : index
      %get3A_76 = arith.constant 0 : index
      %get3A_77 = vector.load %arg8[%get3A_74, %get3A_75, %get3A_76] : memref<3x768x768xf32, #tpu.memory_space<vmem>>, vector<1x768x768xf32>
      %get3A_78 = vector.shape_cast %get3A_77 : vector<1x768x768xf32> to vector<768x768xf32>
      %dot_general3A_79 = arith.constant dense<0.000000e+00> : vector<256x768xf32>
      %dot_general3A_80 = tpu.matmul %get3A_52, %get3A_78, %dot_general3A_79 {dimension_numbers = #tpu.dot_dimension_numbers<[1], [0], [0], [1], [0, 0, 1, 1], [], []>, transpose_lhs_hint = false} : vector<256x768xf32>, vector<768x768xf32>, vector<256x768xf32> -> vector<256x768xf32>
      %add3A_81 = arith.addf %dot_general3A_73, %dot_general3A_80 : vector<256x768xf32>
      %get3A_82 = arith.constant 2 : index
      %get3A_83 = arith.constant 0 : index
      %get3A_84 = arith.constant 0 : index
      %get3A_85 = vector.load %arg8[%get3A_82, %get3A_83, %get3A_84] : memref<3x768x768xf32, #tpu.memory_space<vmem>>, vector<1x768x768xf32>
      %get3A_86 = vector.shape_cast %get3A_85 : vector<1x768x768xf32> to vector<768x768xf32>
      %dot_general3A_87 = arith.constant dense<0.000000e+00> : vector<256x768xf32>
      %dot_general3A_88 = tpu.matmul %concatenate3A_66, %get3A_86, %dot_general3A_87 {dimension_numbers = #tpu.dot_dimension_numbers<[1], [0], [0], [1], [0, 0, 1, 1], [], []>, transpose_lhs_hint = false} : vector<256x768xf32>, vector<768x768xf32>, vector<256x768xf32> -> vector<256x768xf32>
      %add3A_89 = arith.addf %add3A_81, %dot_general3A_88 : vector<256x768xf32>
      %get3A_90 = arith.constant 0 : index
      %get3A_91 = arith.constant 0 : index
      %get3A_92 = vector.load %arg14[%get3A_90, %get3A_91] : memref<256x768xf32, #tpu.memory_space<vmem>>, vector<256x768xf32>
      %get3A_93 = arith.constant 0 : index
      %get3A_94 = arith.constant 0 : index
      %get3A_95 = vector.load %arg17[%get3A_93, %get3A_94] : memref<1x768xf32, #tpu.memory_space<vmem>>, vector<1x768xf32>
      %slice3A_96 = vector.extract_strided_slice %get3A_92 {offsets = [0, 0], sizes = [255, 768], strides = [1, 1]} : vector<256x768xf32> to vector<255x768xf32>
      %concatenate3A_97 = tpu.concatenate %get3A_95, %slice3A_96 in 0 : vector<1x768xf32>, vector<255x768xf32> -> vector<256x768xf32>
      %slice3A_98 = vector.extract_strided_slice %get3A_92 {offsets = [1, 0], sizes = [255, 768], strides = [1, 1]} : vector<256x768xf32> to vector<255x768xf32>
      %slice3A_99 = vector.extract_strided_slice %mul3A_36 {offsets = [0, 0], sizes = [1, 768], strides = [1, 1]} : vector<256x768xf32> to vector<1x768xf32>
      %mul3A_100 = vector.broadcast %select_n3A : f32 to vector<1x768xf32>
      %mul3A_101 = arith.mulf %slice3A_99, %mul3A_100 : vector<1x768xf32>
      %concatenate3A_102 = tpu.concatenate %slice3A_98, %mul3A_101 in 0 : vector<255x768xf32>, vector<1x768xf32> -> vector<256x768xf32>
      %slice3A_103 = vector.extract_strided_slice %concatenate3A_97 {offsets = [0, 672], sizes = [256, 96], strides = [1, 1]} : vector<256x768xf32> to vector<256x96xf32>
      %slice3A_104 = vector.extract_strided_slice %get3A_92 {offsets = [0, 0], sizes = [256, 672], strides = [1, 1]} : vector<256x768xf32> to vector<256x672xf32>
      %concatenate3A_105 = tpu.concatenate %slice3A_103, %slice3A_104 in 1 : vector<256x96xf32>, vector<256x672xf32> -> vector<256x768xf32>
      %slice3A_106 = vector.extract_strided_slice %get3A_92 {offsets = [0, 96], sizes = [256, 672], strides = [1, 1]} : vector<256x768xf32> to vector<256x672xf32>
      %slice3A_107 = vector.extract_strided_slice %concatenate3A_102 {offsets = [0, 0], sizes = [256, 96], strides = [1, 1]} : vector<256x768xf32> to vector<256x96xf32>
      %concatenate3A_108 = tpu.concatenate %slice3A_106, %slice3A_107 in 1 : vector<256x672xf32>, vector<256x96xf32> -> vector<256x768xf32>
      %get3A_109 = arith.constant 0 : index
      %get3A_110 = arith.constant 0 : index
      %get3A_111 = arith.constant 0 : index
      %get3A_112 = vector.load %arg9[%get3A_109, %get3A_110, %get3A_111] : memref<3x768x768xf32, #tpu.memory_space<vmem>>, vector<1x768x768xf32>
      %get3A_113 = vector.shape_cast %get3A_112 : vector<1x768x768xf32> to vector<768x768xf32>
      %dot_general3A_114 = arith.constant dense<0.000000e+00> : vector<256x768xf32>
      %dot_general3A_115 = tpu.matmul %concatenate3A_105, %get3A_113, %dot_general3A_114 {dimension_numbers = #tpu.dot_dimension_numbers<[1], [0], [0], [1], [0, 0, 1, 1], [], []>, transpose_lhs_hint = false} : vector<256x768xf32>, vector<768x768xf32>, vector<256x768xf32> -> vector<256x768xf32>
      %get3A_116 = arith.constant 1 : index
      %get3A_117 = arith.constant 0 : index
      %get3A_118 = arith.constant 0 : index
      %get3A_119 = vector.load %arg9[%get3A_116, %get3A_117, %get3A_118] : memref<3x768x768xf32, #tpu.memory_space<vmem>>, vector<1x768x768xf32>
      %get3A_120 = vector.shape_cast %get3A_119 : vector<1x768x768xf32> to vector<768x768xf32>
      %dot_general3A_121 = arith.constant dense<0.000000e+00> : vector<256x768xf32>
      %dot_general3A_122 = tpu.matmul %get3A_92, %get3A_120, %dot_general3A_121 {dimension_numbers = #tpu.dot_dimension_numbers<[1], [0], [0], [1], [0, 0, 1, 1], [], []>, transpose_lhs_hint = false} : vector<256x768xf32>, vector<768x768xf32>, vector<256x768xf32> -> vector<256x768xf32>
      %add3A_123 = arith.addf %dot_general3A_115, %dot_general3A_122 : vector<256x768xf32>
      %get3A_124 = arith.constant 2 : index
      %get3A_125 = arith.constant 0 : index
      %get3A_126 = arith.constant 0 : index
      %get3A_127 = vector.load %arg9[%get3A_124, %get3A_125, %get3A_126] : memref<3x768x768xf32, #tpu.memory_space<vmem>>, vector<1x768x768xf32>
      %get3A_128 = vector.shape_cast %get3A_127 : vector<1x768x768xf32> to vector<768x768xf32>
      %dot_general3A_129 = arith.constant dense<0.000000e+00> : vector<256x768xf32>
      %dot_general3A_130 = tpu.matmul %concatenate3A_108, %get3A_128, %dot_general3A_129 {dimension_numbers = #tpu.dot_dimension_numbers<[1], [0], [0], [1], [0, 0, 1, 1], [], []>, transpose_lhs_hint = false} : vector<256x768xf32>, vector<768x768xf32>, vector<256x768xf32> -> vector<256x768xf32>
      %add3A_131 = arith.addf %add3A_123, %dot_general3A_130 : vector<256x768xf32>
      %add3A_132 = arith.addf %add3A_89, %add3A_131 : vector<256x768xf32>
      %get3A_133 = arith.constant 0 : index
      %get3A_134 = arith.constant 0 : index
      %get3A_135 = vector.load %arg15[%get3A_133, %get3A_134] : memref<256x768xf32, #tpu.memory_space<vmem>>, vector<256x768xf32>
      %mul3A_136 = arith.mulf %add3A_132, %get3A_135 : vector<256x768xf32>
      %swap3A = arith.constant 0 : index
      %swap3A_137 = arith.constant 0 : index
      %swap3A_138 = vector.load %arg11[%swap3A, %swap3A_137] : memref<256x768xf32, #tpu.memory_space<vmem>>, vector<256x768xf32>
      tpu.vector_store %arg11[%swap3A, %swap3A_137], %mul3A_136 {strides = array<i32>} : memref<256x768xf32, #tpu.memory_space<vmem>>, vector<256x768xf32>,
      %get3A_139 = arith.constant 0 : index
      %get3A_140 = arith.constant 0 : index
      %get3A_141 = vector.load %arg12[%get3A_139, %get3A_140] : memref<3x768xf32, #tpu.memory_space<vmem>>, vector<1x768xf32>
      %reduce_sum3A = arith.constant dense<0.000000e+00> : vector<768xf32>
      %reduce_sum3A_142 = vector.multi_reduction <add>, %mul3A_136, %reduce_sum3A [0] : vector<256x768xf32> to vector<768xf32>
      %broadcast_in_dim3A = vector.shape_cast %reduce_sum3A_142 : vector<768xf32> to vector<1x768xf32>
      %add3A_143 = arith.addf %get3A_141, %broadcast_in_dim3A : vector<1x768xf32>
      %swap3A_144 = arith.constant 0 : index
      %swap3A_145 = arith.constant 0 : index
      %swap3A_146 = vector.load %arg12[%swap3A_144, %swap3A_145] : memref<3x768xf32, #tpu.memory_space<vmem>>, vector<1x768xf32>
      tpu.vector_store %arg12[%swap3A_144, %swap3A_145], %add3A_143 {strides = array<i32>} : memref<3x768xf32, #tpu.memory_space<vmem>>, vector<1x768xf32>,
      %get3A_147 = arith.constant 1 : index
      %get3A_148 = arith.constant 0 : index
      %get3A_149 = vector.load %arg12[%get3A_147, %get3A_148] : memref<3x768xf32, #tpu.memory_space<vmem>>, vector<1x768xf32>
      %mul3A_150 = arith.mulf %mul3A_136, %mul3A_136 : vector<256x768xf32>
      %reduce_sum3A_151 = arith.constant dense<0.000000e+00> : vector<768xf32>
      %reduce_sum3A_152 = vector.multi_reduction <add>, %mul3A_150, %reduce_sum3A_151 [0] : vector<256x768xf32> to vector<768xf32>
      %broadcast_in_dim3A_153 = vector.shape_cast %reduce_sum3A_152 : vector<768xf32> to vector<1x768xf32>
      %add3A_154 = arith.addf %get3A_149, %broadcast_in_dim3A_153 : vector<1x768xf32>
      %swap3A_155 = arith.constant 1 : index
      %swap3A_156 = arith.constant 0 : index
      %swap3A_157 = vector.load %arg12[%swap3A_155, %swap3A_156] : memref<3x768xf32, #tpu.memory_space<vmem>>, vector<1x768xf32>
      tpu.vector_store %arg12[%swap3A_155, %swap3A_156], %add3A_154 {strides = array<i32>} : memref<3x768xf32, #tpu.memory_space<vmem>>, vector<1x768xf32>,
      %get3A_158 = arith.constant 255 : index
      %get3A_159 = arith.constant 0 : index
      %get3A_160 = vector.load %arg13[%get3A_158, %get3A_159] : memref<256x768xf32, #tpu.memory_space<vmem>>, vector<1x768xf32>
      %swap3A_161 = arith.constant 0 : index
      %swap3A_162 = arith.constant 0 : index
      %swap3A_163 = vector.load %arg16[%swap3A_161, %swap3A_162] : memref<1x768xf32, #tpu.memory_space<vmem>>, vector<1x768xf32>
      tpu.vector_store %arg16[%swap3A_161, %swap3A_162], %get3A_160 {strides = array<i32>} : memref<1x768xf32, #tpu.memory_space<vmem>>, vector<1x768xf32>,
      %get3A_164 = arith.constant 255 : index
      %get3A_165 = arith.constant 0 : index
      %get3A_166 = vector.load %arg14[%get3A_164, %get3A_165] : memref<256x768xf32, #tpu.memory_space<vmem>>, vector<1x768xf32>
      %swap3A_167 = arith.constant 0 : index
      %swap3A_168 = arith.constant 0 : index
      %swap3A_169 = vector.load %arg17[%swap3A_167, %swap3A_168] : memref<1x768xf32, #tpu.memory_space<vmem>>, vector<1x768xf32>
      tpu.vector_store %arg17[%swap3A_167, %swap3A_168], %get3A_166 {strides = array<i32>} : memref<1x768xf32, #tpu.memory_space<vmem>>, vector<1x768xf32>,
    } else {
    }
    %lt3A = arith.constant 4 : i32
    %lt3A_43 = arith.cmpi slt, %arg0, %lt3A : i32
    %convert_element_type3A_44 = arith.extui %lt3A_43 : i1 to i32
    %cond3A_45 = arith.constant 0 : i32
    %cond3A_46 = arith.cmpi ne, %convert_element_type3A_44, %cond3A_45 : i32
    scf.if %cond3A_46 {
      %swap3A = arith.constant 0 : index
      %swap3A_47 = arith.constant 0 : index
      %swap3A_48 = vector.load %arg13[%swap3A, %swap3A_47] : memref<256x768xf32, #tpu.memory_space<vmem>>, vector<256x768xf32>
      tpu.vector_store %arg13[%swap3A, %swap3A_47], %mul3A_19 {strides = array<i32>} : memref<256x768xf32, #tpu.memory_space<vmem>>, vector<256x768xf32>,
      %swap3A_49 = arith.constant 0 : index
      %swap3A_50 = arith.constant 0 : index
      %swap3A_51 = vector.load %arg14[%swap3A_49, %swap3A_50] : memref<256x768xf32, #tpu.memory_space<vmem>>, vector<256x768xf32>
      tpu.vector_store %arg14[%swap3A_49, %swap3A_50], %mul3A_36 {strides = array<i32>} : memref<256x768xf32, #tpu.memory_space<vmem>>, vector<256x768xf32>,
      %swap3A_52 = arith.constant 0 : index
      %swap3A_53 = arith.constant 0 : index
      %swap3A_54 = vector.load %arg15[%swap3A_52, %swap3A_53] : memref<256x768xf32, #tpu.memory_space<vmem>>, vector<256x768xf32>
      tpu.vector_store %arg15[%swap3A_52, %swap3A_53], %dot_general3A_5 {strides = array<i32>} : memref<256x768xf32, #tpu.memory_space<vmem>>, vector<256x768xf32>,
    } else {
    }
    return
  }
  func.func @transform_0(%arg0: i32) -> (i32, i32) {
    %min3A = arith.constant 3 : i32
    %min3A_0 = arith.minsi %arg0, %min3A : i32
    %c0_i32 = arith.constant 0 : i32
    %c0_i32_1 = arith.constant 0 : i32
    return %min3A_0, %c0_i32 : i32, i32
  }
  func.func @transform_1(%arg0: i32) -> (i32, i32) {
    %min3A = arith.constant 3 : i32
    %min3A_0 = arith.minsi %arg0, %min3A : i32
    %c0_i32 = arith.constant 0 : i32
    %c0_i32_1 = arith.constant 0 : i32
    return %min3A_0, %c0_i32 : i32, i32
  }
  func.func @transform_2(%arg0: i32) -> (i32, i32) {
    %min3A = arith.constant 3 : i32
    %min3A_0 = arith.minsi %arg0, %min3A : i32
    %c0_i32 = arith.constant 0 : i32
    %c0_i32_1 = arith.constant 0 : i32
    return %min3A_0, %c0_i32 : i32, i32
  }
  func.func @transform_3(%arg0: i32) -> (i32, i32) {
    %c0_i32 = arith.constant 0 : i32
    %c0_i32_0 = arith.constant 0 : i32
    %c0_i32_1 = arith.constant 0 : i32
    return %c0_i32, %c0_i32_0 : i32, i32
  }
  func.func @transform_4(%arg0: i32) -> (i32, i32) {
    %c0_i32 = arith.constant 0 : i32
    %c0_i32_0 = arith.constant 0 : i32
    %c0_i32_1 = arith.constant 0 : i32
    return %c0_i32, %c0_i32_0 : i32, i32
  }
  func.func @transform_5(%arg0: i32) -> (i32, i32) {
    %c0_i32 = arith.constant 0 : i32
    %c0_i32_0 = arith.constant 0 : i32
    %c0_i32_1 = arith.constant 0 : i32
    return %c0_i32, %c0_i32_0 : i32, i32
  }
  func.func @transform_6(%arg0: i32) -> (i32, i32) {
    %c0_i32 = arith.constant 0 : i32
    %c0_i32_0 = arith.constant 0 : i32
    %c0_i32_1 = arith.constant 0 : i32
    return %c0_i32, %c0_i32_0 : i32, i32
  }
  func.func @transform_7(%arg0: i32) -> (i32, i32, i32) {
    %c0_i32 = arith.constant 0 : i32
    %c0_i32_0 = arith.constant 0 : i32
    %c0_i32_1 = arith.constant 0 : i32
    %c0_i32_2 = arith.constant 0 : i32
    return %c0_i32, %c0_i32_0, %c0_i32_1 : i32, i32, i32
  }
  func.func @transform_8(%arg0: i32) -> (i32, i32, i32) {
    %c0_i32 = arith.constant 0 : i32
    %c0_i32_0 = arith.constant 0 : i32
    %c0_i32_1 = arith.constant 0 : i32
    %c0_i32_2 = arith.constant 0 : i32
    return %c0_i32, %c0_i32_0, %c0_i32_1 : i32, i32, i32
  }
  func.func @transform_9(%arg0: i32) -> (i32, i32) {
    %c0_i32 = arith.constant 0 : i32
    %c0_i32_0 = arith.constant 0 : i32
    %c0_i32_1 = arith.constant 0 : i32
    return %c0_i32, %c0_i32_0 : i32, i32
  }
  func.func @transform_10(%arg0: i32) -> (i32, i32) {
    %sub3A = arith.constant 1 : i32
    %sub3A_0 = arith.subi %arg0, %sub3A : i32
    %max3A = arith.constant 0 : i32
    %max3A_1 = arith.maxsi %sub3A_0, %max3A : i32
    %c0_i32 = arith.constant 0 : i32
    %c0_i32_2 = arith.constant 0 : i32
    return %max3A_1, %c0_i32 : i32, i32
  }
  func.func @transform_11(%arg0: i32) -> (i32, i32) {
    %c0_i32 = arith.constant 0 : i32
    %c0_i32_0 = arith.constant 0 : i32
    %c0_i32_1 = arith.constant 0 : i32
    return %c0_i32, %c0_i32_0 : i32, i32
  }
}

module attributes {stable_mosaic.version = 14 : i64} {
  func.func @body(%arg0: i32, %arg1: memref<128x768xf32, #tpu.memory_space<vmem>>, %arg2: memref<128x8xf32, #tpu.memory_space<vmem>>, %arg3: memref<128x16xf32, #tpu.memory_space<vmem>>, %arg4: memref<1x768xf32, #tpu.memory_space<vmem>>, %arg5: memref<1x768xf32, #tpu.memory_space<vmem>>, %arg6: memref<768x1280xf32, #tpu.memory_space<vmem>>, %arg7: memref<8x768xf32, #tpu.memory_space<vmem>>, %arg8: memref<16x1280xf32, #tpu.memory_space<vmem>>, %arg9: memref<128x1280xf32, #tpu.memory_space<vmem>>, %arg10: memref<3x1280xf32, #tpu.memory_space<vmem>>) attributes {dimension_semantics = [#tpu.dimension_semantics<arbitrary>], iteration_bounds = array<i64: 8>, scalar_prefetch = 0 : i64, scratch_operands = 0 : i64, tpu.core_type = #tpu.core_type<tc>, window_params = [{transform_indices = @transform_0, window_bounds = array<i64: 128, 768>}, {transform_indices = @transform_1, window_bounds = array<i64: 128, 8>}, {transform_indices = @transform_2, window_bounds = array<i64: 128, 16>}, {pipeline_mode = #tpu.pipeline_mode<synchronous>, transform_indices = @transform_3, window_bounds = array<i64: 1, 768>}, {pipeline_mode = #tpu.pipeline_mode<synchronous>, transform_indices = @transform_4, window_bounds = array<i64: 1, 768>}, {pipeline_mode = #tpu.pipeline_mode<synchronous>, transform_indices = @transform_5, window_bounds = array<i64: 768, 1280>}, {pipeline_mode = #tpu.pipeline_mode<synchronous>, transform_indices = @transform_6, window_bounds = array<i64: 8, 768>}, {pipeline_mode = #tpu.pipeline_mode<synchronous>, transform_indices = @transform_7, window_bounds = array<i64: 16, 1280>}, {transform_indices = @transform_8, window_bounds = array<i64: 128, 1280>}, {pipeline_mode = #tpu.pipeline_mode<synchronous>, transform_indices = @transform_9, window_bounds = array<i64: 3, 1280>}]} {
    %get3A = arith.constant 0 : index
    %get3A_0 = arith.constant 0 : index
    %get3A_1 = vector.load %arg1[%get3A, %get3A_0] : memref<128x768xf32, #tpu.memory_space<vmem>>, vector<128x768xf32>
    %get3A_2 = arith.constant 0 : index
    %get3A_3 = arith.constant 0 : index
    %get3A_4 = vector.load %arg4[%get3A_2, %get3A_3] : memref<1x768xf32, #tpu.memory_space<vmem>>, vector<1x768xf32>
    %mul3A = vector.broadcast %get3A_4 : vector<1x768xf32> to vector<128x768xf32>
    %mul3A_5 = arith.mulf %get3A_1, %mul3A : vector<128x768xf32>
    %get3A_6 = arith.constant 0 : index
    %get3A_7 = arith.constant 0 : index
    %get3A_8 = vector.load %arg5[%get3A_6, %get3A_7] : memref<1x768xf32, #tpu.memory_space<vmem>>, vector<1x768xf32>
    %add3A = vector.broadcast %get3A_8 : vector<1x768xf32> to vector<128x768xf32>
    %add3A_9 = arith.addf %mul3A_5, %add3A : vector<128x768xf32>
    %max3A = arith.constant 0.000000e+00 : f32
    %max3A_10 = vector.broadcast %max3A : f32 to vector<128x768xf32>
    %max3A_11 = arith.maximumf %add3A_9, %max3A_10 : vector<128x768xf32>
    %get3A_12 = arith.constant 0 : index
    %get3A_13 = arith.constant 0 : index
    %get3A_14 = vector.load %arg2[%get3A_12, %get3A_13] : memref<128x8xf32, #tpu.memory_space<vmem>>, vector<128x8xf32>
    %get3A_15 = arith.constant 0 : index
    %get3A_16 = arith.constant 0 : index
    %get3A_17 = vector.load %arg7[%get3A_15, %get3A_16] : memref<8x768xf32, #tpu.memory_space<vmem>>, vector<8x768xf32>
    %dot_general3A = arith.constant dense<0.000000e+00> : vector<128x768xf32>
    %dot_general3A_18 = tpu.matmul %get3A_14, %get3A_17, %dot_general3A {dimension_numbers = #tpu.dot_dimension_numbers<[1], [0], [0], [1], [0, 0, 1, 1], [], []>, transpose_lhs_hint = false} : vector<128x8xf32>, vector<8x768xf32>, vector<128x768xf32> -> vector<128x768xf32>
    %mul3A_19 = arith.mulf %max3A_11, %dot_general3A_18 : vector<128x768xf32>
    %get3A_20 = arith.constant 0 : index
    %get3A_21 = arith.constant 0 : index
    %get3A_22 = vector.load %arg6[%get3A_20, %get3A_21] : memref<768x1280xf32, #tpu.memory_space<vmem>>, vector<768x1280xf32>
    %dot_general3A_23 = arith.constant dense<0.000000e+00> : vector<128x1280xf32>
    %dot_general3A_24 = tpu.matmul %mul3A_19, %get3A_22, %dot_general3A_23 {dimension_numbers = #tpu.dot_dimension_numbers<[1], [0], [0], [1], [0, 0, 1, 1], [], []>, transpose_lhs_hint = false} : vector<128x768xf32>, vector<768x1280xf32>, vector<128x1280xf32> -> vector<128x1280xf32>
    %get3A_25 = arith.constant 0 : index
    %get3A_26 = arith.constant 0 : index
    %get3A_27 = vector.load %arg3[%get3A_25, %get3A_26] : memref<128x16xf32, #tpu.memory_space<vmem>>, vector<128x16xf32>
    %get3A_28 = arith.constant 0 : index
    %get3A_29 = arith.constant 0 : index
    %get3A_30 = vector.load %arg8[%get3A_28, %get3A_29] : memref<16x1280xf32, #tpu.memory_space<vmem>>, vector<16x1280xf32>
    %dot_general3A_31 = arith.constant dense<0.000000e+00> : vector<128x1280xf32>
    %dot_general3A_32 = tpu.matmul %get3A_27, %get3A_30, %dot_general3A_31 {dimension_numbers = #tpu.dot_dimension_numbers<[1], [0], [0], [1], [0, 0, 1, 1], [], []>, transpose_lhs_hint = false} : vector<128x16xf32>, vector<16x1280xf32>, vector<128x1280xf32> -> vector<128x1280xf32>
    %mul3A_33 = arith.mulf %dot_general3A_24, %dot_general3A_32 : vector<128x1280xf32>
    %swap3A = arith.constant 0 : index
    %swap3A_34 = arith.constant 0 : index
    %swap3A_35 = vector.load %arg9[%swap3A, %swap3A_34] : memref<128x1280xf32, #tpu.memory_space<vmem>>, vector<128x1280xf32>
    tpu.vector_store %arg9[%swap3A, %swap3A_34], %mul3A_33 {strides = array<i32>} : memref<128x1280xf32, #tpu.memory_space<vmem>>, vector<128x1280xf32>,
    %eq3A = arith.constant 0 : i32
    %eq3A_36 = arith.cmpi eq, %arg0, %eq3A : i32
    %convert_element_type3A = arith.extui %eq3A_36 : i1 to i32
    %cond3A = arith.constant 0 : i32
    %cond3A_37 = arith.cmpi ne, %convert_element_type3A, %cond3A : i32
    scf.if %cond3A_37 {
      %broadcast_in_dim3A_57 = arith.constant 0.000000e+00 : f32
      %broadcast_in_dim3A_58 = vector.broadcast %broadcast_in_dim3A_57 : f32 to vector<3x1280xf32>
      %swap3A_59 = arith.constant 0 : index
      %swap3A_60 = arith.constant 0 : index
      %swap3A_61 = vector.load %arg10[%swap3A_59, %swap3A_60] : memref<3x1280xf32, #tpu.memory_space<vmem>>, vector<3x1280xf32>
      tpu.vector_store %arg10[%swap3A_59, %swap3A_60], %broadcast_in_dim3A_58 {strides = array<i32>} : memref<3x1280xf32, #tpu.memory_space<vmem>>, vector<3x1280xf32>,
    } else {
    }
    %get3A_38 = arith.constant 0 : index
    %get3A_39 = arith.constant 0 : index
    %get3A_40 = vector.load %arg10[%get3A_38, %get3A_39] : memref<3x1280xf32, #tpu.memory_space<vmem>>, vector<1x1280xf32>
    %reduce_sum3A = arith.constant dense<0.000000e+00> : vector<1280xf32>
    %reduce_sum3A_41 = vector.multi_reduction <add>, %mul3A_33, %reduce_sum3A [0] : vector<128x1280xf32> to vector<1280xf32>
    %broadcast_in_dim3A = vector.shape_cast %reduce_sum3A_41 : vector<1280xf32> to vector<1x1280xf32>
    %add3A_42 = arith.addf %get3A_40, %broadcast_in_dim3A : vector<1x1280xf32>
    %swap3A_43 = arith.constant 0 : index
    %swap3A_44 = arith.constant 0 : index
    %swap3A_45 = vector.load %arg10[%swap3A_43, %swap3A_44] : memref<3x1280xf32, #tpu.memory_space<vmem>>, vector<1x1280xf32>
    tpu.vector_store %arg10[%swap3A_43, %swap3A_44], %add3A_42 {strides = array<i32>} : memref<3x1280xf32, #tpu.memory_space<vmem>>, vector<1x1280xf32>,
    %get3A_46 = arith.constant 1 : index
    %get3A_47 = arith.constant 0 : index
    %get3A_48 = vector.load %arg10[%get3A_46, %get3A_47] : memref<3x1280xf32, #tpu.memory_space<vmem>>, vector<1x1280xf32>
    %mul3A_49 = arith.mulf %mul3A_33, %mul3A_33 : vector<128x1280xf32>
    %reduce_sum3A_50 = arith.constant dense<0.000000e+00> : vector<1280xf32>
    %reduce_sum3A_51 = vector.multi_reduction <add>, %mul3A_49, %reduce_sum3A_50 [0] : vector<128x1280xf32> to vector<1280xf32>
    %broadcast_in_dim3A_52 = vector.shape_cast %reduce_sum3A_51 : vector<1280xf32> to vector<1x1280xf32>
    %add3A_53 = arith.addf %get3A_48, %broadcast_in_dim3A_52 : vector<1x1280xf32>
    %swap3A_54 = arith.constant 1 : index
    %swap3A_55 = arith.constant 0 : index
    %swap3A_56 = vector.load %arg10[%swap3A_54, %swap3A_55] : memref<3x1280xf32, #tpu.memory_space<vmem>>, vector<1x1280xf32>
    tpu.vector_store %arg10[%swap3A_54, %swap3A_55], %add3A_53 {strides = array<i32>} : memref<3x1280xf32, #tpu.memory_space<vmem>>, vector<1x1280xf32>,
    return
  }
  func.func @transform_0(%arg0: i32) -> (i32, i32) {
    %c0_i32 = arith.constant 0 : i32
    %c0_i32_0 = arith.constant 0 : i32
    return %arg0, %c0_i32 : i32, i32
  }
  func.func @transform_1(%arg0: i32) -> (i32, i32) {
    %c0_i32 = arith.constant 0 : i32
    %c0_i32_0 = arith.constant 0 : i32
    return %arg0, %c0_i32 : i32, i32
  }
  func.func @transform_2(%arg0: i32) -> (i32, i32) {
    %c0_i32 = arith.constant 0 : i32
    %c0_i32_0 = arith.constant 0 : i32
    return %arg0, %c0_i32 : i32, i32
  }
  func.func @transform_3(%arg0: i32) -> (i32, i32) {
    %c0_i32 = arith.constant 0 : i32
    %c0_i32_0 = arith.constant 0 : i32
    %c0_i32_1 = arith.constant 0 : i32
    return %c0_i32, %c0_i32_0 : i32, i32
  }
  func.func @transform_4(%arg0: i32) -> (i32, i32) {
    %c0_i32 = arith.constant 0 : i32
    %c0_i32_0 = arith.constant 0 : i32
    %c0_i32_1 = arith.constant 0 : i32
    return %c0_i32, %c0_i32_0 : i32, i32
  }
  func.func @transform_5(%arg0: i32) -> (i32, i32) {
    %c0_i32 = arith.constant 0 : i32
    %c0_i32_0 = arith.constant 0 : i32
    %c0_i32_1 = arith.constant 0 : i32
    return %c0_i32, %c0_i32_0 : i32, i32
  }
  func.func @transform_6(%arg0: i32) -> (i32, i32) {
    %c0_i32 = arith.constant 0 : i32
    %c0_i32_0 = arith.constant 0 : i32
    %c0_i32_1 = arith.constant 0 : i32
    return %c0_i32, %c0_i32_0 : i32, i32
  }
  func.func @transform_7(%arg0: i32) -> (i32, i32) {
    %c0_i32 = arith.constant 0 : i32
    %c0_i32_0 = arith.constant 0 : i32
    %c0_i32_1 = arith.constant 0 : i32
    return %c0_i32, %c0_i32_0 : i32, i32
  }
  func.func @transform_8(%arg0: i32) -> (i32, i32) {
    %c0_i32 = arith.constant 0 : i32
    %c0_i32_0 = arith.constant 0 : i32
    return %arg0, %c0_i32 : i32, i32
  }
  func.func @transform_9(%arg0: i32) -> (i32, i32) {
    %c0_i32 = arith.constant 0 : i32
    %c0_i32_0 = arith.constant 0 : i32
    %c0_i32_1 = arith.constant 0 : i32
    return %c0_i32, %c0_i32_0 : i32, i32
  }
}

module attributes {stable_mosaic.version = 14 : i64} {
  func.func @body(%arg0: i32, %arg1: memref<256x640xf32, #tpu.memory_space<vmem>>, %arg2: memref<256x640xf32, #tpu.memory_space<vmem>>, %arg3: memref<256x8xf32, #tpu.memory_space<vmem>>, %arg4: memref<1x640xf32, #tpu.memory_space<vmem>>, %arg5: memref<1x640xf32, #tpu.memory_space<vmem>>, %arg6: memref<1x640xf32, #tpu.memory_space<vmem>>, %arg7: memref<1x640xf32, #tpu.memory_space<vmem>>, %arg8: memref<3x640x640xf32, #tpu.memory_space<vmem>>, %arg9: memref<3x640x640xf32, #tpu.memory_space<vmem>>, %arg10: memref<8x640xf32, #tpu.memory_space<vmem>>, %arg11: memref<256x640xf32, #tpu.memory_space<vmem>>, %arg12: memref<3x640xf32, #tpu.memory_space<vmem>>, %arg13: memref<256x640xf32, #tpu.memory_space<vmem>>, %arg14: memref<256x640xf32, #tpu.memory_space<vmem>>, %arg15: memref<256x640xf32, #tpu.memory_space<vmem>>, %arg16: memref<1x640xf32, #tpu.memory_space<vmem>>, %arg17: memref<1x640xf32, #tpu.memory_space<vmem>>) attributes {dimension_semantics = [#tpu.dimension_semantics<arbitrary>], iteration_bounds = array<i64: 9>, scalar_prefetch = 0 : i64, scratch_operands = 5 : i64, tpu.core_type = #tpu.core_type<tc>, window_params = [{transform_indices = @transform_0, window_bounds = array<i64: 256, 640>}, {transform_indices = @transform_1, window_bounds = array<i64: 256, 640>}, {transform_indices = @transform_2, window_bounds = array<i64: 256, 8>}, {pipeline_mode = #tpu.pipeline_mode<synchronous>, transform_indices = @transform_3, window_bounds = array<i64: 1, 640>}, {pipeline_mode = #tpu.pipeline_mode<synchronous>, transform_indices = @transform_4, window_bounds = array<i64: 1, 640>}, {pipeline_mode = #tpu.pipeline_mode<synchronous>, transform_indices = @transform_5, window_bounds = array<i64: 1, 640>}, {pipeline_mode = #tpu.pipeline_mode<synchronous>, transform_indices = @transform_6, window_bounds = array<i64: 1, 640>}, {pipeline_mode = #tpu.pipeline_mode<synchronous>, transform_indices = @transform_7, window_bounds = array<i64: 3, 640, 640>}, {pipeline_mode = #tpu.pipeline_mode<synchronous>, transform_indices = @transform_8, window_bounds = array<i64: 3, 640, 640>}, {pipeline_mode = #tpu.pipeline_mode<synchronous>, transform_indices = @transform_9, window_bounds = array<i64: 8, 640>}, {transform_indices = @transform_10, window_bounds = array<i64: 256, 640>}, {pipeline_mode = #tpu.pipeline_mode<synchronous>, transform_indices = @transform_11, window_bounds = array<i64: 3, 640>}]} {
    %get3A = arith.constant 0 : index
    %get3A_0 = arith.constant 0 : index
    %get3A_1 = vector.load %arg10[%get3A, %get3A_0] : memref<8x640xf32, #tpu.memory_space<vmem>>, vector<8x640xf32>
    %get3A_2 = arith.constant 0 : index
    %get3A_3 = arith.constant 0 : index
    %get3A_4 = vector.load %arg3[%get3A_2, %get3A_3] : memref<256x8xf32, #tpu.memory_space<vmem>>, vector<256x8xf32>
    %dot_general3A = arith.constant dense<0.000000e+00> : vector<256x640xf32>
    %dot_general3A_5 = tpu.matmul %get3A_4, %get3A_1, %dot_general3A {dimension_numbers = #tpu.dot_dimension_numbers<[1], [0], [0], [1], [0, 0, 1, 1], [], []>, transpose_lhs_hint = false} : vector<256x8xf32>, vector<8x640xf32>, vector<256x640xf32> -> vector<256x640xf32>
    %get3A_6 = arith.constant 0 : index
    %get3A_7 = arith.constant 0 : index
    %get3A_8 = vector.load %arg1[%get3A_6, %get3A_7] : memref<256x640xf32, #tpu.memory_space<vmem>>, vector<256x640xf32>
    %get3A_9 = arith.constant 0 : index
    %get3A_10 = arith.constant 0 : index
    %get3A_11 = vector.load %arg4[%get3A_9, %get3A_10] : memref<1x640xf32, #tpu.memory_space<vmem>>, vector<1x640xf32>
    %mul3A = vector.broadcast %get3A_11 : vector<1x640xf32> to vector<256x640xf32>
    %mul3A_12 = arith.mulf %get3A_8, %mul3A : vector<256x640xf32>
    %get3A_13 = arith.constant 0 : index
    %get3A_14 = arith.constant 0 : index
    %get3A_15 = vector.load %arg5[%get3A_13, %get3A_14] : memref<1x640xf32, #tpu.memory_space<vmem>>, vector<1x640xf32>
    %add3A = vector.broadcast %get3A_15 : vector<1x640xf32> to vector<256x640xf32>
    %add3A_16 = arith.addf %mul3A_12, %add3A : vector<256x640xf32>
    %max3A = arith.constant 0.000000e+00 : f32
    %max3A_17 = vector.broadcast %max3A : f32 to vector<256x640xf32>
    %max3A_18 = arith.maximumf %add3A_16, %max3A_17 : vector<256x640xf32>
    %mul3A_19 = arith.mulf %max3A_18, %dot_general3A_5 : vector<256x640xf32>
    %get3A_20 = arith.constant 0 : index
    %get3A_21 = arith.constant 0 : index
    %get3A_22 = vector.load %arg2[%get3A_20, %get3A_21] : memref<256x640xf32, #tpu.memory_space<vmem>>, vector<256x640xf32>
    %get3A_23 = arith.constant 0 : index
    %get3A_24 = arith.constant 0 : index
    %get3A_25 = vector.load %arg6[%get3A_23, %get3A_24] : memref<1x640xf32, #tpu.memory_space<vmem>>, vector<1x640xf32>
    %mul3A_26 = vector.broadcast %get3A_25 : vector<1x640xf32> to vector<256x640xf32>
    %mul3A_27 = arith.mulf %get3A_22, %mul3A_26 : vector<256x640xf32>
    %get3A_28 = arith.constant 0 : index
    %get3A_29 = arith.constant 0 : index
    %get3A_30 = vector.load %arg7[%get3A_28, %get3A_29] : memref<1x640xf32, #tpu.memory_space<vmem>>, vector<1x640xf32>
    %add3A_31 = vector.broadcast %get3A_30 : vector<1x640xf32> to vector<256x640xf32>
    %add3A_32 = arith.addf %mul3A_27, %add3A_31 : vector<256x640xf32>
    %max3A_33 = arith.constant 0.000000e+00 : f32
    %max3A_34 = vector.broadcast %max3A_33 : f32 to vector<256x640xf32>
    %max3A_35 = arith.maximumf %add3A_32, %max3A_34 : vector<256x640xf32>
    %mul3A_36 = arith.mulf %max3A_35, %dot_general3A_5 : vector<256x640xf32>
    %eq3A = arith.constant 0 : i32
    %eq3A_37 = arith.cmpi eq, %arg0, %eq3A : i32
    %convert_element_type3A = arith.extui %eq3A_37 : i1 to i32
    %cond3A = arith.constant 0 : i32
    %cond3A_38 = arith.cmpi ne, %convert_element_type3A, %cond3A : i32
    scf.if %cond3A_38 {
      %broadcast_in_dim3A = arith.constant 0.000000e+00 : f32
      %broadcast_in_dim3A_47 = vector.broadcast %broadcast_in_dim3A : f32 to vector<3x640xf32>
      %swap3A = arith.constant 0 : index
      %swap3A_48 = arith.constant 0 : index
      %swap3A_49 = vector.load %arg12[%swap3A, %swap3A_48] : memref<3x640xf32, #tpu.memory_space<vmem>>, vector<3x640xf32>
      tpu.vector_store %arg12[%swap3A, %swap3A_48], %broadcast_in_dim3A_47 {strides = array<i32>} : memref<3x640xf32, #tpu.memory_space<vmem>>, vector<3x640xf32>,
      %broadcast_in_dim3A_50 = arith.constant 0.000000e+00 : f32
      %broadcast_in_dim3A_51 = vector.broadcast %broadcast_in_dim3A_50 : f32 to vector<1x640xf32>
      %swap3A_52 = arith.constant 0 : index
      %swap3A_53 = arith.constant 0 : index
      %swap3A_54 = vector.load %arg16[%swap3A_52, %swap3A_53] : memref<1x640xf32, #tpu.memory_space<vmem>>, vector<1x640xf32>
      tpu.vector_store %arg16[%swap3A_52, %swap3A_53], %broadcast_in_dim3A_51 {strides = array<i32>} : memref<1x640xf32, #tpu.memory_space<vmem>>, vector<1x640xf32>,
      %broadcast_in_dim3A_55 = arith.constant 0.000000e+00 : f32
      %broadcast_in_dim3A_56 = vector.broadcast %broadcast_in_dim3A_55 : f32 to vector<1x640xf32>
      %swap3A_57 = arith.constant 0 : index
      %swap3A_58 = arith.constant 0 : index
      %swap3A_59 = vector.load %arg17[%swap3A_57, %swap3A_58] : memref<1x640xf32, #tpu.memory_space<vmem>>, vector<1x640xf32>
      tpu.vector_store %arg17[%swap3A_57, %swap3A_58], %broadcast_in_dim3A_56 {strides = array<i32>} : memref<1x640xf32, #tpu.memory_space<vmem>>, vector<1x640xf32>,
    } else {
    }
    %gt3A = arith.constant 0 : i32
    %gt3A_39 = arith.cmpi sgt, %arg0, %gt3A : i32
    %convert_element_type3A_40 = arith.extui %gt3A_39 : i1 to i32
    %cond3A_41 = arith.constant 0 : i32
    %cond3A_42 = arith.cmpi ne, %convert_element_type3A_40, %cond3A_41 : i32
    scf.if %cond3A_42 {
      %lt3A_47 = arith.constant 8 : i32
      %lt3A_48 = arith.cmpi slt, %arg0, %lt3A_47 : i32
      %jit3A = arith.constant 1.000000e+00 : f32
      %jit3A_49 = arith.constant 0.000000e+00 : f32
      %select_n3A = arith.select %lt3A_48, %jit3A, %jit3A_49 : f32
      %get3A_50 = arith.constant 0 : index
      %get3A_51 = arith.constant 0 : index
      %get3A_52 = vector.load %arg13[%get3A_50, %get3A_51] : memref<256x640xf32, #tpu.memory_space<vmem>>, vector<256x640xf32>
      %get3A_53 = arith.constant 0 : index
      %get3A_54 = arith.constant 0 : index
      %get3A_55 = vector.load %arg16[%get3A_53, %get3A_54] : memref<1x640xf32, #tpu.memory_space<vmem>>, vector<1x640xf32>
      %slice3A = vector.extract_strided_slice %get3A_52 {offsets = [0, 0], sizes = [255, 640], strides = [1, 1]} : vector<256x640xf32> to vector<255x640xf32>
      %concatenate3A = tpu.concatenate %get3A_55, %slice3A in 0 : vector<1x640xf32>, vector<255x640xf32> -> vector<256x640xf32>
      %slice3A_56 = vector.extract_strided_slice %get3A_52 {offsets = [1, 0], sizes = [255, 640], strides = [1, 1]} : vector<256x640xf32> to vector<255x640xf32>
      %slice3A_57 = vector.extract_strided_slice %mul3A_19 {offsets = [0, 0], sizes = [1, 640], strides = [1, 1]} : vector<256x640xf32> to vector<1x640xf32>
      %mul3A_58 = vector.broadcast %select_n3A : f32 to vector<1x640xf32>
      %mul3A_59 = arith.mulf %slice3A_57, %mul3A_58 : vector<1x640xf32>
      %concatenate3A_60 = tpu.concatenate %slice3A_56, %mul3A_59 in 0 : vector<255x640xf32>, vector<1x640xf32> -> vector<256x640xf32>
      %slice3A_61 = vector.extract_strided_slice %concatenate3A {offsets = [0, 560], sizes = [256, 80], strides = [1, 1]} : vector<256x640xf32> to vector<256x80xf32>
      %slice3A_62 = vector.extract_strided_slice %get3A_52 {offsets = [0, 0], sizes = [256, 560], strides = [1, 1]} : vector<256x640xf32> to vector<256x560xf32>
      %concatenate3A_63 = tpu.concatenate %slice3A_61, %slice3A_62 in 1 : vector<256x80xf32>, vector<256x560xf32> -> vector<256x640xf32>
      %slice3A_64 = vector.extract_strided_slice %get3A_52 {offsets = [0, 80], sizes = [256, 560], strides = [1, 1]} : vector<256x640xf32> to vector<256x560xf32>
      %slice3A_65 = vector.extract_strided_slice %concatenate3A_60 {offsets = [0, 0], sizes = [256, 80], strides = [1, 1]} : vector<256x640xf32> to vector<256x80xf32>
      %concatenate3A_66 = tpu.concatenate %slice3A_64, %slice3A_65 in 1 : vector<256x560xf32>, vector<256x80xf32> -> vector<256x640xf32>
      %get3A_67 = arith.constant 0 : index
      %get3A_68 = arith.constant 0 : index
      %get3A_69 = arith.constant 0 : index
      %get3A_70 = vector.load %arg8[%get3A_67, %get3A_68, %get3A_69] : memref<3x640x640xf32, #tpu.memory_space<vmem>>, vector<1x640x640xf32>
      %get3A_71 = vector.shape_cast %get3A_70 : vector<1x640x640xf32> to vector<640x640xf32>
      %dot_general3A_72 = arith.constant dense<0.000000e+00> : vector<256x640xf32>
      %dot_general3A_73 = tpu.matmul %concatenate3A_63, %get3A_71, %dot_general3A_72 {dimension_numbers = #tpu.dot_dimension_numbers<[1], [0], [0], [1], [0, 0, 1, 1], [], []>, transpose_lhs_hint = false} : vector<256x640xf32>, vector<640x640xf32>, vector<256x640xf32> -> vector<256x640xf32>
      %get3A_74 = arith.constant 1 : index
      %get3A_75 = arith.constant 0 : index
      %get3A_76 = arith.constant 0 : index
      %get3A_77 = vector.load %arg8[%get3A_74, %get3A_75, %get3A_76] : memref<3x640x640xf32, #tpu.memory_space<vmem>>, vector<1x640x640xf32>
      %get3A_78 = vector.shape_cast %get3A_77 : vector<1x640x640xf32> to vector<640x640xf32>
      %dot_general3A_79 = arith.constant dense<0.000000e+00> : vector<256x640xf32>
      %dot_general3A_80 = tpu.matmul %get3A_52, %get3A_78, %dot_general3A_79 {dimension_numbers = #tpu.dot_dimension_numbers<[1], [0], [0], [1], [0, 0, 1, 1], [], []>, transpose_lhs_hint = false} : vector<256x640xf32>, vector<640x640xf32>, vector<256x640xf32> -> vector<256x640xf32>
      %add3A_81 = arith.addf %dot_general3A_73, %dot_general3A_80 : vector<256x640xf32>
      %get3A_82 = arith.constant 2 : index
      %get3A_83 = arith.constant 0 : index
      %get3A_84 = arith.constant 0 : index
      %get3A_85 = vector.load %arg8[%get3A_82, %get3A_83, %get3A_84] : memref<3x640x640xf32, #tpu.memory_space<vmem>>, vector<1x640x640xf32>
      %get3A_86 = vector.shape_cast %get3A_85 : vector<1x640x640xf32> to vector<640x640xf32>
      %dot_general3A_87 = arith.constant dense<0.000000e+00> : vector<256x640xf32>
      %dot_general3A_88 = tpu.matmul %concatenate3A_66, %get3A_86, %dot_general3A_87 {dimension_numbers = #tpu.dot_dimension_numbers<[1], [0], [0], [1], [0, 0, 1, 1], [], []>, transpose_lhs_hint = false} : vector<256x640xf32>, vector<640x640xf32>, vector<256x640xf32> -> vector<256x640xf32>
      %add3A_89 = arith.addf %add3A_81, %dot_general3A_88 : vector<256x640xf32>
      %get3A_90 = arith.constant 0 : index
      %get3A_91 = arith.constant 0 : index
      %get3A_92 = vector.load %arg14[%get3A_90, %get3A_91] : memref<256x640xf32, #tpu.memory_space<vmem>>, vector<256x640xf32>
      %get3A_93 = arith.constant 0 : index
      %get3A_94 = arith.constant 0 : index
      %get3A_95 = vector.load %arg17[%get3A_93, %get3A_94] : memref<1x640xf32, #tpu.memory_space<vmem>>, vector<1x640xf32>
      %slice3A_96 = vector.extract_strided_slice %get3A_92 {offsets = [0, 0], sizes = [255, 640], strides = [1, 1]} : vector<256x640xf32> to vector<255x640xf32>
      %concatenate3A_97 = tpu.concatenate %get3A_95, %slice3A_96 in 0 : vector<1x640xf32>, vector<255x640xf32> -> vector<256x640xf32>
      %slice3A_98 = vector.extract_strided_slice %get3A_92 {offsets = [1, 0], sizes = [255, 640], strides = [1, 1]} : vector<256x640xf32> to vector<255x640xf32>
      %slice3A_99 = vector.extract_strided_slice %mul3A_36 {offsets = [0, 0], sizes = [1, 640], strides = [1, 1]} : vector<256x640xf32> to vector<1x640xf32>
      %mul3A_100 = vector.broadcast %select_n3A : f32 to vector<1x640xf32>
      %mul3A_101 = arith.mulf %slice3A_99, %mul3A_100 : vector<1x640xf32>
      %concatenate3A_102 = tpu.concatenate %slice3A_98, %mul3A_101 in 0 : vector<255x640xf32>, vector<1x640xf32> -> vector<256x640xf32>
      %slice3A_103 = vector.extract_strided_slice %concatenate3A_97 {offsets = [0, 560], sizes = [256, 80], strides = [1, 1]} : vector<256x640xf32> to vector<256x80xf32>
      %slice3A_104 = vector.extract_strided_slice %get3A_92 {offsets = [0, 0], sizes = [256, 560], strides = [1, 1]} : vector<256x640xf32> to vector<256x560xf32>
      %concatenate3A_105 = tpu.concatenate %slice3A_103, %slice3A_104 in 1 : vector<256x80xf32>, vector<256x560xf32> -> vector<256x640xf32>
      %slice3A_106 = vector.extract_strided_slice %get3A_92 {offsets = [0, 80], sizes = [256, 560], strides = [1, 1]} : vector<256x640xf32> to vector<256x560xf32>
      %slice3A_107 = vector.extract_strided_slice %concatenate3A_102 {offsets = [0, 0], sizes = [256, 80], strides = [1, 1]} : vector<256x640xf32> to vector<256x80xf32>
      %concatenate3A_108 = tpu.concatenate %slice3A_106, %slice3A_107 in 1 : vector<256x560xf32>, vector<256x80xf32> -> vector<256x640xf32>
      %get3A_109 = arith.constant 0 : index
      %get3A_110 = arith.constant 0 : index
      %get3A_111 = arith.constant 0 : index
      %get3A_112 = vector.load %arg9[%get3A_109, %get3A_110, %get3A_111] : memref<3x640x640xf32, #tpu.memory_space<vmem>>, vector<1x640x640xf32>
      %get3A_113 = vector.shape_cast %get3A_112 : vector<1x640x640xf32> to vector<640x640xf32>
      %dot_general3A_114 = arith.constant dense<0.000000e+00> : vector<256x640xf32>
      %dot_general3A_115 = tpu.matmul %concatenate3A_105, %get3A_113, %dot_general3A_114 {dimension_numbers = #tpu.dot_dimension_numbers<[1], [0], [0], [1], [0, 0, 1, 1], [], []>, transpose_lhs_hint = false} : vector<256x640xf32>, vector<640x640xf32>, vector<256x640xf32> -> vector<256x640xf32>
      %get3A_116 = arith.constant 1 : index
      %get3A_117 = arith.constant 0 : index
      %get3A_118 = arith.constant 0 : index
      %get3A_119 = vector.load %arg9[%get3A_116, %get3A_117, %get3A_118] : memref<3x640x640xf32, #tpu.memory_space<vmem>>, vector<1x640x640xf32>
      %get3A_120 = vector.shape_cast %get3A_119 : vector<1x640x640xf32> to vector<640x640xf32>
      %dot_general3A_121 = arith.constant dense<0.000000e+00> : vector<256x640xf32>
      %dot_general3A_122 = tpu.matmul %get3A_92, %get3A_120, %dot_general3A_121 {dimension_numbers = #tpu.dot_dimension_numbers<[1], [0], [0], [1], [0, 0, 1, 1], [], []>, transpose_lhs_hint = false} : vector<256x640xf32>, vector<640x640xf32>, vector<256x640xf32> -> vector<256x640xf32>
      %add3A_123 = arith.addf %dot_general3A_115, %dot_general3A_122 : vector<256x640xf32>
      %get3A_124 = arith.constant 2 : index
      %get3A_125 = arith.constant 0 : index
      %get3A_126 = arith.constant 0 : index
      %get3A_127 = vector.load %arg9[%get3A_124, %get3A_125, %get3A_126] : memref<3x640x640xf32, #tpu.memory_space<vmem>>, vector<1x640x640xf32>
      %get3A_128 = vector.shape_cast %get3A_127 : vector<1x640x640xf32> to vector<640x640xf32>
      %dot_general3A_129 = arith.constant dense<0.000000e+00> : vector<256x640xf32>
      %dot_general3A_130 = tpu.matmul %concatenate3A_108, %get3A_128, %dot_general3A_129 {dimension_numbers = #tpu.dot_dimension_numbers<[1], [0], [0], [1], [0, 0, 1, 1], [], []>, transpose_lhs_hint = false} : vector<256x640xf32>, vector<640x640xf32>, vector<256x640xf32> -> vector<256x640xf32>
      %add3A_131 = arith.addf %add3A_123, %dot_general3A_130 : vector<256x640xf32>
      %add3A_132 = arith.addf %add3A_89, %add3A_131 : vector<256x640xf32>
      %get3A_133 = arith.constant 0 : index
      %get3A_134 = arith.constant 0 : index
      %get3A_135 = vector.load %arg15[%get3A_133, %get3A_134] : memref<256x640xf32, #tpu.memory_space<vmem>>, vector<256x640xf32>
      %mul3A_136 = arith.mulf %add3A_132, %get3A_135 : vector<256x640xf32>
      %swap3A = arith.constant 0 : index
      %swap3A_137 = arith.constant 0 : index
      %swap3A_138 = vector.load %arg11[%swap3A, %swap3A_137] : memref<256x640xf32, #tpu.memory_space<vmem>>, vector<256x640xf32>
      tpu.vector_store %arg11[%swap3A, %swap3A_137], %mul3A_136 {strides = array<i32>} : memref<256x640xf32, #tpu.memory_space<vmem>>, vector<256x640xf32>,
      %get3A_139 = arith.constant 0 : index
      %get3A_140 = arith.constant 0 : index
      %get3A_141 = vector.load %arg12[%get3A_139, %get3A_140] : memref<3x640xf32, #tpu.memory_space<vmem>>, vector<1x640xf32>
      %reduce_sum3A = arith.constant dense<0.000000e+00> : vector<640xf32>
      %reduce_sum3A_142 = vector.multi_reduction <add>, %mul3A_136, %reduce_sum3A [0] : vector<256x640xf32> to vector<640xf32>
      %broadcast_in_dim3A = vector.shape_cast %reduce_sum3A_142 : vector<640xf32> to vector<1x640xf32>
      %add3A_143 = arith.addf %get3A_141, %broadcast_in_dim3A : vector<1x640xf32>
      %swap3A_144 = arith.constant 0 : index
      %swap3A_145 = arith.constant 0 : index
      %swap3A_146 = vector.load %arg12[%swap3A_144, %swap3A_145] : memref<3x640xf32, #tpu.memory_space<vmem>>, vector<1x640xf32>
      tpu.vector_store %arg12[%swap3A_144, %swap3A_145], %add3A_143 {strides = array<i32>} : memref<3x640xf32, #tpu.memory_space<vmem>>, vector<1x640xf32>,
      %get3A_147 = arith.constant 1 : index
      %get3A_148 = arith.constant 0 : index
      %get3A_149 = vector.load %arg12[%get3A_147, %get3A_148] : memref<3x640xf32, #tpu.memory_space<vmem>>, vector<1x640xf32>
      %mul3A_150 = arith.mulf %mul3A_136, %mul3A_136 : vector<256x640xf32>
      %reduce_sum3A_151 = arith.constant dense<0.000000e+00> : vector<640xf32>
      %reduce_sum3A_152 = vector.multi_reduction <add>, %mul3A_150, %reduce_sum3A_151 [0] : vector<256x640xf32> to vector<640xf32>
      %broadcast_in_dim3A_153 = vector.shape_cast %reduce_sum3A_152 : vector<640xf32> to vector<1x640xf32>
      %add3A_154 = arith.addf %get3A_149, %broadcast_in_dim3A_153 : vector<1x640xf32>
      %swap3A_155 = arith.constant 1 : index
      %swap3A_156 = arith.constant 0 : index
      %swap3A_157 = vector.load %arg12[%swap3A_155, %swap3A_156] : memref<3x640xf32, #tpu.memory_space<vmem>>, vector<1x640xf32>
      tpu.vector_store %arg12[%swap3A_155, %swap3A_156], %add3A_154 {strides = array<i32>} : memref<3x640xf32, #tpu.memory_space<vmem>>, vector<1x640xf32>,
      %get3A_158 = arith.constant 255 : index
      %get3A_159 = arith.constant 0 : index
      %get3A_160 = vector.load %arg13[%get3A_158, %get3A_159] : memref<256x640xf32, #tpu.memory_space<vmem>>, vector<1x640xf32>
      %swap3A_161 = arith.constant 0 : index
      %swap3A_162 = arith.constant 0 : index
      %swap3A_163 = vector.load %arg16[%swap3A_161, %swap3A_162] : memref<1x640xf32, #tpu.memory_space<vmem>>, vector<1x640xf32>
      tpu.vector_store %arg16[%swap3A_161, %swap3A_162], %get3A_160 {strides = array<i32>} : memref<1x640xf32, #tpu.memory_space<vmem>>, vector<1x640xf32>,
      %get3A_164 = arith.constant 255 : index
      %get3A_165 = arith.constant 0 : index
      %get3A_166 = vector.load %arg14[%get3A_164, %get3A_165] : memref<256x640xf32, #tpu.memory_space<vmem>>, vector<1x640xf32>
      %swap3A_167 = arith.constant 0 : index
      %swap3A_168 = arith.constant 0 : index
      %swap3A_169 = vector.load %arg17[%swap3A_167, %swap3A_168] : memref<1x640xf32, #tpu.memory_space<vmem>>, vector<1x640xf32>
      tpu.vector_store %arg17[%swap3A_167, %swap3A_168], %get3A_166 {strides = array<i32>} : memref<1x640xf32, #tpu.memory_space<vmem>>, vector<1x640xf32>,
    } else {
    }
    %lt3A = arith.constant 8 : i32
    %lt3A_43 = arith.cmpi slt, %arg0, %lt3A : i32
    %convert_element_type3A_44 = arith.extui %lt3A_43 : i1 to i32
    %cond3A_45 = arith.constant 0 : i32
    %cond3A_46 = arith.cmpi ne, %convert_element_type3A_44, %cond3A_45 : i32
    scf.if %cond3A_46 {
      %swap3A = arith.constant 0 : index
      %swap3A_47 = arith.constant 0 : index
      %swap3A_48 = vector.load %arg13[%swap3A, %swap3A_47] : memref<256x640xf32, #tpu.memory_space<vmem>>, vector<256x640xf32>
      tpu.vector_store %arg13[%swap3A, %swap3A_47], %mul3A_19 {strides = array<i32>} : memref<256x640xf32, #tpu.memory_space<vmem>>, vector<256x640xf32>,
      %swap3A_49 = arith.constant 0 : index
      %swap3A_50 = arith.constant 0 : index
      %swap3A_51 = vector.load %arg14[%swap3A_49, %swap3A_50] : memref<256x640xf32, #tpu.memory_space<vmem>>, vector<256x640xf32>
      tpu.vector_store %arg14[%swap3A_49, %swap3A_50], %mul3A_36 {strides = array<i32>} : memref<256x640xf32, #tpu.memory_space<vmem>>, vector<256x640xf32>,
      %swap3A_52 = arith.constant 0 : index
      %swap3A_53 = arith.constant 0 : index
      %swap3A_54 = vector.load %arg15[%swap3A_52, %swap3A_53] : memref<256x640xf32, #tpu.memory_space<vmem>>, vector<256x640xf32>
      tpu.vector_store %arg15[%swap3A_52, %swap3A_53], %dot_general3A_5 {strides = array<i32>} : memref<256x640xf32, #tpu.memory_space<vmem>>, vector<256x640xf32>,
    } else {
    }
    return
  }
  func.func @transform_0(%arg0: i32) -> (i32, i32) {
    %min3A = arith.constant 7 : i32
    %min3A_0 = arith.minsi %arg0, %min3A : i32
    %c0_i32 = arith.constant 0 : i32
    %c0_i32_1 = arith.constant 0 : i32
    return %min3A_0, %c0_i32 : i32, i32
  }
  func.func @transform_1(%arg0: i32) -> (i32, i32) {
    %min3A = arith.constant 7 : i32
    %min3A_0 = arith.minsi %arg0, %min3A : i32
    %c0_i32 = arith.constant 0 : i32
    %c0_i32_1 = arith.constant 0 : i32
    return %min3A_0, %c0_i32 : i32, i32
  }
  func.func @transform_2(%arg0: i32) -> (i32, i32) {
    %min3A = arith.constant 7 : i32
    %min3A_0 = arith.minsi %arg0, %min3A : i32
    %c0_i32 = arith.constant 0 : i32
    %c0_i32_1 = arith.constant 0 : i32
    return %min3A_0, %c0_i32 : i32, i32
  }
  func.func @transform_3(%arg0: i32) -> (i32, i32) {
    %c0_i32 = arith.constant 0 : i32
    %c0_i32_0 = arith.constant 0 : i32
    %c0_i32_1 = arith.constant 0 : i32
    return %c0_i32, %c0_i32_0 : i32, i32
  }
  func.func @transform_4(%arg0: i32) -> (i32, i32) {
    %c0_i32 = arith.constant 0 : i32
    %c0_i32_0 = arith.constant 0 : i32
    %c0_i32_1 = arith.constant 0 : i32
    return %c0_i32, %c0_i32_0 : i32, i32
  }
  func.func @transform_5(%arg0: i32) -> (i32, i32) {
    %c0_i32 = arith.constant 0 : i32
    %c0_i32_0 = arith.constant 0 : i32
    %c0_i32_1 = arith.constant 0 : i32
    return %c0_i32, %c0_i32_0 : i32, i32
  }
  func.func @transform_6(%arg0: i32) -> (i32, i32) {
    %c0_i32 = arith.constant 0 : i32
    %c0_i32_0 = arith.constant 0 : i32
    %c0_i32_1 = arith.constant 0 : i32
    return %c0_i32, %c0_i32_0 : i32, i32
  }
  func.func @transform_7(%arg0: i32) -> (i32, i32, i32) {
    %c0_i32 = arith.constant 0 : i32
    %c0_i32_0 = arith.constant 0 : i32
    %c0_i32_1 = arith.constant 0 : i32
    %c0_i32_2 = arith.constant 0 : i32
    return %c0_i32, %c0_i32_0, %c0_i32_1 : i32, i32, i32
  }
  func.func @transform_8(%arg0: i32) -> (i32, i32, i32) {
    %c0_i32 = arith.constant 0 : i32
    %c0_i32_0 = arith.constant 0 : i32
    %c0_i32_1 = arith.constant 0 : i32
    %c0_i32_2 = arith.constant 0 : i32
    return %c0_i32, %c0_i32_0, %c0_i32_1 : i32, i32, i32
  }
  func.func @transform_9(%arg0: i32) -> (i32, i32) {
    %c0_i32 = arith.constant 0 : i32
    %c0_i32_0 = arith.constant 0 : i32
    %c0_i32_1 = arith.constant 0 : i32
    return %c0_i32, %c0_i32_0 : i32, i32
  }
  func.func @transform_10(%arg0: i32) -> (i32, i32) {
    %sub3A = arith.constant 1 : i32
    %sub3A_0 = arith.subi %arg0, %sub3A : i32
    %max3A = arith.constant 0 : i32
    %max3A_1 = arith.maxsi %sub3A_0, %max3A : i32
    %c0_i32 = arith.constant 0 : i32
    %c0_i32_2 = arith.constant 0 : i32
    return %max3A_1, %c0_i32 : i32, i32
  }
  func.func @transform_11(%arg0: i32) -> (i32, i32) {
    %c0_i32 = arith.constant 0 : i32
    %c0_i32_0 = arith.constant 0 : i32
    %c0_i32_1 = arith.constant 0 : i32
    return %c0_i32, %c0_i32_0 : i32, i32
  }
}

module attributes {stable_mosaic.version = 14 : i64} {
  func.func @body(%arg0: i32, %arg1: memref<256x640xf32, #tpu.memory_space<vmem>>, %arg2: memref<256x8xf32, #tpu.memory_space<vmem>>, %arg3: memref<256x16xf32, #tpu.memory_space<vmem>>, %arg4: memref<1x640xf32, #tpu.memory_space<vmem>>, %arg5: memref<1x640xf32, #tpu.memory_space<vmem>>, %arg6: memref<640x1024xf32, #tpu.memory_space<vmem>>, %arg7: memref<8x640xf32, #tpu.memory_space<vmem>>, %arg8: memref<16x1024xf32, #tpu.memory_space<vmem>>, %arg9: memref<256x1024xf32, #tpu.memory_space<vmem>>, %arg10: memref<3x1024xf32, #tpu.memory_space<vmem>>) attributes {dimension_semantics = [#tpu.dimension_semantics<arbitrary>], iteration_bounds = array<i64: 8>, scalar_prefetch = 0 : i64, scratch_operands = 0 : i64, tpu.core_type = #tpu.core_type<tc>, window_params = [{transform_indices = @transform_0, window_bounds = array<i64: 256, 640>}, {transform_indices = @transform_1, window_bounds = array<i64: 256, 8>}, {transform_indices = @transform_2, window_bounds = array<i64: 256, 16>}, {pipeline_mode = #tpu.pipeline_mode<synchronous>, transform_indices = @transform_3, window_bounds = array<i64: 1, 640>}, {pipeline_mode = #tpu.pipeline_mode<synchronous>, transform_indices = @transform_4, window_bounds = array<i64: 1, 640>}, {pipeline_mode = #tpu.pipeline_mode<synchronous>, transform_indices = @transform_5, window_bounds = array<i64: 640, 1024>}, {pipeline_mode = #tpu.pipeline_mode<synchronous>, transform_indices = @transform_6, window_bounds = array<i64: 8, 640>}, {pipeline_mode = #tpu.pipeline_mode<synchronous>, transform_indices = @transform_7, window_bounds = array<i64: 16, 1024>}, {transform_indices = @transform_8, window_bounds = array<i64: 256, 1024>}, {pipeline_mode = #tpu.pipeline_mode<synchronous>, transform_indices = @transform_9, window_bounds = array<i64: 3, 1024>}]} {
    %get3A = arith.constant 0 : index
    %get3A_0 = arith.constant 0 : index
    %get3A_1 = vector.load %arg1[%get3A, %get3A_0] : memref<256x640xf32, #tpu.memory_space<vmem>>, vector<256x640xf32>
    %get3A_2 = arith.constant 0 : index
    %get3A_3 = arith.constant 0 : index
    %get3A_4 = vector.load %arg4[%get3A_2, %get3A_3] : memref<1x640xf32, #tpu.memory_space<vmem>>, vector<1x640xf32>
    %mul3A = vector.broadcast %get3A_4 : vector<1x640xf32> to vector<256x640xf32>
    %mul3A_5 = arith.mulf %get3A_1, %mul3A : vector<256x640xf32>
    %get3A_6 = arith.constant 0 : index
    %get3A_7 = arith.constant 0 : index
    %get3A_8 = vector.load %arg5[%get3A_6, %get3A_7] : memref<1x640xf32, #tpu.memory_space<vmem>>, vector<1x640xf32>
    %add3A = vector.broadcast %get3A_8 : vector<1x640xf32> to vector<256x640xf32>
    %add3A_9 = arith.addf %mul3A_5, %add3A : vector<256x640xf32>
    %max3A = arith.constant 0.000000e+00 : f32
    %max3A_10 = vector.broadcast %max3A : f32 to vector<256x640xf32>
    %max3A_11 = arith.maximumf %add3A_9, %max3A_10 : vector<256x640xf32>
    %get3A_12 = arith.constant 0 : index
    %get3A_13 = arith.constant 0 : index
    %get3A_14 = vector.load %arg2[%get3A_12, %get3A_13] : memref<256x8xf32, #tpu.memory_space<vmem>>, vector<256x8xf32>
    %get3A_15 = arith.constant 0 : index
    %get3A_16 = arith.constant 0 : index
    %get3A_17 = vector.load %arg7[%get3A_15, %get3A_16] : memref<8x640xf32, #tpu.memory_space<vmem>>, vector<8x640xf32>
    %dot_general3A = arith.constant dense<0.000000e+00> : vector<256x640xf32>
    %dot_general3A_18 = tpu.matmul %get3A_14, %get3A_17, %dot_general3A {dimension_numbers = #tpu.dot_dimension_numbers<[1], [0], [0], [1], [0, 0, 1, 1], [], []>, transpose_lhs_hint = false} : vector<256x8xf32>, vector<8x640xf32>, vector<256x640xf32> -> vector<256x640xf32>
    %mul3A_19 = arith.mulf %max3A_11, %dot_general3A_18 : vector<256x640xf32>
    %get3A_20 = arith.constant 0 : index
    %get3A_21 = arith.constant 0 : index
    %get3A_22 = vector.load %arg6[%get3A_20, %get3A_21] : memref<640x1024xf32, #tpu.memory_space<vmem>>, vector<640x1024xf32>
    %dot_general3A_23 = arith.constant dense<0.000000e+00> : vector<256x1024xf32>
    %dot_general3A_24 = tpu.matmul %mul3A_19, %get3A_22, %dot_general3A_23 {dimension_numbers = #tpu.dot_dimension_numbers<[1], [0], [0], [1], [0, 0, 1, 1], [], []>, transpose_lhs_hint = false} : vector<256x640xf32>, vector<640x1024xf32>, vector<256x1024xf32> -> vector<256x1024xf32>
    %get3A_25 = arith.constant 0 : index
    %get3A_26 = arith.constant 0 : index
    %get3A_27 = vector.load %arg3[%get3A_25, %get3A_26] : memref<256x16xf32, #tpu.memory_space<vmem>>, vector<256x16xf32>
    %get3A_28 = arith.constant 0 : index
    %get3A_29 = arith.constant 0 : index
    %get3A_30 = vector.load %arg8[%get3A_28, %get3A_29] : memref<16x1024xf32, #tpu.memory_space<vmem>>, vector<16x1024xf32>
    %dot_general3A_31 = arith.constant dense<0.000000e+00> : vector<256x1024xf32>
    %dot_general3A_32 = tpu.matmul %get3A_27, %get3A_30, %dot_general3A_31 {dimension_numbers = #tpu.dot_dimension_numbers<[1], [0], [0], [1], [0, 0, 1, 1], [], []>, transpose_lhs_hint = false} : vector<256x16xf32>, vector<16x1024xf32>, vector<256x1024xf32> -> vector<256x1024xf32>
    %mul3A_33 = arith.mulf %dot_general3A_24, %dot_general3A_32 : vector<256x1024xf32>
    %swap3A = arith.constant 0 : index
    %swap3A_34 = arith.constant 0 : index
    %swap3A_35 = vector.load %arg9[%swap3A, %swap3A_34] : memref<256x1024xf32, #tpu.memory_space<vmem>>, vector<256x1024xf32>
    tpu.vector_store %arg9[%swap3A, %swap3A_34], %mul3A_33 {strides = array<i32>} : memref<256x1024xf32, #tpu.memory_space<vmem>>, vector<256x1024xf32>,
    %eq3A = arith.constant 0 : i32
    %eq3A_36 = arith.cmpi eq, %arg0, %eq3A : i32
    %convert_element_type3A = arith.extui %eq3A_36 : i1 to i32
    %cond3A = arith.constant 0 : i32
    %cond3A_37 = arith.cmpi ne, %convert_element_type3A, %cond3A : i32
    scf.if %cond3A_37 {
      %broadcast_in_dim3A_57 = arith.constant 0.000000e+00 : f32
      %broadcast_in_dim3A_58 = vector.broadcast %broadcast_in_dim3A_57 : f32 to vector<3x1024xf32>
      %swap3A_59 = arith.constant 0 : index
      %swap3A_60 = arith.constant 0 : index
      %swap3A_61 = vector.load %arg10[%swap3A_59, %swap3A_60] : memref<3x1024xf32, #tpu.memory_space<vmem>>, vector<3x1024xf32>
      tpu.vector_store %arg10[%swap3A_59, %swap3A_60], %broadcast_in_dim3A_58 {strides = array<i32>} : memref<3x1024xf32, #tpu.memory_space<vmem>>, vector<3x1024xf32>,
    } else {
    }
    %get3A_38 = arith.constant 0 : index
    %get3A_39 = arith.constant 0 : index
    %get3A_40 = vector.load %arg10[%get3A_38, %get3A_39] : memref<3x1024xf32, #tpu.memory_space<vmem>>, vector<1x1024xf32>
    %reduce_sum3A = arith.constant dense<0.000000e+00> : vector<1024xf32>
    %reduce_sum3A_41 = vector.multi_reduction <add>, %mul3A_33, %reduce_sum3A [0] : vector<256x1024xf32> to vector<1024xf32>
    %broadcast_in_dim3A = vector.shape_cast %reduce_sum3A_41 : vector<1024xf32> to vector<1x1024xf32>
    %add3A_42 = arith.addf %get3A_40, %broadcast_in_dim3A : vector<1x1024xf32>
    %swap3A_43 = arith.constant 0 : index
    %swap3A_44 = arith.constant 0 : index
    %swap3A_45 = vector.load %arg10[%swap3A_43, %swap3A_44] : memref<3x1024xf32, #tpu.memory_space<vmem>>, vector<1x1024xf32>
    tpu.vector_store %arg10[%swap3A_43, %swap3A_44], %add3A_42 {strides = array<i32>} : memref<3x1024xf32, #tpu.memory_space<vmem>>, vector<1x1024xf32>,
    %get3A_46 = arith.constant 1 : index
    %get3A_47 = arith.constant 0 : index
    %get3A_48 = vector.load %arg10[%get3A_46, %get3A_47] : memref<3x1024xf32, #tpu.memory_space<vmem>>, vector<1x1024xf32>
    %mul3A_49 = arith.mulf %mul3A_33, %mul3A_33 : vector<256x1024xf32>
    %reduce_sum3A_50 = arith.constant dense<0.000000e+00> : vector<1024xf32>
    %reduce_sum3A_51 = vector.multi_reduction <add>, %mul3A_49, %reduce_sum3A_50 [0] : vector<256x1024xf32> to vector<1024xf32>
    %broadcast_in_dim3A_52 = vector.shape_cast %reduce_sum3A_51 : vector<1024xf32> to vector<1x1024xf32>
    %add3A_53 = arith.addf %get3A_48, %broadcast_in_dim3A_52 : vector<1x1024xf32>
    %swap3A_54 = arith.constant 1 : index
    %swap3A_55 = arith.constant 0 : index
    %swap3A_56 = vector.load %arg10[%swap3A_54, %swap3A_55] : memref<3x1024xf32, #tpu.memory_space<vmem>>, vector<1x1024xf32>
    tpu.vector_store %arg10[%swap3A_54, %swap3A_55], %add3A_53 {strides = array<i32>} : memref<3x1024xf32, #tpu.memory_space<vmem>>, vector<1x1024xf32>,
    return
  }
  func.func @transform_0(%arg0: i32) -> (i32, i32) {
    %c0_i32 = arith.constant 0 : i32
    %c0_i32_0 = arith.constant 0 : i32
    return %arg0, %c0_i32 : i32, i32
  }
  func.func @transform_1(%arg0: i32) -> (i32, i32) {
    %c0_i32 = arith.constant 0 : i32
    %c0_i32_0 = arith.constant 0 : i32
    return %arg0, %c0_i32 : i32, i32
  }
  func.func @transform_2(%arg0: i32) -> (i32, i32) {
    %c0_i32 = arith.constant 0 : i32
    %c0_i32_0 = arith.constant 0 : i32
    return %arg0, %c0_i32 : i32, i32
  }
  func.func @transform_3(%arg0: i32) -> (i32, i32) {
    %c0_i32 = arith.constant 0 : i32
    %c0_i32_0 = arith.constant 0 : i32
    %c0_i32_1 = arith.constant 0 : i32
    return %c0_i32, %c0_i32_0 : i32, i32
  }
  func.func @transform_4(%arg0: i32) -> (i32, i32) {
    %c0_i32 = arith.constant 0 : i32
    %c0_i32_0 = arith.constant 0 : i32
    %c0_i32_1 = arith.constant 0 : i32
    return %c0_i32, %c0_i32_0 : i32, i32
  }
  func.func @transform_5(%arg0: i32) -> (i32, i32) {
    %c0_i32 = arith.constant 0 : i32
    %c0_i32_0 = arith.constant 0 : i32
    %c0_i32_1 = arith.constant 0 : i32
    return %c0_i32, %c0_i32_0 : i32, i32
  }
  func.func @transform_6(%arg0: i32) -> (i32, i32) {
    %c0_i32 = arith.constant 0 : i32
    %c0_i32_0 = arith.constant 0 : i32
    %c0_i32_1 = arith.constant 0 : i32
    return %c0_i32, %c0_i32_0 : i32, i32
  }
  func.func @transform_7(%arg0: i32) -> (i32, i32) {
    %c0_i32 = arith.constant 0 : i32
    %c0_i32_0 = arith.constant 0 : i32
    %c0_i32_1 = arith.constant 0 : i32
    return %c0_i32, %c0_i32_0 : i32, i32
  }
  func.func @transform_8(%arg0: i32) -> (i32, i32) {
    %c0_i32 = arith.constant 0 : i32
    %c0_i32_0 = arith.constant 0 : i32
    return %arg0, %c0_i32 : i32, i32
  }
  func.func @transform_9(%arg0: i32) -> (i32, i32) {
    %c0_i32 = arith.constant 0 : i32
    %c0_i32_0 = arith.constant 0 : i32
    %c0_i32_1 = arith.constant 0 : i32
    return %c0_i32, %c0_i32_0 : i32, i32
  }
}

module attributes {stable_mosaic.version = 14 : i64} {
  func.func @body(%arg0: i32, %arg1: memref<512x512xf32, #tpu.memory_space<vmem>>, %arg2: memref<512x512xf32, #tpu.memory_space<vmem>>, %arg3: memref<512x8xf32, #tpu.memory_space<vmem>>, %arg4: memref<1x512xf32, #tpu.memory_space<vmem>>, %arg5: memref<1x512xf32, #tpu.memory_space<vmem>>, %arg6: memref<1x512xf32, #tpu.memory_space<vmem>>, %arg7: memref<1x512xf32, #tpu.memory_space<vmem>>, %arg8: memref<3x512x512xf32, #tpu.memory_space<vmem>>, %arg9: memref<3x512x512xf32, #tpu.memory_space<vmem>>, %arg10: memref<8x512xf32, #tpu.memory_space<vmem>>, %arg11: memref<512x512xf32, #tpu.memory_space<vmem>>, %arg12: memref<3x512xf32, #tpu.memory_space<vmem>>, %arg13: memref<512x512xf32, #tpu.memory_space<vmem>>, %arg14: memref<512x512xf32, #tpu.memory_space<vmem>>, %arg15: memref<512x512xf32, #tpu.memory_space<vmem>>, %arg16: memref<1x512xf32, #tpu.memory_space<vmem>>, %arg17: memref<1x512xf32, #tpu.memory_space<vmem>>) attributes {dimension_semantics = [#tpu.dimension_semantics<arbitrary>], iteration_bounds = array<i64: 9>, scalar_prefetch = 0 : i64, scratch_operands = 5 : i64, tpu.core_type = #tpu.core_type<tc>, window_params = [{transform_indices = @transform_0, window_bounds = array<i64: 512, 512>}, {transform_indices = @transform_1, window_bounds = array<i64: 512, 512>}, {transform_indices = @transform_2, window_bounds = array<i64: 512, 8>}, {pipeline_mode = #tpu.pipeline_mode<synchronous>, transform_indices = @transform_3, window_bounds = array<i64: 1, 512>}, {pipeline_mode = #tpu.pipeline_mode<synchronous>, transform_indices = @transform_4, window_bounds = array<i64: 1, 512>}, {pipeline_mode = #tpu.pipeline_mode<synchronous>, transform_indices = @transform_5, window_bounds = array<i64: 1, 512>}, {pipeline_mode = #tpu.pipeline_mode<synchronous>, transform_indices = @transform_6, window_bounds = array<i64: 1, 512>}, {pipeline_mode = #tpu.pipeline_mode<synchronous>, transform_indices = @transform_7, window_bounds = array<i64: 3, 512, 512>}, {pipeline_mode = #tpu.pipeline_mode<synchronous>, transform_indices = @transform_8, window_bounds = array<i64: 3, 512, 512>}, {pipeline_mode = #tpu.pipeline_mode<synchronous>, transform_indices = @transform_9, window_bounds = array<i64: 8, 512>}, {transform_indices = @transform_10, window_bounds = array<i64: 512, 512>}, {pipeline_mode = #tpu.pipeline_mode<synchronous>, transform_indices = @transform_11, window_bounds = array<i64: 3, 512>}]} {
    %get3A = arith.constant 0 : index
    %get3A_0 = arith.constant 0 : index
    %get3A_1 = vector.load %arg10[%get3A, %get3A_0] : memref<8x512xf32, #tpu.memory_space<vmem>>, vector<8x512xf32>
    %get3A_2 = arith.constant 0 : index
    %get3A_3 = arith.constant 0 : index
    %get3A_4 = vector.load %arg3[%get3A_2, %get3A_3] : memref<512x8xf32, #tpu.memory_space<vmem>>, vector<512x8xf32>
    %dot_general3A = arith.constant dense<0.000000e+00> : vector<512x512xf32>
    %dot_general3A_5 = tpu.matmul %get3A_4, %get3A_1, %dot_general3A {dimension_numbers = #tpu.dot_dimension_numbers<[1], [0], [0], [1], [0, 0, 1, 1], [], []>, transpose_lhs_hint = false} : vector<512x8xf32>, vector<8x512xf32>, vector<512x512xf32> -> vector<512x512xf32>
    %get3A_6 = arith.constant 0 : index
    %get3A_7 = arith.constant 0 : index
    %get3A_8 = vector.load %arg1[%get3A_6, %get3A_7] : memref<512x512xf32, #tpu.memory_space<vmem>>, vector<512x512xf32>
    %get3A_9 = arith.constant 0 : index
    %get3A_10 = arith.constant 0 : index
    %get3A_11 = vector.load %arg4[%get3A_9, %get3A_10] : memref<1x512xf32, #tpu.memory_space<vmem>>, vector<1x512xf32>
    %mul3A = vector.broadcast %get3A_11 : vector<1x512xf32> to vector<512x512xf32>
    %mul3A_12 = arith.mulf %get3A_8, %mul3A : vector<512x512xf32>
    %get3A_13 = arith.constant 0 : index
    %get3A_14 = arith.constant 0 : index
    %get3A_15 = vector.load %arg5[%get3A_13, %get3A_14] : memref<1x512xf32, #tpu.memory_space<vmem>>, vector<1x512xf32>
    %add3A = vector.broadcast %get3A_15 : vector<1x512xf32> to vector<512x512xf32>
    %add3A_16 = arith.addf %mul3A_12, %add3A : vector<512x512xf32>
    %max3A = arith.constant 0.000000e+00 : f32
    %max3A_17 = vector.broadcast %max3A : f32 to vector<512x512xf32>
    %max3A_18 = arith.maximumf %add3A_16, %max3A_17 : vector<512x512xf32>
    %mul3A_19 = arith.mulf %max3A_18, %dot_general3A_5 : vector<512x512xf32>
    %get3A_20 = arith.constant 0 : index
    %get3A_21 = arith.constant 0 : index
    %get3A_22 = vector.load %arg2[%get3A_20, %get3A_21] : memref<512x512xf32, #tpu.memory_space<vmem>>, vector<512x512xf32>
    %get3A_23 = arith.constant 0 : index
    %get3A_24 = arith.constant 0 : index
    %get3A_25 = vector.load %arg6[%get3A_23, %get3A_24] : memref<1x512xf32, #tpu.memory_space<vmem>>, vector<1x512xf32>
    %mul3A_26 = vector.broadcast %get3A_25 : vector<1x512xf32> to vector<512x512xf32>
    %mul3A_27 = arith.mulf %get3A_22, %mul3A_26 : vector<512x512xf32>
    %get3A_28 = arith.constant 0 : index
    %get3A_29 = arith.constant 0 : index
    %get3A_30 = vector.load %arg7[%get3A_28, %get3A_29] : memref<1x512xf32, #tpu.memory_space<vmem>>, vector<1x512xf32>
    %add3A_31 = vector.broadcast %get3A_30 : vector<1x512xf32> to vector<512x512xf32>
    %add3A_32 = arith.addf %mul3A_27, %add3A_31 : vector<512x512xf32>
    %max3A_33 = arith.constant 0.000000e+00 : f32
    %max3A_34 = vector.broadcast %max3A_33 : f32 to vector<512x512xf32>
    %max3A_35 = arith.maximumf %add3A_32, %max3A_34 : vector<512x512xf32>
    %mul3A_36 = arith.mulf %max3A_35, %dot_general3A_5 : vector<512x512xf32>
    %eq3A = arith.constant 0 : i32
    %eq3A_37 = arith.cmpi eq, %arg0, %eq3A : i32
    %convert_element_type3A = arith.extui %eq3A_37 : i1 to i32
    %cond3A = arith.constant 0 : i32
    %cond3A_38 = arith.cmpi ne, %convert_element_type3A, %cond3A : i32
    scf.if %cond3A_38 {
      %broadcast_in_dim3A = arith.constant 0.000000e+00 : f32
      %broadcast_in_dim3A_47 = vector.broadcast %broadcast_in_dim3A : f32 to vector<3x512xf32>
      %swap3A = arith.constant 0 : index
      %swap3A_48 = arith.constant 0 : index
      %swap3A_49 = vector.load %arg12[%swap3A, %swap3A_48] : memref<3x512xf32, #tpu.memory_space<vmem>>, vector<3x512xf32>
      tpu.vector_store %arg12[%swap3A, %swap3A_48], %broadcast_in_dim3A_47 {strides = array<i32>} : memref<3x512xf32, #tpu.memory_space<vmem>>, vector<3x512xf32>,
      %broadcast_in_dim3A_50 = arith.constant 0.000000e+00 : f32
      %broadcast_in_dim3A_51 = vector.broadcast %broadcast_in_dim3A_50 : f32 to vector<1x512xf32>
      %swap3A_52 = arith.constant 0 : index
      %swap3A_53 = arith.constant 0 : index
      %swap3A_54 = vector.load %arg16[%swap3A_52, %swap3A_53] : memref<1x512xf32, #tpu.memory_space<vmem>>, vector<1x512xf32>
      tpu.vector_store %arg16[%swap3A_52, %swap3A_53], %broadcast_in_dim3A_51 {strides = array<i32>} : memref<1x512xf32, #tpu.memory_space<vmem>>, vector<1x512xf32>,
      %broadcast_in_dim3A_55 = arith.constant 0.000000e+00 : f32
      %broadcast_in_dim3A_56 = vector.broadcast %broadcast_in_dim3A_55 : f32 to vector<1x512xf32>
      %swap3A_57 = arith.constant 0 : index
      %swap3A_58 = arith.constant 0 : index
      %swap3A_59 = vector.load %arg17[%swap3A_57, %swap3A_58] : memref<1x512xf32, #tpu.memory_space<vmem>>, vector<1x512xf32>
      tpu.vector_store %arg17[%swap3A_57, %swap3A_58], %broadcast_in_dim3A_56 {strides = array<i32>} : memref<1x512xf32, #tpu.memory_space<vmem>>, vector<1x512xf32>,
    } else {
    }
    %gt3A = arith.constant 0 : i32
    %gt3A_39 = arith.cmpi sgt, %arg0, %gt3A : i32
    %convert_element_type3A_40 = arith.extui %gt3A_39 : i1 to i32
    %cond3A_41 = arith.constant 0 : i32
    %cond3A_42 = arith.cmpi ne, %convert_element_type3A_40, %cond3A_41 : i32
    scf.if %cond3A_42 {
      %lt3A_47 = arith.constant 8 : i32
      %lt3A_48 = arith.cmpi slt, %arg0, %lt3A_47 : i32
      %jit3A = arith.constant 1.000000e+00 : f32
      %jit3A_49 = arith.constant 0.000000e+00 : f32
      %select_n3A = arith.select %lt3A_48, %jit3A, %jit3A_49 : f32
      %get3A_50 = arith.constant 0 : index
      %get3A_51 = arith.constant 0 : index
      %get3A_52 = vector.load %arg13[%get3A_50, %get3A_51] : memref<512x512xf32, #tpu.memory_space<vmem>>, vector<512x512xf32>
      %get3A_53 = arith.constant 0 : index
      %get3A_54 = arith.constant 0 : index
      %get3A_55 = vector.load %arg16[%get3A_53, %get3A_54] : memref<1x512xf32, #tpu.memory_space<vmem>>, vector<1x512xf32>
      %slice3A = vector.extract_strided_slice %get3A_52 {offsets = [0, 0], sizes = [511, 512], strides = [1, 1]} : vector<512x512xf32> to vector<511x512xf32>
      %concatenate3A = tpu.concatenate %get3A_55, %slice3A in 0 : vector<1x512xf32>, vector<511x512xf32> -> vector<512x512xf32>
      %slice3A_56 = vector.extract_strided_slice %get3A_52 {offsets = [1, 0], sizes = [511, 512], strides = [1, 1]} : vector<512x512xf32> to vector<511x512xf32>
      %slice3A_57 = vector.extract_strided_slice %mul3A_19 {offsets = [0, 0], sizes = [1, 512], strides = [1, 1]} : vector<512x512xf32> to vector<1x512xf32>
      %mul3A_58 = vector.broadcast %select_n3A : f32 to vector<1x512xf32>
      %mul3A_59 = arith.mulf %slice3A_57, %mul3A_58 : vector<1x512xf32>
      %concatenate3A_60 = tpu.concatenate %slice3A_56, %mul3A_59 in 0 : vector<511x512xf32>, vector<1x512xf32> -> vector<512x512xf32>
      %slice3A_61 = vector.extract_strided_slice %concatenate3A {offsets = [0, 448], sizes = [512, 64], strides = [1, 1]} : vector<512x512xf32> to vector<512x64xf32>
      %slice3A_62 = vector.extract_strided_slice %get3A_52 {offsets = [0, 0], sizes = [512, 448], strides = [1, 1]} : vector<512x512xf32> to vector<512x448xf32>
      %concatenate3A_63 = tpu.concatenate %slice3A_61, %slice3A_62 in 1 : vector<512x64xf32>, vector<512x448xf32> -> vector<512x512xf32>
      %slice3A_64 = vector.extract_strided_slice %get3A_52 {offsets = [0, 64], sizes = [512, 448], strides = [1, 1]} : vector<512x512xf32> to vector<512x448xf32>
      %slice3A_65 = vector.extract_strided_slice %concatenate3A_60 {offsets = [0, 0], sizes = [512, 64], strides = [1, 1]} : vector<512x512xf32> to vector<512x64xf32>
      %concatenate3A_66 = tpu.concatenate %slice3A_64, %slice3A_65 in 1 : vector<512x448xf32>, vector<512x64xf32> -> vector<512x512xf32>
      %get3A_67 = arith.constant 0 : index
      %get3A_68 = arith.constant 0 : index
      %get3A_69 = arith.constant 0 : index
      %get3A_70 = vector.load %arg8[%get3A_67, %get3A_68, %get3A_69] : memref<3x512x512xf32, #tpu.memory_space<vmem>>, vector<1x512x512xf32>
      %get3A_71 = vector.shape_cast %get3A_70 : vector<1x512x512xf32> to vector<512x512xf32>
      %dot_general3A_72 = arith.constant dense<0.000000e+00> : vector<512x512xf32>
      %dot_general3A_73 = tpu.matmul %concatenate3A_63, %get3A_71, %dot_general3A_72 {dimension_numbers = #tpu.dot_dimension_numbers<[1], [0], [0], [1], [0, 0, 1, 1], [], []>, transpose_lhs_hint = false} : vector<512x512xf32>, vector<512x512xf32>, vector<512x512xf32> -> vector<512x512xf32>
      %get3A_74 = arith.constant 1 : index
      %get3A_75 = arith.constant 0 : index
      %get3A_76 = arith.constant 0 : index
      %get3A_77 = vector.load %arg8[%get3A_74, %get3A_75, %get3A_76] : memref<3x512x512xf32, #tpu.memory_space<vmem>>, vector<1x512x512xf32>
      %get3A_78 = vector.shape_cast %get3A_77 : vector<1x512x512xf32> to vector<512x512xf32>
      %dot_general3A_79 = arith.constant dense<0.000000e+00> : vector<512x512xf32>
      %dot_general3A_80 = tpu.matmul %get3A_52, %get3A_78, %dot_general3A_79 {dimension_numbers = #tpu.dot_dimension_numbers<[1], [0], [0], [1], [0, 0, 1, 1], [], []>, transpose_lhs_hint = false} : vector<512x512xf32>, vector<512x512xf32>, vector<512x512xf32> -> vector<512x512xf32>
      %add3A_81 = arith.addf %dot_general3A_73, %dot_general3A_80 : vector<512x512xf32>
      %get3A_82 = arith.constant 2 : index
      %get3A_83 = arith.constant 0 : index
      %get3A_84 = arith.constant 0 : index
      %get3A_85 = vector.load %arg8[%get3A_82, %get3A_83, %get3A_84] : memref<3x512x512xf32, #tpu.memory_space<vmem>>, vector<1x512x512xf32>
      %get3A_86 = vector.shape_cast %get3A_85 : vector<1x512x512xf32> to vector<512x512xf32>
      %dot_general3A_87 = arith.constant dense<0.000000e+00> : vector<512x512xf32>
      %dot_general3A_88 = tpu.matmul %concatenate3A_66, %get3A_86, %dot_general3A_87 {dimension_numbers = #tpu.dot_dimension_numbers<[1], [0], [0], [1], [0, 0, 1, 1], [], []>, transpose_lhs_hint = false} : vector<512x512xf32>, vector<512x512xf32>, vector<512x512xf32> -> vector<512x512xf32>
      %add3A_89 = arith.addf %add3A_81, %dot_general3A_88 : vector<512x512xf32>
      %get3A_90 = arith.constant 0 : index
      %get3A_91 = arith.constant 0 : index
      %get3A_92 = vector.load %arg14[%get3A_90, %get3A_91] : memref<512x512xf32, #tpu.memory_space<vmem>>, vector<512x512xf32>
      %get3A_93 = arith.constant 0 : index
      %get3A_94 = arith.constant 0 : index
      %get3A_95 = vector.load %arg17[%get3A_93, %get3A_94] : memref<1x512xf32, #tpu.memory_space<vmem>>, vector<1x512xf32>
      %slice3A_96 = vector.extract_strided_slice %get3A_92 {offsets = [0, 0], sizes = [511, 512], strides = [1, 1]} : vector<512x512xf32> to vector<511x512xf32>
      %concatenate3A_97 = tpu.concatenate %get3A_95, %slice3A_96 in 0 : vector<1x512xf32>, vector<511x512xf32> -> vector<512x512xf32>
      %slice3A_98 = vector.extract_strided_slice %get3A_92 {offsets = [1, 0], sizes = [511, 512], strides = [1, 1]} : vector<512x512xf32> to vector<511x512xf32>
      %slice3A_99 = vector.extract_strided_slice %mul3A_36 {offsets = [0, 0], sizes = [1, 512], strides = [1, 1]} : vector<512x512xf32> to vector<1x512xf32>
      %mul3A_100 = vector.broadcast %select_n3A : f32 to vector<1x512xf32>
      %mul3A_101 = arith.mulf %slice3A_99, %mul3A_100 : vector<1x512xf32>
      %concatenate3A_102 = tpu.concatenate %slice3A_98, %mul3A_101 in 0 : vector<511x512xf32>, vector<1x512xf32> -> vector<512x512xf32>
      %slice3A_103 = vector.extract_strided_slice %concatenate3A_97 {offsets = [0, 448], sizes = [512, 64], strides = [1, 1]} : vector<512x512xf32> to vector<512x64xf32>
      %slice3A_104 = vector.extract_strided_slice %get3A_92 {offsets = [0, 0], sizes = [512, 448], strides = [1, 1]} : vector<512x512xf32> to vector<512x448xf32>
      %concatenate3A_105 = tpu.concatenate %slice3A_103, %slice3A_104 in 1 : vector<512x64xf32>, vector<512x448xf32> -> vector<512x512xf32>
      %slice3A_106 = vector.extract_strided_slice %get3A_92 {offsets = [0, 64], sizes = [512, 448], strides = [1, 1]} : vector<512x512xf32> to vector<512x448xf32>
      %slice3A_107 = vector.extract_strided_slice %concatenate3A_102 {offsets = [0, 0], sizes = [512, 64], strides = [1, 1]} : vector<512x512xf32> to vector<512x64xf32>
      %concatenate3A_108 = tpu.concatenate %slice3A_106, %slice3A_107 in 1 : vector<512x448xf32>, vector<512x64xf32> -> vector<512x512xf32>
      %get3A_109 = arith.constant 0 : index
      %get3A_110 = arith.constant 0 : index
      %get3A_111 = arith.constant 0 : index
      %get3A_112 = vector.load %arg9[%get3A_109, %get3A_110, %get3A_111] : memref<3x512x512xf32, #tpu.memory_space<vmem>>, vector<1x512x512xf32>
      %get3A_113 = vector.shape_cast %get3A_112 : vector<1x512x512xf32> to vector<512x512xf32>
      %dot_general3A_114 = arith.constant dense<0.000000e+00> : vector<512x512xf32>
      %dot_general3A_115 = tpu.matmul %concatenate3A_105, %get3A_113, %dot_general3A_114 {dimension_numbers = #tpu.dot_dimension_numbers<[1], [0], [0], [1], [0, 0, 1, 1], [], []>, transpose_lhs_hint = false} : vector<512x512xf32>, vector<512x512xf32>, vector<512x512xf32> -> vector<512x512xf32>
      %get3A_116 = arith.constant 1 : index
      %get3A_117 = arith.constant 0 : index
      %get3A_118 = arith.constant 0 : index
      %get3A_119 = vector.load %arg9[%get3A_116, %get3A_117, %get3A_118] : memref<3x512x512xf32, #tpu.memory_space<vmem>>, vector<1x512x512xf32>
      %get3A_120 = vector.shape_cast %get3A_119 : vector<1x512x512xf32> to vector<512x512xf32>
      %dot_general3A_121 = arith.constant dense<0.000000e+00> : vector<512x512xf32>
      %dot_general3A_122 = tpu.matmul %get3A_92, %get3A_120, %dot_general3A_121 {dimension_numbers = #tpu.dot_dimension_numbers<[1], [0], [0], [1], [0, 0, 1, 1], [], []>, transpose_lhs_hint = false} : vector<512x512xf32>, vector<512x512xf32>, vector<512x512xf32> -> vector<512x512xf32>
      %add3A_123 = arith.addf %dot_general3A_115, %dot_general3A_122 : vector<512x512xf32>
      %get3A_124 = arith.constant 2 : index
      %get3A_125 = arith.constant 0 : index
      %get3A_126 = arith.constant 0 : index
      %get3A_127 = vector.load %arg9[%get3A_124, %get3A_125, %get3A_126] : memref<3x512x512xf32, #tpu.memory_space<vmem>>, vector<1x512x512xf32>
      %get3A_128 = vector.shape_cast %get3A_127 : vector<1x512x512xf32> to vector<512x512xf32>
      %dot_general3A_129 = arith.constant dense<0.000000e+00> : vector<512x512xf32>
      %dot_general3A_130 = tpu.matmul %concatenate3A_108, %get3A_128, %dot_general3A_129 {dimension_numbers = #tpu.dot_dimension_numbers<[1], [0], [0], [1], [0, 0, 1, 1], [], []>, transpose_lhs_hint = false} : vector<512x512xf32>, vector<512x512xf32>, vector<512x512xf32> -> vector<512x512xf32>
      %add3A_131 = arith.addf %add3A_123, %dot_general3A_130 : vector<512x512xf32>
      %add3A_132 = arith.addf %add3A_89, %add3A_131 : vector<512x512xf32>
      %get3A_133 = arith.constant 0 : index
      %get3A_134 = arith.constant 0 : index
      %get3A_135 = vector.load %arg15[%get3A_133, %get3A_134] : memref<512x512xf32, #tpu.memory_space<vmem>>, vector<512x512xf32>
      %mul3A_136 = arith.mulf %add3A_132, %get3A_135 : vector<512x512xf32>
      %swap3A = arith.constant 0 : index
      %swap3A_137 = arith.constant 0 : index
      %swap3A_138 = vector.load %arg11[%swap3A, %swap3A_137] : memref<512x512xf32, #tpu.memory_space<vmem>>, vector<512x512xf32>
      tpu.vector_store %arg11[%swap3A, %swap3A_137], %mul3A_136 {strides = array<i32>} : memref<512x512xf32, #tpu.memory_space<vmem>>, vector<512x512xf32>,
      %get3A_139 = arith.constant 0 : index
      %get3A_140 = arith.constant 0 : index
      %get3A_141 = vector.load %arg12[%get3A_139, %get3A_140] : memref<3x512xf32, #tpu.memory_space<vmem>>, vector<1x512xf32>
      %reduce_sum3A = arith.constant dense<0.000000e+00> : vector<512xf32>
      %reduce_sum3A_142 = vector.multi_reduction <add>, %mul3A_136, %reduce_sum3A [0] : vector<512x512xf32> to vector<512xf32>
      %broadcast_in_dim3A = vector.shape_cast %reduce_sum3A_142 : vector<512xf32> to vector<1x512xf32>
      %add3A_143 = arith.addf %get3A_141, %broadcast_in_dim3A : vector<1x512xf32>
      %swap3A_144 = arith.constant 0 : index
      %swap3A_145 = arith.constant 0 : index
      %swap3A_146 = vector.load %arg12[%swap3A_144, %swap3A_145] : memref<3x512xf32, #tpu.memory_space<vmem>>, vector<1x512xf32>
      tpu.vector_store %arg12[%swap3A_144, %swap3A_145], %add3A_143 {strides = array<i32>} : memref<3x512xf32, #tpu.memory_space<vmem>>, vector<1x512xf32>,
      %get3A_147 = arith.constant 1 : index
      %get3A_148 = arith.constant 0 : index
      %get3A_149 = vector.load %arg12[%get3A_147, %get3A_148] : memref<3x512xf32, #tpu.memory_space<vmem>>, vector<1x512xf32>
      %mul3A_150 = arith.mulf %mul3A_136, %mul3A_136 : vector<512x512xf32>
      %reduce_sum3A_151 = arith.constant dense<0.000000e+00> : vector<512xf32>
      %reduce_sum3A_152 = vector.multi_reduction <add>, %mul3A_150, %reduce_sum3A_151 [0] : vector<512x512xf32> to vector<512xf32>
      %broadcast_in_dim3A_153 = vector.shape_cast %reduce_sum3A_152 : vector<512xf32> to vector<1x512xf32>
      %add3A_154 = arith.addf %get3A_149, %broadcast_in_dim3A_153 : vector<1x512xf32>
      %swap3A_155 = arith.constant 1 : index
      %swap3A_156 = arith.constant 0 : index
      %swap3A_157 = vector.load %arg12[%swap3A_155, %swap3A_156] : memref<3x512xf32, #tpu.memory_space<vmem>>, vector<1x512xf32>
      tpu.vector_store %arg12[%swap3A_155, %swap3A_156], %add3A_154 {strides = array<i32>} : memref<3x512xf32, #tpu.memory_space<vmem>>, vector<1x512xf32>,
      %get3A_158 = arith.constant 511 : index
      %get3A_159 = arith.constant 0 : index
      %get3A_160 = vector.load %arg13[%get3A_158, %get3A_159] : memref<512x512xf32, #tpu.memory_space<vmem>>, vector<1x512xf32>
      %swap3A_161 = arith.constant 0 : index
      %swap3A_162 = arith.constant 0 : index
      %swap3A_163 = vector.load %arg16[%swap3A_161, %swap3A_162] : memref<1x512xf32, #tpu.memory_space<vmem>>, vector<1x512xf32>
      tpu.vector_store %arg16[%swap3A_161, %swap3A_162], %get3A_160 {strides = array<i32>} : memref<1x512xf32, #tpu.memory_space<vmem>>, vector<1x512xf32>,
      %get3A_164 = arith.constant 511 : index
      %get3A_165 = arith.constant 0 : index
      %get3A_166 = vector.load %arg14[%get3A_164, %get3A_165] : memref<512x512xf32, #tpu.memory_space<vmem>>, vector<1x512xf32>
      %swap3A_167 = arith.constant 0 : index
      %swap3A_168 = arith.constant 0 : index
      %swap3A_169 = vector.load %arg17[%swap3A_167, %swap3A_168] : memref<1x512xf32, #tpu.memory_space<vmem>>, vector<1x512xf32>
      tpu.vector_store %arg17[%swap3A_167, %swap3A_168], %get3A_166 {strides = array<i32>} : memref<1x512xf32, #tpu.memory_space<vmem>>, vector<1x512xf32>,
    } else {
    }
    %lt3A = arith.constant 8 : i32
    %lt3A_43 = arith.cmpi slt, %arg0, %lt3A : i32
    %convert_element_type3A_44 = arith.extui %lt3A_43 : i1 to i32
    %cond3A_45 = arith.constant 0 : i32
    %cond3A_46 = arith.cmpi ne, %convert_element_type3A_44, %cond3A_45 : i32
    scf.if %cond3A_46 {
      %swap3A = arith.constant 0 : index
      %swap3A_47 = arith.constant 0 : index
      %swap3A_48 = vector.load %arg13[%swap3A, %swap3A_47] : memref<512x512xf32, #tpu.memory_space<vmem>>, vector<512x512xf32>
      tpu.vector_store %arg13[%swap3A, %swap3A_47], %mul3A_19 {strides = array<i32>} : memref<512x512xf32, #tpu.memory_space<vmem>>, vector<512x512xf32>,
      %swap3A_49 = arith.constant 0 : index
      %swap3A_50 = arith.constant 0 : index
      %swap3A_51 = vector.load %arg14[%swap3A_49, %swap3A_50] : memref<512x512xf32, #tpu.memory_space<vmem>>, vector<512x512xf32>
      tpu.vector_store %arg14[%swap3A_49, %swap3A_50], %mul3A_36 {strides = array<i32>} : memref<512x512xf32, #tpu.memory_space<vmem>>, vector<512x512xf32>,
      %swap3A_52 = arith.constant 0 : index
      %swap3A_53 = arith.constant 0 : index
      %swap3A_54 = vector.load %arg15[%swap3A_52, %swap3A_53] : memref<512x512xf32, #tpu.memory_space<vmem>>, vector<512x512xf32>
      tpu.vector_store %arg15[%swap3A_52, %swap3A_53], %dot_general3A_5 {strides = array<i32>} : memref<512x512xf32, #tpu.memory_space<vmem>>, vector<512x512xf32>,
    } else {
    }
    return
  }
  func.func @transform_0(%arg0: i32) -> (i32, i32) {
    %min3A = arith.constant 7 : i32
    %min3A_0 = arith.minsi %arg0, %min3A : i32
    %c0_i32 = arith.constant 0 : i32
    %c0_i32_1 = arith.constant 0 : i32
    return %min3A_0, %c0_i32 : i32, i32
  }
  func.func @transform_1(%arg0: i32) -> (i32, i32) {
    %min3A = arith.constant 7 : i32
    %min3A_0 = arith.minsi %arg0, %min3A : i32
    %c0_i32 = arith.constant 0 : i32
    %c0_i32_1 = arith.constant 0 : i32
    return %min3A_0, %c0_i32 : i32, i32
  }
  func.func @transform_2(%arg0: i32) -> (i32, i32) {
    %min3A = arith.constant 7 : i32
    %min3A_0 = arith.minsi %arg0, %min3A : i32
    %c0_i32 = arith.constant 0 : i32
    %c0_i32_1 = arith.constant 0 : i32
    return %min3A_0, %c0_i32 : i32, i32
  }
  func.func @transform_3(%arg0: i32) -> (i32, i32) {
    %c0_i32 = arith.constant 0 : i32
    %c0_i32_0 = arith.constant 0 : i32
    %c0_i32_1 = arith.constant 0 : i32
    return %c0_i32, %c0_i32_0 : i32, i32
  }
  func.func @transform_4(%arg0: i32) -> (i32, i32) {
    %c0_i32 = arith.constant 0 : i32
    %c0_i32_0 = arith.constant 0 : i32
    %c0_i32_1 = arith.constant 0 : i32
    return %c0_i32, %c0_i32_0 : i32, i32
  }
  func.func @transform_5(%arg0: i32) -> (i32, i32) {
    %c0_i32 = arith.constant 0 : i32
    %c0_i32_0 = arith.constant 0 : i32
    %c0_i32_1 = arith.constant 0 : i32
    return %c0_i32, %c0_i32_0 : i32, i32
  }
  func.func @transform_6(%arg0: i32) -> (i32, i32) {
    %c0_i32 = arith.constant 0 : i32
    %c0_i32_0 = arith.constant 0 : i32
    %c0_i32_1 = arith.constant 0 : i32
    return %c0_i32, %c0_i32_0 : i32, i32
  }
  func.func @transform_7(%arg0: i32) -> (i32, i32, i32) {
    %c0_i32 = arith.constant 0 : i32
    %c0_i32_0 = arith.constant 0 : i32
    %c0_i32_1 = arith.constant 0 : i32
    %c0_i32_2 = arith.constant 0 : i32
    return %c0_i32, %c0_i32_0, %c0_i32_1 : i32, i32, i32
  }
  func.func @transform_8(%arg0: i32) -> (i32, i32, i32) {
    %c0_i32 = arith.constant 0 : i32
    %c0_i32_0 = arith.constant 0 : i32
    %c0_i32_1 = arith.constant 0 : i32
    %c0_i32_2 = arith.constant 0 : i32
    return %c0_i32, %c0_i32_0, %c0_i32_1 : i32, i32, i32
  }
  func.func @transform_9(%arg0: i32) -> (i32, i32) {
    %c0_i32 = arith.constant 0 : i32
    %c0_i32_0 = arith.constant 0 : i32
    %c0_i32_1 = arith.constant 0 : i32
    return %c0_i32, %c0_i32_0 : i32, i32
  }
  func.func @transform_10(%arg0: i32) -> (i32, i32) {
    %sub3A = arith.constant 1 : i32
    %sub3A_0 = arith.subi %arg0, %sub3A : i32
    %max3A = arith.constant 0 : i32
    %max3A_1 = arith.maxsi %sub3A_0, %max3A : i32
    %c0_i32 = arith.constant 0 : i32
    %c0_i32_2 = arith.constant 0 : i32
    return %max3A_1, %c0_i32 : i32, i32
  }
  func.func @transform_11(%arg0: i32) -> (i32, i32) {
    %c0_i32 = arith.constant 0 : i32
    %c0_i32_0 = arith.constant 0 : i32
    %c0_i32_1 = arith.constant 0 : i32
    return %c0_i32, %c0_i32_0 : i32, i32
  }
}

module attributes {stable_mosaic.version = 14 : i64} {
  func.func @body(%arg0: i32, %arg1: memref<256x512xf32, #tpu.memory_space<vmem>>, %arg2: memref<256x8xf32, #tpu.memory_space<vmem>>, %arg3: memref<256x16xf32, #tpu.memory_space<vmem>>, %arg4: memref<1x512xf32, #tpu.memory_space<vmem>>, %arg5: memref<1x512xf32, #tpu.memory_space<vmem>>, %arg6: memref<512x768xf32, #tpu.memory_space<vmem>>, %arg7: memref<8x512xf32, #tpu.memory_space<vmem>>, %arg8: memref<16x768xf32, #tpu.memory_space<vmem>>, %arg9: memref<256x768xf32, #tpu.memory_space<vmem>>, %arg10: memref<3x768xf32, #tpu.memory_space<vmem>>) attributes {dimension_semantics = [#tpu.dimension_semantics<arbitrary>], iteration_bounds = array<i64: 16>, scalar_prefetch = 0 : i64, scratch_operands = 0 : i64, tpu.core_type = #tpu.core_type<tc>, window_params = [{transform_indices = @transform_0, window_bounds = array<i64: 256, 512>}, {transform_indices = @transform_1, window_bounds = array<i64: 256, 8>}, {transform_indices = @transform_2, window_bounds = array<i64: 256, 16>}, {pipeline_mode = #tpu.pipeline_mode<synchronous>, transform_indices = @transform_3, window_bounds = array<i64: 1, 512>}, {pipeline_mode = #tpu.pipeline_mode<synchronous>, transform_indices = @transform_4, window_bounds = array<i64: 1, 512>}, {pipeline_mode = #tpu.pipeline_mode<synchronous>, transform_indices = @transform_5, window_bounds = array<i64: 512, 768>}, {pipeline_mode = #tpu.pipeline_mode<synchronous>, transform_indices = @transform_6, window_bounds = array<i64: 8, 512>}, {pipeline_mode = #tpu.pipeline_mode<synchronous>, transform_indices = @transform_7, window_bounds = array<i64: 16, 768>}, {transform_indices = @transform_8, window_bounds = array<i64: 256, 768>}, {pipeline_mode = #tpu.pipeline_mode<synchronous>, transform_indices = @transform_9, window_bounds = array<i64: 3, 768>}]} {
    %get3A = arith.constant 0 : index
    %get3A_0 = arith.constant 0 : index
    %get3A_1 = vector.load %arg1[%get3A, %get3A_0] : memref<256x512xf32, #tpu.memory_space<vmem>>, vector<256x512xf32>
    %get3A_2 = arith.constant 0 : index
    %get3A_3 = arith.constant 0 : index
    %get3A_4 = vector.load %arg4[%get3A_2, %get3A_3] : memref<1x512xf32, #tpu.memory_space<vmem>>, vector<1x512xf32>
    %mul3A = vector.broadcast %get3A_4 : vector<1x512xf32> to vector<256x512xf32>
    %mul3A_5 = arith.mulf %get3A_1, %mul3A : vector<256x512xf32>
    %get3A_6 = arith.constant 0 : index
    %get3A_7 = arith.constant 0 : index
    %get3A_8 = vector.load %arg5[%get3A_6, %get3A_7] : memref<1x512xf32, #tpu.memory_space<vmem>>, vector<1x512xf32>
    %add3A = vector.broadcast %get3A_8 : vector<1x512xf32> to vector<256x512xf32>
    %add3A_9 = arith.addf %mul3A_5, %add3A : vector<256x512xf32>
    %max3A = arith.constant 0.000000e+00 : f32
    %max3A_10 = vector.broadcast %max3A : f32 to vector<256x512xf32>
    %max3A_11 = arith.maximumf %add3A_9, %max3A_10 : vector<256x512xf32>
    %get3A_12 = arith.constant 0 : index
    %get3A_13 = arith.constant 0 : index
    %get3A_14 = vector.load %arg2[%get3A_12, %get3A_13] : memref<256x8xf32, #tpu.memory_space<vmem>>, vector<256x8xf32>
    %get3A_15 = arith.constant 0 : index
    %get3A_16 = arith.constant 0 : index
    %get3A_17 = vector.load %arg7[%get3A_15, %get3A_16] : memref<8x512xf32, #tpu.memory_space<vmem>>, vector<8x512xf32>
    %dot_general3A = arith.constant dense<0.000000e+00> : vector<256x512xf32>
    %dot_general3A_18 = tpu.matmul %get3A_14, %get3A_17, %dot_general3A {dimension_numbers = #tpu.dot_dimension_numbers<[1], [0], [0], [1], [0, 0, 1, 1], [], []>, transpose_lhs_hint = false} : vector<256x8xf32>, vector<8x512xf32>, vector<256x512xf32> -> vector<256x512xf32>
    %mul3A_19 = arith.mulf %max3A_11, %dot_general3A_18 : vector<256x512xf32>
    %get3A_20 = arith.constant 0 : index
    %get3A_21 = arith.constant 0 : index
    %get3A_22 = vector.load %arg6[%get3A_20, %get3A_21] : memref<512x768xf32, #tpu.memory_space<vmem>>, vector<512x768xf32>
    %dot_general3A_23 = arith.constant dense<0.000000e+00> : vector<256x768xf32>
    %dot_general3A_24 = tpu.matmul %mul3A_19, %get3A_22, %dot_general3A_23 {dimension_numbers = #tpu.dot_dimension_numbers<[1], [0], [0], [1], [0, 0, 1, 1], [], []>, transpose_lhs_hint = false} : vector<256x512xf32>, vector<512x768xf32>, vector<256x768xf32> -> vector<256x768xf32>
    %get3A_25 = arith.constant 0 : index
    %get3A_26 = arith.constant 0 : index
    %get3A_27 = vector.load %arg3[%get3A_25, %get3A_26] : memref<256x16xf32, #tpu.memory_space<vmem>>, vector<256x16xf32>
    %get3A_28 = arith.constant 0 : index
    %get3A_29 = arith.constant 0 : index
    %get3A_30 = vector.load %arg8[%get3A_28, %get3A_29] : memref<16x768xf32, #tpu.memory_space<vmem>>, vector<16x768xf32>
    %dot_general3A_31 = arith.constant dense<0.000000e+00> : vector<256x768xf32>
    %dot_general3A_32 = tpu.matmul %get3A_27, %get3A_30, %dot_general3A_31 {dimension_numbers = #tpu.dot_dimension_numbers<[1], [0], [0], [1], [0, 0, 1, 1], [], []>, transpose_lhs_hint = false} : vector<256x16xf32>, vector<16x768xf32>, vector<256x768xf32> -> vector<256x768xf32>
    %mul3A_33 = arith.mulf %dot_general3A_24, %dot_general3A_32 : vector<256x768xf32>
    %swap3A = arith.constant 0 : index
    %swap3A_34 = arith.constant 0 : index
    %swap3A_35 = vector.load %arg9[%swap3A, %swap3A_34] : memref<256x768xf32, #tpu.memory_space<vmem>>, vector<256x768xf32>
    tpu.vector_store %arg9[%swap3A, %swap3A_34], %mul3A_33 {strides = array<i32>} : memref<256x768xf32, #tpu.memory_space<vmem>>, vector<256x768xf32>,
    %eq3A = arith.constant 0 : i32
    %eq3A_36 = arith.cmpi eq, %arg0, %eq3A : i32
    %convert_element_type3A = arith.extui %eq3A_36 : i1 to i32
    %cond3A = arith.constant 0 : i32
    %cond3A_37 = arith.cmpi ne, %convert_element_type3A, %cond3A : i32
    scf.if %cond3A_37 {
      %broadcast_in_dim3A_57 = arith.constant 0.000000e+00 : f32
      %broadcast_in_dim3A_58 = vector.broadcast %broadcast_in_dim3A_57 : f32 to vector<3x768xf32>
      %swap3A_59 = arith.constant 0 : index
      %swap3A_60 = arith.constant 0 : index
      %swap3A_61 = vector.load %arg10[%swap3A_59, %swap3A_60] : memref<3x768xf32, #tpu.memory_space<vmem>>, vector<3x768xf32>
      tpu.vector_store %arg10[%swap3A_59, %swap3A_60], %broadcast_in_dim3A_58 {strides = array<i32>} : memref<3x768xf32, #tpu.memory_space<vmem>>, vector<3x768xf32>,
    } else {
    }
    %get3A_38 = arith.constant 0 : index
    %get3A_39 = arith.constant 0 : index
    %get3A_40 = vector.load %arg10[%get3A_38, %get3A_39] : memref<3x768xf32, #tpu.memory_space<vmem>>, vector<1x768xf32>
    %reduce_sum3A = arith.constant dense<0.000000e+00> : vector<768xf32>
    %reduce_sum3A_41 = vector.multi_reduction <add>, %mul3A_33, %reduce_sum3A [0] : vector<256x768xf32> to vector<768xf32>
    %broadcast_in_dim3A = vector.shape_cast %reduce_sum3A_41 : vector<768xf32> to vector<1x768xf32>
    %add3A_42 = arith.addf %get3A_40, %broadcast_in_dim3A : vector<1x768xf32>
    %swap3A_43 = arith.constant 0 : index
    %swap3A_44 = arith.constant 0 : index
    %swap3A_45 = vector.load %arg10[%swap3A_43, %swap3A_44] : memref<3x768xf32, #tpu.memory_space<vmem>>, vector<1x768xf32>
    tpu.vector_store %arg10[%swap3A_43, %swap3A_44], %add3A_42 {strides = array<i32>} : memref<3x768xf32, #tpu.memory_space<vmem>>, vector<1x768xf32>,
    %get3A_46 = arith.constant 1 : index
    %get3A_47 = arith.constant 0 : index
    %get3A_48 = vector.load %arg10[%get3A_46, %get3A_47] : memref<3x768xf32, #tpu.memory_space<vmem>>, vector<1x768xf32>
    %mul3A_49 = arith.mulf %mul3A_33, %mul3A_33 : vector<256x768xf32>
    %reduce_sum3A_50 = arith.constant dense<0.000000e+00> : vector<768xf32>
    %reduce_sum3A_51 = vector.multi_reduction <add>, %mul3A_49, %reduce_sum3A_50 [0] : vector<256x768xf32> to vector<768xf32>
    %broadcast_in_dim3A_52 = vector.shape_cast %reduce_sum3A_51 : vector<768xf32> to vector<1x768xf32>
    %add3A_53 = arith.addf %get3A_48, %broadcast_in_dim3A_52 : vector<1x768xf32>
    %swap3A_54 = arith.constant 1 : index
    %swap3A_55 = arith.constant 0 : index
    %swap3A_56 = vector.load %arg10[%swap3A_54, %swap3A_55] : memref<3x768xf32, #tpu.memory_space<vmem>>, vector<1x768xf32>
    tpu.vector_store %arg10[%swap3A_54, %swap3A_55], %add3A_53 {strides = array<i32>} : memref<3x768xf32, #tpu.memory_space<vmem>>, vector<1x768xf32>,
    return
  }
  func.func @transform_0(%arg0: i32) -> (i32, i32) {
    %c0_i32 = arith.constant 0 : i32
    %c0_i32_0 = arith.constant 0 : i32
    return %arg0, %c0_i32 : i32, i32
  }
  func.func @transform_1(%arg0: i32) -> (i32, i32) {
    %c0_i32 = arith.constant 0 : i32
    %c0_i32_0 = arith.constant 0 : i32
    return %arg0, %c0_i32 : i32, i32
  }
  func.func @transform_2(%arg0: i32) -> (i32, i32) {
    %c0_i32 = arith.constant 0 : i32
    %c0_i32_0 = arith.constant 0 : i32
    return %arg0, %c0_i32 : i32, i32
  }
  func.func @transform_3(%arg0: i32) -> (i32, i32) {
    %c0_i32 = arith.constant 0 : i32
    %c0_i32_0 = arith.constant 0 : i32
    %c0_i32_1 = arith.constant 0 : i32
    return %c0_i32, %c0_i32_0 : i32, i32
  }
  func.func @transform_4(%arg0: i32) -> (i32, i32) {
    %c0_i32 = arith.constant 0 : i32
    %c0_i32_0 = arith.constant 0 : i32
    %c0_i32_1 = arith.constant 0 : i32
    return %c0_i32, %c0_i32_0 : i32, i32
  }
  func.func @transform_5(%arg0: i32) -> (i32, i32) {
    %c0_i32 = arith.constant 0 : i32
    %c0_i32_0 = arith.constant 0 : i32
    %c0_i32_1 = arith.constant 0 : i32
    return %c0_i32, %c0_i32_0 : i32, i32
  }
  func.func @transform_6(%arg0: i32) -> (i32, i32) {
    %c0_i32 = arith.constant 0 : i32
    %c0_i32_0 = arith.constant 0 : i32
    %c0_i32_1 = arith.constant 0 : i32
    return %c0_i32, %c0_i32_0 : i32, i32
  }
  func.func @transform_7(%arg0: i32) -> (i32, i32) {
    %c0_i32 = arith.constant 0 : i32
    %c0_i32_0 = arith.constant 0 : i32
    %c0_i32_1 = arith.constant 0 : i32
    return %c0_i32, %c0_i32_0 : i32, i32
  }
  func.func @transform_8(%arg0: i32) -> (i32, i32) {
    %c0_i32 = arith.constant 0 : i32
    %c0_i32_0 = arith.constant 0 : i32
    return %arg0, %c0_i32 : i32, i32
  }
  func.func @transform_9(%arg0: i32) -> (i32, i32) {
    %c0_i32 = arith.constant 0 : i32
    %c0_i32_0 = arith.constant 0 : i32
    %c0_i32_1 = arith.constant 0 : i32
    return %c0_i32, %c0_i32_0 : i32, i32
  }
}

module attributes {stable_mosaic.version = 14 : i64} {
  func.func @body(%arg0: i32, %arg1: memref<512x384xf32, #tpu.memory_space<vmem>>, %arg2: memref<512x384xf32, #tpu.memory_space<vmem>>, %arg3: memref<512x8xf32, #tpu.memory_space<vmem>>, %arg4: memref<1x384xf32, #tpu.memory_space<vmem>>, %arg5: memref<1x384xf32, #tpu.memory_space<vmem>>, %arg6: memref<1x384xf32, #tpu.memory_space<vmem>>, %arg7: memref<1x384xf32, #tpu.memory_space<vmem>>, %arg8: memref<3x384x384xf32, #tpu.memory_space<vmem>>, %arg9: memref<3x384x384xf32, #tpu.memory_space<vmem>>, %arg10: memref<8x384xf32, #tpu.memory_space<vmem>>, %arg11: memref<512x384xf32, #tpu.memory_space<vmem>>, %arg12: memref<3x384xf32, #tpu.memory_space<vmem>>, %arg13: memref<512x384xf32, #tpu.memory_space<vmem>>, %arg14: memref<512x384xf32, #tpu.memory_space<vmem>>, %arg15: memref<512x384xf32, #tpu.memory_space<vmem>>, %arg16: memref<1x384xf32, #tpu.memory_space<vmem>>, %arg17: memref<1x384xf32, #tpu.memory_space<vmem>>) attributes {dimension_semantics = [#tpu.dimension_semantics<arbitrary>], iteration_bounds = array<i64: 17>, scalar_prefetch = 0 : i64, scratch_operands = 5 : i64, tpu.core_type = #tpu.core_type<tc>, window_params = [{transform_indices = @transform_0, window_bounds = array<i64: 512, 384>}, {transform_indices = @transform_1, window_bounds = array<i64: 512, 384>}, {transform_indices = @transform_2, window_bounds = array<i64: 512, 8>}, {pipeline_mode = #tpu.pipeline_mode<synchronous>, transform_indices = @transform_3, window_bounds = array<i64: 1, 384>}, {pipeline_mode = #tpu.pipeline_mode<synchronous>, transform_indices = @transform_4, window_bounds = array<i64: 1, 384>}, {pipeline_mode = #tpu.pipeline_mode<synchronous>, transform_indices = @transform_5, window_bounds = array<i64: 1, 384>}, {pipeline_mode = #tpu.pipeline_mode<synchronous>, transform_indices = @transform_6, window_bounds = array<i64: 1, 384>}, {pipeline_mode = #tpu.pipeline_mode<synchronous>, transform_indices = @transform_7, window_bounds = array<i64: 3, 384, 384>}, {pipeline_mode = #tpu.pipeline_mode<synchronous>, transform_indices = @transform_8, window_bounds = array<i64: 3, 384, 384>}, {pipeline_mode = #tpu.pipeline_mode<synchronous>, transform_indices = @transform_9, window_bounds = array<i64: 8, 384>}, {transform_indices = @transform_10, window_bounds = array<i64: 512, 384>}, {pipeline_mode = #tpu.pipeline_mode<synchronous>, transform_indices = @transform_11, window_bounds = array<i64: 3, 384>}]} {
    %get3A = arith.constant 0 : index
    %get3A_0 = arith.constant 0 : index
    %get3A_1 = vector.load %arg10[%get3A, %get3A_0] : memref<8x384xf32, #tpu.memory_space<vmem>>, vector<8x384xf32>
    %get3A_2 = arith.constant 0 : index
    %get3A_3 = arith.constant 0 : index
    %get3A_4 = vector.load %arg3[%get3A_2, %get3A_3] : memref<512x8xf32, #tpu.memory_space<vmem>>, vector<512x8xf32>
    %dot_general3A = arith.constant dense<0.000000e+00> : vector<512x384xf32>
    %dot_general3A_5 = tpu.matmul %get3A_4, %get3A_1, %dot_general3A {dimension_numbers = #tpu.dot_dimension_numbers<[1], [0], [0], [1], [0, 0, 1, 1], [], []>, transpose_lhs_hint = false} : vector<512x8xf32>, vector<8x384xf32>, vector<512x384xf32> -> vector<512x384xf32>
    %get3A_6 = arith.constant 0 : index
    %get3A_7 = arith.constant 0 : index
    %get3A_8 = vector.load %arg1[%get3A_6, %get3A_7] : memref<512x384xf32, #tpu.memory_space<vmem>>, vector<512x384xf32>
    %get3A_9 = arith.constant 0 : index
    %get3A_10 = arith.constant 0 : index
    %get3A_11 = vector.load %arg4[%get3A_9, %get3A_10] : memref<1x384xf32, #tpu.memory_space<vmem>>, vector<1x384xf32>
    %mul3A = vector.broadcast %get3A_11 : vector<1x384xf32> to vector<512x384xf32>
    %mul3A_12 = arith.mulf %get3A_8, %mul3A : vector<512x384xf32>
    %get3A_13 = arith.constant 0 : index
    %get3A_14 = arith.constant 0 : index
    %get3A_15 = vector.load %arg5[%get3A_13, %get3A_14] : memref<1x384xf32, #tpu.memory_space<vmem>>, vector<1x384xf32>
    %add3A = vector.broadcast %get3A_15 : vector<1x384xf32> to vector<512x384xf32>
    %add3A_16 = arith.addf %mul3A_12, %add3A : vector<512x384xf32>
    %max3A = arith.constant 0.000000e+00 : f32
    %max3A_17 = vector.broadcast %max3A : f32 to vector<512x384xf32>
    %max3A_18 = arith.maximumf %add3A_16, %max3A_17 : vector<512x384xf32>
    %mul3A_19 = arith.mulf %max3A_18, %dot_general3A_5 : vector<512x384xf32>
    %get3A_20 = arith.constant 0 : index
    %get3A_21 = arith.constant 0 : index
    %get3A_22 = vector.load %arg2[%get3A_20, %get3A_21] : memref<512x384xf32, #tpu.memory_space<vmem>>, vector<512x384xf32>
    %get3A_23 = arith.constant 0 : index
    %get3A_24 = arith.constant 0 : index
    %get3A_25 = vector.load %arg6[%get3A_23, %get3A_24] : memref<1x384xf32, #tpu.memory_space<vmem>>, vector<1x384xf32>
    %mul3A_26 = vector.broadcast %get3A_25 : vector<1x384xf32> to vector<512x384xf32>
    %mul3A_27 = arith.mulf %get3A_22, %mul3A_26 : vector<512x384xf32>
    %get3A_28 = arith.constant 0 : index
    %get3A_29 = arith.constant 0 : index
    %get3A_30 = vector.load %arg7[%get3A_28, %get3A_29] : memref<1x384xf32, #tpu.memory_space<vmem>>, vector<1x384xf32>
    %add3A_31 = vector.broadcast %get3A_30 : vector<1x384xf32> to vector<512x384xf32>
    %add3A_32 = arith.addf %mul3A_27, %add3A_31 : vector<512x384xf32>
    %max3A_33 = arith.constant 0.000000e+00 : f32
    %max3A_34 = vector.broadcast %max3A_33 : f32 to vector<512x384xf32>
    %max3A_35 = arith.maximumf %add3A_32, %max3A_34 : vector<512x384xf32>
    %mul3A_36 = arith.mulf %max3A_35, %dot_general3A_5 : vector<512x384xf32>
    %eq3A = arith.constant 0 : i32
    %eq3A_37 = arith.cmpi eq, %arg0, %eq3A : i32
    %convert_element_type3A = arith.extui %eq3A_37 : i1 to i32
    %cond3A = arith.constant 0 : i32
    %cond3A_38 = arith.cmpi ne, %convert_element_type3A, %cond3A : i32
    scf.if %cond3A_38 {
      %broadcast_in_dim3A = arith.constant 0.000000e+00 : f32
      %broadcast_in_dim3A_47 = vector.broadcast %broadcast_in_dim3A : f32 to vector<3x384xf32>
      %swap3A = arith.constant 0 : index
      %swap3A_48 = arith.constant 0 : index
      %swap3A_49 = vector.load %arg12[%swap3A, %swap3A_48] : memref<3x384xf32, #tpu.memory_space<vmem>>, vector<3x384xf32>
      tpu.vector_store %arg12[%swap3A, %swap3A_48], %broadcast_in_dim3A_47 {strides = array<i32>} : memref<3x384xf32, #tpu.memory_space<vmem>>, vector<3x384xf32>,
      %broadcast_in_dim3A_50 = arith.constant 0.000000e+00 : f32
      %broadcast_in_dim3A_51 = vector.broadcast %broadcast_in_dim3A_50 : f32 to vector<1x384xf32>
      %swap3A_52 = arith.constant 0 : index
      %swap3A_53 = arith.constant 0 : index
      %swap3A_54 = vector.load %arg16[%swap3A_52, %swap3A_53] : memref<1x384xf32, #tpu.memory_space<vmem>>, vector<1x384xf32>
      tpu.vector_store %arg16[%swap3A_52, %swap3A_53], %broadcast_in_dim3A_51 {strides = array<i32>} : memref<1x384xf32, #tpu.memory_space<vmem>>, vector<1x384xf32>,
      %broadcast_in_dim3A_55 = arith.constant 0.000000e+00 : f32
      %broadcast_in_dim3A_56 = vector.broadcast %broadcast_in_dim3A_55 : f32 to vector<1x384xf32>
      %swap3A_57 = arith.constant 0 : index
      %swap3A_58 = arith.constant 0 : index
      %swap3A_59 = vector.load %arg17[%swap3A_57, %swap3A_58] : memref<1x384xf32, #tpu.memory_space<vmem>>, vector<1x384xf32>
      tpu.vector_store %arg17[%swap3A_57, %swap3A_58], %broadcast_in_dim3A_56 {strides = array<i32>} : memref<1x384xf32, #tpu.memory_space<vmem>>, vector<1x384xf32>,
    } else {
    }
    %gt3A = arith.constant 0 : i32
    %gt3A_39 = arith.cmpi sgt, %arg0, %gt3A : i32
    %convert_element_type3A_40 = arith.extui %gt3A_39 : i1 to i32
    %cond3A_41 = arith.constant 0 : i32
    %cond3A_42 = arith.cmpi ne, %convert_element_type3A_40, %cond3A_41 : i32
    scf.if %cond3A_42 {
      %lt3A_47 = arith.constant 16 : i32
      %lt3A_48 = arith.cmpi slt, %arg0, %lt3A_47 : i32
      %jit3A = arith.constant 1.000000e+00 : f32
      %jit3A_49 = arith.constant 0.000000e+00 : f32
      %select_n3A = arith.select %lt3A_48, %jit3A, %jit3A_49 : f32
      %get3A_50 = arith.constant 0 : index
      %get3A_51 = arith.constant 0 : index
      %get3A_52 = vector.load %arg13[%get3A_50, %get3A_51] : memref<512x384xf32, #tpu.memory_space<vmem>>, vector<512x384xf32>
      %get3A_53 = arith.constant 0 : index
      %get3A_54 = arith.constant 0 : index
      %get3A_55 = vector.load %arg16[%get3A_53, %get3A_54] : memref<1x384xf32, #tpu.memory_space<vmem>>, vector<1x384xf32>
      %slice3A = vector.extract_strided_slice %get3A_52 {offsets = [0, 0], sizes = [511, 384], strides = [1, 1]} : vector<512x384xf32> to vector<511x384xf32>
      %concatenate3A = tpu.concatenate %get3A_55, %slice3A in 0 : vector<1x384xf32>, vector<511x384xf32> -> vector<512x384xf32>
      %slice3A_56 = vector.extract_strided_slice %get3A_52 {offsets = [1, 0], sizes = [511, 384], strides = [1, 1]} : vector<512x384xf32> to vector<511x384xf32>
      %slice3A_57 = vector.extract_strided_slice %mul3A_19 {offsets = [0, 0], sizes = [1, 384], strides = [1, 1]} : vector<512x384xf32> to vector<1x384xf32>
      %mul3A_58 = vector.broadcast %select_n3A : f32 to vector<1x384xf32>
      %mul3A_59 = arith.mulf %slice3A_57, %mul3A_58 : vector<1x384xf32>
      %concatenate3A_60 = tpu.concatenate %slice3A_56, %mul3A_59 in 0 : vector<511x384xf32>, vector<1x384xf32> -> vector<512x384xf32>
      %slice3A_61 = vector.extract_strided_slice %concatenate3A {offsets = [0, 336], sizes = [512, 48], strides = [1, 1]} : vector<512x384xf32> to vector<512x48xf32>
      %slice3A_62 = vector.extract_strided_slice %get3A_52 {offsets = [0, 0], sizes = [512, 336], strides = [1, 1]} : vector<512x384xf32> to vector<512x336xf32>
      %concatenate3A_63 = tpu.concatenate %slice3A_61, %slice3A_62 in 1 : vector<512x48xf32>, vector<512x336xf32> -> vector<512x384xf32>
      %slice3A_64 = vector.extract_strided_slice %get3A_52 {offsets = [0, 48], sizes = [512, 336], strides = [1, 1]} : vector<512x384xf32> to vector<512x336xf32>
      %slice3A_65 = vector.extract_strided_slice %concatenate3A_60 {offsets = [0, 0], sizes = [512, 48], strides = [1, 1]} : vector<512x384xf32> to vector<512x48xf32>
      %concatenate3A_66 = tpu.concatenate %slice3A_64, %slice3A_65 in 1 : vector<512x336xf32>, vector<512x48xf32> -> vector<512x384xf32>
      %get3A_67 = arith.constant 0 : index
      %get3A_68 = arith.constant 0 : index
      %get3A_69 = arith.constant 0 : index
      %get3A_70 = vector.load %arg8[%get3A_67, %get3A_68, %get3A_69] : memref<3x384x384xf32, #tpu.memory_space<vmem>>, vector<1x384x384xf32>
      %get3A_71 = vector.shape_cast %get3A_70 : vector<1x384x384xf32> to vector<384x384xf32>
      %dot_general3A_72 = arith.constant dense<0.000000e+00> : vector<512x384xf32>
      %dot_general3A_73 = tpu.matmul %concatenate3A_63, %get3A_71, %dot_general3A_72 {dimension_numbers = #tpu.dot_dimension_numbers<[1], [0], [0], [1], [0, 0, 1, 1], [], []>, transpose_lhs_hint = false} : vector<512x384xf32>, vector<384x384xf32>, vector<512x384xf32> -> vector<512x384xf32>
      %get3A_74 = arith.constant 1 : index
      %get3A_75 = arith.constant 0 : index
      %get3A_76 = arith.constant 0 : index
      %get3A_77 = vector.load %arg8[%get3A_74, %get3A_75, %get3A_76] : memref<3x384x384xf32, #tpu.memory_space<vmem>>, vector<1x384x384xf32>
      %get3A_78 = vector.shape_cast %get3A_77 : vector<1x384x384xf32> to vector<384x384xf32>
      %dot_general3A_79 = arith.constant dense<0.000000e+00> : vector<512x384xf32>
      %dot_general3A_80 = tpu.matmul %get3A_52, %get3A_78, %dot_general3A_79 {dimension_numbers = #tpu.dot_dimension_numbers<[1], [0], [0], [1], [0, 0, 1, 1], [], []>, transpose_lhs_hint = false} : vector<512x384xf32>, vector<384x384xf32>, vector<512x384xf32> -> vector<512x384xf32>
      %add3A_81 = arith.addf %dot_general3A_73, %dot_general3A_80 : vector<512x384xf32>
      %get3A_82 = arith.constant 2 : index
      %get3A_83 = arith.constant 0 : index
      %get3A_84 = arith.constant 0 : index
      %get3A_85 = vector.load %arg8[%get3A_82, %get3A_83, %get3A_84] : memref<3x384x384xf32, #tpu.memory_space<vmem>>, vector<1x384x384xf32>
      %get3A_86 = vector.shape_cast %get3A_85 : vector<1x384x384xf32> to vector<384x384xf32>
      %dot_general3A_87 = arith.constant dense<0.000000e+00> : vector<512x384xf32>
      %dot_general3A_88 = tpu.matmul %concatenate3A_66, %get3A_86, %dot_general3A_87 {dimension_numbers = #tpu.dot_dimension_numbers<[1], [0], [0], [1], [0, 0, 1, 1], [], []>, transpose_lhs_hint = false} : vector<512x384xf32>, vector<384x384xf32>, vector<512x384xf32> -> vector<512x384xf32>
      %add3A_89 = arith.addf %add3A_81, %dot_general3A_88 : vector<512x384xf32>
      %get3A_90 = arith.constant 0 : index
      %get3A_91 = arith.constant 0 : index
      %get3A_92 = vector.load %arg14[%get3A_90, %get3A_91] : memref<512x384xf32, #tpu.memory_space<vmem>>, vector<512x384xf32>
      %get3A_93 = arith.constant 0 : index
      %get3A_94 = arith.constant 0 : index
      %get3A_95 = vector.load %arg17[%get3A_93, %get3A_94] : memref<1x384xf32, #tpu.memory_space<vmem>>, vector<1x384xf32>
      %slice3A_96 = vector.extract_strided_slice %get3A_92 {offsets = [0, 0], sizes = [511, 384], strides = [1, 1]} : vector<512x384xf32> to vector<511x384xf32>
      %concatenate3A_97 = tpu.concatenate %get3A_95, %slice3A_96 in 0 : vector<1x384xf32>, vector<511x384xf32> -> vector<512x384xf32>
      %slice3A_98 = vector.extract_strided_slice %get3A_92 {offsets = [1, 0], sizes = [511, 384], strides = [1, 1]} : vector<512x384xf32> to vector<511x384xf32>
      %slice3A_99 = vector.extract_strided_slice %mul3A_36 {offsets = [0, 0], sizes = [1, 384], strides = [1, 1]} : vector<512x384xf32> to vector<1x384xf32>
      %mul3A_100 = vector.broadcast %select_n3A : f32 to vector<1x384xf32>
      %mul3A_101 = arith.mulf %slice3A_99, %mul3A_100 : vector<1x384xf32>
      %concatenate3A_102 = tpu.concatenate %slice3A_98, %mul3A_101 in 0 : vector<511x384xf32>, vector<1x384xf32> -> vector<512x384xf32>
      %slice3A_103 = vector.extract_strided_slice %concatenate3A_97 {offsets = [0, 336], sizes = [512, 48], strides = [1, 1]} : vector<512x384xf32> to vector<512x48xf32>
      %slice3A_104 = vector.extract_strided_slice %get3A_92 {offsets = [0, 0], sizes = [512, 336], strides = [1, 1]} : vector<512x384xf32> to vector<512x336xf32>
      %concatenate3A_105 = tpu.concatenate %slice3A_103, %slice3A_104 in 1 : vector<512x48xf32>, vector<512x336xf32> -> vector<512x384xf32>
      %slice3A_106 = vector.extract_strided_slice %get3A_92 {offsets = [0, 48], sizes = [512, 336], strides = [1, 1]} : vector<512x384xf32> to vector<512x336xf32>
      %slice3A_107 = vector.extract_strided_slice %concatenate3A_102 {offsets = [0, 0], sizes = [512, 48], strides = [1, 1]} : vector<512x384xf32> to vector<512x48xf32>
      %concatenate3A_108 = tpu.concatenate %slice3A_106, %slice3A_107 in 1 : vector<512x336xf32>, vector<512x48xf32> -> vector<512x384xf32>
      %get3A_109 = arith.constant 0 : index
      %get3A_110 = arith.constant 0 : index
      %get3A_111 = arith.constant 0 : index
      %get3A_112 = vector.load %arg9[%get3A_109, %get3A_110, %get3A_111] : memref<3x384x384xf32, #tpu.memory_space<vmem>>, vector<1x384x384xf32>
      %get3A_113 = vector.shape_cast %get3A_112 : vector<1x384x384xf32> to vector<384x384xf32>
      %dot_general3A_114 = arith.constant dense<0.000000e+00> : vector<512x384xf32>
      %dot_general3A_115 = tpu.matmul %concatenate3A_105, %get3A_113, %dot_general3A_114 {dimension_numbers = #tpu.dot_dimension_numbers<[1], [0], [0], [1], [0, 0, 1, 1], [], []>, transpose_lhs_hint = false} : vector<512x384xf32>, vector<384x384xf32>, vector<512x384xf32> -> vector<512x384xf32>
      %get3A_116 = arith.constant 1 : index
      %get3A_117 = arith.constant 0 : index
      %get3A_118 = arith.constant 0 : index
      %get3A_119 = vector.load %arg9[%get3A_116, %get3A_117, %get3A_118] : memref<3x384x384xf32, #tpu.memory_space<vmem>>, vector<1x384x384xf32>
      %get3A_120 = vector.shape_cast %get3A_119 : vector<1x384x384xf32> to vector<384x384xf32>
      %dot_general3A_121 = arith.constant dense<0.000000e+00> : vector<512x384xf32>
      %dot_general3A_122 = tpu.matmul %get3A_92, %get3A_120, %dot_general3A_121 {dimension_numbers = #tpu.dot_dimension_numbers<[1], [0], [0], [1], [0, 0, 1, 1], [], []>, transpose_lhs_hint = false} : vector<512x384xf32>, vector<384x384xf32>, vector<512x384xf32> -> vector<512x384xf32>
      %add3A_123 = arith.addf %dot_general3A_115, %dot_general3A_122 : vector<512x384xf32>
      %get3A_124 = arith.constant 2 : index
      %get3A_125 = arith.constant 0 : index
      %get3A_126 = arith.constant 0 : index
      %get3A_127 = vector.load %arg9[%get3A_124, %get3A_125, %get3A_126] : memref<3x384x384xf32, #tpu.memory_space<vmem>>, vector<1x384x384xf32>
      %get3A_128 = vector.shape_cast %get3A_127 : vector<1x384x384xf32> to vector<384x384xf32>
      %dot_general3A_129 = arith.constant dense<0.000000e+00> : vector<512x384xf32>
      %dot_general3A_130 = tpu.matmul %concatenate3A_108, %get3A_128, %dot_general3A_129 {dimension_numbers = #tpu.dot_dimension_numbers<[1], [0], [0], [1], [0, 0, 1, 1], [], []>, transpose_lhs_hint = false} : vector<512x384xf32>, vector<384x384xf32>, vector<512x384xf32> -> vector<512x384xf32>
      %add3A_131 = arith.addf %add3A_123, %dot_general3A_130 : vector<512x384xf32>
      %add3A_132 = arith.addf %add3A_89, %add3A_131 : vector<512x384xf32>
      %get3A_133 = arith.constant 0 : index
      %get3A_134 = arith.constant 0 : index
      %get3A_135 = vector.load %arg15[%get3A_133, %get3A_134] : memref<512x384xf32, #tpu.memory_space<vmem>>, vector<512x384xf32>
      %mul3A_136 = arith.mulf %add3A_132, %get3A_135 : vector<512x384xf32>
      %swap3A = arith.constant 0 : index
      %swap3A_137 = arith.constant 0 : index
      %swap3A_138 = vector.load %arg11[%swap3A, %swap3A_137] : memref<512x384xf32, #tpu.memory_space<vmem>>, vector<512x384xf32>
      tpu.vector_store %arg11[%swap3A, %swap3A_137], %mul3A_136 {strides = array<i32>} : memref<512x384xf32, #tpu.memory_space<vmem>>, vector<512x384xf32>,
      %get3A_139 = arith.constant 0 : index
      %get3A_140 = arith.constant 0 : index
      %get3A_141 = vector.load %arg12[%get3A_139, %get3A_140] : memref<3x384xf32, #tpu.memory_space<vmem>>, vector<1x384xf32>
      %reduce_sum3A = arith.constant dense<0.000000e+00> : vector<384xf32>
      %reduce_sum3A_142 = vector.multi_reduction <add>, %mul3A_136, %reduce_sum3A [0] : vector<512x384xf32> to vector<384xf32>
      %broadcast_in_dim3A = vector.shape_cast %reduce_sum3A_142 : vector<384xf32> to vector<1x384xf32>
      %add3A_143 = arith.addf %get3A_141, %broadcast_in_dim3A : vector<1x384xf32>
      %swap3A_144 = arith.constant 0 : index
      %swap3A_145 = arith.constant 0 : index
      %swap3A_146 = vector.load %arg12[%swap3A_144, %swap3A_145] : memref<3x384xf32, #tpu.memory_space<vmem>>, vector<1x384xf32>
      tpu.vector_store %arg12[%swap3A_144, %swap3A_145], %add3A_143 {strides = array<i32>} : memref<3x384xf32, #tpu.memory_space<vmem>>, vector<1x384xf32>,
      %get3A_147 = arith.constant 1 : index
      %get3A_148 = arith.constant 0 : index
      %get3A_149 = vector.load %arg12[%get3A_147, %get3A_148] : memref<3x384xf32, #tpu.memory_space<vmem>>, vector<1x384xf32>
      %mul3A_150 = arith.mulf %mul3A_136, %mul3A_136 : vector<512x384xf32>
      %reduce_sum3A_151 = arith.constant dense<0.000000e+00> : vector<384xf32>
      %reduce_sum3A_152 = vector.multi_reduction <add>, %mul3A_150, %reduce_sum3A_151 [0] : vector<512x384xf32> to vector<384xf32>
      %broadcast_in_dim3A_153 = vector.shape_cast %reduce_sum3A_152 : vector<384xf32> to vector<1x384xf32>
      %add3A_154 = arith.addf %get3A_149, %broadcast_in_dim3A_153 : vector<1x384xf32>
      %swap3A_155 = arith.constant 1 : index
      %swap3A_156 = arith.constant 0 : index
      %swap3A_157 = vector.load %arg12[%swap3A_155, %swap3A_156] : memref<3x384xf32, #tpu.memory_space<vmem>>, vector<1x384xf32>
      tpu.vector_store %arg12[%swap3A_155, %swap3A_156], %add3A_154 {strides = array<i32>} : memref<3x384xf32, #tpu.memory_space<vmem>>, vector<1x384xf32>,
      %get3A_158 = arith.constant 511 : index
      %get3A_159 = arith.constant 0 : index
      %get3A_160 = vector.load %arg13[%get3A_158, %get3A_159] : memref<512x384xf32, #tpu.memory_space<vmem>>, vector<1x384xf32>
      %swap3A_161 = arith.constant 0 : index
      %swap3A_162 = arith.constant 0 : index
      %swap3A_163 = vector.load %arg16[%swap3A_161, %swap3A_162] : memref<1x384xf32, #tpu.memory_space<vmem>>, vector<1x384xf32>
      tpu.vector_store %arg16[%swap3A_161, %swap3A_162], %get3A_160 {strides = array<i32>} : memref<1x384xf32, #tpu.memory_space<vmem>>, vector<1x384xf32>,
      %get3A_164 = arith.constant 511 : index
      %get3A_165 = arith.constant 0 : index
      %get3A_166 = vector.load %arg14[%get3A_164, %get3A_165] : memref<512x384xf32, #tpu.memory_space<vmem>>, vector<1x384xf32>
      %swap3A_167 = arith.constant 0 : index
      %swap3A_168 = arith.constant 0 : index
      %swap3A_169 = vector.load %arg17[%swap3A_167, %swap3A_168] : memref<1x384xf32, #tpu.memory_space<vmem>>, vector<1x384xf32>
      tpu.vector_store %arg17[%swap3A_167, %swap3A_168], %get3A_166 {strides = array<i32>} : memref<1x384xf32, #tpu.memory_space<vmem>>, vector<1x384xf32>,
    } else {
    }
    %lt3A = arith.constant 16 : i32
    %lt3A_43 = arith.cmpi slt, %arg0, %lt3A : i32
    %convert_element_type3A_44 = arith.extui %lt3A_43 : i1 to i32
    %cond3A_45 = arith.constant 0 : i32
    %cond3A_46 = arith.cmpi ne, %convert_element_type3A_44, %cond3A_45 : i32
    scf.if %cond3A_46 {
      %swap3A = arith.constant 0 : index
      %swap3A_47 = arith.constant 0 : index
      %swap3A_48 = vector.load %arg13[%swap3A, %swap3A_47] : memref<512x384xf32, #tpu.memory_space<vmem>>, vector<512x384xf32>
      tpu.vector_store %arg13[%swap3A, %swap3A_47], %mul3A_19 {strides = array<i32>} : memref<512x384xf32, #tpu.memory_space<vmem>>, vector<512x384xf32>,
      %swap3A_49 = arith.constant 0 : index
      %swap3A_50 = arith.constant 0 : index
      %swap3A_51 = vector.load %arg14[%swap3A_49, %swap3A_50] : memref<512x384xf32, #tpu.memory_space<vmem>>, vector<512x384xf32>
      tpu.vector_store %arg14[%swap3A_49, %swap3A_50], %mul3A_36 {strides = array<i32>} : memref<512x384xf32, #tpu.memory_space<vmem>>, vector<512x384xf32>,
      %swap3A_52 = arith.constant 0 : index
      %swap3A_53 = arith.constant 0 : index
      %swap3A_54 = vector.load %arg15[%swap3A_52, %swap3A_53] : memref<512x384xf32, #tpu.memory_space<vmem>>, vector<512x384xf32>
      tpu.vector_store %arg15[%swap3A_52, %swap3A_53], %dot_general3A_5 {strides = array<i32>} : memref<512x384xf32, #tpu.memory_space<vmem>>, vector<512x384xf32>,
    } else {
    }
    return
  }
  func.func @transform_0(%arg0: i32) -> (i32, i32) {
    %min3A = arith.constant 15 : i32
    %min3A_0 = arith.minsi %arg0, %min3A : i32
    %c0_i32 = arith.constant 0 : i32
    %c0_i32_1 = arith.constant 0 : i32
    return %min3A_0, %c0_i32 : i32, i32
  }
  func.func @transform_1(%arg0: i32) -> (i32, i32) {
    %min3A = arith.constant 15 : i32
    %min3A_0 = arith.minsi %arg0, %min3A : i32
    %c0_i32 = arith.constant 0 : i32
    %c0_i32_1 = arith.constant 0 : i32
    return %min3A_0, %c0_i32 : i32, i32
  }
  func.func @transform_2(%arg0: i32) -> (i32, i32) {
    %min3A = arith.constant 15 : i32
    %min3A_0 = arith.minsi %arg0, %min3A : i32
    %c0_i32 = arith.constant 0 : i32
    %c0_i32_1 = arith.constant 0 : i32
    return %min3A_0, %c0_i32 : i32, i32
  }
  func.func @transform_3(%arg0: i32) -> (i32, i32) {
    %c0_i32 = arith.constant 0 : i32
    %c0_i32_0 = arith.constant 0 : i32
    %c0_i32_1 = arith.constant 0 : i32
    return %c0_i32, %c0_i32_0 : i32, i32
  }
  func.func @transform_4(%arg0: i32) -> (i32, i32) {
    %c0_i32 = arith.constant 0 : i32
    %c0_i32_0 = arith.constant 0 : i32
    %c0_i32_1 = arith.constant 0 : i32
    return %c0_i32, %c0_i32_0 : i32, i32
  }
  func.func @transform_5(%arg0: i32) -> (i32, i32) {
    %c0_i32 = arith.constant 0 : i32
    %c0_i32_0 = arith.constant 0 : i32
    %c0_i32_1 = arith.constant 0 : i32
    return %c0_i32, %c0_i32_0 : i32, i32
  }
  func.func @transform_6(%arg0: i32) -> (i32, i32) {
    %c0_i32 = arith.constant 0 : i32
    %c0_i32_0 = arith.constant 0 : i32
    %c0_i32_1 = arith.constant 0 : i32
    return %c0_i32, %c0_i32_0 : i32, i32
  }
  func.func @transform_7(%arg0: i32) -> (i32, i32, i32) {
    %c0_i32 = arith.constant 0 : i32
    %c0_i32_0 = arith.constant 0 : i32
    %c0_i32_1 = arith.constant 0 : i32
    %c0_i32_2 = arith.constant 0 : i32
    return %c0_i32, %c0_i32_0, %c0_i32_1 : i32, i32, i32
  }
  func.func @transform_8(%arg0: i32) -> (i32, i32, i32) {
    %c0_i32 = arith.constant 0 : i32
    %c0_i32_0 = arith.constant 0 : i32
    %c0_i32_1 = arith.constant 0 : i32
    %c0_i32_2 = arith.constant 0 : i32
    return %c0_i32, %c0_i32_0, %c0_i32_1 : i32, i32, i32
  }
  func.func @transform_9(%arg0: i32) -> (i32, i32) {
    %c0_i32 = arith.constant 0 : i32
    %c0_i32_0 = arith.constant 0 : i32
    %c0_i32_1 = arith.constant 0 : i32
    return %c0_i32, %c0_i32_0 : i32, i32
  }
  func.func @transform_10(%arg0: i32) -> (i32, i32) {
    %sub3A = arith.constant 1 : i32
    %sub3A_0 = arith.subi %arg0, %sub3A : i32
    %max3A = arith.constant 0 : i32
    %max3A_1 = arith.maxsi %sub3A_0, %max3A : i32
    %c0_i32 = arith.constant 0 : i32
    %c0_i32_2 = arith.constant 0 : i32
    return %max3A_1, %c0_i32 : i32, i32
  }
  func.func @transform_11(%arg0: i32) -> (i32, i32) {
    %c0_i32 = arith.constant 0 : i32
    %c0_i32_0 = arith.constant 0 : i32
    %c0_i32_1 = arith.constant 0 : i32
    return %c0_i32, %c0_i32_0 : i32, i32
  }
}

module attributes {stable_mosaic.version = 14 : i64} {
  func.func @body(%arg0: i32, %arg1: memref<512x384xf32, #tpu.memory_space<vmem>>, %arg2: memref<512x8xf32, #tpu.memory_space<vmem>>, %arg3: memref<512x16xf32, #tpu.memory_space<vmem>>, %arg4: memref<1x384xf32, #tpu.memory_space<vmem>>, %arg5: memref<1x384xf32, #tpu.memory_space<vmem>>, %arg6: memref<384x512xf32, #tpu.memory_space<vmem>>, %arg7: memref<8x384xf32, #tpu.memory_space<vmem>>, %arg8: memref<16x512xf32, #tpu.memory_space<vmem>>, %arg9: memref<512x512xf32, #tpu.memory_space<vmem>>, %arg10: memref<3x512xf32, #tpu.memory_space<vmem>>) attributes {dimension_semantics = [#tpu.dimension_semantics<arbitrary>], iteration_bounds = array<i64: 16>, scalar_prefetch = 0 : i64, scratch_operands = 0 : i64, tpu.core_type = #tpu.core_type<tc>, window_params = [{transform_indices = @transform_0, window_bounds = array<i64: 512, 384>}, {transform_indices = @transform_1, window_bounds = array<i64: 512, 8>}, {transform_indices = @transform_2, window_bounds = array<i64: 512, 16>}, {pipeline_mode = #tpu.pipeline_mode<synchronous>, transform_indices = @transform_3, window_bounds = array<i64: 1, 384>}, {pipeline_mode = #tpu.pipeline_mode<synchronous>, transform_indices = @transform_4, window_bounds = array<i64: 1, 384>}, {pipeline_mode = #tpu.pipeline_mode<synchronous>, transform_indices = @transform_5, window_bounds = array<i64: 384, 512>}, {pipeline_mode = #tpu.pipeline_mode<synchronous>, transform_indices = @transform_6, window_bounds = array<i64: 8, 384>}, {pipeline_mode = #tpu.pipeline_mode<synchronous>, transform_indices = @transform_7, window_bounds = array<i64: 16, 512>}, {transform_indices = @transform_8, window_bounds = array<i64: 512, 512>}, {pipeline_mode = #tpu.pipeline_mode<synchronous>, transform_indices = @transform_9, window_bounds = array<i64: 3, 512>}]} {
    %get3A = arith.constant 0 : index
    %get3A_0 = arith.constant 0 : index
    %get3A_1 = vector.load %arg1[%get3A, %get3A_0] : memref<512x384xf32, #tpu.memory_space<vmem>>, vector<512x384xf32>
    %get3A_2 = arith.constant 0 : index
    %get3A_3 = arith.constant 0 : index
    %get3A_4 = vector.load %arg4[%get3A_2, %get3A_3] : memref<1x384xf32, #tpu.memory_space<vmem>>, vector<1x384xf32>
    %mul3A = vector.broadcast %get3A_4 : vector<1x384xf32> to vector<512x384xf32>
    %mul3A_5 = arith.mulf %get3A_1, %mul3A : vector<512x384xf32>
    %get3A_6 = arith.constant 0 : index
    %get3A_7 = arith.constant 0 : index
    %get3A_8 = vector.load %arg5[%get3A_6, %get3A_7] : memref<1x384xf32, #tpu.memory_space<vmem>>, vector<1x384xf32>
    %add3A = vector.broadcast %get3A_8 : vector<1x384xf32> to vector<512x384xf32>
    %add3A_9 = arith.addf %mul3A_5, %add3A : vector<512x384xf32>
    %max3A = arith.constant 0.000000e+00 : f32
    %max3A_10 = vector.broadcast %max3A : f32 to vector<512x384xf32>
    %max3A_11 = arith.maximumf %add3A_9, %max3A_10 : vector<512x384xf32>
    %get3A_12 = arith.constant 0 : index
    %get3A_13 = arith.constant 0 : index
    %get3A_14 = vector.load %arg2[%get3A_12, %get3A_13] : memref<512x8xf32, #tpu.memory_space<vmem>>, vector<512x8xf32>
    %get3A_15 = arith.constant 0 : index
    %get3A_16 = arith.constant 0 : index
    %get3A_17 = vector.load %arg7[%get3A_15, %get3A_16] : memref<8x384xf32, #tpu.memory_space<vmem>>, vector<8x384xf32>
    %dot_general3A = arith.constant dense<0.000000e+00> : vector<512x384xf32>
    %dot_general3A_18 = tpu.matmul %get3A_14, %get3A_17, %dot_general3A {dimension_numbers = #tpu.dot_dimension_numbers<[1], [0], [0], [1], [0, 0, 1, 1], [], []>, transpose_lhs_hint = false} : vector<512x8xf32>, vector<8x384xf32>, vector<512x384xf32> -> vector<512x384xf32>
    %mul3A_19 = arith.mulf %max3A_11, %dot_general3A_18 : vector<512x384xf32>
    %get3A_20 = arith.constant 0 : index
    %get3A_21 = arith.constant 0 : index
    %get3A_22 = vector.load %arg6[%get3A_20, %get3A_21] : memref<384x512xf32, #tpu.memory_space<vmem>>, vector<384x512xf32>
    %dot_general3A_23 = arith.constant dense<0.000000e+00> : vector<512x512xf32>
    %dot_general3A_24 = tpu.matmul %mul3A_19, %get3A_22, %dot_general3A_23 {dimension_numbers = #tpu.dot_dimension_numbers<[1], [0], [0], [1], [0, 0, 1, 1], [], []>, transpose_lhs_hint = false} : vector<512x384xf32>, vector<384x512xf32>, vector<512x512xf32> -> vector<512x512xf32>
    %get3A_25 = arith.constant 0 : index
    %get3A_26 = arith.constant 0 : index
    %get3A_27 = vector.load %arg3[%get3A_25, %get3A_26] : memref<512x16xf32, #tpu.memory_space<vmem>>, vector<512x16xf32>
    %get3A_28 = arith.constant 0 : index
    %get3A_29 = arith.constant 0 : index
    %get3A_30 = vector.load %arg8[%get3A_28, %get3A_29] : memref<16x512xf32, #tpu.memory_space<vmem>>, vector<16x512xf32>
    %dot_general3A_31 = arith.constant dense<0.000000e+00> : vector<512x512xf32>
    %dot_general3A_32 = tpu.matmul %get3A_27, %get3A_30, %dot_general3A_31 {dimension_numbers = #tpu.dot_dimension_numbers<[1], [0], [0], [1], [0, 0, 1, 1], [], []>, transpose_lhs_hint = false} : vector<512x16xf32>, vector<16x512xf32>, vector<512x512xf32> -> vector<512x512xf32>
    %mul3A_33 = arith.mulf %dot_general3A_24, %dot_general3A_32 : vector<512x512xf32>
    %swap3A = arith.constant 0 : index
    %swap3A_34 = arith.constant 0 : index
    %swap3A_35 = vector.load %arg9[%swap3A, %swap3A_34] : memref<512x512xf32, #tpu.memory_space<vmem>>, vector<512x512xf32>
    tpu.vector_store %arg9[%swap3A, %swap3A_34], %mul3A_33 {strides = array<i32>} : memref<512x512xf32, #tpu.memory_space<vmem>>, vector<512x512xf32>,
    %eq3A = arith.constant 0 : i32
    %eq3A_36 = arith.cmpi eq, %arg0, %eq3A : i32
    %convert_element_type3A = arith.extui %eq3A_36 : i1 to i32
    %cond3A = arith.constant 0 : i32
    %cond3A_37 = arith.cmpi ne, %convert_element_type3A, %cond3A : i32
    scf.if %cond3A_37 {
      %broadcast_in_dim3A_57 = arith.constant 0.000000e+00 : f32
      %broadcast_in_dim3A_58 = vector.broadcast %broadcast_in_dim3A_57 : f32 to vector<3x512xf32>
      %swap3A_59 = arith.constant 0 : index
      %swap3A_60 = arith.constant 0 : index
      %swap3A_61 = vector.load %arg10[%swap3A_59, %swap3A_60] : memref<3x512xf32, #tpu.memory_space<vmem>>, vector<3x512xf32>
      tpu.vector_store %arg10[%swap3A_59, %swap3A_60], %broadcast_in_dim3A_58 {strides = array<i32>} : memref<3x512xf32, #tpu.memory_space<vmem>>, vector<3x512xf32>,
    } else {
    }
    %get3A_38 = arith.constant 0 : index
    %get3A_39 = arith.constant 0 : index
    %get3A_40 = vector.load %arg10[%get3A_38, %get3A_39] : memref<3x512xf32, #tpu.memory_space<vmem>>, vector<1x512xf32>
    %reduce_sum3A = arith.constant dense<0.000000e+00> : vector<512xf32>
    %reduce_sum3A_41 = vector.multi_reduction <add>, %mul3A_33, %reduce_sum3A [0] : vector<512x512xf32> to vector<512xf32>
    %broadcast_in_dim3A = vector.shape_cast %reduce_sum3A_41 : vector<512xf32> to vector<1x512xf32>
    %add3A_42 = arith.addf %get3A_40, %broadcast_in_dim3A : vector<1x512xf32>
    %swap3A_43 = arith.constant 0 : index
    %swap3A_44 = arith.constant 0 : index
    %swap3A_45 = vector.load %arg10[%swap3A_43, %swap3A_44] : memref<3x512xf32, #tpu.memory_space<vmem>>, vector<1x512xf32>
    tpu.vector_store %arg10[%swap3A_43, %swap3A_44], %add3A_42 {strides = array<i32>} : memref<3x512xf32, #tpu.memory_space<vmem>>, vector<1x512xf32>,
    %get3A_46 = arith.constant 1 : index
    %get3A_47 = arith.constant 0 : index
    %get3A_48 = vector.load %arg10[%get3A_46, %get3A_47] : memref<3x512xf32, #tpu.memory_space<vmem>>, vector<1x512xf32>
    %mul3A_49 = arith.mulf %mul3A_33, %mul3A_33 : vector<512x512xf32>
    %reduce_sum3A_50 = arith.constant dense<0.000000e+00> : vector<512xf32>
    %reduce_sum3A_51 = vector.multi_reduction <add>, %mul3A_49, %reduce_sum3A_50 [0] : vector<512x512xf32> to vector<512xf32>
    %broadcast_in_dim3A_52 = vector.shape_cast %reduce_sum3A_51 : vector<512xf32> to vector<1x512xf32>
    %add3A_53 = arith.addf %get3A_48, %broadcast_in_dim3A_52 : vector<1x512xf32>
    %swap3A_54 = arith.constant 1 : index
    %swap3A_55 = arith.constant 0 : index
    %swap3A_56 = vector.load %arg10[%swap3A_54, %swap3A_55] : memref<3x512xf32, #tpu.memory_space<vmem>>, vector<1x512xf32>
    tpu.vector_store %arg10[%swap3A_54, %swap3A_55], %add3A_53 {strides = array<i32>} : memref<3x512xf32, #tpu.memory_space<vmem>>, vector<1x512xf32>,
    return
  }
  func.func @transform_0(%arg0: i32) -> (i32, i32) {
    %c0_i32 = arith.constant 0 : i32
    %c0_i32_0 = arith.constant 0 : i32
    return %arg0, %c0_i32 : i32, i32
  }
  func.func @transform_1(%arg0: i32) -> (i32, i32) {
    %c0_i32 = arith.constant 0 : i32
    %c0_i32_0 = arith.constant 0 : i32
    return %arg0, %c0_i32 : i32, i32
  }
  func.func @transform_2(%arg0: i32) -> (i32, i32) {
    %c0_i32 = arith.constant 0 : i32
    %c0_i32_0 = arith.constant 0 : i32
    return %arg0, %c0_i32 : i32, i32
  }
  func.func @transform_3(%arg0: i32) -> (i32, i32) {
    %c0_i32 = arith.constant 0 : i32
    %c0_i32_0 = arith.constant 0 : i32
    %c0_i32_1 = arith.constant 0 : i32
    return %c0_i32, %c0_i32_0 : i32, i32
  }
  func.func @transform_4(%arg0: i32) -> (i32, i32) {
    %c0_i32 = arith.constant 0 : i32
    %c0_i32_0 = arith.constant 0 : i32
    %c0_i32_1 = arith.constant 0 : i32
    return %c0_i32, %c0_i32_0 : i32, i32
  }
  func.func @transform_5(%arg0: i32) -> (i32, i32) {
    %c0_i32 = arith.constant 0 : i32
    %c0_i32_0 = arith.constant 0 : i32
    %c0_i32_1 = arith.constant 0 : i32
    return %c0_i32, %c0_i32_0 : i32, i32
  }
  func.func @transform_6(%arg0: i32) -> (i32, i32) {
    %c0_i32 = arith.constant 0 : i32
    %c0_i32_0 = arith.constant 0 : i32
    %c0_i32_1 = arith.constant 0 : i32
    return %c0_i32, %c0_i32_0 : i32, i32
  }
  func.func @transform_7(%arg0: i32) -> (i32, i32) {
    %c0_i32 = arith.constant 0 : i32
    %c0_i32_0 = arith.constant 0 : i32
    %c0_i32_1 = arith.constant 0 : i32
    return %c0_i32, %c0_i32_0 : i32, i32
  }
  func.func @transform_8(%arg0: i32) -> (i32, i32) {
    %c0_i32 = arith.constant 0 : i32
    %c0_i32_0 = arith.constant 0 : i32
    return %arg0, %c0_i32 : i32, i32
  }
  func.func @transform_9(%arg0: i32) -> (i32, i32) {
    %c0_i32 = arith.constant 0 : i32
    %c0_i32_0 = arith.constant 0 : i32
    %c0_i32_1 = arith.constant 0 : i32
    return %c0_i32, %c0_i32_0 : i32, i32
  }
}

module attributes {stable_mosaic.version = 14 : i64} {
  func.func @body(%arg0: i32, %arg1: memref<1024x256xf32, #tpu.memory_space<vmem>>, %arg2: memref<1024x256xf32, #tpu.memory_space<vmem>>, %arg3: memref<1024x8xf32, #tpu.memory_space<vmem>>, %arg4: memref<1x256xf32, #tpu.memory_space<vmem>>, %arg5: memref<1x256xf32, #tpu.memory_space<vmem>>, %arg6: memref<1x256xf32, #tpu.memory_space<vmem>>, %arg7: memref<1x256xf32, #tpu.memory_space<vmem>>, %arg8: memref<3x256x256xf32, #tpu.memory_space<vmem>>, %arg9: memref<3x256x256xf32, #tpu.memory_space<vmem>>, %arg10: memref<8x256xf32, #tpu.memory_space<vmem>>, %arg11: memref<1024x256xf32, #tpu.memory_space<vmem>>, %arg12: memref<3x256xf32, #tpu.memory_space<vmem>>, %arg13: memref<1024x256xf32, #tpu.memory_space<vmem>>, %arg14: memref<1024x256xf32, #tpu.memory_space<vmem>>, %arg15: memref<1024x256xf32, #tpu.memory_space<vmem>>, %arg16: memref<1x256xf32, #tpu.memory_space<vmem>>, %arg17: memref<1x256xf32, #tpu.memory_space<vmem>>) attributes {dimension_semantics = [#tpu.dimension_semantics<arbitrary>], iteration_bounds = array<i64: 17>, scalar_prefetch = 0 : i64, scratch_operands = 5 : i64, tpu.core_type = #tpu.core_type<tc>, window_params = [{transform_indices = @transform_0, window_bounds = array<i64: 1024, 256>}, {transform_indices = @transform_1, window_bounds = array<i64: 1024, 256>}, {transform_indices = @transform_2, window_bounds = array<i64: 1024, 8>}, {pipeline_mode = #tpu.pipeline_mode<synchronous>, transform_indices = @transform_3, window_bounds = array<i64: 1, 256>}, {pipeline_mode = #tpu.pipeline_mode<synchronous>, transform_indices = @transform_4, window_bounds = array<i64: 1, 256>}, {pipeline_mode = #tpu.pipeline_mode<synchronous>, transform_indices = @transform_5, window_bounds = array<i64: 1, 256>}, {pipeline_mode = #tpu.pipeline_mode<synchronous>, transform_indices = @transform_6, window_bounds = array<i64: 1, 256>}, {pipeline_mode = #tpu.pipeline_mode<synchronous>, transform_indices = @transform_7, window_bounds = array<i64: 3, 256, 256>}, {pipeline_mode = #tpu.pipeline_mode<synchronous>, transform_indices = @transform_8, window_bounds = array<i64: 3, 256, 256>}, {pipeline_mode = #tpu.pipeline_mode<synchronous>, transform_indices = @transform_9, window_bounds = array<i64: 8, 256>}, {transform_indices = @transform_10, window_bounds = array<i64: 1024, 256>}, {pipeline_mode = #tpu.pipeline_mode<synchronous>, transform_indices = @transform_11, window_bounds = array<i64: 3, 256>}]} {
    %get3A = arith.constant 0 : index
    %get3A_0 = arith.constant 0 : index
    %get3A_1 = vector.load %arg10[%get3A, %get3A_0] : memref<8x256xf32, #tpu.memory_space<vmem>>, vector<8x256xf32>
    %get3A_2 = arith.constant 0 : index
    %get3A_3 = arith.constant 0 : index
    %get3A_4 = vector.load %arg3[%get3A_2, %get3A_3] : memref<1024x8xf32, #tpu.memory_space<vmem>>, vector<1024x8xf32>
    %dot_general3A = arith.constant dense<0.000000e+00> : vector<1024x256xf32>
    %dot_general3A_5 = tpu.matmul %get3A_4, %get3A_1, %dot_general3A {dimension_numbers = #tpu.dot_dimension_numbers<[1], [0], [0], [1], [0, 0, 1, 1], [], []>, transpose_lhs_hint = false} : vector<1024x8xf32>, vector<8x256xf32>, vector<1024x256xf32> -> vector<1024x256xf32>
    %get3A_6 = arith.constant 0 : index
    %get3A_7 = arith.constant 0 : index
    %get3A_8 = vector.load %arg1[%get3A_6, %get3A_7] : memref<1024x256xf32, #tpu.memory_space<vmem>>, vector<1024x256xf32>
    %get3A_9 = arith.constant 0 : index
    %get3A_10 = arith.constant 0 : index
    %get3A_11 = vector.load %arg4[%get3A_9, %get3A_10] : memref<1x256xf32, #tpu.memory_space<vmem>>, vector<1x256xf32>
    %mul3A = vector.broadcast %get3A_11 : vector<1x256xf32> to vector<1024x256xf32>
    %mul3A_12 = arith.mulf %get3A_8, %mul3A : vector<1024x256xf32>
    %get3A_13 = arith.constant 0 : index
    %get3A_14 = arith.constant 0 : index
    %get3A_15 = vector.load %arg5[%get3A_13, %get3A_14] : memref<1x256xf32, #tpu.memory_space<vmem>>, vector<1x256xf32>
    %add3A = vector.broadcast %get3A_15 : vector<1x256xf32> to vector<1024x256xf32>
    %add3A_16 = arith.addf %mul3A_12, %add3A : vector<1024x256xf32>
    %max3A = arith.constant 0.000000e+00 : f32
    %max3A_17 = vector.broadcast %max3A : f32 to vector<1024x256xf32>
    %max3A_18 = arith.maximumf %add3A_16, %max3A_17 : vector<1024x256xf32>
    %mul3A_19 = arith.mulf %max3A_18, %dot_general3A_5 : vector<1024x256xf32>
    %get3A_20 = arith.constant 0 : index
    %get3A_21 = arith.constant 0 : index
    %get3A_22 = vector.load %arg2[%get3A_20, %get3A_21] : memref<1024x256xf32, #tpu.memory_space<vmem>>, vector<1024x256xf32>
    %get3A_23 = arith.constant 0 : index
    %get3A_24 = arith.constant 0 : index
    %get3A_25 = vector.load %arg6[%get3A_23, %get3A_24] : memref<1x256xf32, #tpu.memory_space<vmem>>, vector<1x256xf32>
    %mul3A_26 = vector.broadcast %get3A_25 : vector<1x256xf32> to vector<1024x256xf32>
    %mul3A_27 = arith.mulf %get3A_22, %mul3A_26 : vector<1024x256xf32>
    %get3A_28 = arith.constant 0 : index
    %get3A_29 = arith.constant 0 : index
    %get3A_30 = vector.load %arg7[%get3A_28, %get3A_29] : memref<1x256xf32, #tpu.memory_space<vmem>>, vector<1x256xf32>
    %add3A_31 = vector.broadcast %get3A_30 : vector<1x256xf32> to vector<1024x256xf32>
    %add3A_32 = arith.addf %mul3A_27, %add3A_31 : vector<1024x256xf32>
    %max3A_33 = arith.constant 0.000000e+00 : f32
    %max3A_34 = vector.broadcast %max3A_33 : f32 to vector<1024x256xf32>
    %max3A_35 = arith.maximumf %add3A_32, %max3A_34 : vector<1024x256xf32>
    %mul3A_36 = arith.mulf %max3A_35, %dot_general3A_5 : vector<1024x256xf32>
    %eq3A = arith.constant 0 : i32
    %eq3A_37 = arith.cmpi eq, %arg0, %eq3A : i32
    %convert_element_type3A = arith.extui %eq3A_37 : i1 to i32
    %cond3A = arith.constant 0 : i32
    %cond3A_38 = arith.cmpi ne, %convert_element_type3A, %cond3A : i32
    scf.if %cond3A_38 {
      %broadcast_in_dim3A = arith.constant 0.000000e+00 : f32
      %broadcast_in_dim3A_47 = vector.broadcast %broadcast_in_dim3A : f32 to vector<3x256xf32>
      %swap3A = arith.constant 0 : index
      %swap3A_48 = arith.constant 0 : index
      %swap3A_49 = vector.load %arg12[%swap3A, %swap3A_48] : memref<3x256xf32, #tpu.memory_space<vmem>>, vector<3x256xf32>
      tpu.vector_store %arg12[%swap3A, %swap3A_48], %broadcast_in_dim3A_47 {strides = array<i32>} : memref<3x256xf32, #tpu.memory_space<vmem>>, vector<3x256xf32>,
      %broadcast_in_dim3A_50 = arith.constant 0.000000e+00 : f32
      %broadcast_in_dim3A_51 = vector.broadcast %broadcast_in_dim3A_50 : f32 to vector<1x256xf32>
      %swap3A_52 = arith.constant 0 : index
      %swap3A_53 = arith.constant 0 : index
      %swap3A_54 = vector.load %arg16[%swap3A_52, %swap3A_53] : memref<1x256xf32, #tpu.memory_space<vmem>>, vector<1x256xf32>
      tpu.vector_store %arg16[%swap3A_52, %swap3A_53], %broadcast_in_dim3A_51 {strides = array<i32>} : memref<1x256xf32, #tpu.memory_space<vmem>>, vector<1x256xf32>,
      %broadcast_in_dim3A_55 = arith.constant 0.000000e+00 : f32
      %broadcast_in_dim3A_56 = vector.broadcast %broadcast_in_dim3A_55 : f32 to vector<1x256xf32>
      %swap3A_57 = arith.constant 0 : index
      %swap3A_58 = arith.constant 0 : index
      %swap3A_59 = vector.load %arg17[%swap3A_57, %swap3A_58] : memref<1x256xf32, #tpu.memory_space<vmem>>, vector<1x256xf32>
      tpu.vector_store %arg17[%swap3A_57, %swap3A_58], %broadcast_in_dim3A_56 {strides = array<i32>} : memref<1x256xf32, #tpu.memory_space<vmem>>, vector<1x256xf32>,
    } else {
    }
    %gt3A = arith.constant 0 : i32
    %gt3A_39 = arith.cmpi sgt, %arg0, %gt3A : i32
    %convert_element_type3A_40 = arith.extui %gt3A_39 : i1 to i32
    %cond3A_41 = arith.constant 0 : i32
    %cond3A_42 = arith.cmpi ne, %convert_element_type3A_40, %cond3A_41 : i32
    scf.if %cond3A_42 {
      %lt3A_47 = arith.constant 16 : i32
      %lt3A_48 = arith.cmpi slt, %arg0, %lt3A_47 : i32
      %jit3A = arith.constant 1.000000e+00 : f32
      %jit3A_49 = arith.constant 0.000000e+00 : f32
      %select_n3A = arith.select %lt3A_48, %jit3A, %jit3A_49 : f32
      %get3A_50 = arith.constant 0 : index
      %get3A_51 = arith.constant 0 : index
      %get3A_52 = vector.load %arg13[%get3A_50, %get3A_51] : memref<1024x256xf32, #tpu.memory_space<vmem>>, vector<1024x256xf32>
      %get3A_53 = arith.constant 0 : index
      %get3A_54 = arith.constant 0 : index
      %get3A_55 = vector.load %arg16[%get3A_53, %get3A_54] : memref<1x256xf32, #tpu.memory_space<vmem>>, vector<1x256xf32>
      %slice3A = vector.extract_strided_slice %get3A_52 {offsets = [0, 0], sizes = [1023, 256], strides = [1, 1]} : vector<1024x256xf32> to vector<1023x256xf32>
      %concatenate3A = tpu.concatenate %get3A_55, %slice3A in 0 : vector<1x256xf32>, vector<1023x256xf32> -> vector<1024x256xf32>
      %slice3A_56 = vector.extract_strided_slice %get3A_52 {offsets = [1, 0], sizes = [1023, 256], strides = [1, 1]} : vector<1024x256xf32> to vector<1023x256xf32>
      %slice3A_57 = vector.extract_strided_slice %mul3A_19 {offsets = [0, 0], sizes = [1, 256], strides = [1, 1]} : vector<1024x256xf32> to vector<1x256xf32>
      %mul3A_58 = vector.broadcast %select_n3A : f32 to vector<1x256xf32>
      %mul3A_59 = arith.mulf %slice3A_57, %mul3A_58 : vector<1x256xf32>
      %concatenate3A_60 = tpu.concatenate %slice3A_56, %mul3A_59 in 0 : vector<1023x256xf32>, vector<1x256xf32> -> vector<1024x256xf32>
      %slice3A_61 = vector.extract_strided_slice %concatenate3A {offsets = [0, 224], sizes = [1024, 32], strides = [1, 1]} : vector<1024x256xf32> to vector<1024x32xf32>
      %slice3A_62 = vector.extract_strided_slice %get3A_52 {offsets = [0, 0], sizes = [1024, 224], strides = [1, 1]} : vector<1024x256xf32> to vector<1024x224xf32>
      %concatenate3A_63 = tpu.concatenate %slice3A_61, %slice3A_62 in 1 : vector<1024x32xf32>, vector<1024x224xf32> -> vector<1024x256xf32>
      %slice3A_64 = vector.extract_strided_slice %get3A_52 {offsets = [0, 32], sizes = [1024, 224], strides = [1, 1]} : vector<1024x256xf32> to vector<1024x224xf32>
      %slice3A_65 = vector.extract_strided_slice %concatenate3A_60 {offsets = [0, 0], sizes = [1024, 32], strides = [1, 1]} : vector<1024x256xf32> to vector<1024x32xf32>
      %concatenate3A_66 = tpu.concatenate %slice3A_64, %slice3A_65 in 1 : vector<1024x224xf32>, vector<1024x32xf32> -> vector<1024x256xf32>
      %get3A_67 = arith.constant 0 : index
      %get3A_68 = arith.constant 0 : index
      %get3A_69 = arith.constant 0 : index
      %get3A_70 = vector.load %arg8[%get3A_67, %get3A_68, %get3A_69] : memref<3x256x256xf32, #tpu.memory_space<vmem>>, vector<1x256x256xf32>
      %get3A_71 = vector.shape_cast %get3A_70 : vector<1x256x256xf32> to vector<256x256xf32>
      %dot_general3A_72 = arith.constant dense<0.000000e+00> : vector<1024x256xf32>
      %dot_general3A_73 = tpu.matmul %concatenate3A_63, %get3A_71, %dot_general3A_72 {dimension_numbers = #tpu.dot_dimension_numbers<[1], [0], [0], [1], [0, 0, 1, 1], [], []>, transpose_lhs_hint = false} : vector<1024x256xf32>, vector<256x256xf32>, vector<1024x256xf32> -> vector<1024x256xf32>
      %get3A_74 = arith.constant 1 : index
      %get3A_75 = arith.constant 0 : index
      %get3A_76 = arith.constant 0 : index
      %get3A_77 = vector.load %arg8[%get3A_74, %get3A_75, %get3A_76] : memref<3x256x256xf32, #tpu.memory_space<vmem>>, vector<1x256x256xf32>
      %get3A_78 = vector.shape_cast %get3A_77 : vector<1x256x256xf32> to vector<256x256xf32>
      %dot_general3A_79 = arith.constant dense<0.000000e+00> : vector<1024x256xf32>
      %dot_general3A_80 = tpu.matmul %get3A_52, %get3A_78, %dot_general3A_79 {dimension_numbers = #tpu.dot_dimension_numbers<[1], [0], [0], [1], [0, 0, 1, 1], [], []>, transpose_lhs_hint = false} : vector<1024x256xf32>, vector<256x256xf32>, vector<1024x256xf32> -> vector<1024x256xf32>
      %add3A_81 = arith.addf %dot_general3A_73, %dot_general3A_80 : vector<1024x256xf32>
      %get3A_82 = arith.constant 2 : index
      %get3A_83 = arith.constant 0 : index
      %get3A_84 = arith.constant 0 : index
      %get3A_85 = vector.load %arg8[%get3A_82, %get3A_83, %get3A_84] : memref<3x256x256xf32, #tpu.memory_space<vmem>>, vector<1x256x256xf32>
      %get3A_86 = vector.shape_cast %get3A_85 : vector<1x256x256xf32> to vector<256x256xf32>
      %dot_general3A_87 = arith.constant dense<0.000000e+00> : vector<1024x256xf32>
      %dot_general3A_88 = tpu.matmul %concatenate3A_66, %get3A_86, %dot_general3A_87 {dimension_numbers = #tpu.dot_dimension_numbers<[1], [0], [0], [1], [0, 0, 1, 1], [], []>, transpose_lhs_hint = false} : vector<1024x256xf32>, vector<256x256xf32>, vector<1024x256xf32> -> vector<1024x256xf32>
      %add3A_89 = arith.addf %add3A_81, %dot_general3A_88 : vector<1024x256xf32>
      %get3A_90 = arith.constant 0 : index
      %get3A_91 = arith.constant 0 : index
      %get3A_92 = vector.load %arg14[%get3A_90, %get3A_91] : memref<1024x256xf32, #tpu.memory_space<vmem>>, vector<1024x256xf32>
      %get3A_93 = arith.constant 0 : index
      %get3A_94 = arith.constant 0 : index
      %get3A_95 = vector.load %arg17[%get3A_93, %get3A_94] : memref<1x256xf32, #tpu.memory_space<vmem>>, vector<1x256xf32>
      %slice3A_96 = vector.extract_strided_slice %get3A_92 {offsets = [0, 0], sizes = [1023, 256], strides = [1, 1]} : vector<1024x256xf32> to vector<1023x256xf32>
      %concatenate3A_97 = tpu.concatenate %get3A_95, %slice3A_96 in 0 : vector<1x256xf32>, vector<1023x256xf32> -> vector<1024x256xf32>
      %slice3A_98 = vector.extract_strided_slice %get3A_92 {offsets = [1, 0], sizes = [1023, 256], strides = [1, 1]} : vector<1024x256xf32> to vector<1023x256xf32>
      %slice3A_99 = vector.extract_strided_slice %mul3A_36 {offsets = [0, 0], sizes = [1, 256], strides = [1, 1]} : vector<1024x256xf32> to vector<1x256xf32>
      %mul3A_100 = vector.broadcast %select_n3A : f32 to vector<1x256xf32>
      %mul3A_101 = arith.mulf %slice3A_99, %mul3A_100 : vector<1x256xf32>
      %concatenate3A_102 = tpu.concatenate %slice3A_98, %mul3A_101 in 0 : vector<1023x256xf32>, vector<1x256xf32> -> vector<1024x256xf32>
      %slice3A_103 = vector.extract_strided_slice %concatenate3A_97 {offsets = [0, 224], sizes = [1024, 32], strides = [1, 1]} : vector<1024x256xf32> to vector<1024x32xf32>
      %slice3A_104 = vector.extract_strided_slice %get3A_92 {offsets = [0, 0], sizes = [1024, 224], strides = [1, 1]} : vector<1024x256xf32> to vector<1024x224xf32>
      %concatenate3A_105 = tpu.concatenate %slice3A_103, %slice3A_104 in 1 : vector<1024x32xf32>, vector<1024x224xf32> -> vector<1024x256xf32>
      %slice3A_106 = vector.extract_strided_slice %get3A_92 {offsets = [0, 32], sizes = [1024, 224], strides = [1, 1]} : vector<1024x256xf32> to vector<1024x224xf32>
      %slice3A_107 = vector.extract_strided_slice %concatenate3A_102 {offsets = [0, 0], sizes = [1024, 32], strides = [1, 1]} : vector<1024x256xf32> to vector<1024x32xf32>
      %concatenate3A_108 = tpu.concatenate %slice3A_106, %slice3A_107 in 1 : vector<1024x224xf32>, vector<1024x32xf32> -> vector<1024x256xf32>
      %get3A_109 = arith.constant 0 : index
      %get3A_110 = arith.constant 0 : index
      %get3A_111 = arith.constant 0 : index
      %get3A_112 = vector.load %arg9[%get3A_109, %get3A_110, %get3A_111] : memref<3x256x256xf32, #tpu.memory_space<vmem>>, vector<1x256x256xf32>
      %get3A_113 = vector.shape_cast %get3A_112 : vector<1x256x256xf32> to vector<256x256xf32>
      %dot_general3A_114 = arith.constant dense<0.000000e+00> : vector<1024x256xf32>
      %dot_general3A_115 = tpu.matmul %concatenate3A_105, %get3A_113, %dot_general3A_114 {dimension_numbers = #tpu.dot_dimension_numbers<[1], [0], [0], [1], [0, 0, 1, 1], [], []>, transpose_lhs_hint = false} : vector<1024x256xf32>, vector<256x256xf32>, vector<1024x256xf32> -> vector<1024x256xf32>
      %get3A_116 = arith.constant 1 : index
      %get3A_117 = arith.constant 0 : index
      %get3A_118 = arith.constant 0 : index
      %get3A_119 = vector.load %arg9[%get3A_116, %get3A_117, %get3A_118] : memref<3x256x256xf32, #tpu.memory_space<vmem>>, vector<1x256x256xf32>
      %get3A_120 = vector.shape_cast %get3A_119 : vector<1x256x256xf32> to vector<256x256xf32>
      %dot_general3A_121 = arith.constant dense<0.000000e+00> : vector<1024x256xf32>
      %dot_general3A_122 = tpu.matmul %get3A_92, %get3A_120, %dot_general3A_121 {dimension_numbers = #tpu.dot_dimension_numbers<[1], [0], [0], [1], [0, 0, 1, 1], [], []>, transpose_lhs_hint = false} : vector<1024x256xf32>, vector<256x256xf32>, vector<1024x256xf32> -> vector<1024x256xf32>
      %add3A_123 = arith.addf %dot_general3A_115, %dot_general3A_122 : vector<1024x256xf32>
      %get3A_124 = arith.constant 2 : index
      %get3A_125 = arith.constant 0 : index
      %get3A_126 = arith.constant 0 : index
      %get3A_127 = vector.load %arg9[%get3A_124, %get3A_125, %get3A_126] : memref<3x256x256xf32, #tpu.memory_space<vmem>>, vector<1x256x256xf32>
      %get3A_128 = vector.shape_cast %get3A_127 : vector<1x256x256xf32> to vector<256x256xf32>
      %dot_general3A_129 = arith.constant dense<0.000000e+00> : vector<1024x256xf32>
      %dot_general3A_130 = tpu.matmul %concatenate3A_108, %get3A_128, %dot_general3A_129 {dimension_numbers = #tpu.dot_dimension_numbers<[1], [0], [0], [1], [0, 0, 1, 1], [], []>, transpose_lhs_hint = false} : vector<1024x256xf32>, vector<256x256xf32>, vector<1024x256xf32> -> vector<1024x256xf32>
      %add3A_131 = arith.addf %add3A_123, %dot_general3A_130 : vector<1024x256xf32>
      %add3A_132 = arith.addf %add3A_89, %add3A_131 : vector<1024x256xf32>
      %get3A_133 = arith.constant 0 : index
      %get3A_134 = arith.constant 0 : index
      %get3A_135 = vector.load %arg15[%get3A_133, %get3A_134] : memref<1024x256xf32, #tpu.memory_space<vmem>>, vector<1024x256xf32>
      %mul3A_136 = arith.mulf %add3A_132, %get3A_135 : vector<1024x256xf32>
      %swap3A = arith.constant 0 : index
      %swap3A_137 = arith.constant 0 : index
      %swap3A_138 = vector.load %arg11[%swap3A, %swap3A_137] : memref<1024x256xf32, #tpu.memory_space<vmem>>, vector<1024x256xf32>
      tpu.vector_store %arg11[%swap3A, %swap3A_137], %mul3A_136 {strides = array<i32>} : memref<1024x256xf32, #tpu.memory_space<vmem>>, vector<1024x256xf32>,
      %get3A_139 = arith.constant 0 : index
      %get3A_140 = arith.constant 0 : index
      %get3A_141 = vector.load %arg12[%get3A_139, %get3A_140] : memref<3x256xf32, #tpu.memory_space<vmem>>, vector<1x256xf32>
      %reduce_sum3A = arith.constant dense<0.000000e+00> : vector<256xf32>
      %reduce_sum3A_142 = vector.multi_reduction <add>, %mul3A_136, %reduce_sum3A [0] : vector<1024x256xf32> to vector<256xf32>
      %broadcast_in_dim3A = vector.shape_cast %reduce_sum3A_142 : vector<256xf32> to vector<1x256xf32>
      %add3A_143 = arith.addf %get3A_141, %broadcast_in_dim3A : vector<1x256xf32>
      %swap3A_144 = arith.constant 0 : index
      %swap3A_145 = arith.constant 0 : index
      %swap3A_146 = vector.load %arg12[%swap3A_144, %swap3A_145] : memref<3x256xf32, #tpu.memory_space<vmem>>, vector<1x256xf32>
      tpu.vector_store %arg12[%swap3A_144, %swap3A_145], %add3A_143 {strides = array<i32>} : memref<3x256xf32, #tpu.memory_space<vmem>>, vector<1x256xf32>,
      %get3A_147 = arith.constant 1 : index
      %get3A_148 = arith.constant 0 : index
      %get3A_149 = vector.load %arg12[%get3A_147, %get3A_148] : memref<3x256xf32, #tpu.memory_space<vmem>>, vector<1x256xf32>
      %mul3A_150 = arith.mulf %mul3A_136, %mul3A_136 : vector<1024x256xf32>
      %reduce_sum3A_151 = arith.constant dense<0.000000e+00> : vector<256xf32>
      %reduce_sum3A_152 = vector.multi_reduction <add>, %mul3A_150, %reduce_sum3A_151 [0] : vector<1024x256xf32> to vector<256xf32>
      %broadcast_in_dim3A_153 = vector.shape_cast %reduce_sum3A_152 : vector<256xf32> to vector<1x256xf32>
      %add3A_154 = arith.addf %get3A_149, %broadcast_in_dim3A_153 : vector<1x256xf32>
      %swap3A_155 = arith.constant 1 : index
      %swap3A_156 = arith.constant 0 : index
      %swap3A_157 = vector.load %arg12[%swap3A_155, %swap3A_156] : memref<3x256xf32, #tpu.memory_space<vmem>>, vector<1x256xf32>
      tpu.vector_store %arg12[%swap3A_155, %swap3A_156], %add3A_154 {strides = array<i32>} : memref<3x256xf32, #tpu.memory_space<vmem>>, vector<1x256xf32>,
      %get3A_158 = arith.constant 1023 : index
      %get3A_159 = arith.constant 0 : index
      %get3A_160 = vector.load %arg13[%get3A_158, %get3A_159] : memref<1024x256xf32, #tpu.memory_space<vmem>>, vector<1x256xf32>
      %swap3A_161 = arith.constant 0 : index
      %swap3A_162 = arith.constant 0 : index
      %swap3A_163 = vector.load %arg16[%swap3A_161, %swap3A_162] : memref<1x256xf32, #tpu.memory_space<vmem>>, vector<1x256xf32>
      tpu.vector_store %arg16[%swap3A_161, %swap3A_162], %get3A_160 {strides = array<i32>} : memref<1x256xf32, #tpu.memory_space<vmem>>, vector<1x256xf32>,
      %get3A_164 = arith.constant 1023 : index
      %get3A_165 = arith.constant 0 : index
      %get3A_166 = vector.load %arg14[%get3A_164, %get3A_165] : memref<1024x256xf32, #tpu.memory_space<vmem>>, vector<1x256xf32>
      %swap3A_167 = arith.constant 0 : index
      %swap3A_168 = arith.constant 0 : index
      %swap3A_169 = vector.load %arg17[%swap3A_167, %swap3A_168] : memref<1x256xf32, #tpu.memory_space<vmem>>, vector<1x256xf32>
      tpu.vector_store %arg17[%swap3A_167, %swap3A_168], %get3A_166 {strides = array<i32>} : memref<1x256xf32, #tpu.memory_space<vmem>>, vector<1x256xf32>,
    } else {
    }
    %lt3A = arith.constant 16 : i32
    %lt3A_43 = arith.cmpi slt, %arg0, %lt3A : i32
    %convert_element_type3A_44 = arith.extui %lt3A_43 : i1 to i32
    %cond3A_45 = arith.constant 0 : i32
    %cond3A_46 = arith.cmpi ne, %convert_element_type3A_44, %cond3A_45 : i32
    scf.if %cond3A_46 {
      %swap3A = arith.constant 0 : index
      %swap3A_47 = arith.constant 0 : index
      %swap3A_48 = vector.load %arg13[%swap3A, %swap3A_47] : memref<1024x256xf32, #tpu.memory_space<vmem>>, vector<1024x256xf32>
      tpu.vector_store %arg13[%swap3A, %swap3A_47], %mul3A_19 {strides = array<i32>} : memref<1024x256xf32, #tpu.memory_space<vmem>>, vector<1024x256xf32>,
      %swap3A_49 = arith.constant 0 : index
      %swap3A_50 = arith.constant 0 : index
      %swap3A_51 = vector.load %arg14[%swap3A_49, %swap3A_50] : memref<1024x256xf32, #tpu.memory_space<vmem>>, vector<1024x256xf32>
      tpu.vector_store %arg14[%swap3A_49, %swap3A_50], %mul3A_36 {strides = array<i32>} : memref<1024x256xf32, #tpu.memory_space<vmem>>, vector<1024x256xf32>,
      %swap3A_52 = arith.constant 0 : index
      %swap3A_53 = arith.constant 0 : index
      %swap3A_54 = vector.load %arg15[%swap3A_52, %swap3A_53] : memref<1024x256xf32, #tpu.memory_space<vmem>>, vector<1024x256xf32>
      tpu.vector_store %arg15[%swap3A_52, %swap3A_53], %dot_general3A_5 {strides = array<i32>} : memref<1024x256xf32, #tpu.memory_space<vmem>>, vector<1024x256xf32>,
    } else {
    }
    return
  }
  func.func @transform_0(%arg0: i32) -> (i32, i32) {
    %min3A = arith.constant 15 : i32
    %min3A_0 = arith.minsi %arg0, %min3A : i32
    %c0_i32 = arith.constant 0 : i32
    %c0_i32_1 = arith.constant 0 : i32
    return %min3A_0, %c0_i32 : i32, i32
  }
  func.func @transform_1(%arg0: i32) -> (i32, i32) {
    %min3A = arith.constant 15 : i32
    %min3A_0 = arith.minsi %arg0, %min3A : i32
    %c0_i32 = arith.constant 0 : i32
    %c0_i32_1 = arith.constant 0 : i32
    return %min3A_0, %c0_i32 : i32, i32
  }
  func.func @transform_2(%arg0: i32) -> (i32, i32) {
    %min3A = arith.constant 15 : i32
    %min3A_0 = arith.minsi %arg0, %min3A : i32
    %c0_i32 = arith.constant 0 : i32
    %c0_i32_1 = arith.constant 0 : i32
    return %min3A_0, %c0_i32 : i32, i32
  }
  func.func @transform_3(%arg0: i32) -> (i32, i32) {
    %c0_i32 = arith.constant 0 : i32
    %c0_i32_0 = arith.constant 0 : i32
    %c0_i32_1 = arith.constant 0 : i32
    return %c0_i32, %c0_i32_0 : i32, i32
  }
  func.func @transform_4(%arg0: i32) -> (i32, i32) {
    %c0_i32 = arith.constant 0 : i32
    %c0_i32_0 = arith.constant 0 : i32
    %c0_i32_1 = arith.constant 0 : i32
    return %c0_i32, %c0_i32_0 : i32, i32
  }
  func.func @transform_5(%arg0: i32) -> (i32, i32) {
    %c0_i32 = arith.constant 0 : i32
    %c0_i32_0 = arith.constant 0 : i32
    %c0_i32_1 = arith.constant 0 : i32
    return %c0_i32, %c0_i32_0 : i32, i32
  }
  func.func @transform_6(%arg0: i32) -> (i32, i32) {
    %c0_i32 = arith.constant 0 : i32
    %c0_i32_0 = arith.constant 0 : i32
    %c0_i32_1 = arith.constant 0 : i32
    return %c0_i32, %c0_i32_0 : i32, i32
  }
  func.func @transform_7(%arg0: i32) -> (i32, i32, i32) {
    %c0_i32 = arith.constant 0 : i32
    %c0_i32_0 = arith.constant 0 : i32
    %c0_i32_1 = arith.constant 0 : i32
    %c0_i32_2 = arith.constant 0 : i32
    return %c0_i32, %c0_i32_0, %c0_i32_1 : i32, i32, i32
  }
  func.func @transform_8(%arg0: i32) -> (i32, i32, i32) {
    %c0_i32 = arith.constant 0 : i32
    %c0_i32_0 = arith.constant 0 : i32
    %c0_i32_1 = arith.constant 0 : i32
    %c0_i32_2 = arith.constant 0 : i32
    return %c0_i32, %c0_i32_0, %c0_i32_1 : i32, i32, i32
  }
  func.func @transform_9(%arg0: i32) -> (i32, i32) {
    %c0_i32 = arith.constant 0 : i32
    %c0_i32_0 = arith.constant 0 : i32
    %c0_i32_1 = arith.constant 0 : i32
    return %c0_i32, %c0_i32_0 : i32, i32
  }
  func.func @transform_10(%arg0: i32) -> (i32, i32) {
    %sub3A = arith.constant 1 : i32
    %sub3A_0 = arith.subi %arg0, %sub3A : i32
    %max3A = arith.constant 0 : i32
    %max3A_1 = arith.maxsi %sub3A_0, %max3A : i32
    %c0_i32 = arith.constant 0 : i32
    %c0_i32_2 = arith.constant 0 : i32
    return %max3A_1, %c0_i32 : i32, i32
  }
  func.func @transform_11(%arg0: i32) -> (i32, i32) {
    %c0_i32 = arith.constant 0 : i32
    %c0_i32_0 = arith.constant 0 : i32
    %c0_i32_1 = arith.constant 0 : i32
    return %c0_i32, %c0_i32_0 : i32, i32
  }
}

module attributes {stable_mosaic.version = 14 : i64} {
  func.func @body(%arg0: i32, %arg1: memref<1024x256xf32, #tpu.memory_space<vmem>>, %arg2: memref<1024x8xf32, #tpu.memory_space<vmem>>, %arg3: memref<1024x16xf32, #tpu.memory_space<vmem>>, %arg4: memref<1x256xf32, #tpu.memory_space<vmem>>, %arg5: memref<1x256xf32, #tpu.memory_space<vmem>>, %arg6: memref<256x256xf32, #tpu.memory_space<vmem>>, %arg7: memref<8x256xf32, #tpu.memory_space<vmem>>, %arg8: memref<16x256xf32, #tpu.memory_space<vmem>>, %arg9: memref<1024x256xf32, #tpu.memory_space<vmem>>, %arg10: memref<3x256xf32, #tpu.memory_space<vmem>>) attributes {dimension_semantics = [#tpu.dimension_semantics<arbitrary>], iteration_bounds = array<i64: 16>, scalar_prefetch = 0 : i64, scratch_operands = 0 : i64, tpu.core_type = #tpu.core_type<tc>, window_params = [{transform_indices = @transform_0, window_bounds = array<i64: 1024, 256>}, {transform_indices = @transform_1, window_bounds = array<i64: 1024, 8>}, {transform_indices = @transform_2, window_bounds = array<i64: 1024, 16>}, {pipeline_mode = #tpu.pipeline_mode<synchronous>, transform_indices = @transform_3, window_bounds = array<i64: 1, 256>}, {pipeline_mode = #tpu.pipeline_mode<synchronous>, transform_indices = @transform_4, window_bounds = array<i64: 1, 256>}, {pipeline_mode = #tpu.pipeline_mode<synchronous>, transform_indices = @transform_5, window_bounds = array<i64: 256, 256>}, {pipeline_mode = #tpu.pipeline_mode<synchronous>, transform_indices = @transform_6, window_bounds = array<i64: 8, 256>}, {pipeline_mode = #tpu.pipeline_mode<synchronous>, transform_indices = @transform_7, window_bounds = array<i64: 16, 256>}, {transform_indices = @transform_8, window_bounds = array<i64: 1024, 256>}, {pipeline_mode = #tpu.pipeline_mode<synchronous>, transform_indices = @transform_9, window_bounds = array<i64: 3, 256>}]} {
    %get3A = arith.constant 0 : index
    %get3A_0 = arith.constant 0 : index
    %get3A_1 = vector.load %arg1[%get3A, %get3A_0] : memref<1024x256xf32, #tpu.memory_space<vmem>>, vector<1024x256xf32>
    %get3A_2 = arith.constant 0 : index
    %get3A_3 = arith.constant 0 : index
    %get3A_4 = vector.load %arg4[%get3A_2, %get3A_3] : memref<1x256xf32, #tpu.memory_space<vmem>>, vector<1x256xf32>
    %mul3A = vector.broadcast %get3A_4 : vector<1x256xf32> to vector<1024x256xf32>
    %mul3A_5 = arith.mulf %get3A_1, %mul3A : vector<1024x256xf32>
    %get3A_6 = arith.constant 0 : index
    %get3A_7 = arith.constant 0 : index
    %get3A_8 = vector.load %arg5[%get3A_6, %get3A_7] : memref<1x256xf32, #tpu.memory_space<vmem>>, vector<1x256xf32>
    %add3A = vector.broadcast %get3A_8 : vector<1x256xf32> to vector<1024x256xf32>
    %add3A_9 = arith.addf %mul3A_5, %add3A : vector<1024x256xf32>
    %max3A = arith.constant 0.000000e+00 : f32
    %max3A_10 = vector.broadcast %max3A : f32 to vector<1024x256xf32>
    %max3A_11 = arith.maximumf %add3A_9, %max3A_10 : vector<1024x256xf32>
    %get3A_12 = arith.constant 0 : index
    %get3A_13 = arith.constant 0 : index
    %get3A_14 = vector.load %arg2[%get3A_12, %get3A_13] : memref<1024x8xf32, #tpu.memory_space<vmem>>, vector<1024x8xf32>
    %get3A_15 = arith.constant 0 : index
    %get3A_16 = arith.constant 0 : index
    %get3A_17 = vector.load %arg7[%get3A_15, %get3A_16] : memref<8x256xf32, #tpu.memory_space<vmem>>, vector<8x256xf32>
    %dot_general3A = arith.constant dense<0.000000e+00> : vector<1024x256xf32>
    %dot_general3A_18 = tpu.matmul %get3A_14, %get3A_17, %dot_general3A {dimension_numbers = #tpu.dot_dimension_numbers<[1], [0], [0], [1], [0, 0, 1, 1], [], []>, transpose_lhs_hint = false} : vector<1024x8xf32>, vector<8x256xf32>, vector<1024x256xf32> -> vector<1024x256xf32>
    %mul3A_19 = arith.mulf %max3A_11, %dot_general3A_18 : vector<1024x256xf32>
    %get3A_20 = arith.constant 0 : index
    %get3A_21 = arith.constant 0 : index
    %get3A_22 = vector.load %arg6[%get3A_20, %get3A_21] : memref<256x256xf32, #tpu.memory_space<vmem>>, vector<256x256xf32>
    %dot_general3A_23 = arith.constant dense<0.000000e+00> : vector<1024x256xf32>
    %dot_general3A_24 = tpu.matmul %mul3A_19, %get3A_22, %dot_general3A_23 {dimension_numbers = #tpu.dot_dimension_numbers<[1], [0], [0], [1], [0, 0, 1, 1], [], []>, transpose_lhs_hint = false} : vector<1024x256xf32>, vector<256x256xf32>, vector<1024x256xf32> -> vector<1024x256xf32>
    %get3A_25 = arith.constant 0 : index
    %get3A_26 = arith.constant 0 : index
    %get3A_27 = vector.load %arg3[%get3A_25, %get3A_26] : memref<1024x16xf32, #tpu.memory_space<vmem>>, vector<1024x16xf32>
    %get3A_28 = arith.constant 0 : index
    %get3A_29 = arith.constant 0 : index
    %get3A_30 = vector.load %arg8[%get3A_28, %get3A_29] : memref<16x256xf32, #tpu.memory_space<vmem>>, vector<16x256xf32>
    %dot_general3A_31 = arith.constant dense<0.000000e+00> : vector<1024x256xf32>
    %dot_general3A_32 = tpu.matmul %get3A_27, %get3A_30, %dot_general3A_31 {dimension_numbers = #tpu.dot_dimension_numbers<[1], [0], [0], [1], [0, 0, 1, 1], [], []>, transpose_lhs_hint = false} : vector<1024x16xf32>, vector<16x256xf32>, vector<1024x256xf32> -> vector<1024x256xf32>
    %mul3A_33 = arith.mulf %dot_general3A_24, %dot_general3A_32 : vector<1024x256xf32>
    %swap3A = arith.constant 0 : index
    %swap3A_34 = arith.constant 0 : index
    %swap3A_35 = vector.load %arg9[%swap3A, %swap3A_34] : memref<1024x256xf32, #tpu.memory_space<vmem>>, vector<1024x256xf32>
    tpu.vector_store %arg9[%swap3A, %swap3A_34], %mul3A_33 {strides = array<i32>} : memref<1024x256xf32, #tpu.memory_space<vmem>>, vector<1024x256xf32>,
    %eq3A = arith.constant 0 : i32
    %eq3A_36 = arith.cmpi eq, %arg0, %eq3A : i32
    %convert_element_type3A = arith.extui %eq3A_36 : i1 to i32
    %cond3A = arith.constant 0 : i32
    %cond3A_37 = arith.cmpi ne, %convert_element_type3A, %cond3A : i32
    scf.if %cond3A_37 {
      %broadcast_in_dim3A_57 = arith.constant 0.000000e+00 : f32
      %broadcast_in_dim3A_58 = vector.broadcast %broadcast_in_dim3A_57 : f32 to vector<3x256xf32>
      %swap3A_59 = arith.constant 0 : index
      %swap3A_60 = arith.constant 0 : index
      %swap3A_61 = vector.load %arg10[%swap3A_59, %swap3A_60] : memref<3x256xf32, #tpu.memory_space<vmem>>, vector<3x256xf32>
      tpu.vector_store %arg10[%swap3A_59, %swap3A_60], %broadcast_in_dim3A_58 {strides = array<i32>} : memref<3x256xf32, #tpu.memory_space<vmem>>, vector<3x256xf32>,
    } else {
    }
    %get3A_38 = arith.constant 0 : index
    %get3A_39 = arith.constant 0 : index
    %get3A_40 = vector.load %arg10[%get3A_38, %get3A_39] : memref<3x256xf32, #tpu.memory_space<vmem>>, vector<1x256xf32>
    %reduce_sum3A = arith.constant dense<0.000000e+00> : vector<256xf32>
    %reduce_sum3A_41 = vector.multi_reduction <add>, %mul3A_33, %reduce_sum3A [0] : vector<1024x256xf32> to vector<256xf32>
    %broadcast_in_dim3A = vector.shape_cast %reduce_sum3A_41 : vector<256xf32> to vector<1x256xf32>
    %add3A_42 = arith.addf %get3A_40, %broadcast_in_dim3A : vector<1x256xf32>
    %swap3A_43 = arith.constant 0 : index
    %swap3A_44 = arith.constant 0 : index
    %swap3A_45 = vector.load %arg10[%swap3A_43, %swap3A_44] : memref<3x256xf32, #tpu.memory_space<vmem>>, vector<1x256xf32>
    tpu.vector_store %arg10[%swap3A_43, %swap3A_44], %add3A_42 {strides = array<i32>} : memref<3x256xf32, #tpu.memory_space<vmem>>, vector<1x256xf32>,
    %get3A_46 = arith.constant 1 : index
    %get3A_47 = arith.constant 0 : index
    %get3A_48 = vector.load %arg10[%get3A_46, %get3A_47] : memref<3x256xf32, #tpu.memory_space<vmem>>, vector<1x256xf32>
    %mul3A_49 = arith.mulf %mul3A_33, %mul3A_33 : vector<1024x256xf32>
    %reduce_sum3A_50 = arith.constant dense<0.000000e+00> : vector<256xf32>
    %reduce_sum3A_51 = vector.multi_reduction <add>, %mul3A_49, %reduce_sum3A_50 [0] : vector<1024x256xf32> to vector<256xf32>
    %broadcast_in_dim3A_52 = vector.shape_cast %reduce_sum3A_51 : vector<256xf32> to vector<1x256xf32>
    %add3A_53 = arith.addf %get3A_48, %broadcast_in_dim3A_52 : vector<1x256xf32>
    %swap3A_54 = arith.constant 1 : index
    %swap3A_55 = arith.constant 0 : index
    %swap3A_56 = vector.load %arg10[%swap3A_54, %swap3A_55] : memref<3x256xf32, #tpu.memory_space<vmem>>, vector<1x256xf32>
    tpu.vector_store %arg10[%swap3A_54, %swap3A_55], %add3A_53 {strides = array<i32>} : memref<3x256xf32, #tpu.memory_space<vmem>>, vector<1x256xf32>,
    return
  }
  func.func @transform_0(%arg0: i32) -> (i32, i32) {
    %c0_i32 = arith.constant 0 : i32
    %c0_i32_0 = arith.constant 0 : i32
    return %arg0, %c0_i32 : i32, i32
  }
  func.func @transform_1(%arg0: i32) -> (i32, i32) {
    %c0_i32 = arith.constant 0 : i32
    %c0_i32_0 = arith.constant 0 : i32
    return %arg0, %c0_i32 : i32, i32
  }
  func.func @transform_2(%arg0: i32) -> (i32, i32) {
    %c0_i32 = arith.constant 0 : i32
    %c0_i32_0 = arith.constant 0 : i32
    return %arg0, %c0_i32 : i32, i32
  }
  func.func @transform_3(%arg0: i32) -> (i32, i32) {
    %c0_i32 = arith.constant 0 : i32
    %c0_i32_0 = arith.constant 0 : i32
    %c0_i32_1 = arith.constant 0 : i32
    return %c0_i32, %c0_i32_0 : i32, i32
  }
  func.func @transform_4(%arg0: i32) -> (i32, i32) {
    %c0_i32 = arith.constant 0 : i32
    %c0_i32_0 = arith.constant 0 : i32
    %c0_i32_1 = arith.constant 0 : i32
    return %c0_i32, %c0_i32_0 : i32, i32
  }
  func.func @transform_5(%arg0: i32) -> (i32, i32) {
    %c0_i32 = arith.constant 0 : i32
    %c0_i32_0 = arith.constant 0 : i32
    %c0_i32_1 = arith.constant 0 : i32
    return %c0_i32, %c0_i32_0 : i32, i32
  }
  func.func @transform_6(%arg0: i32) -> (i32, i32) {
    %c0_i32 = arith.constant 0 : i32
    %c0_i32_0 = arith.constant 0 : i32
    %c0_i32_1 = arith.constant 0 : i32
    return %c0_i32, %c0_i32_0 : i32, i32
  }
  func.func @transform_7(%arg0: i32) -> (i32, i32) {
    %c0_i32 = arith.constant 0 : i32
    %c0_i32_0 = arith.constant 0 : i32
    %c0_i32_1 = arith.constant 0 : i32
    return %c0_i32, %c0_i32_0 : i32, i32
  }
  func.func @transform_8(%arg0: i32) -> (i32, i32) {
    %c0_i32 = arith.constant 0 : i32
    %c0_i32_0 = arith.constant 0 : i32
    return %arg0, %c0_i32 : i32, i32
  }
  func.func @transform_9(%arg0: i32) -> (i32, i32) {
    %c0_i32 = arith.constant 0 : i32
    %c0_i32_0 = arith.constant 0 : i32
    %c0_i32_1 = arith.constant 0 : i32
    return %c0_i32, %c0_i32_0 : i32, i32
  }
}

module attributes {stable_mosaic.version = 14 : i64} {
  func.func @body(%arg0: i32, %arg1: memref<2048x128xf32, #tpu.memory_space<vmem>>, %arg2: memref<2048x128xf32, #tpu.memory_space<vmem>>, %arg3: memref<2048x8xf32, #tpu.memory_space<vmem>>, %arg4: memref<1x128xf32, #tpu.memory_space<vmem>>, %arg5: memref<1x128xf32, #tpu.memory_space<vmem>>, %arg6: memref<1x128xf32, #tpu.memory_space<vmem>>, %arg7: memref<1x128xf32, #tpu.memory_space<vmem>>, %arg8: memref<3x128x128xf32, #tpu.memory_space<vmem>>, %arg9: memref<3x128x128xf32, #tpu.memory_space<vmem>>, %arg10: memref<8x128xf32, #tpu.memory_space<vmem>>, %arg11: memref<2048x128xf32, #tpu.memory_space<vmem>>, %arg12: memref<3x128xf32, #tpu.memory_space<vmem>>, %arg13: memref<2048x128xf32, #tpu.memory_space<vmem>>, %arg14: memref<2048x128xf32, #tpu.memory_space<vmem>>, %arg15: memref<2048x128xf32, #tpu.memory_space<vmem>>, %arg16: memref<1x128xf32, #tpu.memory_space<vmem>>, %arg17: memref<1x128xf32, #tpu.memory_space<vmem>>) attributes {dimension_semantics = [#tpu.dimension_semantics<arbitrary>], iteration_bounds = array<i64: 17>, scalar_prefetch = 0 : i64, scratch_operands = 5 : i64, tpu.core_type = #tpu.core_type<tc>, window_params = [{transform_indices = @transform_0, window_bounds = array<i64: 2048, 128>}, {transform_indices = @transform_1, window_bounds = array<i64: 2048, 128>}, {transform_indices = @transform_2, window_bounds = array<i64: 2048, 8>}, {pipeline_mode = #tpu.pipeline_mode<synchronous>, transform_indices = @transform_3, window_bounds = array<i64: 1, 128>}, {pipeline_mode = #tpu.pipeline_mode<synchronous>, transform_indices = @transform_4, window_bounds = array<i64: 1, 128>}, {pipeline_mode = #tpu.pipeline_mode<synchronous>, transform_indices = @transform_5, window_bounds = array<i64: 1, 128>}, {pipeline_mode = #tpu.pipeline_mode<synchronous>, transform_indices = @transform_6, window_bounds = array<i64: 1, 128>}, {pipeline_mode = #tpu.pipeline_mode<synchronous>, transform_indices = @transform_7, window_bounds = array<i64: 3, 128, 128>}, {pipeline_mode = #tpu.pipeline_mode<synchronous>, transform_indices = @transform_8, window_bounds = array<i64: 3, 128, 128>}, {pipeline_mode = #tpu.pipeline_mode<synchronous>, transform_indices = @transform_9, window_bounds = array<i64: 8, 128>}, {transform_indices = @transform_10, window_bounds = array<i64: 2048, 128>}, {pipeline_mode = #tpu.pipeline_mode<synchronous>, transform_indices = @transform_11, window_bounds = array<i64: 3, 128>}]} {
    %get3A = arith.constant 0 : index
    %get3A_0 = arith.constant 0 : index
    %get3A_1 = vector.load %arg10[%get3A, %get3A_0] : memref<8x128xf32, #tpu.memory_space<vmem>>, vector<8x128xf32>
    %get3A_2 = arith.constant 0 : index
    %get3A_3 = arith.constant 0 : index
    %get3A_4 = vector.load %arg3[%get3A_2, %get3A_3] : memref<2048x8xf32, #tpu.memory_space<vmem>>, vector<2048x8xf32>
    %dot_general3A = arith.constant dense<0.000000e+00> : vector<2048x128xf32>
    %dot_general3A_5 = tpu.matmul %get3A_4, %get3A_1, %dot_general3A {dimension_numbers = #tpu.dot_dimension_numbers<[1], [0], [0], [1], [0, 0, 1, 1], [], []>, transpose_lhs_hint = false} : vector<2048x8xf32>, vector<8x128xf32>, vector<2048x128xf32> -> vector<2048x128xf32>
    %get3A_6 = arith.constant 0 : index
    %get3A_7 = arith.constant 0 : index
    %get3A_8 = vector.load %arg1[%get3A_6, %get3A_7] : memref<2048x128xf32, #tpu.memory_space<vmem>>, vector<2048x128xf32>
    %get3A_9 = arith.constant 0 : index
    %get3A_10 = arith.constant 0 : index
    %get3A_11 = vector.load %arg4[%get3A_9, %get3A_10] : memref<1x128xf32, #tpu.memory_space<vmem>>, vector<1x128xf32>
    %mul3A = vector.broadcast %get3A_11 : vector<1x128xf32> to vector<2048x128xf32>
    %mul3A_12 = arith.mulf %get3A_8, %mul3A : vector<2048x128xf32>
    %get3A_13 = arith.constant 0 : index
    %get3A_14 = arith.constant 0 : index
    %get3A_15 = vector.load %arg5[%get3A_13, %get3A_14] : memref<1x128xf32, #tpu.memory_space<vmem>>, vector<1x128xf32>
    %add3A = vector.broadcast %get3A_15 : vector<1x128xf32> to vector<2048x128xf32>
    %add3A_16 = arith.addf %mul3A_12, %add3A : vector<2048x128xf32>
    %max3A = arith.constant 0.000000e+00 : f32
    %max3A_17 = vector.broadcast %max3A : f32 to vector<2048x128xf32>
    %max3A_18 = arith.maximumf %add3A_16, %max3A_17 : vector<2048x128xf32>
    %mul3A_19 = arith.mulf %max3A_18, %dot_general3A_5 : vector<2048x128xf32>
    %get3A_20 = arith.constant 0 : index
    %get3A_21 = arith.constant 0 : index
    %get3A_22 = vector.load %arg2[%get3A_20, %get3A_21] : memref<2048x128xf32, #tpu.memory_space<vmem>>, vector<2048x128xf32>
    %get3A_23 = arith.constant 0 : index
    %get3A_24 = arith.constant 0 : index
    %get3A_25 = vector.load %arg6[%get3A_23, %get3A_24] : memref<1x128xf32, #tpu.memory_space<vmem>>, vector<1x128xf32>
    %mul3A_26 = vector.broadcast %get3A_25 : vector<1x128xf32> to vector<2048x128xf32>
    %mul3A_27 = arith.mulf %get3A_22, %mul3A_26 : vector<2048x128xf32>
    %get3A_28 = arith.constant 0 : index
    %get3A_29 = arith.constant 0 : index
    %get3A_30 = vector.load %arg7[%get3A_28, %get3A_29] : memref<1x128xf32, #tpu.memory_space<vmem>>, vector<1x128xf32>
    %add3A_31 = vector.broadcast %get3A_30 : vector<1x128xf32> to vector<2048x128xf32>
    %add3A_32 = arith.addf %mul3A_27, %add3A_31 : vector<2048x128xf32>
    %max3A_33 = arith.constant 0.000000e+00 : f32
    %max3A_34 = vector.broadcast %max3A_33 : f32 to vector<2048x128xf32>
    %max3A_35 = arith.maximumf %add3A_32, %max3A_34 : vector<2048x128xf32>
    %mul3A_36 = arith.mulf %max3A_35, %dot_general3A_5 : vector<2048x128xf32>
    %eq3A = arith.constant 0 : i32
    %eq3A_37 = arith.cmpi eq, %arg0, %eq3A : i32
    %convert_element_type3A = arith.extui %eq3A_37 : i1 to i32
    %cond3A = arith.constant 0 : i32
    %cond3A_38 = arith.cmpi ne, %convert_element_type3A, %cond3A : i32
    scf.if %cond3A_38 {
      %broadcast_in_dim3A = arith.constant 0.000000e+00 : f32
      %broadcast_in_dim3A_47 = vector.broadcast %broadcast_in_dim3A : f32 to vector<3x128xf32>
      %swap3A = arith.constant 0 : index
      %swap3A_48 = arith.constant 0 : index
      %swap3A_49 = vector.load %arg12[%swap3A, %swap3A_48] : memref<3x128xf32, #tpu.memory_space<vmem>>, vector<3x128xf32>
      tpu.vector_store %arg12[%swap3A, %swap3A_48], %broadcast_in_dim3A_47 {strides = array<i32>} : memref<3x128xf32, #tpu.memory_space<vmem>>, vector<3x128xf32>,
      %broadcast_in_dim3A_50 = arith.constant 0.000000e+00 : f32
      %broadcast_in_dim3A_51 = vector.broadcast %broadcast_in_dim3A_50 : f32 to vector<1x128xf32>
      %swap3A_52 = arith.constant 0 : index
      %swap3A_53 = arith.constant 0 : index
      %swap3A_54 = vector.load %arg16[%swap3A_52, %swap3A_53] : memref<1x128xf32, #tpu.memory_space<vmem>>, vector<1x128xf32>
      tpu.vector_store %arg16[%swap3A_52, %swap3A_53], %broadcast_in_dim3A_51 {strides = array<i32>} : memref<1x128xf32, #tpu.memory_space<vmem>>, vector<1x128xf32>,
      %broadcast_in_dim3A_55 = arith.constant 0.000000e+00 : f32
      %broadcast_in_dim3A_56 = vector.broadcast %broadcast_in_dim3A_55 : f32 to vector<1x128xf32>
      %swap3A_57 = arith.constant 0 : index
      %swap3A_58 = arith.constant 0 : index
      %swap3A_59 = vector.load %arg17[%swap3A_57, %swap3A_58] : memref<1x128xf32, #tpu.memory_space<vmem>>, vector<1x128xf32>
      tpu.vector_store %arg17[%swap3A_57, %swap3A_58], %broadcast_in_dim3A_56 {strides = array<i32>} : memref<1x128xf32, #tpu.memory_space<vmem>>, vector<1x128xf32>,
    } else {
    }
    %gt3A = arith.constant 0 : i32
    %gt3A_39 = arith.cmpi sgt, %arg0, %gt3A : i32
    %convert_element_type3A_40 = arith.extui %gt3A_39 : i1 to i32
    %cond3A_41 = arith.constant 0 : i32
    %cond3A_42 = arith.cmpi ne, %convert_element_type3A_40, %cond3A_41 : i32
    scf.if %cond3A_42 {
      %lt3A_47 = arith.constant 16 : i32
      %lt3A_48 = arith.cmpi slt, %arg0, %lt3A_47 : i32
      %jit3A = arith.constant 1.000000e+00 : f32
      %jit3A_49 = arith.constant 0.000000e+00 : f32
      %select_n3A = arith.select %lt3A_48, %jit3A, %jit3A_49 : f32
      %get3A_50 = arith.constant 0 : index
      %get3A_51 = arith.constant 0 : index
      %get3A_52 = vector.load %arg13[%get3A_50, %get3A_51] : memref<2048x128xf32, #tpu.memory_space<vmem>>, vector<2048x128xf32>
      %get3A_53 = arith.constant 0 : index
      %get3A_54 = arith.constant 0 : index
      %get3A_55 = vector.load %arg16[%get3A_53, %get3A_54] : memref<1x128xf32, #tpu.memory_space<vmem>>, vector<1x128xf32>
      %slice3A = vector.extract_strided_slice %get3A_52 {offsets = [0, 0], sizes = [2047, 128], strides = [1, 1]} : vector<2048x128xf32> to vector<2047x128xf32>
      %concatenate3A = tpu.concatenate %get3A_55, %slice3A in 0 : vector<1x128xf32>, vector<2047x128xf32> -> vector<2048x128xf32>
      %slice3A_56 = vector.extract_strided_slice %get3A_52 {offsets = [1, 0], sizes = [2047, 128], strides = [1, 1]} : vector<2048x128xf32> to vector<2047x128xf32>
      %slice3A_57 = vector.extract_strided_slice %mul3A_19 {offsets = [0, 0], sizes = [1, 128], strides = [1, 1]} : vector<2048x128xf32> to vector<1x128xf32>
      %mul3A_58 = vector.broadcast %select_n3A : f32 to vector<1x128xf32>
      %mul3A_59 = arith.mulf %slice3A_57, %mul3A_58 : vector<1x128xf32>
      %concatenate3A_60 = tpu.concatenate %slice3A_56, %mul3A_59 in 0 : vector<2047x128xf32>, vector<1x128xf32> -> vector<2048x128xf32>
      %slice3A_61 = vector.extract_strided_slice %concatenate3A {offsets = [0, 112], sizes = [2048, 16], strides = [1, 1]} : vector<2048x128xf32> to vector<2048x16xf32>
      %slice3A_62 = vector.extract_strided_slice %get3A_52 {offsets = [0, 0], sizes = [2048, 112], strides = [1, 1]} : vector<2048x128xf32> to vector<2048x112xf32>
      %concatenate3A_63 = tpu.concatenate %slice3A_61, %slice3A_62 in 1 : vector<2048x16xf32>, vector<2048x112xf32> -> vector<2048x128xf32>
      %slice3A_64 = vector.extract_strided_slice %get3A_52 {offsets = [0, 16], sizes = [2048, 112], strides = [1, 1]} : vector<2048x128xf32> to vector<2048x112xf32>
      %slice3A_65 = vector.extract_strided_slice %concatenate3A_60 {offsets = [0, 0], sizes = [2048, 16], strides = [1, 1]} : vector<2048x128xf32> to vector<2048x16xf32>
      %concatenate3A_66 = tpu.concatenate %slice3A_64, %slice3A_65 in 1 : vector<2048x112xf32>, vector<2048x16xf32> -> vector<2048x128xf32>
      %get3A_67 = arith.constant 0 : index
      %get3A_68 = arith.constant 0 : index
      %get3A_69 = arith.constant 0 : index
      %get3A_70 = vector.load %arg8[%get3A_67, %get3A_68, %get3A_69] : memref<3x128x128xf32, #tpu.memory_space<vmem>>, vector<1x128x128xf32>
      %get3A_71 = vector.shape_cast %get3A_70 : vector<1x128x128xf32> to vector<128x128xf32>
      %dot_general3A_72 = arith.constant dense<0.000000e+00> : vector<2048x128xf32>
      %dot_general3A_73 = tpu.matmul %concatenate3A_63, %get3A_71, %dot_general3A_72 {dimension_numbers = #tpu.dot_dimension_numbers<[1], [0], [0], [1], [0, 0, 1, 1], [], []>, transpose_lhs_hint = false} : vector<2048x128xf32>, vector<128x128xf32>, vector<2048x128xf32> -> vector<2048x128xf32>
      %get3A_74 = arith.constant 1 : index
      %get3A_75 = arith.constant 0 : index
      %get3A_76 = arith.constant 0 : index
      %get3A_77 = vector.load %arg8[%get3A_74, %get3A_75, %get3A_76] : memref<3x128x128xf32, #tpu.memory_space<vmem>>, vector<1x128x128xf32>
      %get3A_78 = vector.shape_cast %get3A_77 : vector<1x128x128xf32> to vector<128x128xf32>
      %dot_general3A_79 = arith.constant dense<0.000000e+00> : vector<2048x128xf32>
      %dot_general3A_80 = tpu.matmul %get3A_52, %get3A_78, %dot_general3A_79 {dimension_numbers = #tpu.dot_dimension_numbers<[1], [0], [0], [1], [0, 0, 1, 1], [], []>, transpose_lhs_hint = false} : vector<2048x128xf32>, vector<128x128xf32>, vector<2048x128xf32> -> vector<2048x128xf32>
      %add3A_81 = arith.addf %dot_general3A_73, %dot_general3A_80 : vector<2048x128xf32>
      %get3A_82 = arith.constant 2 : index
      %get3A_83 = arith.constant 0 : index
      %get3A_84 = arith.constant 0 : index
      %get3A_85 = vector.load %arg8[%get3A_82, %get3A_83, %get3A_84] : memref<3x128x128xf32, #tpu.memory_space<vmem>>, vector<1x128x128xf32>
      %get3A_86 = vector.shape_cast %get3A_85 : vector<1x128x128xf32> to vector<128x128xf32>
      %dot_general3A_87 = arith.constant dense<0.000000e+00> : vector<2048x128xf32>
      %dot_general3A_88 = tpu.matmul %concatenate3A_66, %get3A_86, %dot_general3A_87 {dimension_numbers = #tpu.dot_dimension_numbers<[1], [0], [0], [1], [0, 0, 1, 1], [], []>, transpose_lhs_hint = false} : vector<2048x128xf32>, vector<128x128xf32>, vector<2048x128xf32> -> vector<2048x128xf32>
      %add3A_89 = arith.addf %add3A_81, %dot_general3A_88 : vector<2048x128xf32>
      %get3A_90 = arith.constant 0 : index
      %get3A_91 = arith.constant 0 : index
      %get3A_92 = vector.load %arg14[%get3A_90, %get3A_91] : memref<2048x128xf32, #tpu.memory_space<vmem>>, vector<2048x128xf32>
      %get3A_93 = arith.constant 0 : index
      %get3A_94 = arith.constant 0 : index
      %get3A_95 = vector.load %arg17[%get3A_93, %get3A_94] : memref<1x128xf32, #tpu.memory_space<vmem>>, vector<1x128xf32>
      %slice3A_96 = vector.extract_strided_slice %get3A_92 {offsets = [0, 0], sizes = [2047, 128], strides = [1, 1]} : vector<2048x128xf32> to vector<2047x128xf32>
      %concatenate3A_97 = tpu.concatenate %get3A_95, %slice3A_96 in 0 : vector<1x128xf32>, vector<2047x128xf32> -> vector<2048x128xf32>
      %slice3A_98 = vector.extract_strided_slice %get3A_92 {offsets = [1, 0], sizes = [2047, 128], strides = [1, 1]} : vector<2048x128xf32> to vector<2047x128xf32>
      %slice3A_99 = vector.extract_strided_slice %mul3A_36 {offsets = [0, 0], sizes = [1, 128], strides = [1, 1]} : vector<2048x128xf32> to vector<1x128xf32>
      %mul3A_100 = vector.broadcast %select_n3A : f32 to vector<1x128xf32>
      %mul3A_101 = arith.mulf %slice3A_99, %mul3A_100 : vector<1x128xf32>
      %concatenate3A_102 = tpu.concatenate %slice3A_98, %mul3A_101 in 0 : vector<2047x128xf32>, vector<1x128xf32> -> vector<2048x128xf32>
      %slice3A_103 = vector.extract_strided_slice %concatenate3A_97 {offsets = [0, 112], sizes = [2048, 16], strides = [1, 1]} : vector<2048x128xf32> to vector<2048x16xf32>
      %slice3A_104 = vector.extract_strided_slice %get3A_92 {offsets = [0, 0], sizes = [2048, 112], strides = [1, 1]} : vector<2048x128xf32> to vector<2048x112xf32>
      %concatenate3A_105 = tpu.concatenate %slice3A_103, %slice3A_104 in 1 : vector<2048x16xf32>, vector<2048x112xf32> -> vector<2048x128xf32>
      %slice3A_106 = vector.extract_strided_slice %get3A_92 {offsets = [0, 16], sizes = [2048, 112], strides = [1, 1]} : vector<2048x128xf32> to vector<2048x112xf32>
      %slice3A_107 = vector.extract_strided_slice %concatenate3A_102 {offsets = [0, 0], sizes = [2048, 16], strides = [1, 1]} : vector<2048x128xf32> to vector<2048x16xf32>
      %concatenate3A_108 = tpu.concatenate %slice3A_106, %slice3A_107 in 1 : vector<2048x112xf32>, vector<2048x16xf32> -> vector<2048x128xf32>
      %get3A_109 = arith.constant 0 : index
      %get3A_110 = arith.constant 0 : index
      %get3A_111 = arith.constant 0 : index
      %get3A_112 = vector.load %arg9[%get3A_109, %get3A_110, %get3A_111] : memref<3x128x128xf32, #tpu.memory_space<vmem>>, vector<1x128x128xf32>
      %get3A_113 = vector.shape_cast %get3A_112 : vector<1x128x128xf32> to vector<128x128xf32>
      %dot_general3A_114 = arith.constant dense<0.000000e+00> : vector<2048x128xf32>
      %dot_general3A_115 = tpu.matmul %concatenate3A_105, %get3A_113, %dot_general3A_114 {dimension_numbers = #tpu.dot_dimension_numbers<[1], [0], [0], [1], [0, 0, 1, 1], [], []>, transpose_lhs_hint = false} : vector<2048x128xf32>, vector<128x128xf32>, vector<2048x128xf32> -> vector<2048x128xf32>
      %get3A_116 = arith.constant 1 : index
      %get3A_117 = arith.constant 0 : index
      %get3A_118 = arith.constant 0 : index
      %get3A_119 = vector.load %arg9[%get3A_116, %get3A_117, %get3A_118] : memref<3x128x128xf32, #tpu.memory_space<vmem>>, vector<1x128x128xf32>
      %get3A_120 = vector.shape_cast %get3A_119 : vector<1x128x128xf32> to vector<128x128xf32>
      %dot_general3A_121 = arith.constant dense<0.000000e+00> : vector<2048x128xf32>
      %dot_general3A_122 = tpu.matmul %get3A_92, %get3A_120, %dot_general3A_121 {dimension_numbers = #tpu.dot_dimension_numbers<[1], [0], [0], [1], [0, 0, 1, 1], [], []>, transpose_lhs_hint = false} : vector<2048x128xf32>, vector<128x128xf32>, vector<2048x128xf32> -> vector<2048x128xf32>
      %add3A_123 = arith.addf %dot_general3A_115, %dot_general3A_122 : vector<2048x128xf32>
      %get3A_124 = arith.constant 2 : index
      %get3A_125 = arith.constant 0 : index
      %get3A_126 = arith.constant 0 : index
      %get3A_127 = vector.load %arg9[%get3A_124, %get3A_125, %get3A_126] : memref<3x128x128xf32, #tpu.memory_space<vmem>>, vector<1x128x128xf32>
      %get3A_128 = vector.shape_cast %get3A_127 : vector<1x128x128xf32> to vector<128x128xf32>
      %dot_general3A_129 = arith.constant dense<0.000000e+00> : vector<2048x128xf32>
      %dot_general3A_130 = tpu.matmul %concatenate3A_108, %get3A_128, %dot_general3A_129 {dimension_numbers = #tpu.dot_dimension_numbers<[1], [0], [0], [1], [0, 0, 1, 1], [], []>, transpose_lhs_hint = false} : vector<2048x128xf32>, vector<128x128xf32>, vector<2048x128xf32> -> vector<2048x128xf32>
      %add3A_131 = arith.addf %add3A_123, %dot_general3A_130 : vector<2048x128xf32>
      %add3A_132 = arith.addf %add3A_89, %add3A_131 : vector<2048x128xf32>
      %get3A_133 = arith.constant 0 : index
      %get3A_134 = arith.constant 0 : index
      %get3A_135 = vector.load %arg15[%get3A_133, %get3A_134] : memref<2048x128xf32, #tpu.memory_space<vmem>>, vector<2048x128xf32>
      %mul3A_136 = arith.mulf %add3A_132, %get3A_135 : vector<2048x128xf32>
      %swap3A = arith.constant 0 : index
      %swap3A_137 = arith.constant 0 : index
      %swap3A_138 = vector.load %arg11[%swap3A, %swap3A_137] : memref<2048x128xf32, #tpu.memory_space<vmem>>, vector<2048x128xf32>
      tpu.vector_store %arg11[%swap3A, %swap3A_137], %mul3A_136 {strides = array<i32>} : memref<2048x128xf32, #tpu.memory_space<vmem>>, vector<2048x128xf32>,
      %get3A_139 = arith.constant 0 : index
      %get3A_140 = arith.constant 0 : index
      %get3A_141 = vector.load %arg12[%get3A_139, %get3A_140] : memref<3x128xf32, #tpu.memory_space<vmem>>, vector<1x128xf32>
      %reduce_sum3A = arith.constant dense<0.000000e+00> : vector<128xf32>
      %reduce_sum3A_142 = vector.multi_reduction <add>, %mul3A_136, %reduce_sum3A [0] : vector<2048x128xf32> to vector<128xf32>
      %broadcast_in_dim3A = vector.shape_cast %reduce_sum3A_142 : vector<128xf32> to vector<1x128xf32>
      %add3A_143 = arith.addf %get3A_141, %broadcast_in_dim3A : vector<1x128xf32>
      %swap3A_144 = arith.constant 0 : index
      %swap3A_145 = arith.constant 0 : index
      %swap3A_146 = vector.load %arg12[%swap3A_144, %swap3A_145] : memref<3x128xf32, #tpu.memory_space<vmem>>, vector<1x128xf32>
      tpu.vector_store %arg12[%swap3A_144, %swap3A_145], %add3A_143 {strides = array<i32>} : memref<3x128xf32, #tpu.memory_space<vmem>>, vector<1x128xf32>,
      %get3A_147 = arith.constant 1 : index
      %get3A_148 = arith.constant 0 : index
      %get3A_149 = vector.load %arg12[%get3A_147, %get3A_148] : memref<3x128xf32, #tpu.memory_space<vmem>>, vector<1x128xf32>
      %mul3A_150 = arith.mulf %mul3A_136, %mul3A_136 : vector<2048x128xf32>
      %reduce_sum3A_151 = arith.constant dense<0.000000e+00> : vector<128xf32>
      %reduce_sum3A_152 = vector.multi_reduction <add>, %mul3A_150, %reduce_sum3A_151 [0] : vector<2048x128xf32> to vector<128xf32>
      %broadcast_in_dim3A_153 = vector.shape_cast %reduce_sum3A_152 : vector<128xf32> to vector<1x128xf32>
      %add3A_154 = arith.addf %get3A_149, %broadcast_in_dim3A_153 : vector<1x128xf32>
      %swap3A_155 = arith.constant 1 : index
      %swap3A_156 = arith.constant 0 : index
      %swap3A_157 = vector.load %arg12[%swap3A_155, %swap3A_156] : memref<3x128xf32, #tpu.memory_space<vmem>>, vector<1x128xf32>
      tpu.vector_store %arg12[%swap3A_155, %swap3A_156], %add3A_154 {strides = array<i32>} : memref<3x128xf32, #tpu.memory_space<vmem>>, vector<1x128xf32>,
      %get3A_158 = arith.constant 2047 : index
      %get3A_159 = arith.constant 0 : index
      %get3A_160 = vector.load %arg13[%get3A_158, %get3A_159] : memref<2048x128xf32, #tpu.memory_space<vmem>>, vector<1x128xf32>
      %swap3A_161 = arith.constant 0 : index
      %swap3A_162 = arith.constant 0 : index
      %swap3A_163 = vector.load %arg16[%swap3A_161, %swap3A_162] : memref<1x128xf32, #tpu.memory_space<vmem>>, vector<1x128xf32>
      tpu.vector_store %arg16[%swap3A_161, %swap3A_162], %get3A_160 {strides = array<i32>} : memref<1x128xf32, #tpu.memory_space<vmem>>, vector<1x128xf32>,
      %get3A_164 = arith.constant 2047 : index
      %get3A_165 = arith.constant 0 : index
      %get3A_166 = vector.load %arg14[%get3A_164, %get3A_165] : memref<2048x128xf32, #tpu.memory_space<vmem>>, vector<1x128xf32>
      %swap3A_167 = arith.constant 0 : index
      %swap3A_168 = arith.constant 0 : index
      %swap3A_169 = vector.load %arg17[%swap3A_167, %swap3A_168] : memref<1x128xf32, #tpu.memory_space<vmem>>, vector<1x128xf32>
      tpu.vector_store %arg17[%swap3A_167, %swap3A_168], %get3A_166 {strides = array<i32>} : memref<1x128xf32, #tpu.memory_space<vmem>>, vector<1x128xf32>,
    } else {
    }
    %lt3A = arith.constant 16 : i32
    %lt3A_43 = arith.cmpi slt, %arg0, %lt3A : i32
    %convert_element_type3A_44 = arith.extui %lt3A_43 : i1 to i32
    %cond3A_45 = arith.constant 0 : i32
    %cond3A_46 = arith.cmpi ne, %convert_element_type3A_44, %cond3A_45 : i32
    scf.if %cond3A_46 {
      %swap3A = arith.constant 0 : index
      %swap3A_47 = arith.constant 0 : index
      %swap3A_48 = vector.load %arg13[%swap3A, %swap3A_47] : memref<2048x128xf32, #tpu.memory_space<vmem>>, vector<2048x128xf32>
      tpu.vector_store %arg13[%swap3A, %swap3A_47], %mul3A_19 {strides = array<i32>} : memref<2048x128xf32, #tpu.memory_space<vmem>>, vector<2048x128xf32>,
      %swap3A_49 = arith.constant 0 : index
      %swap3A_50 = arith.constant 0 : index
      %swap3A_51 = vector.load %arg14[%swap3A_49, %swap3A_50] : memref<2048x128xf32, #tpu.memory_space<vmem>>, vector<2048x128xf32>
      tpu.vector_store %arg14[%swap3A_49, %swap3A_50], %mul3A_36 {strides = array<i32>} : memref<2048x128xf32, #tpu.memory_space<vmem>>, vector<2048x128xf32>,
      %swap3A_52 = arith.constant 0 : index
      %swap3A_53 = arith.constant 0 : index
      %swap3A_54 = vector.load %arg15[%swap3A_52, %swap3A_53] : memref<2048x128xf32, #tpu.memory_space<vmem>>, vector<2048x128xf32>
      tpu.vector_store %arg15[%swap3A_52, %swap3A_53], %dot_general3A_5 {strides = array<i32>} : memref<2048x128xf32, #tpu.memory_space<vmem>>, vector<2048x128xf32>,
    } else {
    }
    return
  }
  func.func @transform_0(%arg0: i32) -> (i32, i32) {
    %min3A = arith.constant 15 : i32
    %min3A_0 = arith.minsi %arg0, %min3A : i32
    %c0_i32 = arith.constant 0 : i32
    %c0_i32_1 = arith.constant 0 : i32
    return %min3A_0, %c0_i32 : i32, i32
  }
  func.func @transform_1(%arg0: i32) -> (i32, i32) {
    %min3A = arith.constant 15 : i32
    %min3A_0 = arith.minsi %arg0, %min3A : i32
    %c0_i32 = arith.constant 0 : i32
    %c0_i32_1 = arith.constant 0 : i32
    return %min3A_0, %c0_i32 : i32, i32
  }
  func.func @transform_2(%arg0: i32) -> (i32, i32) {
    %min3A = arith.constant 15 : i32
    %min3A_0 = arith.minsi %arg0, %min3A : i32
    %c0_i32 = arith.constant 0 : i32
    %c0_i32_1 = arith.constant 0 : i32
    return %min3A_0, %c0_i32 : i32, i32
  }
  func.func @transform_3(%arg0: i32) -> (i32, i32) {
    %c0_i32 = arith.constant 0 : i32
    %c0_i32_0 = arith.constant 0 : i32
    %c0_i32_1 = arith.constant 0 : i32
    return %c0_i32, %c0_i32_0 : i32, i32
  }
  func.func @transform_4(%arg0: i32) -> (i32, i32) {
    %c0_i32 = arith.constant 0 : i32
    %c0_i32_0 = arith.constant 0 : i32
    %c0_i32_1 = arith.constant 0 : i32
    return %c0_i32, %c0_i32_0 : i32, i32
  }
  func.func @transform_5(%arg0: i32) -> (i32, i32) {
    %c0_i32 = arith.constant 0 : i32
    %c0_i32_0 = arith.constant 0 : i32
    %c0_i32_1 = arith.constant 0 : i32
    return %c0_i32, %c0_i32_0 : i32, i32
  }
  func.func @transform_6(%arg0: i32) -> (i32, i32) {
    %c0_i32 = arith.constant 0 : i32
    %c0_i32_0 = arith.constant 0 : i32
    %c0_i32_1 = arith.constant 0 : i32
    return %c0_i32, %c0_i32_0 : i32, i32
  }
  func.func @transform_7(%arg0: i32) -> (i32, i32, i32) {
    %c0_i32 = arith.constant 0 : i32
    %c0_i32_0 = arith.constant 0 : i32
    %c0_i32_1 = arith.constant 0 : i32
    %c0_i32_2 = arith.constant 0 : i32
    return %c0_i32, %c0_i32_0, %c0_i32_1 : i32, i32, i32
  }
  func.func @transform_8(%arg0: i32) -> (i32, i32, i32) {
    %c0_i32 = arith.constant 0 : i32
    %c0_i32_0 = arith.constant 0 : i32
    %c0_i32_1 = arith.constant 0 : i32
    %c0_i32_2 = arith.constant 0 : i32
    return %c0_i32, %c0_i32_0, %c0_i32_1 : i32, i32, i32
  }
  func.func @transform_9(%arg0: i32) -> (i32, i32) {
    %c0_i32 = arith.constant 0 : i32
    %c0_i32_0 = arith.constant 0 : i32
    %c0_i32_1 = arith.constant 0 : i32
    return %c0_i32, %c0_i32_0 : i32, i32
  }
  func.func @transform_10(%arg0: i32) -> (i32, i32) {
    %sub3A = arith.constant 1 : i32
    %sub3A_0 = arith.subi %arg0, %sub3A : i32
    %max3A = arith.constant 0 : i32
    %max3A_1 = arith.maxsi %sub3A_0, %max3A : i32
    %c0_i32 = arith.constant 0 : i32
    %c0_i32_2 = arith.constant 0 : i32
    return %max3A_1, %c0_i32 : i32, i32
  }
  func.func @transform_11(%arg0: i32) -> (i32, i32) {
    %c0_i32 = arith.constant 0 : i32
    %c0_i32_0 = arith.constant 0 : i32
    %c0_i32_1 = arith.constant 0 : i32
    return %c0_i32, %c0_i32_0 : i32, i32
  }
}

module attributes {stable_mosaic.version = 14 : i64} {
  func.func @body(%arg0: memref<25088x128xf32, #tpu.memory_space<vmem>>, %arg1: memref<1x128xf32, #tpu.memory_space<vmem>>, %arg2: memref<1x128xf32, #tpu.memory_space<vmem>>, %arg3: memref<25088x128xf32, #tpu.memory_space<vmem>>) attributes {dimension_semantics = [], scalar_prefetch = 0 : i64, scratch_operands = 0 : i64, tpu.core_type = #tpu.core_type<tc>} {
    %get3A = arith.constant 0 : index
    %get3A_0 = arith.constant 0 : index
    %get3A_1 = vector.load %arg0[%get3A, %get3A_0] : memref<25088x128xf32, #tpu.memory_space<vmem>>, vector<25088x128xf32>
    %get3A_2 = arith.constant 0 : index
    %get3A_3 = arith.constant 0 : index
    %get3A_4 = vector.load %arg1[%get3A_2, %get3A_3] : memref<1x128xf32, #tpu.memory_space<vmem>>, vector<1x128xf32>
    %mul3A = vector.broadcast %get3A_4 : vector<1x128xf32> to vector<25088x128xf32>
    %mul3A_5 = arith.mulf %get3A_1, %mul3A : vector<25088x128xf32>
    %get3A_6 = arith.constant 0 : index
    %get3A_7 = arith.constant 0 : index
    %get3A_8 = vector.load %arg2[%get3A_6, %get3A_7] : memref<1x128xf32, #tpu.memory_space<vmem>>, vector<1x128xf32>
    %add3A = vector.broadcast %get3A_8 : vector<1x128xf32> to vector<25088x128xf32>
    %add3A_9 = arith.addf %mul3A_5, %add3A : vector<25088x128xf32>
    %max3A = arith.constant 0.000000e+00 : f32
    %max3A_10 = vector.broadcast %max3A : f32 to vector<25088x128xf32>
    %max3A_11 = arith.maximumf %add3A_9, %max3A_10 : vector<25088x128xf32>
    %swap3A = arith.constant 0 : index
    %swap3A_12 = arith.constant 0 : index
    %swap3A_13 = vector.load %arg3[%swap3A, %swap3A_12] : memref<25088x128xf32, #tpu.memory_space<vmem>>, vector<25088x128xf32>
    tpu.vector_store %arg3[%swap3A, %swap3A_12], %max3A_11 {strides = array<i32>} : memref<25088x128xf32, #tpu.memory_space<vmem>>, vector<25088x128xf32>,
    return
  }
}

</mosaic_0001>

<sc_bundles>
// kernel: kernel.31.cloned.1.call-start
scs
__scs_entry_jumppad:
0x0: {  	(pc) =	sbr.rel $0x88, $3  }
0x1: {  	(tag) =	ssettag $0x0;
	lr =	simm.s32 $0x1  }
0x2: {  	[smem:$0x3F51] =	sst lr;
	_ =	strace $0xD0000000  }
0x3: {  	_ = 	snop  }
0x4: {  	_ = 	snop  }
0x5: {  	_ = 	snop  }
0x6: {  	_ = 	snop  }
0x7: {  	_ = 	snop  }
__scs_overlays_trampoline_lowered:
0x8: {  	[smem:$0x3F60] =	sst s0  }
0x9: {  	[smem:$0x3F61] =	sst s1  }
0xa: {  	[smem:$0x3F62] =	sst s2  }
0xb: {  	[smem:$0x3F63] =	sst s3  }
0xc: {  	[smem:$0x3F64] =	sst s4  }
0xd: {  	[smem:$0x3F65] =	sst s5  }
0xe: {  	[smem:$0x3F66] =	sst s6  }
0xf: {  	[smem:$0x3F67] =	sst s7  }
0x10: {  	[smem:$0x3F68] =	sst s8  }
0x11: {  	[smem:$0x3F69] =	sst s9;
	s0 =	simm.s32 @!p0 $0x0  }
0x12: {  	s1 =	sld [smem:$0x3F4F];
	s0 =	simm.s32 @p0 $0x1  }
0x13: {  	[smem:$0x3F6A] =	sst s0;
	s0 =	simm.s32 @!p1 $0x0  }
0x14: {  	s2 =	sld [smem:$0x3F4E];
	s0 =	simm.s32 @p1 $0x1  }
0x15: {  	[smem:$0x3F6B] =	sst s0;
	s0 =	simm.s32 @!p2 $0x0  }
0x16: {  	s3 =	sld [smem:$0x3FDB];
	s0 =	simm.s32 @p2 $0x1  }
0x17: {  	s4 =	simm.s32 $0x1BF5;
	[smem:$0x3F6D] =	sst s0  }
0x18: {  	s0 =	sld [smem:$0x3F50];
	_ =	swait.ge [sflag:s4], $0x0  }
0x19: {  	s7 =	sld [smem:$0x3F51]  }
0x1a: {  	s8 =	sadd.s32 $0xFFFFE003, lr  }
0x1b: {  	s9 =	sadd.s32 $0xFFFFFEF7, lr;
	s5 =	simm.s32 $0xFFFFFFFF;
	p2 =	slt.u32 s8, $0xFFFFF086  }
0x1c: {  	p1 =	slt.u32 s9, $0xF7A;
	s5 =	simm.s32 @!p2 $0x0  }
0x1d: {  	s5 =	simm.s32 @p1 $0x1;
	p0 =	seq.s32 s7, s2  }
0x1e: {  	s7 =	smul.u32 @!p0 $0xF7A, s2;
	p2 =	seq.s32 @!p0 s5, $0x0  }
0x1f: {  	s9 =	smul.u32 $0xF7A, s1;
	s8 =	simm.s32 @!p0 $0x1BF5;
	p2 =	por !p2, p0  }
0x20: {  	[sflag:s8] =	ssyncset.s32 @!p0 $0xFFFFF086;
	s6 =	sadd.s32 @!p0 s3, s7;
	s7 =	simm.s32 @!p0 $0x108  }
0x21: {  	s3 =	sadd.s32 s3, s9;
	s6 =	sadd.s32 @!p0 $0x88, s6;
	s7 =	simm.s32 @p2 $0x1082  }
0x22: {  	[simem:s7], [sflag:s8] =	dma.local @!p0 [hbm:s6], $0xF7A  }
0x23: {  	s9 =	sor.u32 $0xD0000000, s2;
	s6 =	simm.s32 $0x108;
	_ =	swait.ge @!p0 [sflag:s8], $0x0  }
0x24: {  	s3 =	sadd.s32 $0x88, s3;
	s6 =	simm.s32 @!p1 $0x1082;
	[sflag:s4] =	ssyncset.s32 $0xFFFFF086  }
0x25: {  	[simem:s6], [sflag:s4] =	dma.local [hbm:s3], $0xF7A  }
0x26: {  	[smem:$0x3F51] =	sst s1;
	(tag) =	ssettag s2;
	_ =	strace s9  }
0x27: {  	s1 =	sld [smem:$0x3F61]  }
0x28: {  	s2 =	sld [smem:$0x3F62]  }
0x29: {  	s4 =	sld [smem:$0x3F64]  }
0x2a: {  	p0 =	seq.s32 s5, $0x0;
	s5 =	sld [smem:$0x3F65]  }
0x2b: {  	s6 =	sld [smem:$0x3F66]  }
0x2c: {  	s7 =	sld [smem:$0x3F67]  }
0x2d: {  	s3 =	simm.s32 $0x108;
	s8 =	sld [smem:$0x3F68]  }
0x2e: {  	s3 =	simm.s32 @!p0 $0x1082;
	s9 =	sld [smem:$0x3F69]  }
0x2f: {  	lr =	sadd.s32 s0, s3;
	s0 =	sld [smem:$0x3F60]  }
0x30: {  	s3 =	sld [smem:$0x3F63]  }
0x31: {  	[smem:$0x3F6C] =	sst s10  }
0x32: {  	s10 =	sld [smem:$0x3F6A];
	_ =	sdelay $0x3  }
0x33: {  	p0 =	seq.s32 s10, $0x1;
	s10 =	sld [smem:$0x3F6C];
	_ =	sdelay $0x3  }
0x34: {  	[smem:$0x3F6C] =	sst s10  }
0x35: {  	s10 =	sld [smem:$0x3F6B];
	_ =	sdelay $0x3  }
0x36: {  	p1 =	seq.s32 s10, $0x1;
	s10 =	sld [smem:$0x3F6C];
	_ =	sdelay $0x3  }
0x37: {  	[smem:$0x3F6C] =	sst s10  }
0x38: {  	s10 =	sld [smem:$0x3F6D]  }
0x39: {  	_ = 	snop;
	(pc) =	sbr.ind lr, $3  }
0x3a: {  	_ = 	snop  }
0x3b: {  	_ = 	snop  }
0x3c: {  	p2 =	seq.s32 s10, $0x1;
	s10 =	sld [smem:$0x3F6C]  }
0x3d: {  	_ =	shalt  }
0x3e: {  	_ =	shalt  }
0x3f: {  	_ =	shalt  }
0x40: {  	_ =	shalt  }
0x41: {  	_ =	shalt  }
0x42: {  	_ =	shalt  }
0x43: {  	_ =	shalt  }
0x44: {  	_ =	shalt  }
0x45: {  	_ =	shalt  }
0x46: {  	_ =	shalt  }
0x47: {  	_ =	shalt  }
0x48: {  	_ =	shalt  }
0x49: {  	_ =	shalt  }
0x4a: {  	_ =	shalt  }
0x4b: {  	_ =	shalt  }
0x4c: {  	_ =	shalt  }
0x4d: {  	_ =	shalt  }
0x4e: {  	_ =	shalt  }
0x4f: {  	_ =	shalt  }
0x50: {  	_ =	shalt  }
0x51: {  	_ =	shalt  }
0x52: {  	_ =	shalt  }
0x53: {  	_ =	shalt  }
0x54: {  	_ =	shalt  }
0x55: {  	_ =	shalt  }
0x56: {  	_ =	shalt  }
0x57: {  	_ =	shalt  }
0x58: {  	_ =	shalt  }
0x59: {  	_ =	shalt  }
0x5a: {  	_ =	shalt  }
0x5b: {  	_ =	shalt  }
0x5c: {  	_ =	shalt  }
0x5d: {  	_ =	shalt  }
0x5e: {  	_ =	shalt  }
0x5f: {  	_ =	shalt  }
0x60: {  	_ =	shalt  }
0x61: {  	_ =	shalt  }
0x62: {  	_ =	shalt  }
0x63: {  	_ =	shalt  }
0x64: {  	_ =	shalt  }
0x65: {  	_ =	shalt  }
0x66: {  	_ =	shalt  }
0x67: {  	_ =	shalt  }
0x68: {  	_ =	shalt  }
0x69: {  	_ =	shalt  }
0x6a: {  	_ =	shalt  }
0x6b: {  	_ =	shalt  }
0x6c: {  	_ =	shalt  }
0x6d: {  	_ =	shalt  }
0x6e: {  	_ =	shalt  }
0x6f: {  	_ =	shalt  }
0x70: {  	_ =	shalt  }
0x71: {  	_ =	shalt  }
0x72: {  	_ =	shalt  }
0x73: {  	_ =	shalt  }
0x74: {  	_ =	shalt  }
0x75: {  	_ =	shalt  }
0x76: {  	_ =	shalt  }
0x77: {  	_ =	shalt  }
0x78: {  	_ =	shalt  }
0x79: {  	_ =	shalt  }
0x7a: {  	_ =	shalt  }
0x7b: {  	_ =	shalt  }
0x7c: {  	_ =	shalt  }
0x7d: {  	_ =	shalt  }
0x7e: {  	_ =	shalt  }
0x7f: {  	_ =	shalt  }
0x80: {  	_ =	shalt  }
0x81: {  	_ =	shalt  }
0x82: {  	_ =	shalt  }
0x83: {  	_ =	shalt  }
0x84: {  	_ =	shalt  }
0x85: {  	_ =	shalt  }
0x86: {  	_ =	shalt  }
0x87: {  	_ =	shalt  }
.Lfunc_end0:
.L_simem_size_0:
called_computation_lowered:
.L_overlay_start_0:
0x88: {  	s2 =	sld [smem:$0x3FD9]  }
0x89: {  	s3 =	sld [smem:$0x3FFE];
	_ =	sdelay $0x1  }
0x8a: {  	s1 =	srdreg.scid  }
0x8b: {  	s0 =	sand.u32 $0x1, s1  }
0x8c: {  	s17 =	sshll.u32 s0, $0xA;
	s2 =	sadd.s32 s3, s2  }
0x8d: {  	s2 =	sadd.s32 s2, s17  }
0x8e: {  	[smem:$0x3F78] =	sst s2  }
0x8f: {  	_ = 	snop  }
0x90: {  	s2 =	sld [smem:$0x3FD0];
	(tm) =	ssettm $0x1  }
0x91: {  	s18 =	sld [smem:$0x3FFB];
	_ =	sdelay $0x3  }
0x92: {  	_ =	strace s18  }
0x93: {  	s3 =	sld [smem:$0x3FFC];
	_ =	sdelay $0x3  }
0x94: {  	_ =	strace s3  }
0x95: {  	s3 =	sld [smem:$0x3FFD];
	_ =	sdelay $0x3  }
0x96: {  	_ =	strace s3  }
0x97: {  	_ =	strace $0x8FFFFFFF  }
0x98: {  	s19 =	sld [smem:$0x3FDB];
	_ =	sdelay $0x1  }
0x99: {  	s4 =	simm.s32 $_scs_section_size  }
0x9a: {  	s5 =	simm.s32 $_size__tile_overlayer_lowered;
	s6 =	simm.s32 $_tile_overlayer_lowered  }
0x9b: {  	s22 =	simm.s32 $0x1BFF;
	s21 =	sshll.u32 s6, $0x1;
	s3 =	sadd.s32 s4, s19  }
0x9c: {  	s7 =	simm.s32 $0x0;
	s20 =	sshll.u32 s5, $0x1;
	s5 =	sadd.s32 s21, s3  }
0x9d: {  	[timem:s7], [sflag:s22] =	dma.local [hbm:s5], s20  }
0x9e: {  	_ =	swait.ge [sflag:s22], s20  }
0x9f: {  	s4 =	ssub.s32 $0x0, s20;
	[sflag:s22] =	ssyncset.done $0x0  }
0xa0: {  	[sflag:s22] =	ssyncadd.s32 s4;
	_ =	sdelay $0x1  }
0xa1: {  	s23 =	simm.s32 $0x1B8B  }
0xa2: {  	_ =	swait.ge [sflag:s23], $0x1  }
0xa3: {  	[sflag:s23] =	ssyncset.done $0x0  }
0xa4: {  	s25 =	simm.s32 $0x1B8E;
	s24 =	sld [smem:$0x3FFE];
	[sflag:s23] =	ssyncadd.s32 $0xFFFFFFFF  }
0xa5: {  	s26 =	simm.s32 $execute0_lowered;
	[smem:$0x3FD2] =	sst s25  }
0xa6: {  	s5 =	sshll.u32 s26, $0x1;
	_ =	strace $0x80000046;
	[dreg:$0x1] =	wrdreg $0xFFFFFFFF  }
0xa7: {  	s28 =	simm.s32 $_size_execute0_lowered;
	s3 =	sadd.s32 s3, s5;
	[dreg:$0x0] =	wrdreg $0x0  }
0xa8: {  	s5 =	sshll.u32 s28, $0x1;
	[dreg:$0x2] =	wrdreg s3  }
0xa9: {  	[dreg:$0x3] =	wrdreg s5  }
0xaa: {  	[dreg:$0x4] =	wrdreg $0xC0  }
0xab: {  	_ =	task [dreg:s7], $0x5FFFF  }
0xac: {  	[dreg:$0x1] =	wrdreg $0xFFFFFFFF  }
0xad: {  	[dreg:$0x0] =	wrdreg $0x60  }
0xae: {  	[dreg:$0x2] =	wrdreg s24  }
0xaf: {  	[dreg:$0x3] =	wrdreg s2  }
0xb0: {  	[dreg:$0x4] =	wrdreg $0x9  }
0xb1: {  	_ =	task.clear_ibuf [dreg:s7], $0x5FFFF;
	_ =	strace $0x90000046  }
0xb2: {  	s29 =	simm.s32 $0x9;
	_ =	strace $0x80000048  }
0xb3: {  	_ =	swait.ge [sflag:s29], $0x1  }
0xb4: {  	[sflag:s29] =	ssyncadd.s32 $0xFFFFFFFF  }
0xb5: {  	_ =	strace $0x90000048  }
0xb6: {  	_ =	sfence  }
0xb7: {  	s30 =	sld [smem:$0x0];
	_ =	sdelay $0x2  }
0xb8: {  	s31 =	sshll.u32 s1, $0xD;
	s1 =	sshrl.u32 s1, $0x2  }
0xb9: {  	s3 =	sand.u32 $0x4000, s31;
	s1 =	sadd.s32 s1, s30  }
0xba: {  	s0 =	sor.u32 s3, s0;
	s1 =	sshll.u32 s1, $0x11  }
0xbb: {  	s0 =	sor.u32 s1, s0  }
0xbc: {  	s0 =	sadd.s32 $0x8F2B, s0  }
0xbd: {  	[sflag:s0] =	ssyncadd.remote.s32 $0x1  }
0xbe: {  	_ =	sfence.sel $0xFFFF  }
0xbf: {  	[dreg:$0x0] =	wrdreg $0xFFFFFFFF;
	(pc) =	sbr.abs _section_cstart, $3  }
0xc0: {  	[dreg:$0x1] =	wrdreg $0xFFFFFFFF  }
0xc1: {  	_ =	task.clear_ibuf [dreg:s7], $0x2FFFF;
	_ =	strace $0x9FFFFFFF  }
0xc2: {  	(tm) =	ssettm $0x7FFFFFFF  }
0xc3: {  	_ =	shalt  }
tec
execute0_lowered:
.L_overlay_start_1:
0x0: {  	(tag) =	ssettag $0x1  }
0x1: {  	s2 =	rddreg [dreg:$0x0]  }
0x2: {  	s7 =	rddreg [dreg:$0x1]  }
0x3: {  	s0 =	rddreg [dreg:$0x2]  }
0x4: {  	s1 =	simm.s32 $0x0;
	s3 =	srdreg.scid;
	s12 =	simm.s32 $0x0  }
0x5: {  	s16 =	simm.s32 $0x0;
	[smem:$0x7FF] =	sst s1;
	s8 =	sand.u32 $0x1, s3  }
0x6: {  	s3 =	sadd.s32 $0xA400, s2;
	s4 =	sadd.s32 $0x10600, s2;
	s5 =	sadd.s32 $0x28E00, s2  }
0x7: {  	s2 =	stileid.u32;
	_ =	strace $0x80000047;
	s6 =	ssub.s32 $0x2, s8  }
0x8: {  	s10 =	sshll.u32 s2, $0xE;
	s11 =	sshll.u32 s2, $0xD;
	s9 =	sshrl.u32 s6, $0x1  }
0x9: {  	s7 =	sadd.s32 s7, s11;
	v0 =	vmov s10;
	s10 =	simm.s32 $0x1;
	s11 =	simm.s32 $0x1C00  }
0xa: {  	s9 =	ssub.s32 s6, s9;
	s6 =	smul.u32 $0xE, s8;
	s8 =	sshll.u32 s8, $0x11  }
0xb: {  	s7 =	sadd.s32 s8, s7;
	s8 =	smax.u32 s9, $0x1;
	s9 =	simm.s32 $0x8C00  }
.LBB2_1:
0xc: {  	[tilespmem:s9], [sflag:$0x1] =	stream.linear.gather [hbm4b:s5+s1], $0x10000, $0x38;
	[tilespmem:$0x18C00] =	vst v63  }
0xd: {  	_ =	swait.ge [sflag:s10], $0x10000  }
0xe: {  	[sflag:s10] =	ssyncset.done $0x0  }
0xf: {  	s13 =	simm.s32 $0x0;
	[sflag:s10] =	ssyncadd.s32 $0xFFFF0000  }
.LBB2_2:
0x10: {  	s14 =	sadd.s32 s6, s13  }
0x11: {  	s15 =	smul.u32 $0x380, s14;
	_ =	sdelay $0x1  }
0x12: {  	s15 =	sadd.s32 s3, s15  }
0x13: {  	[tilespmem:s16], [sflag:$0x1] =	stream.linear.gather [hbm4b:s15+s16], $0x1C00, $0x38;
	[tilespmem:$0x18C00] =	vst v63  }
0x14: {  	s14 =	smul.u32 $0xE00, s14;
	_ =	swait.ge [sflag:s10], $0x1C00  }
0x15: {  	[sflag:s10] =	ssyncset.done $0x0  }
0x16: {  	s14 =	sadd.s32 s4, s14;
	[sflag:s10] =	ssyncadd.s32 $0xFFFFE400  }
0x17: {  	[tilespmem:s11], [sflag:$0x1] =	stream.linear.gather [hbm4b:s14+s16], $0x7000, $0x38;
	[tilespmem:$0x18C00] =	vst v63  }
0x18: {  	_ =	swait.ge [sflag:s10], $0x7000  }
0x19: {  	[sflag:s10] =	ssyncset.done $0x0  }
0x1a: {  	s15 =	simm.s32 $0x40;
	s14 =	simm.s32 $0x0;
	[sflag:s10] =	ssyncadd.s32 $0xFFFF9000  }
.LBB2_3:
0x1b: {  	p0 =	sne.s32 s15, $0x6FC0;
	v1 =	vld [tilespmem:s14+$0x0]  }
0x1c: {  	v2 =	vld [tilespmem:s14+$0x1C00];
	_ =	sdelay $0x3  }
0x1d: {  	v1 =	vsub.s32 v1, v0  }
0x1e: {  	vm0 =	vgt.s32 v1, $0x0  }
0x1f: {  	v3 =	vnsel vm0, $0x0, v1  }
0x20: {  	vm0 =	vlt.u32 v1, $0x4000;
	v1 =	vmin.u32 v3, $0x3FFF  }
0x21: {  	v1 =	vshll.u32 v1, $0x2;
	_ =	sdelay $0x4  }
0x22: {  	[tilespmem:v1+s9+$0x0] =	vst.idx.add.f32.msk vm0, v2  }
0x23: {  	v3 =	vor.u32 $0x1, v1;
	v2 =	vld [tilespmem:s14+$0x3800];
	_ =	sdelay $0x4  }
0x24: {  	[tilespmem:v3+s9+$0x0] =	vst.idx.add.f32.msk vm0, v2  }
0x25: {  	v3 =	vor.u32 $0x2, v1;
	v2 =	vld [tilespmem:s14+$0x5400];
	_ =	sdelay $0x4  }
0x26: {  	[tilespmem:v3+s9+$0x0] =	vst.idx.add.f32.msk vm0, v2  }
0x27: {  	v1 =	vor.u32 $0x3, v1;
	v2 =	vld [tilespmem:s14+$0x7000]  }
.Ltmp0:
0x28: {  	(pc) =	sbr.rel @p0 .LBB2_3-.Ltmp0, $2  }
0x29: {  	_ =	sdelay $0x2  }
0x2a: {  	s14 =	sshra.s32 s15, $0x2;
	s15 =	sadd.s32 $0x40, s15;
	[tilespmem:v1+s9+$0x0] =	vst.idx.add.f32.msk vm0, v2  }
0x2b: {  	v1 =	vld [tilespmem:s14+$0x0];
	_ =	sdelay $0x4  }
0x2c: {  	v1 =	vsub.s32 v1, v0  }
0x2d: {  	vm0 =	vgt.s32 v1, $0x0  }
0x2e: {  	v2 =	vnsel vm0, $0x0, v1  }
0x2f: {  	vm15 =	vlt.u32 v1, $0x4000;
	v1 =	vmin.u32 v2, $0x3FFF  }
0x30: {  	v2 =	vld [tilespmem:s14+$0x1C00];
	v1 =	vshll.u32 v1, $0x2;
	_ =	sdelay $0x4  }
0x31: {  	[tilespmem:v1+s9+$0x0] =	vst.idx.add.f32.msk vm15, v2  }
0x32: {  	v3 =	vor.u32 $0x1, v1;
	v2 =	vld [tilespmem:s14+$0x3800];
	_ =	sdelay $0x4  }
0x33: {  	[tilespmem:v3+s9+$0x0] =	vst.idx.add.f32.msk vm15, v2  }
0x34: {  	v3 =	vor.u32 $0x2, v1;
	v2 =	vld [tilespmem:s14+$0x5400];
	_ =	sdelay $0x4  }
0x35: {  	s13 =	sadd.s32 $0x1, s13;
	[tilespmem:v3+s9+$0x0] =	vst.idx.add.f32.msk vm15, v2  }
0x36: {  	p0 =	sne.s32 s13, $0xE;
	v1 =	vor.u32 $0x3, v1;
	v2 =	vld [tilespmem:s14+$0x7000]  }
.Ltmp1:
0x37: {  	_ = 	snop;
	(pc) =	sbr.rel @p0 .LBB2_2-.Ltmp1, $2  }
0x38: {  	_ =	sdelay $0x2  }
0x39: {  	[tilespmem:v1+s9+$0x0] =	vst.idx.add.f32.msk vm15, v2  }
0x3a: {  	s12 =	sadd.s32 $0x1, s12  }
0x3b: {  	p0 =	sne.s32 s12, s8  }
.Ltmp2:
0x3c: {  	_ = 	snop;
	(pc) =	sbr.rel @p0 .LBB2_1-.Ltmp2, $4  }
0x3d: {  	[hbm4b:s7+s1] =	stream.linear.scatter [tilespmem:s9], [sflag:$0x1], $0x10000, $0x38;
	[tilespmem:$0x18C00] =	vst v63  }
0x3e: {  	_ =	swait.ge [sflag:s10], $0x10000  }
0x3f: {  	[sflag:s10] =	ssyncset.done $0x0  }
0x40: {  	[sflag:s10] =	ssyncadd.s32 $0xFFFF0000  }
0x41: {  	_ =	sfence.sel $0x180000  }
0x42: {  	[bflag:$0x0] =	sbarrier.arrive $0xFFFF  }
0x43: {  	p0 =	sne.s32 s2, $0x0;
	_ =	strace $0x90000047  }
0x44: {  	s0 =	sadd.s32 @!p0 $0x100000, s0;
	[bflag:$0x2] =	sbarrier.arrive $0xFFFF  }
0x45: {  	[sflag:s0] =	ssyncadd.tile.s32 @!p0 $0x1;
	_ =	shalt  }
.Lfunc_end2:
_tile_overlayer_lowered:
.L_overlay_start_2:
0x46: {  	(tag) =	ssettag $0x2  }
0x47: {  	s0 =	rddreg [dreg:$0x0];
	s2 =	stileid.u32  }
0x48: {  	s1 =	rddreg [dreg:$0x1];
	p0 =	sne.s32 s2, $0x0  }
0x49: {  	s3 =	rddreg [dreg:$0x2];
	[bflag:$0x3] =	sbarrier.arrive $0xFFFF;
	s2 =	simm.s32 @!p0 $0x1C01  }
0x4a: {  	[timem:s3], [sflag:s2] =	dma.local @!p0 [hbm:s0], s1  }
0x4b: {  	s0 =	simm.s32 @!p0 $0x1  }
0x4c: {  	_ =	swait.ge @!p0 [sflag:s0], s1  }
0x4d: {  	s1 =	ssub.s32 @!p0 $0x0, s1;
	[sflag:s0] =	ssyncset.done @!p0 $0x0  }
0x4e: {  	[sflag:s0] =	ssyncadd.s32 @!p0 s1  }
0x4f: {  	[bflag:$0x3] =	sbarrier.arrive $0xFFFF  }
0x50: {  	_ =	shalt  }

// kernel: kernel.34.cloned.1.call-start
scs
__scs_entry_jumppad:
0x0: {  	(pc) =	sbr.rel $0x88, $3  }
0x1: {  	(tag) =	ssettag $0x0;
	lr =	simm.s32 $0x1  }
0x2: {  	[smem:$0x3F51] =	sst lr;
	_ =	strace $0xD0000000  }
0x3: {  	_ = 	snop  }
0x4: {  	_ = 	snop  }
0x5: {  	_ = 	snop  }
0x6: {  	_ = 	snop  }
0x7: {  	_ = 	snop  }
__scs_overlays_trampoline_lowered:
0x8: {  	[smem:$0x3F60] =	sst s0  }
0x9: {  	[smem:$0x3F61] =	sst s1  }
0xa: {  	[smem:$0x3F62] =	sst s2  }
0xb: {  	[smem:$0x3F63] =	sst s3  }
0xc: {  	[smem:$0x3F64] =	sst s4  }
0xd: {  	[smem:$0x3F65] =	sst s5  }
0xe: {  	[smem:$0x3F66] =	sst s6  }
0xf: {  	[smem:$0x3F67] =	sst s7  }
0x10: {  	[smem:$0x3F68] =	sst s8  }
0x11: {  	[smem:$0x3F69] =	sst s9;
	s0 =	simm.s32 @!p0 $0x0  }
0x12: {  	s1 =	sld [smem:$0x3F4F];
	s0 =	simm.s32 @p0 $0x1  }
0x13: {  	[smem:$0x3F6A] =	sst s0;
	s0 =	simm.s32 @!p1 $0x0  }
0x14: {  	s2 =	sld [smem:$0x3F4E];
	s0 =	simm.s32 @p1 $0x1  }
0x15: {  	[smem:$0x3F6B] =	sst s0;
	s0 =	simm.s32 @!p2 $0x0  }
0x16: {  	s3 =	sld [smem:$0x3FDB];
	s0 =	simm.s32 @p2 $0x1  }
0x17: {  	s4 =	simm.s32 $0x1BF5;
	[smem:$0x3F6D] =	sst s0  }
0x18: {  	s0 =	sld [smem:$0x3F50];
	_ =	swait.ge [sflag:s4], $0x0  }
0x19: {  	s7 =	sld [smem:$0x3F51]  }
0x1a: {  	s8 =	sadd.s32 $0xFFFFE003, lr  }
0x1b: {  	s9 =	sadd.s32 $0xFFFFFEF7, lr;
	s5 =	simm.s32 $0xFFFFFFFF;
	p2 =	slt.u32 s8, $0xFFFFF086  }
0x1c: {  	p1 =	slt.u32 s9, $0xF7A;
	s5 =	simm.s32 @!p2 $0x0  }
0x1d: {  	s5 =	simm.s32 @p1 $0x1;
	p0 =	seq.s32 s7, s2  }
0x1e: {  	s7 =	smul.u32 @!p0 $0xF7A, s2;
	p2 =	seq.s32 @!p0 s5, $0x0  }
0x1f: {  	s9 =	smul.u32 $0xF7A, s1;
	s8 =	simm.s32 @!p0 $0x1BF5;
	p2 =	por !p2, p0  }
0x20: {  	[sflag:s8] =	ssyncset.s32 @!p0 $0xFFFFF086;
	s6 =	sadd.s32 @!p0 s3, s7;
	s7 =	simm.s32 @!p0 $0x108  }
0x21: {  	s3 =	sadd.s32 s3, s9;
	s6 =	sadd.s32 @!p0 $0x88, s6;
	s7 =	simm.s32 @p2 $0x1082  }
0x22: {  	[simem:s7], [sflag:s8] =	dma.local @!p0 [hbm:s6], $0xF7A  }
0x23: {  	s9 =	sor.u32 $0xD0000000, s2;
	s6 =	simm.s32 $0x108;
	_ =	swait.ge @!p0 [sflag:s8], $0x0  }
0x24: {  	s3 =	sadd.s32 $0x88, s3;
	s6 =	simm.s32 @!p1 $0x1082;
	[sflag:s4] =	ssyncset.s32 $0xFFFFF086  }
0x25: {  	[simem:s6], [sflag:s4] =	dma.local [hbm:s3], $0xF7A  }
0x26: {  	[smem:$0x3F51] =	sst s1;
	(tag) =	ssettag s2;
	_ =	strace s9  }
0x27: {  	s1 =	sld [smem:$0x3F61]  }
0x28: {  	s2 =	sld [smem:$0x3F62]  }
0x29: {  	s4 =	sld [smem:$0x3F64]  }
0x2a: {  	p0 =	seq.s32 s5, $0x0;
	s5 =	sld [smem:$0x3F65]  }
0x2b: {  	s6 =	sld [smem:$0x3F66]  }
0x2c: {  	s7 =	sld [smem:$0x3F67]  }
0x2d: {  	s3 =	simm.s32 $0x108;
	s8 =	sld [smem:$0x3F68]  }
0x2e: {  	s3 =	simm.s32 @!p0 $0x1082;
	s9 =	sld [smem:$0x3F69]  }
0x2f: {  	lr =	sadd.s32 s0, s3;
	s0 =	sld [smem:$0x3F60]  }
0x30: {  	s3 =	sld [smem:$0x3F63]  }
0x31: {  	[smem:$0x3F6C] =	sst s10  }
0x32: {  	s10 =	sld [smem:$0x3F6A];
	_ =	sdelay $0x3  }
0x33: {  	p0 =	seq.s32 s10, $0x1;
	s10 =	sld [smem:$0x3F6C];
	_ =	sdelay $0x3  }
0x34: {  	[smem:$0x3F6C] =	sst s10  }
0x35: {  	s10 =	sld [smem:$0x3F6B];
	_ =	sdelay $0x3  }
0x36: {  	p1 =	seq.s32 s10, $0x1;
	s10 =	sld [smem:$0x3F6C];
	_ =	sdelay $0x3  }
0x37: {  	[smem:$0x3F6C] =	sst s10  }
0x38: {  	s10 =	sld [smem:$0x3F6D]  }
0x39: {  	_ = 	snop;
	(pc) =	sbr.ind lr, $3  }
0x3a: {  	_ = 	snop  }
0x3b: {  	_ = 	snop  }
0x3c: {  	p2 =	seq.s32 s10, $0x1;
	s10 =	sld [smem:$0x3F6C]  }
0x3d: {  	_ =	shalt  }
0x3e: {  	_ =	shalt  }
0x3f: {  	_ =	shalt  }
0x40: {  	_ =	shalt  }
0x41: {  	_ =	shalt  }
0x42: {  	_ =	shalt  }
0x43: {  	_ =	shalt  }
0x44: {  	_ =	shalt  }
0x45: {  	_ =	shalt  }
0x46: {  	_ =	shalt  }
0x47: {  	_ =	shalt  }
0x48: {  	_ =	shalt  }
0x49: {  	_ =	shalt  }
0x4a: {  	_ =	shalt  }
0x4b: {  	_ =	shalt  }
0x4c: {  	_ =	shalt  }
0x4d: {  	_ =	shalt  }
0x4e: {  	_ =	shalt  }
0x4f: {  	_ =	shalt  }
0x50: {  	_ =	shalt  }
0x51: {  	_ =	shalt  }
0x52: {  	_ =	shalt  }
0x53: {  	_ =	shalt  }
0x54: {  	_ =	shalt  }
0x55: {  	_ =	shalt  }
0x56: {  	_ =	shalt  }
0x57: {  	_ =	shalt  }
0x58: {  	_ =	shalt  }
0x59: {  	_ =	shalt  }
0x5a: {  	_ =	shalt  }
0x5b: {  	_ =	shalt  }
0x5c: {  	_ =	shalt  }
0x5d: {  	_ =	shalt  }
0x5e: {  	_ =	shalt  }
0x5f: {  	_ =	shalt  }
0x60: {  	_ =	shalt  }
0x61: {  	_ =	shalt  }
0x62: {  	_ =	shalt  }
0x63: {  	_ =	shalt  }
0x64: {  	_ =	shalt  }
0x65: {  	_ =	shalt  }
0x66: {  	_ =	shalt  }
0x67: {  	_ =	shalt  }
0x68: {  	_ =	shalt  }
0x69: {  	_ =	shalt  }
0x6a: {  	_ =	shalt  }
0x6b: {  	_ =	shalt  }
0x6c: {  	_ =	shalt  }
0x6d: {  	_ =	shalt  }
0x6e: {  	_ =	shalt  }
0x6f: {  	_ =	shalt  }
0x70: {  	_ =	shalt  }
0x71: {  	_ =	shalt  }
0x72: {  	_ =	shalt  }
0x73: {  	_ =	shalt  }
0x74: {  	_ =	shalt  }
0x75: {  	_ =	shalt  }
0x76: {  	_ =	shalt  }
0x77: {  	_ =	shalt  }
0x78: {  	_ =	shalt  }
0x79: {  	_ =	shalt  }
0x7a: {  	_ =	shalt  }
0x7b: {  	_ =	shalt  }
0x7c: {  	_ =	shalt  }
0x7d: {  	_ =	shalt  }
0x7e: {  	_ =	shalt  }
0x7f: {  	_ =	shalt  }
0x80: {  	_ =	shalt  }
0x81: {  	_ =	shalt  }
0x82: {  	_ =	shalt  }
0x83: {  	_ =	shalt  }
0x84: {  	_ =	shalt  }
0x85: {  	_ =	shalt  }
0x86: {  	_ =	shalt  }
0x87: {  	_ =	shalt  }
.Lfunc_end0:
.L_simem_size_0:
called_computation.1_lowered:
.L_overlay_start_0:
0x88: {  	s2 =	sld [smem:$0x3FD9]  }
0x89: {  	s3 =	sld [smem:$0x3FFE];
	_ =	sdelay $0x1  }
0x8a: {  	s1 =	srdreg.scid  }
0x8b: {  	s0 =	sand.u32 $0x1, s1  }
0x8c: {  	s16 =	sshll.u32 s0, $0xA;
	s2 =	sadd.s32 s3, s2  }
0x8d: {  	s2 =	sadd.s32 s2, s16  }
0x8e: {  	[smem:$0x3F78] =	sst s2  }
0x8f: {  	_ = 	snop  }
0x90: {  	(tm) =	ssettm $0x1  }
0x91: {  	s17 =	sld [smem:$0x3FFB];
	_ =	sdelay $0x3  }
0x92: {  	_ =	strace s17  }
0x93: {  	s2 =	sld [smem:$0x3FFC];
	_ =	sdelay $0x3  }
0x94: {  	_ =	strace s2  }
0x95: {  	s2 =	sld [smem:$0x3FFD];
	_ =	sdelay $0x3  }
0x96: {  	_ =	strace s2  }
0x97: {  	_ =	strace $0x8FFFFFFF  }
0x98: {  	s18 =	sld [smem:$0x3FDB];
	_ =	sdelay $0x1  }
0x99: {  	s19 =	simm.s32 $_scs_section_size  }
0x9a: {  	s4 =	simm.s32 $_size__tile_overlayer_lowered;
	s5 =	simm.s32 $_tile_overlayer_lowered  }
0x9b: {  	s22 =	simm.s32 $0x1BFF;
	s21 =	sshll.u32 s5, $0x1;
	s2 =	sadd.s32 s19, s18  }
0x9c: {  	s6 =	simm.s32 $0x0;
	s20 =	sshll.u32 s4, $0x1;
	s4 =	sadd.s32 s21, s2  }
0x9d: {  	[timem:s6], [sflag:s22] =	dma.local [hbm:s4], s20  }
0x9e: {  	_ =	swait.ge [sflag:s22], s20  }
0x9f: {  	s3 =	ssub.s32 $0x0, s20;
	[sflag:s22] =	ssyncset.done $0x0  }
0xa0: {  	[sflag:s22] =	ssyncadd.s32 s3;
	_ =	sdelay $0x1  }
0xa1: {  	s23 =	simm.s32 $0x1B8B  }
0xa2: {  	_ =	swait.ge [sflag:s23], $0x1  }
0xa3: {  	[sflag:s23] =	ssyncset.done $0x0  }
0xa4: {  	s25 =	simm.s32 $0x1B8E;
	s24 =	sld [smem:$0x3FFE];
	[sflag:s23] =	ssyncadd.s32 $0xFFFFFFFF  }
0xa5: {  	s26 =	simm.s32 $execute0_lowered;
	[smem:$0x3FD2] =	sst s25  }
0xa6: {  	s4 =	sshll.u32 s26, $0x1;
	_ =	strace $0x80000049;
	[dreg:$0x1] =	wrdreg $0xFFFFFFFF  }
0xa7: {  	s28 =	simm.s32 $_size_execute0_lowered;
	s2 =	sadd.s32 s2, s4;
	[dreg:$0x0] =	wrdreg $0x0  }
0xa8: {  	s4 =	sshll.u32 s28, $0x1;
	[dreg:$0x2] =	wrdreg s2  }
0xa9: {  	[dreg:$0x3] =	wrdreg s4  }
0xaa: {  	[dreg:$0x4] =	wrdreg $0xC0  }
0xab: {  	_ =	task [dreg:s6], $0x5FFFF  }
0xac: {  	[dreg:$0x1] =	wrdreg $0xFFFFFFFF  }
0xad: {  	[dreg:$0x0] =	wrdreg $0x60  }
0xae: {  	[dreg:$0x2] =	wrdreg s24  }
0xaf: {  	[dreg:$0x3] =	wrdreg $0x9  }
0xb0: {  	_ =	task.clear_ibuf [dreg:s6], $0x4FFFF;
	_ =	strace $0x90000049  }
0xb1: {  	s29 =	simm.s32 $0x9;
	_ =	strace $0x8000004B  }
0xb2: {  	_ =	swait.ge [sflag:s29], $0x1  }
0xb3: {  	[sflag:s29] =	ssyncadd.s32 $0xFFFFFFFF  }
0xb4: {  	_ =	strace $0x9000004B  }
0xb5: {  	_ =	sfence  }
0xb6: {  	s30 =	sld [smem:$0x0];
	_ =	sdelay $0x2  }
0xb7: {  	s31 =	sshll.u32 s1, $0xD;
	s1 =	sshrl.u32 s1, $0x2  }
0xb8: {  	s3 =	sand.u32 $0x4000, s31;
	s1 =	sadd.s32 s1, s30  }
0xb9: {  	s0 =	sor.u32 s3, s0;
	s1 =	sshll.u32 s1, $0x11  }
0xba: {  	s0 =	sor.u32 s1, s0  }
0xbb: {  	s0 =	sadd.s32 $0x8F2B, s0  }
0xbc: {  	[sflag:s0] =	ssyncadd.remote.s32 $0x1  }
0xbd: {  	_ =	sfence.sel $0xFFFF  }
0xbe: {  	[dreg:$0x0] =	wrdreg $0xFFFFFFFF;
	(pc) =	sbr.abs _section_cstart, $3  }
0xbf: {  	[dreg:$0x1] =	wrdreg $0xFFFFFFFF  }
0xc0: {  	_ =	task.clear_ibuf [dreg:s6], $0x2FFFF;
	_ =	strace $0x9FFFFFFF  }
0xc1: {  	(tm) =	ssettm $0x7FFFFFFF  }
tec
execute0_lowered:
.L_overlay_start_1:
0x0: {  	(tag) =	ssettag $0x1  }
0x1: {  	s1 =	srdreg.scid;
	s0 =	stileid.u32  }
0x2: {  	s5 =	rddreg [dreg:$0x0];
	s2 =	simm.s32 $0x0;
	s8 =	simm.s32 $0x80  }
0x3: {  	s9 =	simm.s32 $0x1;
	s4 =	sand.u32 $0x1, s1;
	s30 =	sshll.u32 s0, $0x1  }
0x4: {  	s10 =	simm.s32 $0x1880;
	s1 =	rddreg [dreg:$0x1];
	s3 =	sor.u32 s4, s30  }
0x5: {  	s11 =	simm.s32 $0x0;
	[smem:$0x7FF] =	sst s2;
	s6 =	smul.u32 $0x310, s3  }
0x6: {  	_ =	strace $0x8000004A;
	s4 =	ssub.s32 $0x2, s4;
	s7 =	smul.u32 $0x3100, s3  }
0x7: {  	s3 =	sadd.s32 $0x10600, s5;
	s31 =	sshrl.u32 s4, $0x1;
	s6 =	sadd.s32 s6, s5  }
0x8: {  	s5 =	sadd.s32 s7, s5;
	s7 =	ssub.s32 s4, s31;
	s4 =	sadd.s32 $0xA400, s6  }
0x9: {  	s5 =	sadd.s32 $0x90600, s5;
	s6 =	smax.u32 s7, $0x1;
	s7 =	simm.s32 $0x2  }
.LBB2_1:
0xa: {  	[tilespmem:s2], [sflag:$0x2] =	stream.linear.gather [hbm4b:s4+s2], $0x1880, $0x38;
	[tilespmem:$0x1A080] =	vst v63  }
0xb: {  	_ =	swait.ge [sflag:s7], $0x1880  }
0xc: {  	[sflag:s7] =	ssyncset.done $0x0  }
0xd: {  	s12 =	simm.s32 $0x0;
	[sflag:s7] =	ssyncadd.s32 $0xFFFFE780  }
0xe: {  	[tilespmem:s10], [sflag:$0x1] =	stream.indirect.gather [hbm4b:s3+s8], $0x10, s12, s8, $0xb8;
	[tilespmem:$0x1A080] =	vst v63  }
0xf: {  	_ =	swait.ge [sflag:s9], $0x800  }
0x10: {  	s13 =	simm.s32 $0x1880;
	s12 =	simm.s32 $0x200;
	[sflag:s9] =	ssyncset.done $0x0  }
.LBB2_2:
0x11: {  	s14 =	sshra.s32 s12, $0x2  }
0x12: {  	[sflag:s9] =	ssyncadd.s32 $0xFFFFF800;
	s13 =	sadd.s32 $0x800, s13;
	p0 =	sne.s32 s12, $0x6000  }
0x13: {  	[tilespmem:s13], [sflag:$0x1] =	stream.indirect.gather [hbm4b:s3+s8], $0x10, s14, s8, $0xb8;
	[tilespmem:$0x1A080] =	vst v63  }
.Ltmp0:
0x14: {  	_ = 	snop;
	(pc) =	sbr.rel @p0 .LBB2_2-.Ltmp0, $4  }
0x15: {  	_ = 	snop  }
0x16: {  	s12 =	sadd.s32 $0x200, s12  }
0x17: {  	_ =	swait.ge [sflag:s9], $0x800  }
0x18: {  	[sflag:s9] =	ssyncset.done $0x0  }
0x19: {  	s11 =	sadd.s32 $0x1, s11  }
0x1a: {  	p0 =	sne.s32 s11, s6  }
.Ltmp1:
0x1b: {  	[sflag:s9] =	ssyncadd.s32 $0xFFFFF800;
	(pc) =	sbr.rel @p0 .LBB2_1-.Ltmp1, $4  }
0x1c: {  	[hbm4b:s5+s2] =	stream.linear.scatter [tilespmem:s10], [sflag:$0x2], $0x18800, $0x38;
	[tilespmem:$0x1A080] =	vst v63  }
0x1d: {  	_ =	swait.ge [sflag:s7], $0x18800  }
0x1e: {  	[sflag:s7] =	ssyncset.done $0x0  }
0x1f: {  	[sflag:s7] =	ssyncadd.s32 $0xFFFE7800  }
0x20: {  	_ =	sfence.sel $0x180000  }
0x21: {  	[bflag:$0x0] =	sbarrier.arrive $0xFFFF  }
0x22: {  	p0 =	sne.s32 s0, $0x0;
	_ =	strace $0x9000004A  }
0x23: {  	s0 =	sadd.s32 @!p0 $0x100000, s1;
	[bflag:$0x2] =	sbarrier.arrive $0xFFFF  }
0x24: {  	[sflag:s0] =	ssyncadd.tile.s32 @!p0 $0x1;
	_ =	shalt  }
.Lfunc_end2:
_tile_overlayer_lowered:
.L_overlay_start_2:
0x25: {  	(tag) =	ssettag $0x2  }
0x26: {  	s0 =	rddreg [dreg:$0x0];
	s2 =	stileid.u32  }
0x27: {  	s1 =	rddreg [dreg:$0x1];
	p0 =	sne.s32 s2, $0x0  }
0x28: {  	s3 =	rddreg [dreg:$0x2];
	[bflag:$0x3] =	sbarrier.arrive $0xFFFF;
	s2 =	simm.s32 @!p0 $0x1C02  }
0x29: {  	[timem:s3], [sflag:s2] =	dma.local @!p0 [hbm:s0], s1  }
0x2a: {  	s0 =	simm.s32 @!p0 $0x2  }
0x2b: {  	_ =	swait.ge @!p0 [sflag:s0], s1  }
0x2c: {  	s1 =	ssub.s32 @!p0 $0x0, s1;
	[sflag:s0] =	ssyncset.done @!p0 $0x0  }
0x2d: {  	[sflag:s0] =	ssyncadd.s32 @!p0 s1  }
0x2e: {  	[bflag:$0x3] =	sbarrier.arrive $0xFFFF  }
0x2f: {  	_ =	shalt  }

</sc_bundles>
